<compile_context>
chip_gen: v7x
topology: tpu7x:2x2x1
jax: 0.10.2.dev20260603
libtpu: 0.0.44.dev20260713+nightly
codegen_flags: <defaults>
</compile_context>

<pallas_src>
import jax
import jax.numpy as jnp
from jax import lax
from jax.experimental import pallas as pl
from jax.experimental.pallas import tpu as pltpu
from jax.experimental.pallas import tpu_sc as plsc

B, L, NF = 16384, 50, 5
VOCAB, DIM = 100000, 32

NC, NS, LANES = 2, 16, 16
NW = NC * NS
B_PER_W = B // NW

C = 256
G_IDX = 128
N_GROUPS = C // G_IDX
N_CHUNKS = 2 * L


def _body(xt_hbm, tab_hbm, out_hbm,
          xv_a, xv_b, rows_a, rows_b, outv_a, outv_b,
          sem_xa, sem_xb, sem_ga, sem_gb, sem_oa, sem_ob):
    wid = lax.axis_index("s") * NC + lax.axis_index("c")
    b_base = wid * B_PER_W

    def chunk_lb(chunk):
        return chunk >> 1, b_base + (chunk & 1) * C

    def xload(chunk, xv, sem):
        l, b0 = chunk_lb(chunk)
        for f in range(NF):
            pltpu.async_copy(xt_hbm.at[f, l, pl.ds(b0, C)], xv.at[f], sem)

    def xwait(xv, sem):
        pltpu.make_async_copy(
            xt_hbm.at[pl.ds(0, NF), 0, pl.ds(0, C)], xv, sem).wait()

    def fire(xv, rows, sem):
        for f in range(NF):
            for g in range(N_GROUPS):
                pltpu.async_copy(
                    tab_hbm.at[f].at[xv.at[f, pl.ds(g * G_IDX, G_IDX)]],
                    rows.at[f, pl.ds(g * G_IDX, G_IDX), :],
                    sem,
                )

    def gwait(rows, sem):
        pltpu.make_async_copy(
            tab_hbm.at[pl.ds(0, NF), pl.ds(0, C), :], rows, sem).wait()

    iota = lax.iota(jnp.int32, LANES)
    td_lo = iota >> 3
    td_hi = td_lo + 2
    dr_v = iota & 7
    zeros = iota & 0

    def reduce(rows, outv):
        @plsc.parallel_loop(0, C, unroll=8)
        def red_body(c):
            lo = rows[0, c, pl.ds(0, LANES)]
            hi = rows[0, c, pl.ds(LANES, LANES)]
            for t in range(1, NF):
                lo = lo + rows[t, c, pl.ds(0, LANES)]
                hi = hi + rows[t, c, pl.ds(LANES, LANES)]
            tbb_v = zeros + (c >> 7)
            bc_v = zeros + (c & 127)
            plsc.store_scatter(outv, [td_lo, tbb_v, dr_v, bc_v], lo)
            plsc.store_scatter(outv, [td_hi, tbb_v, dr_v, bc_v], hi)

    def owrite(chunk, outv, sem):
        l, b0 = chunk_lb(chunk)
        tb0 = b0 >> 7
        for td in range(DIM // 8):
            for tbb in range(2):
                pltpu.async_copy(
                    outv.at[td, tbb, :, pl.ds(0, 128)],
                    out_hbm.at[l, td, tb0 + tbb, :, :],
                    sem,
                )

    def owait(outv, sem):
        for _ in range(DIM // 8):
            for tbb in range(2):
                pltpu.make_async_copy(
                    outv.at[0, 0, :, pl.ds(0, 128)],
                    out_hbm.at[0, 0, 0, :, :], sem).wait()

    xload(0, xv_a, sem_xa)
    xwait(xv_a, sem_xa)
    fire(xv_a, rows_a, sem_ga)
    xload(1, xv_b, sem_xb)

    def loop(kk, _):
        c0 = 2 * kk
        xwait(xv_b, sem_xb)
        fire(xv_b, rows_b, sem_gb)

        gwait(rows_a, sem_ga)

        @pl.when(kk > 0)
        def _():
            owait(outv_a, sem_oa)

        reduce(rows_a, outv_a)
        owrite(c0, outv_a, sem_oa)

        @pl.when(c0 + 2 < N_CHUNKS)
        def _():
            xload(c0 + 2, xv_a, sem_xa)
            xwait(xv_a, sem_xa)
            fire(xv_a, rows_a, sem_ga)
            xload(c0 + 3, xv_b, sem_xb)

        gwait(rows_b, sem_gb)

        @pl.when(kk > 0)
        def _():
            owait(outv_b, sem_ob)

        reduce(rows_b, outv_b)
        owrite(c0 + 1, outv_b, sem_ob)
        return _

    lax.fori_loop(0, N_CHUNKS // 2, loop, None)
    owait(outv_a, sem_oa)
    owait(outv_b, sem_ob)


@jax.jit
def _run(xt, tables):
    mesh = plsc.VectorSubcoreMesh(core_axis_name="c", subcore_axis_name="s")
    return pl.kernel(
        _body,
        mesh=mesh,
        compiler_params=pltpu.CompilerParams(
            use_tc_tiling_on_sc=False, needs_layout_passes=False),
        out_type=jax.ShapeDtypeStruct((L, DIM // 8, B // 128, 8, 128), jnp.float32),
        scratch_types=[
            pltpu.VMEM((NF, C), jnp.int32),
            pltpu.VMEM((NF, C), jnp.int32),
            pltpu.VMEM((NF, C, DIM), jnp.float32),
            pltpu.VMEM((NF, C, DIM), jnp.float32),
            pltpu.VMEM((DIM // 8, 3, 8, 129), jnp.float32),
            pltpu.VMEM((DIM // 8, 3, 8, 129), jnp.float32),
            pltpu.SemaphoreType.DMA,
            pltpu.SemaphoreType.DMA,
            pltpu.SemaphoreType.DMA,
            pltpu.SemaphoreType.DMA,
            pltpu.SemaphoreType.DMA,
            pltpu.SemaphoreType.DMA,
        ],
    )(xt, tables)


def kernel(x, tables):
    xt = jnp.transpose(x, (2, 1, 0))
    o5 = _run(xt, tables)
    o5t = jnp.transpose(o5, (2, 4, 0, 1, 3))
    return o5t.reshape(B, L, DIM)

# --- scband reference (transcript-rebuilt; emitter-appended) ---
"""Pipeline reference for scband-multi-feature-embedding-56461640073743 (READ-ONLY COPY).

The authoritative reference and input builder live on the scoring server;
editing this copy changes nothing except your own understanding.
"""

import jax, jax.numpy as jnp
import numpy as np

B, L, NF = 16384, 50, 5
VOCAB, DIM = 100000, 32

def setup_inputs(seed: int = 0) -> dict:
    key = jax.random.key(seed)
    k1, k2 = jax.random.split(key)
    x = jax.random.randint(k1, (B, L, NF), 0, VOCAB, dtype=jnp.int32)
    # 5 embedding tables of shape [VOCAB, DIM], stacked along axis 0
    tables = jax.random.normal(k2, (NF, VOCAB, DIM), dtype=jnp.float32)
    return {"x": x, "tables": tables}

def reference(x, tables):
    # For each feature slot i: lookup tables[i] with x[..., i] -> [B, L, DIM]
    outs = [jnp.take(tables[i], x[..., i], axis=0) for i in range(NF)]
    # Stack into [B, L, DIM, NF] then sum_reduce over last (feature) axis
    stacked = jnp.stack(outs, axis=-1)
    return stacked.sum(axis=-1)

if __name__ == "__main__":
    import jax
    _d = setup_inputs()
    print(jax.jit(kernel)(*tuple(_d.values())))

</pallas_src>

<mosaic_0001>
#map = affine_map<(d0, d1) -> (0, 0, 0)>
#map1 = affine_map<(d0, d1) -> (0, 0, 0, 0, 0)>
module attributes {stable_mosaic.version = 14 : i64} {
  func.func @_body(%arg0: i32, %arg1: i32, %arg2: memref<5x50x16384xi32, #tpu.memory_space<hbm>>, %arg3: memref<5x100000x32xf32, #tpu.memory_space<hbm>>, %arg4: memref<50x4x128x8x128xf32, #tpu.memory_space<hbm>>, %arg5: memref<5x256xi32, #tpu.memory_space<vmem>>, %arg6: memref<5x256xi32, #tpu.memory_space<vmem>>, %arg7: memref<5x256x32xf32, #tpu.memory_space<vmem>>, %arg8: memref<5x256x32xf32, #tpu.memory_space<vmem>>, %arg9: memref<4x3x8x129xf32, #tpu.memory_space<vmem>>, %arg10: memref<4x3x8x129xf32, #tpu.memory_space<vmem>>, %arg11: memref<!tpu.dma_semaphore, #tpu.memory_space<semaphore_mem>>, %arg12: memref<!tpu.dma_semaphore, #tpu.memory_space<semaphore_mem>>, %arg13: memref<!tpu.dma_semaphore, #tpu.memory_space<semaphore_mem>>, %arg14: memref<!tpu.dma_semaphore, #tpu.memory_space<semaphore_mem>>, %arg15: memref<!tpu.dma_semaphore, #tpu.memory_space<semaphore_mem>>, %arg16: memref<!tpu.dma_semaphore, #tpu.memory_space<semaphore_mem>>) attributes {dimension_semantics = [#tpu.dimension_semantics<core_parallel>, #tpu.dimension_semantics<subcore_parallel>], iteration_bounds = array<i64: 2, 16>, scalar_prefetch = 0 : i64, scratch_operands = 12 : i64, tpu.core_type = #tpu.core_type<sc_vector_subcore>, window_params = [{transform_indices = #map}, {transform_indices = #map}, {transform_indices = #map1}]} {
    %mul3A = arith.constant 2 : i32
    %mul3A_0 = arith.muli %arg1, %mul3A : i32
    %add3A = arith.addi %mul3A_0, %arg0 : i32
    %mul3A_1 = arith.constant 512 : i32
    %mul3A_2 = arith.muli %add3A, %mul3A_1 : i32
    %iota3A = tpu.iota {dimensions = array<i32: 0>} : vector<16xi32>
    %shift_right_arithmetic3A = arith.constant 3 : i32
    %shift_right_arithmetic3A_3 = vector.broadcast %shift_right_arithmetic3A : i32 to vector<16xi32>
    %shift_right_arithmetic3A_4 = arith.shrsi %iota3A, %shift_right_arithmetic3A_3 : vector<16xi32>
    %add3A_5 = arith.constant 2 : i32
    %add3A_6 = vector.broadcast %add3A_5 : i32 to vector<16xi32>
    %add3A_7 = arith.addi %shift_right_arithmetic3A_4, %add3A_6 : vector<16xi32>
    %and3A = arith.constant 7 : i32
    %and3A_8 = vector.broadcast %and3A : i32 to vector<16xi32>
    %and3A_9 = arith.andi %iota3A, %and3A_8 : vector<16xi32>
    %and3A_10 = arith.constant 0 : i32
    %and3A_11 = vector.broadcast %and3A_10 : i32 to vector<16xi32>
    %and3A_12 = arith.andi %iota3A, %and3A_11 : vector<16xi32>
    %add3A_13 = arith.constant 0 : i32
    %add3A_14 = arith.addi %mul3A_2, %add3A_13 : i32
    %dma_start3A = arith.constant 0 : i32
    %dma_start3A_15 = arith.constant 0 : i32
    %dma_start3A_16 = arith.constant 0 : i32
    %dma_start3A_17 = arith.constant 0 : i32
    %dma_start3A_18 = tpu.memref_slice %arg5[%dma_start3A_16, %dma_start3A_17] : memref<5x256xi32, #tpu.memory_space<vmem>> -> memref<1x256xi32, #tpu.memory_space<vmem>>
    %dma_start3A_19 = tpu.memref_squeeze %dma_start3A_18 : memref<1x256xi32, #tpu.memory_space<vmem>> -> memref<256xi32, #tpu.memory_space<vmem>>
    %dma_start3A_20 = tpu.memref_slice %arg2[%dma_start3A, %dma_start3A_15, %add3A_14] : memref<5x50x16384xi32, #tpu.memory_space<hbm>> -> memref<1x1x256xi32, #tpu.memory_space<hbm>>
    %dma_start3A_21 = tpu.memref_squeeze %dma_start3A_20 : memref<1x1x256xi32, #tpu.memory_space<hbm>> -> memref<256xi32, #tpu.memory_space<hbm>>
    %dma_start3A_22 = arith.constant 0 : i32
    %dma_start3A_23 = tpu.memref_slice %arg5[%dma_start3A_16, %dma_start3A_22] : memref<5x256xi32, #tpu.memory_space<vmem>> -> memref<1x256xi32, #tpu.memory_space<vmem>>
    %dma_start3A_24 = tpu.memref_squeeze %dma_start3A_23 : memref<1x256xi32, #tpu.memory_space<vmem>> -> memref<256xi32, #tpu.memory_space<vmem>>
    %dma_start3A_25 = tpu.memref_slice %arg2[%dma_start3A, %dma_start3A_15, %add3A_14] : memref<5x50x16384xi32, #tpu.memory_space<hbm>> -> memref<1x1x256xi32, #tpu.memory_space<hbm>>
    %dma_start3A_26 = tpu.memref_squeeze %dma_start3A_25 : memref<1x1x256xi32, #tpu.memory_space<hbm>> -> memref<256xi32, #tpu.memory_space<hbm>>
    tpu.enqueue_dma source(%dma_start3A_26 : memref<256xi32, #tpu.memory_space<hbm>>) target(%dma_start3A_24 : memref<256xi32, #tpu.memory_space<vmem>>) target_semaphore(%arg11 : memref<!tpu.dma_semaphore, #tpu.memory_space<semaphore_mem>>)
    %dma_start3A_27 = arith.constant 1 : i32
    %dma_start3A_28 = arith.constant 0 : i32
    %dma_start3A_29 = arith.constant 1 : i32
    %dma_start3A_30 = arith.constant 0 : i32
    %dma_start3A_31 = tpu.memref_slice %arg5[%dma_start3A_29, %dma_start3A_30] : memref<5x256xi32, #tpu.memory_space<vmem>> -> memref<1x256xi32, #tpu.memory_space<vmem>>
    %dma_start3A_32 = tpu.memref_squeeze %dma_start3A_31 : memref<1x256xi32, #tpu.memory_space<vmem>> -> memref<256xi32, #tpu.memory_space<vmem>>
    %dma_start3A_33 = tpu.memref_slice %arg2[%dma_start3A_27, %dma_start3A_28, %add3A_14] : memref<5x50x16384xi32, #tpu.memory_space<hbm>> -> memref<1x1x256xi32, #tpu.memory_space<hbm>>
    %dma_start3A_34 = tpu.memref_squeeze %dma_start3A_33 : memref<1x1x256xi32, #tpu.memory_space<hbm>> -> memref<256xi32, #tpu.memory_space<hbm>>
    %dma_start3A_35 = arith.constant 0 : i32
    %dma_start3A_36 = tpu.memref_slice %arg5[%dma_start3A_29, %dma_start3A_35] : memref<5x256xi32, #tpu.memory_space<vmem>> -> memref<1x256xi32, #tpu.memory_space<vmem>>
    %dma_start3A_37 = tpu.memref_squeeze %dma_start3A_36 : memref<1x256xi32, #tpu.memory_space<vmem>> -> memref<256xi32, #tpu.memory_space<vmem>>
    %dma_start3A_38 = tpu.memref_slice %arg2[%dma_start3A_27, %dma_start3A_28, %add3A_14] : memref<5x50x16384xi32, #tpu.memory_space<hbm>> -> memref<1x1x256xi32, #tpu.memory_space<hbm>>
    %dma_start3A_39 = tpu.memref_squeeze %dma_start3A_38 : memref<1x1x256xi32, #tpu.memory_space<hbm>> -> memref<256xi32, #tpu.memory_space<hbm>>
    tpu.enqueue_dma source(%dma_start3A_39 : memref<256xi32, #tpu.memory_space<hbm>>) target(%dma_start3A_37 : memref<256xi32, #tpu.memory_space<vmem>>) target_semaphore(%arg11 : memref<!tpu.dma_semaphore, #tpu.memory_space<semaphore_mem>>)
    %dma_start3A_40 = arith.constant 2 : i32
    %dma_start3A_41 = arith.constant 0 : i32
    %dma_start3A_42 = arith.constant 2 : i32
    %dma_start3A_43 = arith.constant 0 : i32
    %dma_start3A_44 = tpu.memref_slice %arg5[%dma_start3A_42, %dma_start3A_43] : memref<5x256xi32, #tpu.memory_space<vmem>> -> memref<1x256xi32, #tpu.memory_space<vmem>>
    %dma_start3A_45 = tpu.memref_squeeze %dma_start3A_44 : memref<1x256xi32, #tpu.memory_space<vmem>> -> memref<256xi32, #tpu.memory_space<vmem>>
    %dma_start3A_46 = tpu.memref_slice %arg2[%dma_start3A_40, %dma_start3A_41, %add3A_14] : memref<5x50x16384xi32, #tpu.memory_space<hbm>> -> memref<1x1x256xi32, #tpu.memory_space<hbm>>
    %dma_start3A_47 = tpu.memref_squeeze %dma_start3A_46 : memref<1x1x256xi32, #tpu.memory_space<hbm>> -> memref<256xi32, #tpu.memory_space<hbm>>
    %dma_start3A_48 = arith.constant 0 : i32
    %dma_start3A_49 = tpu.memref_slice %arg5[%dma_start3A_42, %dma_start3A_48] : memref<5x256xi32, #tpu.memory_space<vmem>> -> memref<1x256xi32, #tpu.memory_space<vmem>>
    %dma_start3A_50 = tpu.memref_squeeze %dma_start3A_49 : memref<1x256xi32, #tpu.memory_space<vmem>> -> memref<256xi32, #tpu.memory_space<vmem>>
    %dma_start3A_51 = tpu.memref_slice %arg2[%dma_start3A_40, %dma_start3A_41, %add3A_14] : memref<5x50x16384xi32, #tpu.memory_space<hbm>> -> memref<1x1x256xi32, #tpu.memory_space<hbm>>
    %dma_start3A_52 = tpu.memref_squeeze %dma_start3A_51 : memref<1x1x256xi32, #tpu.memory_space<hbm>> -> memref<256xi32, #tpu.memory_space<hbm>>
    tpu.enqueue_dma source(%dma_start3A_52 : memref<256xi32, #tpu.memory_space<hbm>>) target(%dma_start3A_50 : memref<256xi32, #tpu.memory_space<vmem>>) target_semaphore(%arg11 : memref<!tpu.dma_semaphore, #tpu.memory_space<semaphore_mem>>)
    %dma_start3A_53 = arith.constant 3 : i32
    %dma_start3A_54 = arith.constant 0 : i32
    %dma_start3A_55 = arith.constant 3 : i32
    %dma_start3A_56 = arith.constant 0 : i32
    %dma_start3A_57 = tpu.memref_slice %arg5[%dma_start3A_55, %dma_start3A_56] : memref<5x256xi32, #tpu.memory_space<vmem>> -> memref<1x256xi32, #tpu.memory_space<vmem>>
    %dma_start3A_58 = tpu.memref_squeeze %dma_start3A_57 : memref<1x256xi32, #tpu.memory_space<vmem>> -> memref<256xi32, #tpu.memory_space<vmem>>
    %dma_start3A_59 = tpu.memref_slice %arg2[%dma_start3A_53, %dma_start3A_54, %add3A_14] : memref<5x50x16384xi32, #tpu.memory_space<hbm>> -> memref<1x1x256xi32, #tpu.memory_space<hbm>>
    %dma_start3A_60 = tpu.memref_squeeze %dma_start3A_59 : memref<1x1x256xi32, #tpu.memory_space<hbm>> -> memref<256xi32, #tpu.memory_space<hbm>>
    %dma_start3A_61 = arith.constant 0 : i32
    %dma_start3A_62 = tpu.memref_slice %arg5[%dma_start3A_55, %dma_start3A_61] : memref<5x256xi32, #tpu.memory_space<vmem>> -> memref<1x256xi32, #tpu.memory_space<vmem>>
    %dma_start3A_63 = tpu.memref_squeeze %dma_start3A_62 : memref<1x256xi32, #tpu.memory_space<vmem>> -> memref<256xi32, #tpu.memory_space<vmem>>
    %dma_start3A_64 = tpu.memref_slice %arg2[%dma_start3A_53, %dma_start3A_54, %add3A_14] : memref<5x50x16384xi32, #tpu.memory_space<hbm>> -> memref<1x1x256xi32, #tpu.memory_space<hbm>>
    %dma_start3A_65 = tpu.memref_squeeze %dma_start3A_64 : memref<1x1x256xi32, #tpu.memory_space<hbm>> -> memref<256xi32, #tpu.memory_space<hbm>>
    tpu.enqueue_dma source(%dma_start3A_65 : memref<256xi32, #tpu.memory_space<hbm>>) target(%dma_start3A_63 : memref<256xi32, #tpu.memory_space<vmem>>) target_semaphore(%arg11 : memref<!tpu.dma_semaphore, #tpu.memory_space<semaphore_mem>>)
    %dma_start3A_66 = arith.constant 4 : i32
    %dma_start3A_67 = arith.constant 0 : i32
    %dma_start3A_68 = arith.constant 4 : i32
    %dma_start3A_69 = arith.constant 0 : i32
    %dma_start3A_70 = tpu.memref_slice %arg5[%dma_start3A_68, %dma_start3A_69] : memref<5x256xi32, #tpu.memory_space<vmem>> -> memref<1x256xi32, #tpu.memory_space<vmem>>
    %dma_start3A_71 = tpu.memref_squeeze %dma_start3A_70 : memref<1x256xi32, #tpu.memory_space<vmem>> -> memref<256xi32, #tpu.memory_space<vmem>>
    %dma_start3A_72 = tpu.memref_slice %arg2[%dma_start3A_66, %dma_start3A_67, %add3A_14] : memref<5x50x16384xi32, #tpu.memory_space<hbm>> -> memref<1x1x256xi32, #tpu.memory_space<hbm>>
    %dma_start3A_73 = tpu.memref_squeeze %dma_start3A_72 : memref<1x1x256xi32, #tpu.memory_space<hbm>> -> memref<256xi32, #tpu.memory_space<hbm>>
    %dma_start3A_74 = arith.constant 0 : i32
    %dma_start3A_75 = tpu.memref_slice %arg5[%dma_start3A_68, %dma_start3A_74] : memref<5x256xi32, #tpu.memory_space<vmem>> -> memref<1x256xi32, #tpu.memory_space<vmem>>
    %dma_start3A_76 = tpu.memref_squeeze %dma_start3A_75 : memref<1x256xi32, #tpu.memory_space<vmem>> -> memref<256xi32, #tpu.memory_space<vmem>>
    %dma_start3A_77 = tpu.memref_slice %arg2[%dma_start3A_66, %dma_start3A_67, %add3A_14] : memref<5x50x16384xi32, #tpu.memory_space<hbm>> -> memref<1x1x256xi32, #tpu.memory_space<hbm>>
    %dma_start3A_78 = tpu.memref_squeeze %dma_start3A_77 : memref<1x1x256xi32, #tpu.memory_space<hbm>> -> memref<256xi32, #tpu.memory_space<hbm>>
    tpu.enqueue_dma source(%dma_start3A_78 : memref<256xi32, #tpu.memory_space<hbm>>) target(%dma_start3A_76 : memref<256xi32, #tpu.memory_space<vmem>>) target_semaphore(%arg11 : memref<!tpu.dma_semaphore, #tpu.memory_space<semaphore_mem>>)
    %dma_wait3A = arith.constant 0 : i32
    %dma_wait3A_79 = arith.constant 0 : i32
    %dma_wait3A_80 = arith.constant 0 : i32
    %dma_wait3A_81 = tpu.memref_slice %arg2[%dma_wait3A_79, %dma_wait3A, %dma_wait3A_80] : memref<5x50x16384xi32, #tpu.memory_space<hbm>> -> memref<5x1x256xi32, #tpu.memory_space<hbm>>
    %dma_wait3A_82 = tpu.memref_squeeze %dma_wait3A_81 : memref<5x1x256xi32, #tpu.memory_space<hbm>> -> memref<5x256xi32, #tpu.memory_space<hbm>>
    %dma_wait3A_83 = arith.constant 0 : i32
    %dma_wait3A_84 = arith.constant 0 : i32
    %dma_wait3A_85 = tpu.memref_slice %arg2[%dma_wait3A_83, %dma_wait3A, %dma_wait3A_84] : memref<5x50x16384xi32, #tpu.memory_space<hbm>> -> memref<5x1x256xi32, #tpu.memory_space<hbm>>
    %dma_wait3A_86 = tpu.memref_squeeze %dma_wait3A_85 : memref<5x1x256xi32, #tpu.memory_space<hbm>> -> memref<5x256xi32, #tpu.memory_space<hbm>>
    tpu.wait_dma2 semaphore(%arg11 : memref<!tpu.dma_semaphore, #tpu.memory_space<semaphore_mem>>) src(%dma_wait3A_86 : memref<5x256xi32, #tpu.memory_space<hbm>>) dst(%arg5 : memref<5x256xi32, #tpu.memory_space<vmem>>)
    %dma_start3A_87 = arith.constant 0 : i32
    %dma_start3A_88 = arith.constant 0 : i32
    %dma_start3A_89 = arith.constant 0 : i32
    %dma_start3A_90 = arith.constant 0 : i32
    %dma_start3A_91 = arith.constant 0 : i32
    %dma_start3A_92 = tpu.memref_slice %arg7[%dma_start3A_89, %dma_start3A_90, %dma_start3A_91] : memref<5x256x32xf32, #tpu.memory_space<vmem>> -> memref<1x128x32xf32, #tpu.memory_space<vmem>>
    %dma_start3A_93 = tpu.memref_squeeze %dma_start3A_92 : memref<1x128x32xf32, #tpu.memory_space<vmem>> -> memref<128x32xf32, #tpu.memory_space<vmem>>
    %dma_start3A_94 = arith.constant 0 : i32
    %dma_start3A_95 = tpu.memref_slice %arg5[%dma_start3A_88, %dma_start3A_94] : memref<5x256xi32, #tpu.memory_space<vmem>> -> memref<1x128xi32, #tpu.memory_space<vmem>>
    %dma_start3A_96 = tpu.memref_squeeze %dma_start3A_95 : memref<1x128xi32, #tpu.memory_space<vmem>> -> memref<128xi32, #tpu.memory_space<vmem>>
    %dma_start3A_97 = arith.constant 0 : i32
    %dma_start3A_98 = arith.constant 0 : i32
    %dma_start3A_99 = tpu.memref_slice %arg3[%dma_start3A_87, %dma_start3A_97, %dma_start3A_98] : memref<5x100000x32xf32, #tpu.memory_space<hbm>> -> memref<1x100000x32xf32, #tpu.memory_space<hbm>>
    %dma_start3A_100 = tpu.memref_squeeze %dma_start3A_99 : memref<1x100000x32xf32, #tpu.memory_space<hbm>> -> memref<100000x32xf32, #tpu.memory_space<hbm>>
    %dma_start3A_101 = arith.constant 0 : i32
    %dma_start3A_102 = arith.constant 0 : i32
    %dma_start3A_103 = tpu.memref_slice %dma_start3A_100[%dma_start3A_101, %dma_start3A_102] : memref<100000x32xf32, #tpu.memory_space<hbm>> -> memref<100000x32xf32, #tpu.memory_space<hbm>>
    tpu.enqueue_indirect_dma source(%dma_start3A_103 : memref<100000x32xf32, #tpu.memory_space<hbm>>) target(%dma_start3A_93 : memref<128x32xf32, #tpu.memory_space<vmem>>) offsets(%dma_start3A_96 : memref<128xi32, #tpu.memory_space<vmem>>) semaphore(%arg13 : memref<!tpu.dma_semaphore, #tpu.memory_space<semaphore_mem>>)
    %dma_start3A_104 = arith.constant 0 : i32
    %dma_start3A_105 = arith.constant 0 : i32
    %dma_start3A_106 = arith.constant 0 : i32
    %dma_start3A_107 = arith.constant 128 : i32
    %dma_start3A_108 = arith.constant 0 : i32
    %dma_start3A_109 = tpu.memref_slice %arg7[%dma_start3A_106, %dma_start3A_107, %dma_start3A_108] : memref<5x256x32xf32, #tpu.memory_space<vmem>> -> memref<1x128x32xf32, #tpu.memory_space<vmem>>
    %dma_start3A_110 = tpu.memref_squeeze %dma_start3A_109 : memref<1x128x32xf32, #tpu.memory_space<vmem>> -> memref<128x32xf32, #tpu.memory_space<vmem>>
    %dma_start3A_111 = arith.constant 128 : i32
    %dma_start3A_112 = tpu.memref_slice %arg5[%dma_start3A_105, %dma_start3A_111] : memref<5x256xi32, #tpu.memory_space<vmem>> -> memref<1x128xi32, #tpu.memory_space<vmem>>
    %dma_start3A_113 = tpu.memref_squeeze %dma_start3A_112 : memref<1x128xi32, #tpu.memory_space<vmem>> -> memref<128xi32, #tpu.memory_space<vmem>>
    %dma_start3A_114 = arith.constant 0 : i32
    %dma_start3A_115 = arith.constant 0 : i32
    %dma_start3A_116 = tpu.memref_slice %arg3[%dma_start3A_104, %dma_start3A_114, %dma_start3A_115] : memref<5x100000x32xf32, #tpu.memory_space<hbm>> -> memref<1x100000x32xf32, #tpu.memory_space<hbm>>
    %dma_start3A_117 = tpu.memref_squeeze %dma_start3A_116 : memref<1x100000x32xf32, #tpu.memory_space<hbm>> -> memref<100000x32xf32, #tpu.memory_space<hbm>>
    %dma_start3A_118 = arith.constant 0 : i32
    %dma_start3A_119 = arith.constant 0 : i32
    %dma_start3A_120 = tpu.memref_slice %dma_start3A_117[%dma_start3A_118, %dma_start3A_119] : memref<100000x32xf32, #tpu.memory_space<hbm>> -> memref<100000x32xf32, #tpu.memory_space<hbm>>
    tpu.enqueue_indirect_dma source(%dma_start3A_120 : memref<100000x32xf32, #tpu.memory_space<hbm>>) target(%dma_start3A_110 : memref<128x32xf32, #tpu.memory_space<vmem>>) offsets(%dma_start3A_113 : memref<128xi32, #tpu.memory_space<vmem>>) semaphore(%arg13 : memref<!tpu.dma_semaphore, #tpu.memory_space<semaphore_mem>>)
    %dma_start3A_121 = arith.constant 1 : i32
    %dma_start3A_122 = arith.constant 1 : i32
    %dma_start3A_123 = arith.constant 1 : i32
    %dma_start3A_124 = arith.constant 0 : i32
    %dma_start3A_125 = arith.constant 0 : i32
    %dma_start3A_126 = tpu.memref_slice %arg7[%dma_start3A_123, %dma_start3A_124, %dma_start3A_125] : memref<5x256x32xf32, #tpu.memory_space<vmem>> -> memref<1x128x32xf32, #tpu.memory_space<vmem>>
    %dma_start3A_127 = tpu.memref_squeeze %dma_start3A_126 : memref<1x128x32xf32, #tpu.memory_space<vmem>> -> memref<128x32xf32, #tpu.memory_space<vmem>>
    %dma_start3A_128 = arith.constant 0 : i32
    %dma_start3A_129 = tpu.memref_slice %arg5[%dma_start3A_122, %dma_start3A_128] : memref<5x256xi32, #tpu.memory_space<vmem>> -> memref<1x128xi32, #tpu.memory_space<vmem>>
    %dma_start3A_130 = tpu.memref_squeeze %dma_start3A_129 : memref<1x128xi32, #tpu.memory_space<vmem>> -> memref<128xi32, #tpu.memory_space<vmem>>
    %dma_start3A_131 = arith.constant 0 : i32
    %dma_start3A_132 = arith.constant 0 : i32
    %dma_start3A_133 = tpu.memref_slice %arg3[%dma_start3A_121, %dma_start3A_131, %dma_start3A_132] : memref<5x100000x32xf32, #tpu.memory_space<hbm>> -> memref<1x100000x32xf32, #tpu.memory_space<hbm>>
    %dma_start3A_134 = tpu.memref_squeeze %dma_start3A_133 : memref<1x100000x32xf32, #tpu.memory_space<hbm>> -> memref<100000x32xf32, #tpu.memory_space<hbm>>
    %dma_start3A_135 = arith.constant 0 : i32
    %dma_start3A_136 = arith.constant 0 : i32
    %dma_start3A_137 = tpu.memref_slice %dma_start3A_134[%dma_start3A_135, %dma_start3A_136] : memref<100000x32xf32, #tpu.memory_space<hbm>> -> memref<100000x32xf32, #tpu.memory_space<hbm>>
    tpu.enqueue_indirect_dma source(%dma_start3A_137 : memref<100000x32xf32, #tpu.memory_space<hbm>>) target(%dma_start3A_127 : memref<128x32xf32, #tpu.memory_space<vmem>>) offsets(%dma_start3A_130 : memref<128xi32, #tpu.memory_space<vmem>>) semaphore(%arg13 : memref<!tpu.dma_semaphore, #tpu.memory_space<semaphore_mem>>)
    %dma_start3A_138 = arith.constant 1 : i32
    %dma_start3A_139 = arith.constant 1 : i32
    %dma_start3A_140 = arith.constant 1 : i32
    %dma_start3A_141 = arith.constant 128 : i32
    %dma_start3A_142 = arith.constant 0 : i32
    %dma_start3A_143 = tpu.memref_slice %arg7[%dma_start3A_140, %dma_start3A_141, %dma_start3A_142] : memref<5x256x32xf32, #tpu.memory_space<vmem>> -> memref<1x128x32xf32, #tpu.memory_space<vmem>>
    %dma_start3A_144 = tpu.memref_squeeze %dma_start3A_143 : memref<1x128x32xf32, #tpu.memory_space<vmem>> -> memref<128x32xf32, #tpu.memory_space<vmem>>
    %dma_start3A_145 = arith.constant 128 : i32
    %dma_start3A_146 = tpu.memref_slice %arg5[%dma_start3A_139, %dma_start3A_145] : memref<5x256xi32, #tpu.memory_space<vmem>> -> memref<1x128xi32, #tpu.memory_space<vmem>>
    %dma_start3A_147 = tpu.memref_squeeze %dma_start3A_146 : memref<1x128xi32, #tpu.memory_space<vmem>> -> memref<128xi32, #tpu.memory_space<vmem>>
    %dma_start3A_148 = arith.constant 0 : i32
    %dma_start3A_149 = arith.constant 0 : i32
    %dma_start3A_150 = tpu.memref_slice %arg3[%dma_start3A_138, %dma_start3A_148, %dma_start3A_149] : memref<5x100000x32xf32, #tpu.memory_space<hbm>> -> memref<1x100000x32xf32, #tpu.memory_space<hbm>>
    %dma_start3A_151 = tpu.memref_squeeze %dma_start3A_150 : memref<1x100000x32xf32, #tpu.memory_space<hbm>> -> memref<100000x32xf32, #tpu.memory_space<hbm>>
    %dma_start3A_152 = arith.constant 0 : i32
    %dma_start3A_153 = arith.constant 0 : i32
    %dma_start3A_154 = tpu.memref_slice %dma_start3A_151[%dma_start3A_152, %dma_start3A_153] : memref<100000x32xf32, #tpu.memory_space<hbm>> -> memref<100000x32xf32, #tpu.memory_space<hbm>>
    tpu.enqueue_indirect_dma source(%dma_start3A_154 : memref<100000x32xf32, #tpu.memory_space<hbm>>) target(%dma_start3A_144 : memref<128x32xf32, #tpu.memory_space<vmem>>) offsets(%dma_start3A_147 : memref<128xi32, #tpu.memory_space<vmem>>) semaphore(%arg13 : memref<!tpu.dma_semaphore, #tpu.memory_space<semaphore_mem>>)
    %dma_start3A_155 = arith.constant 2 : i32
    %dma_start3A_156 = arith.constant 2 : i32
    %dma_start3A_157 = arith.constant 2 : i32
    %dma_start3A_158 = arith.constant 0 : i32
    %dma_start3A_159 = arith.constant 0 : i32
    %dma_start3A_160 = tpu.memref_slice %arg7[%dma_start3A_157, %dma_start3A_158, %dma_start3A_159] : memref<5x256x32xf32, #tpu.memory_space<vmem>> -> memref<1x128x32xf32, #tpu.memory_space<vmem>>
    %dma_start3A_161 = tpu.memref_squeeze %dma_start3A_160 : memref<1x128x32xf32, #tpu.memory_space<vmem>> -> memref<128x32xf32, #tpu.memory_space<vmem>>
    %dma_start3A_162 = arith.constant 0 : i32
    %dma_start3A_163 = tpu.memref_slice %arg5[%dma_start3A_156, %dma_start3A_162] : memref<5x256xi32, #tpu.memory_space<vmem>> -> memref<1x128xi32, #tpu.memory_space<vmem>>
    %dma_start3A_164 = tpu.memref_squeeze %dma_start3A_163 : memref<1x128xi32, #tpu.memory_space<vmem>> -> memref<128xi32, #tpu.memory_space<vmem>>
    %dma_start3A_165 = arith.constant 0 : i32
    %dma_start3A_166 = arith.constant 0 : i32
    %dma_start3A_167 = tpu.memref_slice %arg3[%dma_start3A_155, %dma_start3A_165, %dma_start3A_166] : memref<5x100000x32xf32, #tpu.memory_space<hbm>> -> memref<1x100000x32xf32, #tpu.memory_space<hbm>>
    %dma_start3A_168 = tpu.memref_squeeze %dma_start3A_167 : memref<1x100000x32xf32, #tpu.memory_space<hbm>> -> memref<100000x32xf32, #tpu.memory_space<hbm>>
    %dma_start3A_169 = arith.constant 0 : i32
    %dma_start3A_170 = arith.constant 0 : i32
    %dma_start3A_171 = tpu.memref_slice %dma_start3A_168[%dma_start3A_169, %dma_start3A_170] : memref<100000x32xf32, #tpu.memory_space<hbm>> -> memref<100000x32xf32, #tpu.memory_space<hbm>>
    tpu.enqueue_indirect_dma source(%dma_start3A_171 : memref<100000x32xf32, #tpu.memory_space<hbm>>) target(%dma_start3A_161 : memref<128x32xf32, #tpu.memory_space<vmem>>) offsets(%dma_start3A_164 : memref<128xi32, #tpu.memory_space<vmem>>) semaphore(%arg13 : memref<!tpu.dma_semaphore, #tpu.memory_space<semaphore_mem>>)
    %dma_start3A_172 = arith.constant 2 : i32
    %dma_start3A_173 = arith.constant 2 : i32
    %dma_start3A_174 = arith.constant 2 : i32
    %dma_start3A_175 = arith.constant 128 : i32
    %dma_start3A_176 = arith.constant 0 : i32
    %dma_start3A_177 = tpu.memref_slice %arg7[%dma_start3A_174, %dma_start3A_175, %dma_start3A_176] : memref<5x256x32xf32, #tpu.memory_space<vmem>> -> memref<1x128x32xf32, #tpu.memory_space<vmem>>
    %dma_start3A_178 = tpu.memref_squeeze %dma_start3A_177 : memref<1x128x32xf32, #tpu.memory_space<vmem>> -> memref<128x32xf32, #tpu.memory_space<vmem>>
    %dma_start3A_179 = arith.constant 128 : i32
    %dma_start3A_180 = tpu.memref_slice %arg5[%dma_start3A_173, %dma_start3A_179] : memref<5x256xi32, #tpu.memory_space<vmem>> -> memref<1x128xi32, #tpu.memory_space<vmem>>
    %dma_start3A_181 = tpu.memref_squeeze %dma_start3A_180 : memref<1x128xi32, #tpu.memory_space<vmem>> -> memref<128xi32, #tpu.memory_space<vmem>>
    %dma_start3A_182 = arith.constant 0 : i32
    %dma_start3A_183 = arith.constant 0 : i32
    %dma_start3A_184 = tpu.memref_slice %arg3[%dma_start3A_172, %dma_start3A_182, %dma_start3A_183] : memref<5x100000x32xf32, #tpu.memory_space<hbm>> -> memref<1x100000x32xf32, #tpu.memory_space<hbm>>
    %dma_start3A_185 = tpu.memref_squeeze %dma_start3A_184 : memref<1x100000x32xf32, #tpu.memory_space<hbm>> -> memref<100000x32xf32, #tpu.memory_space<hbm>>
    %dma_start3A_186 = arith.constant 0 : i32
    %dma_start3A_187 = arith.constant 0 : i32
    %dma_start3A_188 = tpu.memref_slice %dma_start3A_185[%dma_start3A_186, %dma_start3A_187] : memref<100000x32xf32, #tpu.memory_space<hbm>> -> memref<100000x32xf32, #tpu.memory_space<hbm>>
    tpu.enqueue_indirect_dma source(%dma_start3A_188 : memref<100000x32xf32, #tpu.memory_space<hbm>>) target(%dma_start3A_178 : memref<128x32xf32, #tpu.memory_space<vmem>>) offsets(%dma_start3A_181 : memref<128xi32, #tpu.memory_space<vmem>>) semaphore(%arg13 : memref<!tpu.dma_semaphore, #tpu.memory_space<semaphore_mem>>)
    %dma_start3A_189 = arith.constant 3 : i32
    %dma_start3A_190 = arith.constant 3 : i32
    %dma_start3A_191 = arith.constant 3 : i32
    %dma_start3A_192 = arith.constant 0 : i32
    %dma_start3A_193 = arith.constant 0 : i32
    %dma_start3A_194 = tpu.memref_slice %arg7[%dma_start3A_191, %dma_start3A_192, %dma_start3A_193] : memref<5x256x32xf32, #tpu.memory_space<vmem>> -> memref<1x128x32xf32, #tpu.memory_space<vmem>>
    %dma_start3A_195 = tpu.memref_squeeze %dma_start3A_194 : memref<1x128x32xf32, #tpu.memory_space<vmem>> -> memref<128x32xf32, #tpu.memory_space<vmem>>
    %dma_start3A_196 = arith.constant 0 : i32
    %dma_start3A_197 = tpu.memref_slice %arg5[%dma_start3A_190, %dma_start3A_196] : memref<5x256xi32, #tpu.memory_space<vmem>> -> memref<1x128xi32, #tpu.memory_space<vmem>>
    %dma_start3A_198 = tpu.memref_squeeze %dma_start3A_197 : memref<1x128xi32, #tpu.memory_space<vmem>> -> memref<128xi32, #tpu.memory_space<vmem>>
    %dma_start3A_199 = arith.constant 0 : i32
    %dma_start3A_200 = arith.constant 0 : i32
    %dma_start3A_201 = tpu.memref_slice %arg3[%dma_start3A_189, %dma_start3A_199, %dma_start3A_200] : memref<5x100000x32xf32, #tpu.memory_space<hbm>> -> memref<1x100000x32xf32, #tpu.memory_space<hbm>>
    %dma_start3A_202 = tpu.memref_squeeze %dma_start3A_201 : memref<1x100000x32xf32, #tpu.memory_space<hbm>> -> memref<100000x32xf32, #tpu.memory_space<hbm>>
    %dma_start3A_203 = arith.constant 0 : i32
    %dma_start3A_204 = arith.constant 0 : i32
    %dma_start3A_205 = tpu.memref_slice %dma_start3A_202[%dma_start3A_203, %dma_start3A_204] : memref<100000x32xf32, #tpu.memory_space<hbm>> -> memref<100000x32xf32, #tpu.memory_space<hbm>>
    tpu.enqueue_indirect_dma source(%dma_start3A_205 : memref<100000x32xf32, #tpu.memory_space<hbm>>) target(%dma_start3A_195 : memref<128x32xf32, #tpu.memory_space<vmem>>) offsets(%dma_start3A_198 : memref<128xi32, #tpu.memory_space<vmem>>) semaphore(%arg13 : memref<!tpu.dma_semaphore, #tpu.memory_space<semaphore_mem>>)
    %dma_start3A_206 = arith.constant 3 : i32
    %dma_start3A_207 = arith.constant 3 : i32
    %dma_start3A_208 = arith.constant 3 : i32
    %dma_start3A_209 = arith.constant 128 : i32
    %dma_start3A_210 = arith.constant 0 : i32
    %dma_start3A_211 = tpu.memref_slice %arg7[%dma_start3A_208, %dma_start3A_209, %dma_start3A_210] : memref<5x256x32xf32, #tpu.memory_space<vmem>> -> memref<1x128x32xf32, #tpu.memory_space<vmem>>
    %dma_start3A_212 = tpu.memref_squeeze %dma_start3A_211 : memref<1x128x32xf32, #tpu.memory_space<vmem>> -> memref<128x32xf32, #tpu.memory_space<vmem>>
    %dma_start3A_213 = arith.constant 128 : i32
    %dma_start3A_214 = tpu.memref_slice %arg5[%dma_start3A_207, %dma_start3A_213] : memref<5x256xi32, #tpu.memory_space<vmem>> -> memref<1x128xi32, #tpu.memory_space<vmem>>
    %dma_start3A_215 = tpu.memref_squeeze %dma_start3A_214 : memref<1x128xi32, #tpu.memory_space<vmem>> -> memref<128xi32, #tpu.memory_space<vmem>>
    %dma_start3A_216 = arith.constant 0 : i32
    %dma_start3A_217 = arith.constant 0 : i32
    %dma_start3A_218 = tpu.memref_slice %arg3[%dma_start3A_206, %dma_start3A_216, %dma_start3A_217] : memref<5x100000x32xf32, #tpu.memory_space<hbm>> -> memref<1x100000x32xf32, #tpu.memory_space<hbm>>
    %dma_start3A_219 = tpu.memref_squeeze %dma_start3A_218 : memref<1x100000x32xf32, #tpu.memory_space<hbm>> -> memref<100000x32xf32, #tpu.memory_space<hbm>>
    %dma_start3A_220 = arith.constant 0 : i32
    %dma_start3A_221 = arith.constant 0 : i32
    %dma_start3A_222 = tpu.memref_slice %dma_start3A_219[%dma_start3A_220, %dma_start3A_221] : memref<100000x32xf32, #tpu.memory_space<hbm>> -> memref<100000x32xf32, #tpu.memory_space<hbm>>
    tpu.enqueue_indirect_dma source(%dma_start3A_222 : memref<100000x32xf32, #tpu.memory_space<hbm>>) target(%dma_start3A_212 : memref<128x32xf32, #tpu.memory_space<vmem>>) offsets(%dma_start3A_215 : memref<128xi32, #tpu.memory_space<vmem>>) semaphore(%arg13 : memref<!tpu.dma_semaphore, #tpu.memory_space<semaphore_mem>>)
    %dma_start3A_223 = arith.constant 4 : i32
    %dma_start3A_224 = arith.constant 4 : i32
    %dma_start3A_225 = arith.constant 4 : i32
    %dma_start3A_226 = arith.constant 0 : i32
    %dma_start3A_227 = arith.constant 0 : i32
    %dma_start3A_228 = tpu.memref_slice %arg7[%dma_start3A_225, %dma_start3A_226, %dma_start3A_227] : memref<5x256x32xf32, #tpu.memory_space<vmem>> -> memref<1x128x32xf32, #tpu.memory_space<vmem>>
    %dma_start3A_229 = tpu.memref_squeeze %dma_start3A_228 : memref<1x128x32xf32, #tpu.memory_space<vmem>> -> memref<128x32xf32, #tpu.memory_space<vmem>>
    %dma_start3A_230 = arith.constant 0 : i32
    %dma_start3A_231 = tpu.memref_slice %arg5[%dma_start3A_224, %dma_start3A_230] : memref<5x256xi32, #tpu.memory_space<vmem>> -> memref<1x128xi32, #tpu.memory_space<vmem>>
    %dma_start3A_232 = tpu.memref_squeeze %dma_start3A_231 : memref<1x128xi32, #tpu.memory_space<vmem>> -> memref<128xi32, #tpu.memory_space<vmem>>
    %dma_start3A_233 = arith.constant 0 : i32
    %dma_start3A_234 = arith.constant 0 : i32
    %dma_start3A_235 = tpu.memref_slice %arg3[%dma_start3A_223, %dma_start3A_233, %dma_start3A_234] : memref<5x100000x32xf32, #tpu.memory_space<hbm>> -> memref<1x100000x32xf32, #tpu.memory_space<hbm>>
    %dma_start3A_236 = tpu.memref_squeeze %dma_start3A_235 : memref<1x100000x32xf32, #tpu.memory_space<hbm>> -> memref<100000x32xf32, #tpu.memory_space<hbm>>
    %dma_start3A_237 = arith.constant 0 : i32
    %dma_start3A_238 = arith.constant 0 : i32
    %dma_start3A_239 = tpu.memref_slice %dma_start3A_236[%dma_start3A_237, %dma_start3A_238] : memref<100000x32xf32, #tpu.memory_space<hbm>> -> memref<100000x32xf32, #tpu.memory_space<hbm>>
    tpu.enqueue_indirect_dma source(%dma_start3A_239 : memref<100000x32xf32, #tpu.memory_space<hbm>>) target(%dma_start3A_229 : memref<128x32xf32, #tpu.memory_space<vmem>>) offsets(%dma_start3A_232 : memref<128xi32, #tpu.memory_space<vmem>>) semaphore(%arg13 : memref<!tpu.dma_semaphore, #tpu.memory_space<semaphore_mem>>)
    %dma_start3A_240 = arith.constant 4 : i32
    %dma_start3A_241 = arith.constant 4 : i32
    %dma_start3A_242 = arith.constant 4 : i32
    %dma_start3A_243 = arith.constant 128 : i32
    %dma_start3A_244 = arith.constant 0 : i32
    %dma_start3A_245 = tpu.memref_slice %arg7[%dma_start3A_242, %dma_start3A_243, %dma_start3A_244] : memref<5x256x32xf32, #tpu.memory_space<vmem>> -> memref<1x128x32xf32, #tpu.memory_space<vmem>>
    %dma_start3A_246 = tpu.memref_squeeze %dma_start3A_245 : memref<1x128x32xf32, #tpu.memory_space<vmem>> -> memref<128x32xf32, #tpu.memory_space<vmem>>
    %dma_start3A_247 = arith.constant 128 : i32
    %dma_start3A_248 = tpu.memref_slice %arg5[%dma_start3A_241, %dma_start3A_247] : memref<5x256xi32, #tpu.memory_space<vmem>> -> memref<1x128xi32, #tpu.memory_space<vmem>>
    %dma_start3A_249 = tpu.memref_squeeze %dma_start3A_248 : memref<1x128xi32, #tpu.memory_space<vmem>> -> memref<128xi32, #tpu.memory_space<vmem>>
    %dma_start3A_250 = arith.constant 0 : i32
    %dma_start3A_251 = arith.constant 0 : i32
    %dma_start3A_252 = tpu.memref_slice %arg3[%dma_start3A_240, %dma_start3A_250, %dma_start3A_251] : memref<5x100000x32xf32, #tpu.memory_space<hbm>> -> memref<1x100000x32xf32, #tpu.memory_space<hbm>>
    %dma_start3A_253 = tpu.memref_squeeze %dma_start3A_252 : memref<1x100000x32xf32, #tpu.memory_space<hbm>> -> memref<100000x32xf32, #tpu.memory_space<hbm>>
    %dma_start3A_254 = arith.constant 0 : i32
    %dma_start3A_255 = arith.constant 0 : i32
    %dma_start3A_256 = tpu.memref_slice %dma_start3A_253[%dma_start3A_254, %dma_start3A_255] : memref<100000x32xf32, #tpu.memory_space<hbm>> -> memref<100000x32xf32, #tpu.memory_space<hbm>>
    tpu.enqueue_indirect_dma source(%dma_start3A_256 : memref<100000x32xf32, #tpu.memory_space<hbm>>) target(%dma_start3A_246 : memref<128x32xf32, #tpu.memory_space<vmem>>) offsets(%dma_start3A_249 : memref<128xi32, #tpu.memory_space<vmem>>) semaphore(%arg13 : memref<!tpu.dma_semaphore, #tpu.memory_space<semaphore_mem>>)
    %add3A_257 = arith.constant 256 : i32
    %add3A_258 = arith.addi %mul3A_2, %add3A_257 : i32
    %dma_start3A_259 = arith.constant 0 : i32
    %dma_start3A_260 = arith.constant 0 : i32
    %dma_start3A_261 = arith.constant 0 : i32
    %dma_start3A_262 = arith.constant 0 : i32
    %dma_start3A_263 = tpu.memref_slice %arg6[%dma_start3A_261, %dma_start3A_262] : memref<5x256xi32, #tpu.memory_space<vmem>> -> memref<1x256xi32, #tpu.memory_space<vmem>>
    %dma_start3A_264 = tpu.memref_squeeze %dma_start3A_263 : memref<1x256xi32, #tpu.memory_space<vmem>> -> memref<256xi32, #tpu.memory_space<vmem>>
    %dma_start3A_265 = tpu.memref_slice %arg2[%dma_start3A_259, %dma_start3A_260, %add3A_258] : memref<5x50x16384xi32, #tpu.memory_space<hbm>> -> memref<1x1x256xi32, #tpu.memory_space<hbm>>
    %dma_start3A_266 = tpu.memref_squeeze %dma_start3A_265 : memref<1x1x256xi32, #tpu.memory_space<hbm>> -> memref<256xi32, #tpu.memory_space<hbm>>
    %dma_start3A_267 = arith.constant 0 : i32
    %dma_start3A_268 = tpu.memref_slice %arg6[%dma_start3A_261, %dma_start3A_267] : memref<5x256xi32, #tpu.memory_space<vmem>> -> memref<1x256xi32, #tpu.memory_space<vmem>>
    %dma_start3A_269 = tpu.memref_squeeze %dma_start3A_268 : memref<1x256xi32, #tpu.memory_space<vmem>> -> memref<256xi32, #tpu.memory_space<vmem>>
    %dma_start3A_270 = tpu.memref_slice %arg2[%dma_start3A_259, %dma_start3A_260, %add3A_258] : memref<5x50x16384xi32, #tpu.memory_space<hbm>> -> memref<1x1x256xi32, #tpu.memory_space<hbm>>
    %dma_start3A_271 = tpu.memref_squeeze %dma_start3A_270 : memref<1x1x256xi32, #tpu.memory_space<hbm>> -> memref<256xi32, #tpu.memory_space<hbm>>
    tpu.enqueue_dma source(%dma_start3A_271 : memref<256xi32, #tpu.memory_space<hbm>>) target(%dma_start3A_269 : memref<256xi32, #tpu.memory_space<vmem>>) target_semaphore(%arg12 : memref<!tpu.dma_semaphore, #tpu.memory_space<semaphore_mem>>)
    %dma_start3A_272 = arith.constant 1 : i32
    %dma_start3A_273 = arith.constant 0 : i32
    %dma_start3A_274 = arith.constant 1 : i32
    %dma_start3A_275 = arith.constant 0 : i32
    %dma_start3A_276 = tpu.memref_slice %arg6[%dma_start3A_274, %dma_start3A_275] : memref<5x256xi32, #tpu.memory_space<vmem>> -> memref<1x256xi32, #tpu.memory_space<vmem>>
    %dma_start3A_277 = tpu.memref_squeeze %dma_start3A_276 : memref<1x256xi32, #tpu.memory_space<vmem>> -> memref<256xi32, #tpu.memory_space<vmem>>
    %dma_start3A_278 = tpu.memref_slice %arg2[%dma_start3A_272, %dma_start3A_273, %add3A_258] : memref<5x50x16384xi32, #tpu.memory_space<hbm>> -> memref<1x1x256xi32, #tpu.memory_space<hbm>>
    %dma_start3A_279 = tpu.memref_squeeze %dma_start3A_278 : memref<1x1x256xi32, #tpu.memory_space<hbm>> -> memref<256xi32, #tpu.memory_space<hbm>>
    %dma_start3A_280 = arith.constant 0 : i32
    %dma_start3A_281 = tpu.memref_slice %arg6[%dma_start3A_274, %dma_start3A_280] : memref<5x256xi32, #tpu.memory_space<vmem>> -> memref<1x256xi32, #tpu.memory_space<vmem>>
    %dma_start3A_282 = tpu.memref_squeeze %dma_start3A_281 : memref<1x256xi32, #tpu.memory_space<vmem>> -> memref<256xi32, #tpu.memory_space<vmem>>
    %dma_start3A_283 = tpu.memref_slice %arg2[%dma_start3A_272, %dma_start3A_273, %add3A_258] : memref<5x50x16384xi32, #tpu.memory_space<hbm>> -> memref<1x1x256xi32, #tpu.memory_space<hbm>>
    %dma_start3A_284 = tpu.memref_squeeze %dma_start3A_283 : memref<1x1x256xi32, #tpu.memory_space<hbm>> -> memref<256xi32, #tpu.memory_space<hbm>>
    tpu.enqueue_dma source(%dma_start3A_284 : memref<256xi32, #tpu.memory_space<hbm>>) target(%dma_start3A_282 : memref<256xi32, #tpu.memory_space<vmem>>) target_semaphore(%arg12 : memref<!tpu.dma_semaphore, #tpu.memory_space<semaphore_mem>>)
    %dma_start3A_285 = arith.constant 2 : i32
    %dma_start3A_286 = arith.constant 0 : i32
    %dma_start3A_287 = arith.constant 2 : i32
    %dma_start3A_288 = arith.constant 0 : i32
    %dma_start3A_289 = tpu.memref_slice %arg6[%dma_start3A_287, %dma_start3A_288] : memref<5x256xi32, #tpu.memory_space<vmem>> -> memref<1x256xi32, #tpu.memory_space<vmem>>
    %dma_start3A_290 = tpu.memref_squeeze %dma_start3A_289 : memref<1x256xi32, #tpu.memory_space<vmem>> -> memref<256xi32, #tpu.memory_space<vmem>>
    %dma_start3A_291 = tpu.memref_slice %arg2[%dma_start3A_285, %dma_start3A_286, %add3A_258] : memref<5x50x16384xi32, #tpu.memory_space<hbm>> -> memref<1x1x256xi32, #tpu.memory_space<hbm>>
    %dma_start3A_292 = tpu.memref_squeeze %dma_start3A_291 : memref<1x1x256xi32, #tpu.memory_space<hbm>> -> memref<256xi32, #tpu.memory_space<hbm>>
    %dma_start3A_293 = arith.constant 0 : i32
    %dma_start3A_294 = tpu.memref_slice %arg6[%dma_start3A_287, %dma_start3A_293] : memref<5x256xi32, #tpu.memory_space<vmem>> -> memref<1x256xi32, #tpu.memory_space<vmem>>
    %dma_start3A_295 = tpu.memref_squeeze %dma_start3A_294 : memref<1x256xi32, #tpu.memory_space<vmem>> -> memref<256xi32, #tpu.memory_space<vmem>>
    %dma_start3A_296 = tpu.memref_slice %arg2[%dma_start3A_285, %dma_start3A_286, %add3A_258] : memref<5x50x16384xi32, #tpu.memory_space<hbm>> -> memref<1x1x256xi32, #tpu.memory_space<hbm>>
    %dma_start3A_297 = tpu.memref_squeeze %dma_start3A_296 : memref<1x1x256xi32, #tpu.memory_space<hbm>> -> memref<256xi32, #tpu.memory_space<hbm>>
    tpu.enqueue_dma source(%dma_start3A_297 : memref<256xi32, #tpu.memory_space<hbm>>) target(%dma_start3A_295 : memref<256xi32, #tpu.memory_space<vmem>>) target_semaphore(%arg12 : memref<!tpu.dma_semaphore, #tpu.memory_space<semaphore_mem>>)
    %dma_start3A_298 = arith.constant 3 : i32
    %dma_start3A_299 = arith.constant 0 : i32
    %dma_start3A_300 = arith.constant 3 : i32
    %dma_start3A_301 = arith.constant 0 : i32
    %dma_start3A_302 = tpu.memref_slice %arg6[%dma_start3A_300, %dma_start3A_301] : memref<5x256xi32, #tpu.memory_space<vmem>> -> memref<1x256xi32, #tpu.memory_space<vmem>>
    %dma_start3A_303 = tpu.memref_squeeze %dma_start3A_302 : memref<1x256xi32, #tpu.memory_space<vmem>> -> memref<256xi32, #tpu.memory_space<vmem>>
    %dma_start3A_304 = tpu.memref_slice %arg2[%dma_start3A_298, %dma_start3A_299, %add3A_258] : memref<5x50x16384xi32, #tpu.memory_space<hbm>> -> memref<1x1x256xi32, #tpu.memory_space<hbm>>
    %dma_start3A_305 = tpu.memref_squeeze %dma_start3A_304 : memref<1x1x256xi32, #tpu.memory_space<hbm>> -> memref<256xi32, #tpu.memory_space<hbm>>
    %dma_start3A_306 = arith.constant 0 : i32
    %dma_start3A_307 = tpu.memref_slice %arg6[%dma_start3A_300, %dma_start3A_306] : memref<5x256xi32, #tpu.memory_space<vmem>> -> memref<1x256xi32, #tpu.memory_space<vmem>>
    %dma_start3A_308 = tpu.memref_squeeze %dma_start3A_307 : memref<1x256xi32, #tpu.memory_space<vmem>> -> memref<256xi32, #tpu.memory_space<vmem>>
    %dma_start3A_309 = tpu.memref_slice %arg2[%dma_start3A_298, %dma_start3A_299, %add3A_258] : memref<5x50x16384xi32, #tpu.memory_space<hbm>> -> memref<1x1x256xi32, #tpu.memory_space<hbm>>
    %dma_start3A_310 = tpu.memref_squeeze %dma_start3A_309 : memref<1x1x256xi32, #tpu.memory_space<hbm>> -> memref<256xi32, #tpu.memory_space<hbm>>
    tpu.enqueue_dma source(%dma_start3A_310 : memref<256xi32, #tpu.memory_space<hbm>>) target(%dma_start3A_308 : memref<256xi32, #tpu.memory_space<vmem>>) target_semaphore(%arg12 : memref<!tpu.dma_semaphore, #tpu.memory_space<semaphore_mem>>)
    %dma_start3A_311 = arith.constant 4 : i32
    %dma_start3A_312 = arith.constant 0 : i32
    %dma_start3A_313 = arith.constant 4 : i32
    %dma_start3A_314 = arith.constant 0 : i32
    %dma_start3A_315 = tpu.memref_slice %arg6[%dma_start3A_313, %dma_start3A_314] : memref<5x256xi32, #tpu.memory_space<vmem>> -> memref<1x256xi32, #tpu.memory_space<vmem>>
    %dma_start3A_316 = tpu.memref_squeeze %dma_start3A_315 : memref<1x256xi32, #tpu.memory_space<vmem>> -> memref<256xi32, #tpu.memory_space<vmem>>
    %dma_start3A_317 = tpu.memref_slice %arg2[%dma_start3A_311, %dma_start3A_312, %add3A_258] : memref<5x50x16384xi32, #tpu.memory_space<hbm>> -> memref<1x1x256xi32, #tpu.memory_space<hbm>>
    %dma_start3A_318 = tpu.memref_squeeze %dma_start3A_317 : memref<1x1x256xi32, #tpu.memory_space<hbm>> -> memref<256xi32, #tpu.memory_space<hbm>>
    %dma_start3A_319 = arith.constant 0 : i32
    %dma_start3A_320 = tpu.memref_slice %arg6[%dma_start3A_313, %dma_start3A_319] : memref<5x256xi32, #tpu.memory_space<vmem>> -> memref<1x256xi32, #tpu.memory_space<vmem>>
    %dma_start3A_321 = tpu.memref_squeeze %dma_start3A_320 : memref<1x256xi32, #tpu.memory_space<vmem>> -> memref<256xi32, #tpu.memory_space<vmem>>
    %dma_start3A_322 = tpu.memref_slice %arg2[%dma_start3A_311, %dma_start3A_312, %add3A_258] : memref<5x50x16384xi32, #tpu.memory_space<hbm>> -> memref<1x1x256xi32, #tpu.memory_space<hbm>>
    %dma_start3A_323 = tpu.memref_squeeze %dma_start3A_322 : memref<1x1x256xi32, #tpu.memory_space<hbm>> -> memref<256xi32, #tpu.memory_space<hbm>>
    tpu.enqueue_dma source(%dma_start3A_323 : memref<256xi32, #tpu.memory_space<hbm>>) target(%dma_start3A_321 : memref<256xi32, #tpu.memory_space<vmem>>) target_semaphore(%arg12 : memref<!tpu.dma_semaphore, #tpu.memory_space<semaphore_mem>>)
    %scan3A = arith.constant 0 : i32
    %scan3A_324 = arith.constant 50 : i32
    %scan3A_325 = arith.addi %scan3A, %scan3A_324 : i32
    %scan3A_326 = arith.constant 1 : i32
    scf.for %scan3A_664 = %scan3A to %scan3A_325 step %scan3A_326  : i32 {
      %mul3A_665 = arith.constant 2 : i32
      %mul3A_666 = arith.muli %mul3A_665, %scan3A_664 : i32
      %dma_wait3A_667 = arith.constant 0 : i32
      %dma_wait3A_668 = arith.constant 0 : i32
      %dma_wait3A_669 = arith.constant 0 : i32
      %dma_wait3A_670 = tpu.memref_slice %arg2[%dma_wait3A_668, %dma_wait3A_667, %dma_wait3A_669] : memref<5x50x16384xi32, #tpu.memory_space<hbm>> -> memref<5x1x256xi32, #tpu.memory_space<hbm>>
      %dma_wait3A_671 = tpu.memref_squeeze %dma_wait3A_670 : memref<5x1x256xi32, #tpu.memory_space<hbm>> -> memref<5x256xi32, #tpu.memory_space<hbm>>
      %dma_wait3A_672 = arith.constant 0 : i32
      %dma_wait3A_673 = arith.constant 0 : i32
      %dma_wait3A_674 = tpu.memref_slice %arg2[%dma_wait3A_672, %dma_wait3A_667, %dma_wait3A_673] : memref<5x50x16384xi32, #tpu.memory_space<hbm>> -> memref<5x1x256xi32, #tpu.memory_space<hbm>>
      %dma_wait3A_675 = tpu.memref_squeeze %dma_wait3A_674 : memref<5x1x256xi32, #tpu.memory_space<hbm>> -> memref<5x256xi32, #tpu.memory_space<hbm>>
      tpu.wait_dma2 semaphore(%arg12 : memref<!tpu.dma_semaphore, #tpu.memory_space<semaphore_mem>>) src(%dma_wait3A_675 : memref<5x256xi32, #tpu.memory_space<hbm>>) dst(%arg6 : memref<5x256xi32, #tpu.memory_space<vmem>>)
      %dma_start3A_676 = arith.constant 0 : i32
      %dma_start3A_677 = arith.constant 0 : i32
      %dma_start3A_678 = arith.constant 0 : i32
      %dma_start3A_679 = arith.constant 0 : i32
      %dma_start3A_680 = arith.constant 0 : i32
      %dma_start3A_681 = tpu.memref_slice %arg8[%dma_start3A_678, %dma_start3A_679, %dma_start3A_680] : memref<5x256x32xf32, #tpu.memory_space<vmem>> -> memref<1x128x32xf32, #tpu.memory_space<vmem>>
      %dma_start3A_682 = tpu.memref_squeeze %dma_start3A_681 : memref<1x128x32xf32, #tpu.memory_space<vmem>> -> memref<128x32xf32, #tpu.memory_space<vmem>>
      %dma_start3A_683 = arith.constant 0 : i32
      %dma_start3A_684 = tpu.memref_slice %arg6[%dma_start3A_677, %dma_start3A_683] : memref<5x256xi32, #tpu.memory_space<vmem>> -> memref<1x128xi32, #tpu.memory_space<vmem>>
      %dma_start3A_685 = tpu.memref_squeeze %dma_start3A_684 : memref<1x128xi32, #tpu.memory_space<vmem>> -> memref<128xi32, #tpu.memory_space<vmem>>
      %dma_start3A_686 = arith.constant 0 : i32
      %dma_start3A_687 = arith.constant 0 : i32
      %dma_start3A_688 = tpu.memref_slice %arg3[%dma_start3A_676, %dma_start3A_686, %dma_start3A_687] : memref<5x100000x32xf32, #tpu.memory_space<hbm>> -> memref<1x100000x32xf32, #tpu.memory_space<hbm>>
      %dma_start3A_689 = tpu.memref_squeeze %dma_start3A_688 : memref<1x100000x32xf32, #tpu.memory_space<hbm>> -> memref<100000x32xf32, #tpu.memory_space<hbm>>
      %dma_start3A_690 = arith.constant 0 : i32
      %dma_start3A_691 = arith.constant 0 : i32
      %dma_start3A_692 = tpu.memref_slice %dma_start3A_689[%dma_start3A_690, %dma_start3A_691] : memref<100000x32xf32, #tpu.memory_space<hbm>> -> memref<100000x32xf32, #tpu.memory_space<hbm>>
      tpu.enqueue_indirect_dma source(%dma_start3A_692 : memref<100000x32xf32, #tpu.memory_space<hbm>>) target(%dma_start3A_682 : memref<128x32xf32, #tpu.memory_space<vmem>>) offsets(%dma_start3A_685 : memref<128xi32, #tpu.memory_space<vmem>>) semaphore(%arg14 : memref<!tpu.dma_semaphore, #tpu.memory_space<semaphore_mem>>)
      %dma_start3A_693 = arith.constant 0 : i32
      %dma_start3A_694 = arith.constant 0 : i32
      %dma_start3A_695 = arith.constant 0 : i32
      %dma_start3A_696 = arith.constant 128 : i32
      %dma_start3A_697 = arith.constant 0 : i32
      %dma_start3A_698 = tpu.memref_slice %arg8[%dma_start3A_695, %dma_start3A_696, %dma_start3A_697] : memref<5x256x32xf32, #tpu.memory_space<vmem>> -> memref<1x128x32xf32, #tpu.memory_space<vmem>>
      %dma_start3A_699 = tpu.memref_squeeze %dma_start3A_698 : memref<1x128x32xf32, #tpu.memory_space<vmem>> -> memref<128x32xf32, #tpu.memory_space<vmem>>
      %dma_start3A_700 = arith.constant 128 : i32
      %dma_start3A_701 = tpu.memref_slice %arg6[%dma_start3A_694, %dma_start3A_700] : memref<5x256xi32, #tpu.memory_space<vmem>> -> memref<1x128xi32, #tpu.memory_space<vmem>>
      %dma_start3A_702 = tpu.memref_squeeze %dma_start3A_701 : memref<1x128xi32, #tpu.memory_space<vmem>> -> memref<128xi32, #tpu.memory_space<vmem>>
      %dma_start3A_703 = arith.constant 0 : i32
      %dma_start3A_704 = arith.constant 0 : i32
      %dma_start3A_705 = tpu.memref_slice %arg3[%dma_start3A_693, %dma_start3A_703, %dma_start3A_704] : memref<5x100000x32xf32, #tpu.memory_space<hbm>> -> memref<1x100000x32xf32, #tpu.memory_space<hbm>>
      %dma_start3A_706 = tpu.memref_squeeze %dma_start3A_705 : memref<1x100000x32xf32, #tpu.memory_space<hbm>> -> memref<100000x32xf32, #tpu.memory_space<hbm>>
      %dma_start3A_707 = arith.constant 0 : i32
      %dma_start3A_708 = arith.constant 0 : i32
      %dma_start3A_709 = tpu.memref_slice %dma_start3A_706[%dma_start3A_707, %dma_start3A_708] : memref<100000x32xf32, #tpu.memory_space<hbm>> -> memref<100000x32xf32, #tpu.memory_space<hbm>>
      tpu.enqueue_indirect_dma source(%dma_start3A_709 : memref<100000x32xf32, #tpu.memory_space<hbm>>) target(%dma_start3A_699 : memref<128x32xf32, #tpu.memory_space<vmem>>) offsets(%dma_start3A_702 : memref<128xi32, #tpu.memory_space<vmem>>) semaphore(%arg14 : memref<!tpu.dma_semaphore, #tpu.memory_space<semaphore_mem>>)
      %dma_start3A_710 = arith.constant 1 : i32
      %dma_start3A_711 = arith.constant 1 : i32
      %dma_start3A_712 = arith.constant 1 : i32
      %dma_start3A_713 = arith.constant 0 : i32
      %dma_start3A_714 = arith.constant 0 : i32
      %dma_start3A_715 = tpu.memref_slice %arg8[%dma_start3A_712, %dma_start3A_713, %dma_start3A_714] : memref<5x256x32xf32, #tpu.memory_space<vmem>> -> memref<1x128x32xf32, #tpu.memory_space<vmem>>
      %dma_start3A_716 = tpu.memref_squeeze %dma_start3A_715 : memref<1x128x32xf32, #tpu.memory_space<vmem>> -> memref<128x32xf32, #tpu.memory_space<vmem>>
      %dma_start3A_717 = arith.constant 0 : i32
      %dma_start3A_718 = tpu.memref_slice %arg6[%dma_start3A_711, %dma_start3A_717] : memref<5x256xi32, #tpu.memory_space<vmem>> -> memref<1x128xi32, #tpu.memory_space<vmem>>
      %dma_start3A_719 = tpu.memref_squeeze %dma_start3A_718 : memref<1x128xi32, #tpu.memory_space<vmem>> -> memref<128xi32, #tpu.memory_space<vmem>>
      %dma_start3A_720 = arith.constant 0 : i32
      %dma_start3A_721 = arith.constant 0 : i32
      %dma_start3A_722 = tpu.memref_slice %arg3[%dma_start3A_710, %dma_start3A_720, %dma_start3A_721] : memref<5x100000x32xf32, #tpu.memory_space<hbm>> -> memref<1x100000x32xf32, #tpu.memory_space<hbm>>
      %dma_start3A_723 = tpu.memref_squeeze %dma_start3A_722 : memref<1x100000x32xf32, #tpu.memory_space<hbm>> -> memref<100000x32xf32, #tpu.memory_space<hbm>>
      %dma_start3A_724 = arith.constant 0 : i32
      %dma_start3A_725 = arith.constant 0 : i32
      %dma_start3A_726 = tpu.memref_slice %dma_start3A_723[%dma_start3A_724, %dma_start3A_725] : memref<100000x32xf32, #tpu.memory_space<hbm>> -> memref<100000x32xf32, #tpu.memory_space<hbm>>
      tpu.enqueue_indirect_dma source(%dma_start3A_726 : memref<100000x32xf32, #tpu.memory_space<hbm>>) target(%dma_start3A_716 : memref<128x32xf32, #tpu.memory_space<vmem>>) offsets(%dma_start3A_719 : memref<128xi32, #tpu.memory_space<vmem>>) semaphore(%arg14 : memref<!tpu.dma_semaphore, #tpu.memory_space<semaphore_mem>>)
      %dma_start3A_727 = arith.constant 1 : i32
      %dma_start3A_728 = arith.constant 1 : i32
      %dma_start3A_729 = arith.constant 1 : i32
      %dma_start3A_730 = arith.constant 128 : i32
      %dma_start3A_731 = arith.constant 0 : i32
      %dma_start3A_732 = tpu.memref_slice %arg8[%dma_start3A_729, %dma_start3A_730, %dma_start3A_731] : memref<5x256x32xf32, #tpu.memory_space<vmem>> -> memref<1x128x32xf32, #tpu.memory_space<vmem>>
      %dma_start3A_733 = tpu.memref_squeeze %dma_start3A_732 : memref<1x128x32xf32, #tpu.memory_space<vmem>> -> memref<128x32xf32, #tpu.memory_space<vmem>>
      %dma_start3A_734 = arith.constant 128 : i32
      %dma_start3A_735 = tpu.memref_slice %arg6[%dma_start3A_728, %dma_start3A_734] : memref<5x256xi32, #tpu.memory_space<vmem>> -> memref<1x128xi32, #tpu.memory_space<vmem>>
      %dma_start3A_736 = tpu.memref_squeeze %dma_start3A_735 : memref<1x128xi32, #tpu.memory_space<vmem>> -> memref<128xi32, #tpu.memory_space<vmem>>
      %dma_start3A_737 = arith.constant 0 : i32
      %dma_start3A_738 = arith.constant 0 : i32
      %dma_start3A_739 = tpu.memref_slice %arg3[%dma_start3A_727, %dma_start3A_737, %dma_start3A_738] : memref<5x100000x32xf32, #tpu.memory_space<hbm>> -> memref<1x100000x32xf32, #tpu.memory_space<hbm>>
      %dma_start3A_740 = tpu.memref_squeeze %dma_start3A_739 : memref<1x100000x32xf32, #tpu.memory_space<hbm>> -> memref<100000x32xf32, #tpu.memory_space<hbm>>
      %dma_start3A_741 = arith.constant 0 : i32
      %dma_start3A_742 = arith.constant 0 : i32
      %dma_start3A_743 = tpu.memref_slice %dma_start3A_740[%dma_start3A_741, %dma_start3A_742] : memref<100000x32xf32, #tpu.memory_space<hbm>> -> memref<100000x32xf32, #tpu.memory_space<hbm>>
      tpu.enqueue_indirect_dma source(%dma_start3A_743 : memref<100000x32xf32, #tpu.memory_space<hbm>>) target(%dma_start3A_733 : memref<128x32xf32, #tpu.memory_space<vmem>>) offsets(%dma_start3A_736 : memref<128xi32, #tpu.memory_space<vmem>>) semaphore(%arg14 : memref<!tpu.dma_semaphore, #tpu.memory_space<semaphore_mem>>)
      %dma_start3A_744 = arith.constant 2 : i32
      %dma_start3A_745 = arith.constant 2 : i32
      %dma_start3A_746 = arith.constant 2 : i32
      %dma_start3A_747 = arith.constant 0 : i32
      %dma_start3A_748 = arith.constant 0 : i32
      %dma_start3A_749 = tpu.memref_slice %arg8[%dma_start3A_746, %dma_start3A_747, %dma_start3A_748] : memref<5x256x32xf32, #tpu.memory_space<vmem>> -> memref<1x128x32xf32, #tpu.memory_space<vmem>>
      %dma_start3A_750 = tpu.memref_squeeze %dma_start3A_749 : memref<1x128x32xf32, #tpu.memory_space<vmem>> -> memref<128x32xf32, #tpu.memory_space<vmem>>
      %dma_start3A_751 = arith.constant 0 : i32
      %dma_start3A_752 = tpu.memref_slice %arg6[%dma_start3A_745, %dma_start3A_751] : memref<5x256xi32, #tpu.memory_space<vmem>> -> memref<1x128xi32, #tpu.memory_space<vmem>>
      %dma_start3A_753 = tpu.memref_squeeze %dma_start3A_752 : memref<1x128xi32, #tpu.memory_space<vmem>> -> memref<128xi32, #tpu.memory_space<vmem>>
      %dma_start3A_754 = arith.constant 0 : i32
      %dma_start3A_755 = arith.constant 0 : i32
      %dma_start3A_756 = tpu.memref_slice %arg3[%dma_start3A_744, %dma_start3A_754, %dma_start3A_755] : memref<5x100000x32xf32, #tpu.memory_space<hbm>> -> memref<1x100000x32xf32, #tpu.memory_space<hbm>>
      %dma_start3A_757 = tpu.memref_squeeze %dma_start3A_756 : memref<1x100000x32xf32, #tpu.memory_space<hbm>> -> memref<100000x32xf32, #tpu.memory_space<hbm>>
      %dma_start3A_758 = arith.constant 0 : i32
      %dma_start3A_759 = arith.constant 0 : i32
      %dma_start3A_760 = tpu.memref_slice %dma_start3A_757[%dma_start3A_758, %dma_start3A_759] : memref<100000x32xf32, #tpu.memory_space<hbm>> -> memref<100000x32xf32, #tpu.memory_space<hbm>>
      tpu.enqueue_indirect_dma source(%dma_start3A_760 : memref<100000x32xf32, #tpu.memory_space<hbm>>) target(%dma_start3A_750 : memref<128x32xf32, #tpu.memory_space<vmem>>) offsets(%dma_start3A_753 : memref<128xi32, #tpu.memory_space<vmem>>) semaphore(%arg14 : memref<!tpu.dma_semaphore, #tpu.memory_space<semaphore_mem>>)
      %dma_start3A_761 = arith.constant 2 : i32
      %dma_start3A_762 = arith.constant 2 : i32
      %dma_start3A_763 = arith.constant 2 : i32
      %dma_start3A_764 = arith.constant 128 : i32
      %dma_start3A_765 = arith.constant 0 : i32
      %dma_start3A_766 = tpu.memref_slice %arg8[%dma_start3A_763, %dma_start3A_764, %dma_start3A_765] : memref<5x256x32xf32, #tpu.memory_space<vmem>> -> memref<1x128x32xf32, #tpu.memory_space<vmem>>
      %dma_start3A_767 = tpu.memref_squeeze %dma_start3A_766 : memref<1x128x32xf32, #tpu.memory_space<vmem>> -> memref<128x32xf32, #tpu.memory_space<vmem>>
      %dma_start3A_768 = arith.constant 128 : i32
      %dma_start3A_769 = tpu.memref_slice %arg6[%dma_start3A_762, %dma_start3A_768] : memref<5x256xi32, #tpu.memory_space<vmem>> -> memref<1x128xi32, #tpu.memory_space<vmem>>
      %dma_start3A_770 = tpu.memref_squeeze %dma_start3A_769 : memref<1x128xi32, #tpu.memory_space<vmem>> -> memref<128xi32, #tpu.memory_space<vmem>>
      %dma_start3A_771 = arith.constant 0 : i32
      %dma_start3A_772 = arith.constant 0 : i32
      %dma_start3A_773 = tpu.memref_slice %arg3[%dma_start3A_761, %dma_start3A_771, %dma_start3A_772] : memref<5x100000x32xf32, #tpu.memory_space<hbm>> -> memref<1x100000x32xf32, #tpu.memory_space<hbm>>
      %dma_start3A_774 = tpu.memref_squeeze %dma_start3A_773 : memref<1x100000x32xf32, #tpu.memory_space<hbm>> -> memref<100000x32xf32, #tpu.memory_space<hbm>>
      %dma_start3A_775 = arith.constant 0 : i32
      %dma_start3A_776 = arith.constant 0 : i32
      %dma_start3A_777 = tpu.memref_slice %dma_start3A_774[%dma_start3A_775, %dma_start3A_776] : memref<100000x32xf32, #tpu.memory_space<hbm>> -> memref<100000x32xf32, #tpu.memory_space<hbm>>
      tpu.enqueue_indirect_dma source(%dma_start3A_777 : memref<100000x32xf32, #tpu.memory_space<hbm>>) target(%dma_start3A_767 : memref<128x32xf32, #tpu.memory_space<vmem>>) offsets(%dma_start3A_770 : memref<128xi32, #tpu.memory_space<vmem>>) semaphore(%arg14 : memref<!tpu.dma_semaphore, #tpu.memory_space<semaphore_mem>>)
      %dma_start3A_778 = arith.constant 3 : i32
      %dma_start3A_779 = arith.constant 3 : i32
      %dma_start3A_780 = arith.constant 3 : i32
      %dma_start3A_781 = arith.constant 0 : i32
      %dma_start3A_782 = arith.constant 0 : i32
      %dma_start3A_783 = tpu.memref_slice %arg8[%dma_start3A_780, %dma_start3A_781, %dma_start3A_782] : memref<5x256x32xf32, #tpu.memory_space<vmem>> -> memref<1x128x32xf32, #tpu.memory_space<vmem>>
      %dma_start3A_784 = tpu.memref_squeeze %dma_start3A_783 : memref<1x128x32xf32, #tpu.memory_space<vmem>> -> memref<128x32xf32, #tpu.memory_space<vmem>>
      %dma_start3A_785 = arith.constant 0 : i32
      %dma_start3A_786 = tpu.memref_slice %arg6[%dma_start3A_779, %dma_start3A_785] : memref<5x256xi32, #tpu.memory_space<vmem>> -> memref<1x128xi32, #tpu.memory_space<vmem>>
      %dma_start3A_787 = tpu.memref_squeeze %dma_start3A_786 : memref<1x128xi32, #tpu.memory_space<vmem>> -> memref<128xi32, #tpu.memory_space<vmem>>
      %dma_start3A_788 = arith.constant 0 : i32
      %dma_start3A_789 = arith.constant 0 : i32
      %dma_start3A_790 = tpu.memref_slice %arg3[%dma_start3A_778, %dma_start3A_788, %dma_start3A_789] : memref<5x100000x32xf32, #tpu.memory_space<hbm>> -> memref<1x100000x32xf32, #tpu.memory_space<hbm>>
      %dma_start3A_791 = tpu.memref_squeeze %dma_start3A_790 : memref<1x100000x32xf32, #tpu.memory_space<hbm>> -> memref<100000x32xf32, #tpu.memory_space<hbm>>
      %dma_start3A_792 = arith.constant 0 : i32
      %dma_start3A_793 = arith.constant 0 : i32
      %dma_start3A_794 = tpu.memref_slice %dma_start3A_791[%dma_start3A_792, %dma_start3A_793] : memref<100000x32xf32, #tpu.memory_space<hbm>> -> memref<100000x32xf32, #tpu.memory_space<hbm>>
      tpu.enqueue_indirect_dma source(%dma_start3A_794 : memref<100000x32xf32, #tpu.memory_space<hbm>>) target(%dma_start3A_784 : memref<128x32xf32, #tpu.memory_space<vmem>>) offsets(%dma_start3A_787 : memref<128xi32, #tpu.memory_space<vmem>>) semaphore(%arg14 : memref<!tpu.dma_semaphore, #tpu.memory_space<semaphore_mem>>)
      %dma_start3A_795 = arith.constant 3 : i32
      %dma_start3A_796 = arith.constant 3 : i32
      %dma_start3A_797 = arith.constant 3 : i32
      %dma_start3A_798 = arith.constant 128 : i32
      %dma_start3A_799 = arith.constant 0 : i32
      %dma_start3A_800 = tpu.memref_slice %arg8[%dma_start3A_797, %dma_start3A_798, %dma_start3A_799] : memref<5x256x32xf32, #tpu.memory_space<vmem>> -> memref<1x128x32xf32, #tpu.memory_space<vmem>>
      %dma_start3A_801 = tpu.memref_squeeze %dma_start3A_800 : memref<1x128x32xf32, #tpu.memory_space<vmem>> -> memref<128x32xf32, #tpu.memory_space<vmem>>
      %dma_start3A_802 = arith.constant 128 : i32
      %dma_start3A_803 = tpu.memref_slice %arg6[%dma_start3A_796, %dma_start3A_802] : memref<5x256xi32, #tpu.memory_space<vmem>> -> memref<1x128xi32, #tpu.memory_space<vmem>>
      %dma_start3A_804 = tpu.memref_squeeze %dma_start3A_803 : memref<1x128xi32, #tpu.memory_space<vmem>> -> memref<128xi32, #tpu.memory_space<vmem>>
      %dma_start3A_805 = arith.constant 0 : i32
      %dma_start3A_806 = arith.constant 0 : i32
      %dma_start3A_807 = tpu.memref_slice %arg3[%dma_start3A_795, %dma_start3A_805, %dma_start3A_806] : memref<5x100000x32xf32, #tpu.memory_space<hbm>> -> memref<1x100000x32xf32, #tpu.memory_space<hbm>>
      %dma_start3A_808 = tpu.memref_squeeze %dma_start3A_807 : memref<1x100000x32xf32, #tpu.memory_space<hbm>> -> memref<100000x32xf32, #tpu.memory_space<hbm>>
      %dma_start3A_809 = arith.constant 0 : i32
      %dma_start3A_810 = arith.constant 0 : i32
      %dma_start3A_811 = tpu.memref_slice %dma_start3A_808[%dma_start3A_809, %dma_start3A_810] : memref<100000x32xf32, #tpu.memory_space<hbm>> -> memref<100000x32xf32, #tpu.memory_space<hbm>>
      tpu.enqueue_indirect_dma source(%dma_start3A_811 : memref<100000x32xf32, #tpu.memory_space<hbm>>) target(%dma_start3A_801 : memref<128x32xf32, #tpu.memory_space<vmem>>) offsets(%dma_start3A_804 : memref<128xi32, #tpu.memory_space<vmem>>) semaphore(%arg14 : memref<!tpu.dma_semaphore, #tpu.memory_space<semaphore_mem>>)
      %dma_start3A_812 = arith.constant 4 : i32
      %dma_start3A_813 = arith.constant 4 : i32
      %dma_start3A_814 = arith.constant 4 : i32
      %dma_start3A_815 = arith.constant 0 : i32
      %dma_start3A_816 = arith.constant 0 : i32
      %dma_start3A_817 = tpu.memref_slice %arg8[%dma_start3A_814, %dma_start3A_815, %dma_start3A_816] : memref<5x256x32xf32, #tpu.memory_space<vmem>> -> memref<1x128x32xf32, #tpu.memory_space<vmem>>
      %dma_start3A_818 = tpu.memref_squeeze %dma_start3A_817 : memref<1x128x32xf32, #tpu.memory_space<vmem>> -> memref<128x32xf32, #tpu.memory_space<vmem>>
      %dma_start3A_819 = arith.constant 0 : i32
      %dma_start3A_820 = tpu.memref_slice %arg6[%dma_start3A_813, %dma_start3A_819] : memref<5x256xi32, #tpu.memory_space<vmem>> -> memref<1x128xi32, #tpu.memory_space<vmem>>
      %dma_start3A_821 = tpu.memref_squeeze %dma_start3A_820 : memref<1x128xi32, #tpu.memory_space<vmem>> -> memref<128xi32, #tpu.memory_space<vmem>>
      %dma_start3A_822 = arith.constant 0 : i32
      %dma_start3A_823 = arith.constant 0 : i32
      %dma_start3A_824 = tpu.memref_slice %arg3[%dma_start3A_812, %dma_start3A_822, %dma_start3A_823] : memref<5x100000x32xf32, #tpu.memory_space<hbm>> -> memref<1x100000x32xf32, #tpu.memory_space<hbm>>
      %dma_start3A_825 = tpu.memref_squeeze %dma_start3A_824 : memref<1x100000x32xf32, #tpu.memory_space<hbm>> -> memref<100000x32xf32, #tpu.memory_space<hbm>>
      %dma_start3A_826 = arith.constant 0 : i32
      %dma_start3A_827 = arith.constant 0 : i32
      %dma_start3A_828 = tpu.memref_slice %dma_start3A_825[%dma_start3A_826, %dma_start3A_827] : memref<100000x32xf32, #tpu.memory_space<hbm>> -> memref<100000x32xf32, #tpu.memory_space<hbm>>
      tpu.enqueue_indirect_dma source(%dma_start3A_828 : memref<100000x32xf32, #tpu.memory_space<hbm>>) target(%dma_start3A_818 : memref<128x32xf32, #tpu.memory_space<vmem>>) offsets(%dma_start3A_821 : memref<128xi32, #tpu.memory_space<vmem>>) semaphore(%arg14 : memref<!tpu.dma_semaphore, #tpu.memory_space<semaphore_mem>>)
      %dma_start3A_829 = arith.constant 4 : i32
      %dma_start3A_830 = arith.constant 4 : i32
      %dma_start3A_831 = arith.constant 4 : i32
      %dma_start3A_832 = arith.constant 128 : i32
      %dma_start3A_833 = arith.constant 0 : i32
      %dma_start3A_834 = tpu.memref_slice %arg8[%dma_start3A_831, %dma_start3A_832, %dma_start3A_833] : memref<5x256x32xf32, #tpu.memory_space<vmem>> -> memref<1x128x32xf32, #tpu.memory_space<vmem>>
      %dma_start3A_835 = tpu.memref_squeeze %dma_start3A_834 : memref<1x128x32xf32, #tpu.memory_space<vmem>> -> memref<128x32xf32, #tpu.memory_space<vmem>>
      %dma_start3A_836 = arith.constant 128 : i32
      %dma_start3A_837 = tpu.memref_slice %arg6[%dma_start3A_830, %dma_start3A_836] : memref<5x256xi32, #tpu.memory_space<vmem>> -> memref<1x128xi32, #tpu.memory_space<vmem>>
      %dma_start3A_838 = tpu.memref_squeeze %dma_start3A_837 : memref<1x128xi32, #tpu.memory_space<vmem>> -> memref<128xi32, #tpu.memory_space<vmem>>
      %dma_start3A_839 = arith.constant 0 : i32
      %dma_start3A_840 = arith.constant 0 : i32
      %dma_start3A_841 = tpu.memref_slice %arg3[%dma_start3A_829, %dma_start3A_839, %dma_start3A_840] : memref<5x100000x32xf32, #tpu.memory_space<hbm>> -> memref<1x100000x32xf32, #tpu.memory_space<hbm>>
      %dma_start3A_842 = tpu.memref_squeeze %dma_start3A_841 : memref<1x100000x32xf32, #tpu.memory_space<hbm>> -> memref<100000x32xf32, #tpu.memory_space<hbm>>
      %dma_start3A_843 = arith.constant 0 : i32
      %dma_start3A_844 = arith.constant 0 : i32
      %dma_start3A_845 = tpu.memref_slice %dma_start3A_842[%dma_start3A_843, %dma_start3A_844] : memref<100000x32xf32, #tpu.memory_space<hbm>> -> memref<100000x32xf32, #tpu.memory_space<hbm>>
      tpu.enqueue_indirect_dma source(%dma_start3A_845 : memref<100000x32xf32, #tpu.memory_space<hbm>>) target(%dma_start3A_835 : memref<128x32xf32, #tpu.memory_space<vmem>>) offsets(%dma_start3A_838 : memref<128xi32, #tpu.memory_space<vmem>>) semaphore(%arg14 : memref<!tpu.dma_semaphore, #tpu.memory_space<semaphore_mem>>)
      %dma_wait3A_846 = arith.constant 0 : i32
      %dma_wait3A_847 = arith.constant 0 : i32
      %dma_wait3A_848 = arith.constant 0 : i32
      %dma_wait3A_849 = tpu.memref_slice %arg3[%dma_wait3A_846, %dma_wait3A_847, %dma_wait3A_848] : memref<5x100000x32xf32, #tpu.memory_space<hbm>> -> memref<5x256x32xf32, #tpu.memory_space<hbm>>
      %dma_wait3A_850 = arith.constant 0 : i32
      %dma_wait3A_851 = arith.constant 0 : i32
      %dma_wait3A_852 = arith.constant 0 : i32
      %dma_wait3A_853 = tpu.memref_slice %arg3[%dma_wait3A_850, %dma_wait3A_851, %dma_wait3A_852] : memref<5x100000x32xf32, #tpu.memory_space<hbm>> -> memref<5x256x32xf32, #tpu.memory_space<hbm>>
      tpu.wait_dma2 semaphore(%arg13 : memref<!tpu.dma_semaphore, #tpu.memory_space<semaphore_mem>>) src(%dma_wait3A_853 : memref<5x256x32xf32, #tpu.memory_space<hbm>>) dst(%arg7 : memref<5x256x32xf32, #tpu.memory_space<vmem>>)
      %gt3A = arith.constant 0 : i32
      %gt3A_854 = arith.cmpi sgt, %scan3A_664, %gt3A : i32
      %convert_element_type3A = arith.extui %gt3A_854 : i1 to i32
      %cond3A = arith.constant 0 : i32
      %cond3A_855 = arith.cmpi ne, %convert_element_type3A, %cond3A : i32
      scf.if %cond3A_855 {
        %dma_wait3A_1236 = arith.constant 0 : i32
        %dma_wait3A_1237 = arith.constant 0 : i32
        %dma_wait3A_1238 = arith.constant 0 : i32
        %dma_wait3A_1239 = arith.constant 0 : i32
        %dma_wait3A_1240 = arith.constant 0 : i32
        %dma_wait3A_1241 = arith.constant 0 : i32
        %dma_wait3A_1242 = arith.constant 0 : i32
        %dma_wait3A_1243 = tpu.memref_slice %arg9[%dma_wait3A_1236, %dma_wait3A_1237, %dma_wait3A_1241, %dma_wait3A_1242] : memref<4x3x8x129xf32, #tpu.memory_space<vmem>> -> memref<1x1x8x128xf32, #tpu.memory_space<vmem>>
        %dma_wait3A_1244 = tpu.memref_squeeze %dma_wait3A_1243 : memref<1x1x8x128xf32, #tpu.memory_space<vmem>> -> memref<8x128xf32, #tpu.memory_space<vmem>>
        %dma_wait3A_1245 = arith.constant 0 : i32
        %dma_wait3A_1246 = arith.constant 0 : i32
        %dma_wait3A_1247 = tpu.memref_slice %arg4[%dma_wait3A_1238, %dma_wait3A_1239, %dma_wait3A_1240, %dma_wait3A_1245, %dma_wait3A_1246] : memref<50x4x128x8x128xf32, #tpu.memory_space<hbm>> -> memref<1x1x1x8x128xf32, #tpu.memory_space<hbm>>
        %dma_wait3A_1248 = tpu.memref_squeeze %dma_wait3A_1247 : memref<1x1x1x8x128xf32, #tpu.memory_space<hbm>> -> memref<8x128xf32, #tpu.memory_space<hbm>>
        %dma_wait3A_1249 = arith.constant 0 : i32
        %dma_wait3A_1250 = arith.constant 0 : i32
        %dma_wait3A_1251 = tpu.memref_slice %arg4[%dma_wait3A_1238, %dma_wait3A_1239, %dma_wait3A_1240, %dma_wait3A_1249, %dma_wait3A_1250] : memref<50x4x128x8x128xf32, #tpu.memory_space<hbm>> -> memref<1x1x1x8x128xf32, #tpu.memory_space<hbm>>
        %dma_wait3A_1252 = tpu.memref_squeeze %dma_wait3A_1251 : memref<1x1x1x8x128xf32, #tpu.memory_space<hbm>> -> memref<8x128xf32, #tpu.memory_space<hbm>>
        %dma_wait3A_1253 = arith.constant 0 : i32
        %dma_wait3A_1254 = arith.constant 0 : i32
        %dma_wait3A_1255 = tpu.memref_slice %arg9[%dma_wait3A_1236, %dma_wait3A_1237, %dma_wait3A_1253, %dma_wait3A_1254] : memref<4x3x8x129xf32, #tpu.memory_space<vmem>> -> memref<1x1x8x128xf32, #tpu.memory_space<vmem>>
        %dma_wait3A_1256 = tpu.memref_squeeze %dma_wait3A_1255 : memref<1x1x8x128xf32, #tpu.memory_space<vmem>> -> memref<8x128xf32, #tpu.memory_space<vmem>>
        tpu.wait_dma2 semaphore(%arg15 : memref<!tpu.dma_semaphore, #tpu.memory_space<semaphore_mem>>) src(%dma_wait3A_1256 : memref<8x128xf32, #tpu.memory_space<vmem>>) dst(%dma_wait3A_1252 : memref<8x128xf32, #tpu.memory_space<hbm>>)
        %dma_wait3A_1257 = arith.constant 0 : i32
        %dma_wait3A_1258 = arith.constant 0 : i32
        %dma_wait3A_1259 = arith.constant 0 : i32
        %dma_wait3A_1260 = arith.constant 0 : i32
        %dma_wait3A_1261 = arith.constant 0 : i32
        %dma_wait3A_1262 = arith.constant 0 : i32
        %dma_wait3A_1263 = arith.constant 0 : i32
        %dma_wait3A_1264 = tpu.memref_slice %arg9[%dma_wait3A_1257, %dma_wait3A_1258, %dma_wait3A_1262, %dma_wait3A_1263] : memref<4x3x8x129xf32, #tpu.memory_space<vmem>> -> memref<1x1x8x128xf32, #tpu.memory_space<vmem>>
        %dma_wait3A_1265 = tpu.memref_squeeze %dma_wait3A_1264 : memref<1x1x8x128xf32, #tpu.memory_space<vmem>> -> memref<8x128xf32, #tpu.memory_space<vmem>>
        %dma_wait3A_1266 = arith.constant 0 : i32
        %dma_wait3A_1267 = arith.constant 0 : i32
        %dma_wait3A_1268 = tpu.memref_slice %arg4[%dma_wait3A_1259, %dma_wait3A_1260, %dma_wait3A_1261, %dma_wait3A_1266, %dma_wait3A_1267] : memref<50x4x128x8x128xf32, #tpu.memory_space<hbm>> -> memref<1x1x1x8x128xf32, #tpu.memory_space<hbm>>
        %dma_wait3A_1269 = tpu.memref_squeeze %dma_wait3A_1268 : memref<1x1x1x8x128xf32, #tpu.memory_space<hbm>> -> memref<8x128xf32, #tpu.memory_space<hbm>>
        %dma_wait3A_1270 = arith.constant 0 : i32
        %dma_wait3A_1271 = arith.constant 0 : i32
        %dma_wait3A_1272 = tpu.memref_slice %arg4[%dma_wait3A_1259, %dma_wait3A_1260, %dma_wait3A_1261, %dma_wait3A_1270, %dma_wait3A_1271] : memref<50x4x128x8x128xf32, #tpu.memory_space<hbm>> -> memref<1x1x1x8x128xf32, #tpu.memory_space<hbm>>
        %dma_wait3A_1273 = tpu.memref_squeeze %dma_wait3A_1272 : memref<1x1x1x8x128xf32, #tpu.memory_space<hbm>> -> memref<8x128xf32, #tpu.memory_space<hbm>>
        %dma_wait3A_1274 = arith.constant 0 : i32
        %dma_wait3A_1275 = arith.constant 0 : i32
        %dma_wait3A_1276 = tpu.memref_slice %arg9[%dma_wait3A_1257, %dma_wait3A_1258, %dma_wait3A_1274, %dma_wait3A_1275] : memref<4x3x8x129xf32, #tpu.memory_space<vmem>> -> memref<1x1x8x128xf32, #tpu.memory_space<vmem>>
        %dma_wait3A_1277 = tpu.memref_squeeze %dma_wait3A_1276 : memref<1x1x8x128xf32, #tpu.memory_space<vmem>> -> memref<8x128xf32, #tpu.memory_space<vmem>>
        tpu.wait_dma2 semaphore(%arg15 : memref<!tpu.dma_semaphore, #tpu.memory_space<semaphore_mem>>) src(%dma_wait3A_1277 : memref<8x128xf32, #tpu.memory_space<vmem>>) dst(%dma_wait3A_1273 : memref<8x128xf32, #tpu.memory_space<hbm>>)
        %dma_wait3A_1278 = arith.constant 0 : i32
        %dma_wait3A_1279 = arith.constant 0 : i32
        %dma_wait3A_1280 = arith.constant 0 : i32
        %dma_wait3A_1281 = arith.constant 0 : i32
        %dma_wait3A_1282 = arith.constant 0 : i32
        %dma_wait3A_1283 = arith.constant 0 : i32
        %dma_wait3A_1284 = arith.constant 0 : i32
        %dma_wait3A_1285 = tpu.memref_slice %arg9[%dma_wait3A_1278, %dma_wait3A_1279, %dma_wait3A_1283, %dma_wait3A_1284] : memref<4x3x8x129xf32, #tpu.memory_space<vmem>> -> memref<1x1x8x128xf32, #tpu.memory_space<vmem>>
        %dma_wait3A_1286 = tpu.memref_squeeze %dma_wait3A_1285 : memref<1x1x8x128xf32, #tpu.memory_space<vmem>> -> memref<8x128xf32, #tpu.memory_space<vmem>>
        %dma_wait3A_1287 = arith.constant 0 : i32
        %dma_wait3A_1288 = arith.constant 0 : i32
        %dma_wait3A_1289 = tpu.memref_slice %arg4[%dma_wait3A_1280, %dma_wait3A_1281, %dma_wait3A_1282, %dma_wait3A_1287, %dma_wait3A_1288] : memref<50x4x128x8x128xf32, #tpu.memory_space<hbm>> -> memref<1x1x1x8x128xf32, #tpu.memory_space<hbm>>
        %dma_wait3A_1290 = tpu.memref_squeeze %dma_wait3A_1289 : memref<1x1x1x8x128xf32, #tpu.memory_space<hbm>> -> memref<8x128xf32, #tpu.memory_space<hbm>>
        %dma_wait3A_1291 = arith.constant 0 : i32
        %dma_wait3A_1292 = arith.constant 0 : i32
        %dma_wait3A_1293 = tpu.memref_slice %arg4[%dma_wait3A_1280, %dma_wait3A_1281, %dma_wait3A_1282, %dma_wait3A_1291, %dma_wait3A_1292] : memref<50x4x128x8x128xf32, #tpu.memory_space<hbm>> -> memref<1x1x1x8x128xf32, #tpu.memory_space<hbm>>
        %dma_wait3A_1294 = tpu.memref_squeeze %dma_wait3A_1293 : memref<1x1x1x8x128xf32, #tpu.memory_space<hbm>> -> memref<8x128xf32, #tpu.memory_space<hbm>>
        %dma_wait3A_1295 = arith.constant 0 : i32
        %dma_wait3A_1296 = arith.constant 0 : i32
        %dma_wait3A_1297 = tpu.memref_slice %arg9[%dma_wait3A_1278, %dma_wait3A_1279, %dma_wait3A_1295, %dma_wait3A_1296] : memref<4x3x8x129xf32, #tpu.memory_space<vmem>> -> memref<1x1x8x128xf32, #tpu.memory_space<vmem>>
        %dma_wait3A_1298 = tpu.memref_squeeze %dma_wait3A_1297 : memref<1x1x8x128xf32, #tpu.memory_space<vmem>> -> memref<8x128xf32, #tpu.memory_space<vmem>>
        tpu.wait_dma2 semaphore(%arg15 : memref<!tpu.dma_semaphore, #tpu.memory_space<semaphore_mem>>) src(%dma_wait3A_1298 : memref<8x128xf32, #tpu.memory_space<vmem>>) dst(%dma_wait3A_1294 : memref<8x128xf32, #tpu.memory_space<hbm>>)
        %dma_wait3A_1299 = arith.constant 0 : i32
        %dma_wait3A_1300 = arith.constant 0 : i32
        %dma_wait3A_1301 = arith.constant 0 : i32
        %dma_wait3A_1302 = arith.constant 0 : i32
        %dma_wait3A_1303 = arith.constant 0 : i32
        %dma_wait3A_1304 = arith.constant 0 : i32
        %dma_wait3A_1305 = arith.constant 0 : i32
        %dma_wait3A_1306 = tpu.memref_slice %arg9[%dma_wait3A_1299, %dma_wait3A_1300, %dma_wait3A_1304, %dma_wait3A_1305] : memref<4x3x8x129xf32, #tpu.memory_space<vmem>> -> memref<1x1x8x128xf32, #tpu.memory_space<vmem>>
        %dma_wait3A_1307 = tpu.memref_squeeze %dma_wait3A_1306 : memref<1x1x8x128xf32, #tpu.memory_space<vmem>> -> memref<8x128xf32, #tpu.memory_space<vmem>>
        %dma_wait3A_1308 = arith.constant 0 : i32
        %dma_wait3A_1309 = arith.constant 0 : i32
        %dma_wait3A_1310 = tpu.memref_slice %arg4[%dma_wait3A_1301, %dma_wait3A_1302, %dma_wait3A_1303, %dma_wait3A_1308, %dma_wait3A_1309] : memref<50x4x128x8x128xf32, #tpu.memory_space<hbm>> -> memref<1x1x1x8x128xf32, #tpu.memory_space<hbm>>
        %dma_wait3A_1311 = tpu.memref_squeeze %dma_wait3A_1310 : memref<1x1x1x8x128xf32, #tpu.memory_space<hbm>> -> memref<8x128xf32, #tpu.memory_space<hbm>>
        %dma_wait3A_1312 = arith.constant 0 : i32
        %dma_wait3A_1313 = arith.constant 0 : i32
        %dma_wait3A_1314 = tpu.memref_slice %arg4[%dma_wait3A_1301, %dma_wait3A_1302, %dma_wait3A_1303, %dma_wait3A_1312, %dma_wait3A_1313] : memref<50x4x128x8x128xf32, #tpu.memory_space<hbm>> -> memref<1x1x1x8x128xf32, #tpu.memory_space<hbm>>
        %dma_wait3A_1315 = tpu.memref_squeeze %dma_wait3A_1314 : memref<1x1x1x8x128xf32, #tpu.memory_space<hbm>> -> memref<8x128xf32, #tpu.memory_space<hbm>>
        %dma_wait3A_1316 = arith.constant 0 : i32
        %dma_wait3A_1317 = arith.constant 0 : i32
        %dma_wait3A_1318 = tpu.memref_slice %arg9[%dma_wait3A_1299, %dma_wait3A_1300, %dma_wait3A_1316, %dma_wait3A_1317] : memref<4x3x8x129xf32, #tpu.memory_space<vmem>> -> memref<1x1x8x128xf32, #tpu.memory_space<vmem>>
        %dma_wait3A_1319 = tpu.memref_squeeze %dma_wait3A_1318 : memref<1x1x8x128xf32, #tpu.memory_space<vmem>> -> memref<8x128xf32, #tpu.memory_space<vmem>>
        tpu.wait_dma2 semaphore(%arg15 : memref<!tpu.dma_semaphore, #tpu.memory_space<semaphore_mem>>) src(%dma_wait3A_1319 : memref<8x128xf32, #tpu.memory_space<vmem>>) dst(%dma_wait3A_1315 : memref<8x128xf32, #tpu.memory_space<hbm>>)
        %dma_wait3A_1320 = arith.constant 0 : i32
        %dma_wait3A_1321 = arith.constant 0 : i32
        %dma_wait3A_1322 = arith.constant 0 : i32
        %dma_wait3A_1323 = arith.constant 0 : i32
        %dma_wait3A_1324 = arith.constant 0 : i32
        %dma_wait3A_1325 = arith.constant 0 : i32
        %dma_wait3A_1326 = arith.constant 0 : i32
        %dma_wait3A_1327 = tpu.memref_slice %arg9[%dma_wait3A_1320, %dma_wait3A_1321, %dma_wait3A_1325, %dma_wait3A_1326] : memref<4x3x8x129xf32, #tpu.memory_space<vmem>> -> memref<1x1x8x128xf32, #tpu.memory_space<vmem>>
        %dma_wait3A_1328 = tpu.memref_squeeze %dma_wait3A_1327 : memref<1x1x8x128xf32, #tpu.memory_space<vmem>> -> memref<8x128xf32, #tpu.memory_space<vmem>>
        %dma_wait3A_1329 = arith.constant 0 : i32
        %dma_wait3A_1330 = arith.constant 0 : i32
        %dma_wait3A_1331 = tpu.memref_slice %arg4[%dma_wait3A_1322, %dma_wait3A_1323, %dma_wait3A_1324, %dma_wait3A_1329, %dma_wait3A_1330] : memref<50x4x128x8x128xf32, #tpu.memory_space<hbm>> -> memref<1x1x1x8x128xf32, #tpu.memory_space<hbm>>
        %dma_wait3A_1332 = tpu.memref_squeeze %dma_wait3A_1331 : memref<1x1x1x8x128xf32, #tpu.memory_space<hbm>> -> memref<8x128xf32, #tpu.memory_space<hbm>>
        %dma_wait3A_1333 = arith.constant 0 : i32
        %dma_wait3A_1334 = arith.constant 0 : i32
        %dma_wait3A_1335 = tpu.memref_slice %arg4[%dma_wait3A_1322, %dma_wait3A_1323, %dma_wait3A_1324, %dma_wait3A_1333, %dma_wait3A_1334] : memref<50x4x128x8x128xf32, #tpu.memory_space<hbm>> -> memref<1x1x1x8x128xf32, #tpu.memory_space<hbm>>
        %dma_wait3A_1336 = tpu.memref_squeeze %dma_wait3A_1335 : memref<1x1x1x8x128xf32, #tpu.memory_space<hbm>> -> memref<8x128xf32, #tpu.memory_space<hbm>>
        %dma_wait3A_1337 = arith.constant 0 : i32
        %dma_wait3A_1338 = arith.constant 0 : i32
        %dma_wait3A_1339 = tpu.memref_slice %arg9[%dma_wait3A_1320, %dma_wait3A_1321, %dma_wait3A_1337, %dma_wait3A_1338] : memref<4x3x8x129xf32, #tpu.memory_space<vmem>> -> memref<1x1x8x128xf32, #tpu.memory_space<vmem>>
        %dma_wait3A_1340 = tpu.memref_squeeze %dma_wait3A_1339 : memref<1x1x8x128xf32, #tpu.memory_space<vmem>> -> memref<8x128xf32, #tpu.memory_space<vmem>>
        tpu.wait_dma2 semaphore(%arg15 : memref<!tpu.dma_semaphore, #tpu.memory_space<semaphore_mem>>) src(%dma_wait3A_1340 : memref<8x128xf32, #tpu.memory_space<vmem>>) dst(%dma_wait3A_1336 : memref<8x128xf32, #tpu.memory_space<hbm>>)
        %dma_wait3A_1341 = arith.constant 0 : i32
        %dma_wait3A_1342 = arith.constant 0 : i32
        %dma_wait3A_1343 = arith.constant 0 : i32
        %dma_wait3A_1344 = arith.constant 0 : i32
        %dma_wait3A_1345 = arith.constant 0 : i32
        %dma_wait3A_1346 = arith.constant 0 : i32
        %dma_wait3A_1347 = arith.constant 0 : i32
        %dma_wait3A_1348 = tpu.memref_slice %arg9[%dma_wait3A_1341, %dma_wait3A_1342, %dma_wait3A_1346, %dma_wait3A_1347] : memref<4x3x8x129xf32, #tpu.memory_space<vmem>> -> memref<1x1x8x128xf32, #tpu.memory_space<vmem>>
        %dma_wait3A_1349 = tpu.memref_squeeze %dma_wait3A_1348 : memref<1x1x8x128xf32, #tpu.memory_space<vmem>> -> memref<8x128xf32, #tpu.memory_space<vmem>>
        %dma_wait3A_1350 = arith.constant 0 : i32
        %dma_wait3A_1351 = arith.constant 0 : i32
        %dma_wait3A_1352 = tpu.memref_slice %arg4[%dma_wait3A_1343, %dma_wait3A_1344, %dma_wait3A_1345, %dma_wait3A_1350, %dma_wait3A_1351] : memref<50x4x128x8x128xf32, #tpu.memory_space<hbm>> -> memref<1x1x1x8x128xf32, #tpu.memory_space<hbm>>
        %dma_wait3A_1353 = tpu.memref_squeeze %dma_wait3A_1352 : memref<1x1x1x8x128xf32, #tpu.memory_space<hbm>> -> memref<8x128xf32, #tpu.memory_space<hbm>>
        %dma_wait3A_1354 = arith.constant 0 : i32
        %dma_wait3A_1355 = arith.constant 0 : i32
        %dma_wait3A_1356 = tpu.memref_slice %arg4[%dma_wait3A_1343, %dma_wait3A_1344, %dma_wait3A_1345, %dma_wait3A_1354, %dma_wait3A_1355] : memref<50x4x128x8x128xf32, #tpu.memory_space<hbm>> -> memref<1x1x1x8x128xf32, #tpu.memory_space<hbm>>
        %dma_wait3A_1357 = tpu.memref_squeeze %dma_wait3A_1356 : memref<1x1x1x8x128xf32, #tpu.memory_space<hbm>> -> memref<8x128xf32, #tpu.memory_space<hbm>>
        %dma_wait3A_1358 = arith.constant 0 : i32
        %dma_wait3A_1359 = arith.constant 0 : i32
        %dma_wait3A_1360 = tpu.memref_slice %arg9[%dma_wait3A_1341, %dma_wait3A_1342, %dma_wait3A_1358, %dma_wait3A_1359] : memref<4x3x8x129xf32, #tpu.memory_space<vmem>> -> memref<1x1x8x128xf32, #tpu.memory_space<vmem>>
        %dma_wait3A_1361 = tpu.memref_squeeze %dma_wait3A_1360 : memref<1x1x8x128xf32, #tpu.memory_space<vmem>> -> memref<8x128xf32, #tpu.memory_space<vmem>>
        tpu.wait_dma2 semaphore(%arg15 : memref<!tpu.dma_semaphore, #tpu.memory_space<semaphore_mem>>) src(%dma_wait3A_1361 : memref<8x128xf32, #tpu.memory_space<vmem>>) dst(%dma_wait3A_1357 : memref<8x128xf32, #tpu.memory_space<hbm>>)
        %dma_wait3A_1362 = arith.constant 0 : i32
        %dma_wait3A_1363 = arith.constant 0 : i32
        %dma_wait3A_1364 = arith.constant 0 : i32
        %dma_wait3A_1365 = arith.constant 0 : i32
        %dma_wait3A_1366 = arith.constant 0 : i32
        %dma_wait3A_1367 = arith.constant 0 : i32
        %dma_wait3A_1368 = arith.constant 0 : i32
        %dma_wait3A_1369 = tpu.memref_slice %arg9[%dma_wait3A_1362, %dma_wait3A_1363, %dma_wait3A_1367, %dma_wait3A_1368] : memref<4x3x8x129xf32, #tpu.memory_space<vmem>> -> memref<1x1x8x128xf32, #tpu.memory_space<vmem>>
        %dma_wait3A_1370 = tpu.memref_squeeze %dma_wait3A_1369 : memref<1x1x8x128xf32, #tpu.memory_space<vmem>> -> memref<8x128xf32, #tpu.memory_space<vmem>>
        %dma_wait3A_1371 = arith.constant 0 : i32
        %dma_wait3A_1372 = arith.constant 0 : i32
        %dma_wait3A_1373 = tpu.memref_slice %arg4[%dma_wait3A_1364, %dma_wait3A_1365, %dma_wait3A_1366, %dma_wait3A_1371, %dma_wait3A_1372] : memref<50x4x128x8x128xf32, #tpu.memory_space<hbm>> -> memref<1x1x1x8x128xf32, #tpu.memory_space<hbm>>
        %dma_wait3A_1374 = tpu.memref_squeeze %dma_wait3A_1373 : memref<1x1x1x8x128xf32, #tpu.memory_space<hbm>> -> memref<8x128xf32, #tpu.memory_space<hbm>>
        %dma_wait3A_1375 = arith.constant 0 : i32
        %dma_wait3A_1376 = arith.constant 0 : i32
        %dma_wait3A_1377 = tpu.memref_slice %arg4[%dma_wait3A_1364, %dma_wait3A_1365, %dma_wait3A_1366, %dma_wait3A_1375, %dma_wait3A_1376] : memref<50x4x128x8x128xf32, #tpu.memory_space<hbm>> -> memref<1x1x1x8x128xf32, #tpu.memory_space<hbm>>
        %dma_wait3A_1378 = tpu.memref_squeeze %dma_wait3A_1377 : memref<1x1x1x8x128xf32, #tpu.memory_space<hbm>> -> memref<8x128xf32, #tpu.memory_space<hbm>>
        %dma_wait3A_1379 = arith.constant 0 : i32
        %dma_wait3A_1380 = arith.constant 0 : i32
        %dma_wait3A_1381 = tpu.memref_slice %arg9[%dma_wait3A_1362, %dma_wait3A_1363, %dma_wait3A_1379, %dma_wait3A_1380] : memref<4x3x8x129xf32, #tpu.memory_space<vmem>> -> memref<1x1x8x128xf32, #tpu.memory_space<vmem>>
        %dma_wait3A_1382 = tpu.memref_squeeze %dma_wait3A_1381 : memref<1x1x8x128xf32, #tpu.memory_space<vmem>> -> memref<8x128xf32, #tpu.memory_space<vmem>>
        tpu.wait_dma2 semaphore(%arg15 : memref<!tpu.dma_semaphore, #tpu.memory_space<semaphore_mem>>) src(%dma_wait3A_1382 : memref<8x128xf32, #tpu.memory_space<vmem>>) dst(%dma_wait3A_1378 : memref<8x128xf32, #tpu.memory_space<hbm>>)
        %dma_wait3A_1383 = arith.constant 0 : i32
        %dma_wait3A_1384 = arith.constant 0 : i32
        %dma_wait3A_1385 = arith.constant 0 : i32
        %dma_wait3A_1386 = arith.constant 0 : i32
        %dma_wait3A_1387 = arith.constant 0 : i32
        %dma_wait3A_1388 = arith.constant 0 : i32
        %dma_wait3A_1389 = arith.constant 0 : i32
        %dma_wait3A_1390 = tpu.memref_slice %arg9[%dma_wait3A_1383, %dma_wait3A_1384, %dma_wait3A_1388, %dma_wait3A_1389] : memref<4x3x8x129xf32, #tpu.memory_space<vmem>> -> memref<1x1x8x128xf32, #tpu.memory_space<vmem>>
        %dma_wait3A_1391 = tpu.memref_squeeze %dma_wait3A_1390 : memref<1x1x8x128xf32, #tpu.memory_space<vmem>> -> memref<8x128xf32, #tpu.memory_space<vmem>>
        %dma_wait3A_1392 = arith.constant 0 : i32
        %dma_wait3A_1393 = arith.constant 0 : i32
        %dma_wait3A_1394 = tpu.memref_slice %arg4[%dma_wait3A_1385, %dma_wait3A_1386, %dma_wait3A_1387, %dma_wait3A_1392, %dma_wait3A_1393] : memref<50x4x128x8x128xf32, #tpu.memory_space<hbm>> -> memref<1x1x1x8x128xf32, #tpu.memory_space<hbm>>
        %dma_wait3A_1395 = tpu.memref_squeeze %dma_wait3A_1394 : memref<1x1x1x8x128xf32, #tpu.memory_space<hbm>> -> memref<8x128xf32, #tpu.memory_space<hbm>>
        %dma_wait3A_1396 = arith.constant 0 : i32
        %dma_wait3A_1397 = arith.constant 0 : i32
        %dma_wait3A_1398 = tpu.memref_slice %arg4[%dma_wait3A_1385, %dma_wait3A_1386, %dma_wait3A_1387, %dma_wait3A_1396, %dma_wait3A_1397] : memref<50x4x128x8x128xf32, #tpu.memory_space<hbm>> -> memref<1x1x1x8x128xf32, #tpu.memory_space<hbm>>
        %dma_wait3A_1399 = tpu.memref_squeeze %dma_wait3A_1398 : memref<1x1x1x8x128xf32, #tpu.memory_space<hbm>> -> memref<8x128xf32, #tpu.memory_space<hbm>>
        %dma_wait3A_1400 = arith.constant 0 : i32
        %dma_wait3A_1401 = arith.constant 0 : i32
        %dma_wait3A_1402 = tpu.memref_slice %arg9[%dma_wait3A_1383, %dma_wait3A_1384, %dma_wait3A_1400, %dma_wait3A_1401] : memref<4x3x8x129xf32, #tpu.memory_space<vmem>> -> memref<1x1x8x128xf32, #tpu.memory_space<vmem>>
        %dma_wait3A_1403 = tpu.memref_squeeze %dma_wait3A_1402 : memref<1x1x8x128xf32, #tpu.memory_space<vmem>> -> memref<8x128xf32, #tpu.memory_space<vmem>>
        tpu.wait_dma2 semaphore(%arg15 : memref<!tpu.dma_semaphore, #tpu.memory_space<semaphore_mem>>) src(%dma_wait3A_1403 : memref<8x128xf32, #tpu.memory_space<vmem>>) dst(%dma_wait3A_1399 : memref<8x128xf32, #tpu.memory_space<hbm>>)
      } else {
      }
      %parallel_loop3A = arith.constant 0 : i32
      %parallel_loop3A_856 = arith.constant 256 : i32
      %parallel_loop3A_857 = arith.constant 1 : i32
      scf.for %parallel_loop3A_1236 = %parallel_loop3A to %parallel_loop3A_856 step %parallel_loop3A_857  : i32 {
        %parallel_loop3A_1237 = arith.constant 0 : i32
        %parallel_loop3A_1238 = arith.index_cast %parallel_loop3A_1237 : i32 to index
        %parallel_loop3A_1239 = arith.index_cast %parallel_loop3A_1236 : i32 to index
        %parallel_loop3A_1240 = arith.constant 0 : index
        %parallel_loop3A_1241 = tpu.vector_load %arg7[%parallel_loop3A_1238, %parallel_loop3A_1239, %parallel_loop3A_1240] {strides = array<i32>} : memref<5x256x32xf32, #tpu.memory_space<vmem>>, vector<16xf32>,
        %parallel_loop3A_1242 = arith.constant 0 : i32
        %parallel_loop3A_1243 = arith.index_cast %parallel_loop3A_1242 : i32 to index
        %parallel_loop3A_1244 = arith.index_cast %parallel_loop3A_1236 : i32 to index
        %parallel_loop3A_1245 = arith.constant 16 : index
        %parallel_loop3A_1246 = tpu.vector_load %arg7[%parallel_loop3A_1243, %parallel_loop3A_1244, %parallel_loop3A_1245] {strides = array<i32>} : memref<5x256x32xf32, #tpu.memory_space<vmem>>, vector<16xf32>,
        %parallel_loop3A_1247 = arith.constant 1 : i32
        %parallel_loop3A_1248 = arith.index_cast %parallel_loop3A_1247 : i32 to index
        %parallel_loop3A_1249 = arith.index_cast %parallel_loop3A_1236 : i32 to index
        %parallel_loop3A_1250 = arith.constant 0 : index
        %parallel_loop3A_1251 = tpu.vector_load %arg7[%parallel_loop3A_1248, %parallel_loop3A_1249, %parallel_loop3A_1250] {strides = array<i32>} : memref<5x256x32xf32, #tpu.memory_space<vmem>>, vector<16xf32>,
        %parallel_loop3A_1252 = arith.addf %parallel_loop3A_1241, %parallel_loop3A_1251 : vector<16xf32>
        %parallel_loop3A_1253 = arith.constant 1 : i32
        %parallel_loop3A_1254 = arith.index_cast %parallel_loop3A_1253 : i32 to index
        %parallel_loop3A_1255 = arith.index_cast %parallel_loop3A_1236 : i32 to index
        %parallel_loop3A_1256 = arith.constant 16 : index
        %parallel_loop3A_1257 = tpu.vector_load %arg7[%parallel_loop3A_1254, %parallel_loop3A_1255, %parallel_loop3A_1256] {strides = array<i32>} : memref<5x256x32xf32, #tpu.memory_space<vmem>>, vector<16xf32>,
        %parallel_loop3A_1258 = arith.addf %parallel_loop3A_1246, %parallel_loop3A_1257 : vector<16xf32>
        %parallel_loop3A_1259 = arith.constant 2 : i32
        %parallel_loop3A_1260 = arith.index_cast %parallel_loop3A_1259 : i32 to index
        %parallel_loop3A_1261 = arith.index_cast %parallel_loop3A_1236 : i32 to index
        %parallel_loop3A_1262 = arith.constant 0 : index
        %parallel_loop3A_1263 = tpu.vector_load %arg7[%parallel_loop3A_1260, %parallel_loop3A_1261, %parallel_loop3A_1262] {strides = array<i32>} : memref<5x256x32xf32, #tpu.memory_space<vmem>>, vector<16xf32>,
        %parallel_loop3A_1264 = arith.addf %parallel_loop3A_1252, %parallel_loop3A_1263 : vector<16xf32>
        %parallel_loop3A_1265 = arith.constant 2 : i32
        %parallel_loop3A_1266 = arith.index_cast %parallel_loop3A_1265 : i32 to index
        %parallel_loop3A_1267 = arith.index_cast %parallel_loop3A_1236 : i32 to index
        %parallel_loop3A_1268 = arith.constant 16 : index
        %parallel_loop3A_1269 = tpu.vector_load %arg7[%parallel_loop3A_1266, %parallel_loop3A_1267, %parallel_loop3A_1268] {strides = array<i32>} : memref<5x256x32xf32, #tpu.memory_space<vmem>>, vector<16xf32>,
        %parallel_loop3A_1270 = arith.addf %parallel_loop3A_1258, %parallel_loop3A_1269 : vector<16xf32>
        %parallel_loop3A_1271 = arith.constant 3 : i32
        %parallel_loop3A_1272 = arith.index_cast %parallel_loop3A_1271 : i32 to index
        %parallel_loop3A_1273 = arith.index_cast %parallel_loop3A_1236 : i32 to index
        %parallel_loop3A_1274 = arith.constant 0 : index
        %parallel_loop3A_1275 = tpu.vector_load %arg7[%parallel_loop3A_1272, %parallel_loop3A_1273, %parallel_loop3A_1274] {strides = array<i32>} : memref<5x256x32xf32, #tpu.memory_space<vmem>>, vector<16xf32>,
        %parallel_loop3A_1276 = arith.addf %parallel_loop3A_1264, %parallel_loop3A_1275 : vector<16xf32>
        %parallel_loop3A_1277 = arith.constant 3 : i32
        %parallel_loop3A_1278 = arith.index_cast %parallel_loop3A_1277 : i32 to index
        %parallel_loop3A_1279 = arith.index_cast %parallel_loop3A_1236 : i32 to index
        %parallel_loop3A_1280 = arith.constant 16 : index
        %parallel_loop3A_1281 = tpu.vector_load %arg7[%parallel_loop3A_1278, %parallel_loop3A_1279, %parallel_loop3A_1280] {strides = array<i32>} : memref<5x256x32xf32, #tpu.memory_space<vmem>>, vector<16xf32>,
        %parallel_loop3A_1282 = arith.addf %parallel_loop3A_1270, %parallel_loop3A_1281 : vector<16xf32>
        %parallel_loop3A_1283 = arith.constant 4 : i32
        %parallel_loop3A_1284 = arith.index_cast %parallel_loop3A_1283 : i32 to index
        %parallel_loop3A_1285 = arith.index_cast %parallel_loop3A_1236 : i32 to index
        %parallel_loop3A_1286 = arith.constant 0 : index
        %parallel_loop3A_1287 = tpu.vector_load %arg7[%parallel_loop3A_1284, %parallel_loop3A_1285, %parallel_loop3A_1286] {strides = array<i32>} : memref<5x256x32xf32, #tpu.memory_space<vmem>>, vector<16xf32>,
        %parallel_loop3A_1288 = arith.addf %parallel_loop3A_1276, %parallel_loop3A_1287 : vector<16xf32>
        %parallel_loop3A_1289 = arith.constant 4 : i32
        %parallel_loop3A_1290 = arith.index_cast %parallel_loop3A_1289 : i32 to index
        %parallel_loop3A_1291 = arith.index_cast %parallel_loop3A_1236 : i32 to index
        %parallel_loop3A_1292 = arith.constant 16 : index
        %parallel_loop3A_1293 = tpu.vector_load %arg7[%parallel_loop3A_1290, %parallel_loop3A_1291, %parallel_loop3A_1292] {strides = array<i32>} : memref<5x256x32xf32, #tpu.memory_space<vmem>>, vector<16xf32>,
        %parallel_loop3A_1294 = arith.addf %parallel_loop3A_1282, %parallel_loop3A_1293 : vector<16xf32>
        %parallel_loop3A_1295 = arith.constant 7 : i32
        %parallel_loop3A_1296 = arith.shrsi %parallel_loop3A_1236, %parallel_loop3A_1295 : i32
        %parallel_loop3A_1297 = vector.broadcast %parallel_loop3A_1296 : i32 to vector<16xi32>
        %parallel_loop3A_1298 = arith.addi %and3A_12, %parallel_loop3A_1297 : vector<16xi32>
        %parallel_loop3A_1299 = arith.constant 127 : i32
        %parallel_loop3A_1300 = arith.andi %parallel_loop3A_1236, %parallel_loop3A_1299 : i32
        %parallel_loop3A_1301 = vector.broadcast %parallel_loop3A_1300 : i32 to vector<16xi32>
        %parallel_loop3A_1302 = arith.addi %and3A_12, %parallel_loop3A_1301 : vector<16xi32>
        tpu.vector_store_idx %arg9[%shift_right_arithmetic3A_4, %parallel_loop3A_1298, %and3A_9, %parallel_loop3A_1302], %parallel_loop3A_1288 : memref<4x3x8x129xf32, #tpu.memory_space<vmem>>[vector<16xi32>, vector<16xi32>, vector<16xi32>, vector<16xi32>], vector<16xf32>,
        tpu.vector_store_idx %arg9[%add3A_7, %parallel_loop3A_1298, %and3A_9, %parallel_loop3A_1302], %parallel_loop3A_1294 : memref<4x3x8x129xf32, #tpu.memory_space<vmem>>[vector<16xi32>, vector<16xi32>, vector<16xi32>, vector<16xi32>], vector<16xf32>,
      } {sc.loop_unroll_factor = 8 : i64, sc.parallel_access}
      %shift_right_arithmetic3A_858 = arith.constant 1 : i32
      %shift_right_arithmetic3A_859 = arith.shrsi %mul3A_666, %shift_right_arithmetic3A_858 : i32
      %and3A_860 = arith.constant 1 : i32
      %and3A_861 = arith.andi %mul3A_666, %and3A_860 : i32
      %mul3A_862 = arith.constant 256 : i32
      %mul3A_863 = arith.muli %and3A_861, %mul3A_862 : i32
      %add3A_864 = arith.addi %mul3A_2, %mul3A_863 : i32
      %shift_right_arithmetic3A_865 = arith.constant 7 : i32
      %shift_right_arithmetic3A_866 = arith.shrsi %add3A_864, %shift_right_arithmetic3A_865 : i32
      %add3A_867 = arith.constant 0 : i32
      %add3A_868 = arith.addi %shift_right_arithmetic3A_866, %add3A_867 : i32
      %dma_start3A_869 = arith.constant 0 : i32
      %dma_start3A_870 = arith.constant 0 : i32
      %dma_start3A_871 = arith.constant 0 : i32
      %dma_start3A_872 = arith.constant 0 : i32
      %dma_start3A_873 = arith.constant 0 : i32
      %dma_start3A_874 = tpu.memref_slice %arg9[%dma_start3A_869, %dma_start3A_870, %dma_start3A_872, %dma_start3A_873] : memref<4x3x8x129xf32, #tpu.memory_space<vmem>> -> memref<1x1x8x128xf32, #tpu.memory_space<vmem>>
      %dma_start3A_875 = tpu.memref_squeeze %dma_start3A_874 : memref<1x1x8x128xf32, #tpu.memory_space<vmem>> -> memref<8x128xf32, #tpu.memory_space<vmem>>
      %dma_start3A_876 = arith.constant 0 : i32
      %dma_start3A_877 = arith.constant 0 : i32
      %dma_start3A_878 = tpu.memref_slice %arg4[%shift_right_arithmetic3A_859, %dma_start3A_871, %add3A_868, %dma_start3A_876, %dma_start3A_877] : memref<50x4x128x8x128xf32, #tpu.memory_space<hbm>> -> memref<1x1x1x8x128xf32, #tpu.memory_space<hbm>>
      %dma_start3A_879 = tpu.memref_squeeze %dma_start3A_878 : memref<1x1x1x8x128xf32, #tpu.memory_space<hbm>> -> memref<8x128xf32, #tpu.memory_space<hbm>>
      %dma_start3A_880 = arith.constant 0 : i32
      %dma_start3A_881 = arith.constant 0 : i32
      %dma_start3A_882 = tpu.memref_slice %arg4[%shift_right_arithmetic3A_859, %dma_start3A_871, %add3A_868, %dma_start3A_880, %dma_start3A_881] : memref<50x4x128x8x128xf32, #tpu.memory_space<hbm>> -> memref<1x1x1x8x128xf32, #tpu.memory_space<hbm>>
      %dma_start3A_883 = tpu.memref_squeeze %dma_start3A_882 : memref<1x1x1x8x128xf32, #tpu.memory_space<hbm>> -> memref<8x128xf32, #tpu.memory_space<hbm>>
      %dma_start3A_884 = arith.constant 0 : i32
      %dma_start3A_885 = arith.constant 0 : i32
      %dma_start3A_886 = tpu.memref_slice %arg9[%dma_start3A_869, %dma_start3A_870, %dma_start3A_884, %dma_start3A_885] : memref<4x3x8x129xf32, #tpu.memory_space<vmem>> -> memref<1x1x8x128xf32, #tpu.memory_space<vmem>>
      %dma_start3A_887 = tpu.memref_squeeze %dma_start3A_886 : memref<1x1x8x128xf32, #tpu.memory_space<vmem>> -> memref<8x128xf32, #tpu.memory_space<vmem>>
      tpu.enqueue_dma source(%dma_start3A_887 : memref<8x128xf32, #tpu.memory_space<vmem>>) target(%dma_start3A_883 : memref<8x128xf32, #tpu.memory_space<hbm>>) target_semaphore(%arg15 : memref<!tpu.dma_semaphore, #tpu.memory_space<semaphore_mem>>)
      %add3A_888 = arith.constant 1 : i32
      %add3A_889 = arith.addi %shift_right_arithmetic3A_866, %add3A_888 : i32
      %dma_start3A_890 = arith.constant 0 : i32
      %dma_start3A_891 = arith.constant 1 : i32
      %dma_start3A_892 = arith.constant 0 : i32
      %dma_start3A_893 = arith.constant 0 : i32
      %dma_start3A_894 = arith.constant 0 : i32
      %dma_start3A_895 = tpu.memref_slice %arg9[%dma_start3A_890, %dma_start3A_891, %dma_start3A_893, %dma_start3A_894] : memref<4x3x8x129xf32, #tpu.memory_space<vmem>> -> memref<1x1x8x128xf32, #tpu.memory_space<vmem>>
      %dma_start3A_896 = tpu.memref_squeeze %dma_start3A_895 : memref<1x1x8x128xf32, #tpu.memory_space<vmem>> -> memref<8x128xf32, #tpu.memory_space<vmem>>
      %dma_start3A_897 = arith.constant 0 : i32
      %dma_start3A_898 = arith.constant 0 : i32
      %dma_start3A_899 = tpu.memref_slice %arg4[%shift_right_arithmetic3A_859, %dma_start3A_892, %add3A_889, %dma_start3A_897, %dma_start3A_898] : memref<50x4x128x8x128xf32, #tpu.memory_space<hbm>> -> memref<1x1x1x8x128xf32, #tpu.memory_space<hbm>>
      %dma_start3A_900 = tpu.memref_squeeze %dma_start3A_899 : memref<1x1x1x8x128xf32, #tpu.memory_space<hbm>> -> memref<8x128xf32, #tpu.memory_space<hbm>>
      %dma_start3A_901 = arith.constant 0 : i32
      %dma_start3A_902 = arith.constant 0 : i32
      %dma_start3A_903 = tpu.memref_slice %arg4[%shift_right_arithmetic3A_859, %dma_start3A_892, %add3A_889, %dma_start3A_901, %dma_start3A_902] : memref<50x4x128x8x128xf32, #tpu.memory_space<hbm>> -> memref<1x1x1x8x128xf32, #tpu.memory_space<hbm>>
      %dma_start3A_904 = tpu.memref_squeeze %dma_start3A_903 : memref<1x1x1x8x128xf32, #tpu.memory_space<hbm>> -> memref<8x128xf32, #tpu.memory_space<hbm>>
      %dma_start3A_905 = arith.constant 0 : i32
      %dma_start3A_906 = arith.constant 0 : i32
      %dma_start3A_907 = tpu.memref_slice %arg9[%dma_start3A_890, %dma_start3A_891, %dma_start3A_905, %dma_start3A_906] : memref<4x3x8x129xf32, #tpu.memory_space<vmem>> -> memref<1x1x8x128xf32, #tpu.memory_space<vmem>>
      %dma_start3A_908 = tpu.memref_squeeze %dma_start3A_907 : memref<1x1x8x128xf32, #tpu.memory_space<vmem>> -> memref<8x128xf32, #tpu.memory_space<vmem>>
      tpu.enqueue_dma source(%dma_start3A_908 : memref<8x128xf32, #tpu.memory_space<vmem>>) target(%dma_start3A_904 : memref<8x128xf32, #tpu.memory_space<hbm>>) target_semaphore(%arg15 : memref<!tpu.dma_semaphore, #tpu.memory_space<semaphore_mem>>)
      %add3A_909 = arith.constant 0 : i32
      %add3A_910 = arith.addi %shift_right_arithmetic3A_866, %add3A_909 : i32
      %dma_start3A_911 = arith.constant 1 : i32
      %dma_start3A_912 = arith.constant 0 : i32
      %dma_start3A_913 = arith.constant 1 : i32
      %dma_start3A_914 = arith.constant 0 : i32
      %dma_start3A_915 = arith.constant 0 : i32
      %dma_start3A_916 = tpu.memref_slice %arg9[%dma_start3A_911, %dma_start3A_912, %dma_start3A_914, %dma_start3A_915] : memref<4x3x8x129xf32, #tpu.memory_space<vmem>> -> memref<1x1x8x128xf32, #tpu.memory_space<vmem>>
      %dma_start3A_917 = tpu.memref_squeeze %dma_start3A_916 : memref<1x1x8x128xf32, #tpu.memory_space<vmem>> -> memref<8x128xf32, #tpu.memory_space<vmem>>
      %dma_start3A_918 = arith.constant 0 : i32
      %dma_start3A_919 = arith.constant 0 : i32
      %dma_start3A_920 = tpu.memref_slice %arg4[%shift_right_arithmetic3A_859, %dma_start3A_913, %add3A_910, %dma_start3A_918, %dma_start3A_919] : memref<50x4x128x8x128xf32, #tpu.memory_space<hbm>> -> memref<1x1x1x8x128xf32, #tpu.memory_space<hbm>>
      %dma_start3A_921 = tpu.memref_squeeze %dma_start3A_920 : memref<1x1x1x8x128xf32, #tpu.memory_space<hbm>> -> memref<8x128xf32, #tpu.memory_space<hbm>>
      %dma_start3A_922 = arith.constant 0 : i32
      %dma_start3A_923 = arith.constant 0 : i32
      %dma_start3A_924 = tpu.memref_slice %arg4[%shift_right_arithmetic3A_859, %dma_start3A_913, %add3A_910, %dma_start3A_922, %dma_start3A_923] : memref<50x4x128x8x128xf32, #tpu.memory_space<hbm>> -> memref<1x1x1x8x128xf32, #tpu.memory_space<hbm>>
      %dma_start3A_925 = tpu.memref_squeeze %dma_start3A_924 : memref<1x1x1x8x128xf32, #tpu.memory_space<hbm>> -> memref<8x128xf32, #tpu.memory_space<hbm>>
      %dma_start3A_926 = arith.constant 0 : i32
      %dma_start3A_927 = arith.constant 0 : i32
      %dma_start3A_928 = tpu.memref_slice %arg9[%dma_start3A_911, %dma_start3A_912, %dma_start3A_926, %dma_start3A_927] : memref<4x3x8x129xf32, #tpu.memory_space<vmem>> -> memref<1x1x8x128xf32, #tpu.memory_space<vmem>>
      %dma_start3A_929 = tpu.memref_squeeze %dma_start3A_928 : memref<1x1x8x128xf32, #tpu.memory_space<vmem>> -> memref<8x128xf32, #tpu.memory_space<vmem>>
      tpu.enqueue_dma source(%dma_start3A_929 : memref<8x128xf32, #tpu.memory_space<vmem>>) target(%dma_start3A_925 : memref<8x128xf32, #tpu.memory_space<hbm>>) target_semaphore(%arg15 : memref<!tpu.dma_semaphore, #tpu.memory_space<semaphore_mem>>)
      %add3A_930 = arith.constant 1 : i32
      %add3A_931 = arith.addi %shift_right_arithmetic3A_866, %add3A_930 : i32
      %dma_start3A_932 = arith.constant 1 : i32
      %dma_start3A_933 = arith.constant 1 : i32
      %dma_start3A_934 = arith.constant 1 : i32
      %dma_start3A_935 = arith.constant 0 : i32
      %dma_start3A_936 = arith.constant 0 : i32
      %dma_start3A_937 = tpu.memref_slice %arg9[%dma_start3A_932, %dma_start3A_933, %dma_start3A_935, %dma_start3A_936] : memref<4x3x8x129xf32, #tpu.memory_space<vmem>> -> memref<1x1x8x128xf32, #tpu.memory_space<vmem>>
      %dma_start3A_938 = tpu.memref_squeeze %dma_start3A_937 : memref<1x1x8x128xf32, #tpu.memory_space<vmem>> -> memref<8x128xf32, #tpu.memory_space<vmem>>
      %dma_start3A_939 = arith.constant 0 : i32
      %dma_start3A_940 = arith.constant 0 : i32
      %dma_start3A_941 = tpu.memref_slice %arg4[%shift_right_arithmetic3A_859, %dma_start3A_934, %add3A_931, %dma_start3A_939, %dma_start3A_940] : memref<50x4x128x8x128xf32, #tpu.memory_space<hbm>> -> memref<1x1x1x8x128xf32, #tpu.memory_space<hbm>>
      %dma_start3A_942 = tpu.memref_squeeze %dma_start3A_941 : memref<1x1x1x8x128xf32, #tpu.memory_space<hbm>> -> memref<8x128xf32, #tpu.memory_space<hbm>>
      %dma_start3A_943 = arith.constant 0 : i32
      %dma_start3A_944 = arith.constant 0 : i32
      %dma_start3A_945 = tpu.memref_slice %arg4[%shift_right_arithmetic3A_859, %dma_start3A_934, %add3A_931, %dma_start3A_943, %dma_start3A_944] : memref<50x4x128x8x128xf32, #tpu.memory_space<hbm>> -> memref<1x1x1x8x128xf32, #tpu.memory_space<hbm>>
      %dma_start3A_946 = tpu.memref_squeeze %dma_start3A_945 : memref<1x1x1x8x128xf32, #tpu.memory_space<hbm>> -> memref<8x128xf32, #tpu.memory_space<hbm>>
      %dma_start3A_947 = arith.constant 0 : i32
      %dma_start3A_948 = arith.constant 0 : i32
      %dma_start3A_949 = tpu.memref_slice %arg9[%dma_start3A_932, %dma_start3A_933, %dma_start3A_947, %dma_start3A_948] : memref<4x3x8x129xf32, #tpu.memory_space<vmem>> -> memref<1x1x8x128xf32, #tpu.memory_space<vmem>>
      %dma_start3A_950 = tpu.memref_squeeze %dma_start3A_949 : memref<1x1x8x128xf32, #tpu.memory_space<vmem>> -> memref<8x128xf32, #tpu.memory_space<vmem>>
      tpu.enqueue_dma source(%dma_start3A_950 : memref<8x128xf32, #tpu.memory_space<vmem>>) target(%dma_start3A_946 : memref<8x128xf32, #tpu.memory_space<hbm>>) target_semaphore(%arg15 : memref<!tpu.dma_semaphore, #tpu.memory_space<semaphore_mem>>)
      %add3A_951 = arith.constant 0 : i32
      %add3A_952 = arith.addi %shift_right_arithmetic3A_866, %add3A_951 : i32
      %dma_start3A_953 = arith.constant 2 : i32
      %dma_start3A_954 = arith.constant 0 : i32
      %dma_start3A_955 = arith.constant 2 : i32
      %dma_start3A_956 = arith.constant 0 : i32
      %dma_start3A_957 = arith.constant 0 : i32
      %dma_start3A_958 = tpu.memref_slice %arg9[%dma_start3A_953, %dma_start3A_954, %dma_start3A_956, %dma_start3A_957] : memref<4x3x8x129xf32, #tpu.memory_space<vmem>> -> memref<1x1x8x128xf32, #tpu.memory_space<vmem>>
      %dma_start3A_959 = tpu.memref_squeeze %dma_start3A_958 : memref<1x1x8x128xf32, #tpu.memory_space<vmem>> -> memref<8x128xf32, #tpu.memory_space<vmem>>
      %dma_start3A_960 = arith.constant 0 : i32
      %dma_start3A_961 = arith.constant 0 : i32
      %dma_start3A_962 = tpu.memref_slice %arg4[%shift_right_arithmetic3A_859, %dma_start3A_955, %add3A_952, %dma_start3A_960, %dma_start3A_961] : memref<50x4x128x8x128xf32, #tpu.memory_space<hbm>> -> memref<1x1x1x8x128xf32, #tpu.memory_space<hbm>>
      %dma_start3A_963 = tpu.memref_squeeze %dma_start3A_962 : memref<1x1x1x8x128xf32, #tpu.memory_space<hbm>> -> memref<8x128xf32, #tpu.memory_space<hbm>>
      %dma_start3A_964 = arith.constant 0 : i32
      %dma_start3A_965 = arith.constant 0 : i32
      %dma_start3A_966 = tpu.memref_slice %arg4[%shift_right_arithmetic3A_859, %dma_start3A_955, %add3A_952, %dma_start3A_964, %dma_start3A_965] : memref<50x4x128x8x128xf32, #tpu.memory_space<hbm>> -> memref<1x1x1x8x128xf32, #tpu.memory_space<hbm>>
      %dma_start3A_967 = tpu.memref_squeeze %dma_start3A_966 : memref<1x1x1x8x128xf32, #tpu.memory_space<hbm>> -> memref<8x128xf32, #tpu.memory_space<hbm>>
      %dma_start3A_968 = arith.constant 0 : i32
      %dma_start3A_969 = arith.constant 0 : i32
      %dma_start3A_970 = tpu.memref_slice %arg9[%dma_start3A_953, %dma_start3A_954, %dma_start3A_968, %dma_start3A_969] : memref<4x3x8x129xf32, #tpu.memory_space<vmem>> -> memref<1x1x8x128xf32, #tpu.memory_space<vmem>>
      %dma_start3A_971 = tpu.memref_squeeze %dma_start3A_970 : memref<1x1x8x128xf32, #tpu.memory_space<vmem>> -> memref<8x128xf32, #tpu.memory_space<vmem>>
      tpu.enqueue_dma source(%dma_start3A_971 : memref<8x128xf32, #tpu.memory_space<vmem>>) target(%dma_start3A_967 : memref<8x128xf32, #tpu.memory_space<hbm>>) target_semaphore(%arg15 : memref<!tpu.dma_semaphore, #tpu.memory_space<semaphore_mem>>)
      %add3A_972 = arith.constant 1 : i32
      %add3A_973 = arith.addi %shift_right_arithmetic3A_866, %add3A_972 : i32
      %dma_start3A_974 = arith.constant 2 : i32
      %dma_start3A_975 = arith.constant 1 : i32
      %dma_start3A_976 = arith.constant 2 : i32
      %dma_start3A_977 = arith.constant 0 : i32
      %dma_start3A_978 = arith.constant 0 : i32
      %dma_start3A_979 = tpu.memref_slice %arg9[%dma_start3A_974, %dma_start3A_975, %dma_start3A_977, %dma_start3A_978] : memref<4x3x8x129xf32, #tpu.memory_space<vmem>> -> memref<1x1x8x128xf32, #tpu.memory_space<vmem>>
      %dma_start3A_980 = tpu.memref_squeeze %dma_start3A_979 : memref<1x1x8x128xf32, #tpu.memory_space<vmem>> -> memref<8x128xf32, #tpu.memory_space<vmem>>
      %dma_start3A_981 = arith.constant 0 : i32
      %dma_start3A_982 = arith.constant 0 : i32
      %dma_start3A_983 = tpu.memref_slice %arg4[%shift_right_arithmetic3A_859, %dma_start3A_976, %add3A_973, %dma_start3A_981, %dma_start3A_982] : memref<50x4x128x8x128xf32, #tpu.memory_space<hbm>> -> memref<1x1x1x8x128xf32, #tpu.memory_space<hbm>>
      %dma_start3A_984 = tpu.memref_squeeze %dma_start3A_983 : memref<1x1x1x8x128xf32, #tpu.memory_space<hbm>> -> memref<8x128xf32, #tpu.memory_space<hbm>>
      %dma_start3A_985 = arith.constant 0 : i32
      %dma_start3A_986 = arith.constant 0 : i32
      %dma_start3A_987 = tpu.memref_slice %arg4[%shift_right_arithmetic3A_859, %dma_start3A_976, %add3A_973, %dma_start3A_985, %dma_start3A_986] : memref<50x4x128x8x128xf32, #tpu.memory_space<hbm>> -> memref<1x1x1x8x128xf32, #tpu.memory_space<hbm>>
      %dma_start3A_988 = tpu.memref_squeeze %dma_start3A_987 : memref<1x1x1x8x128xf32, #tpu.memory_space<hbm>> -> memref<8x128xf32, #tpu.memory_space<hbm>>
      %dma_start3A_989 = arith.constant 0 : i32
      %dma_start3A_990 = arith.constant 0 : i32
      %dma_start3A_991 = tpu.memref_slice %arg9[%dma_start3A_974, %dma_start3A_975, %dma_start3A_989, %dma_start3A_990] : memref<4x3x8x129xf32, #tpu.memory_space<vmem>> -> memref<1x1x8x128xf32, #tpu.memory_space<vmem>>
      %dma_start3A_992 = tpu.memref_squeeze %dma_start3A_991 : memref<1x1x8x128xf32, #tpu.memory_space<vmem>> -> memref<8x128xf32, #tpu.memory_space<vmem>>
      tpu.enqueue_dma source(%dma_start3A_992 : memref<8x128xf32, #tpu.memory_space<vmem>>) target(%dma_start3A_988 : memref<8x128xf32, #tpu.memory_space<hbm>>) target_semaphore(%arg15 : memref<!tpu.dma_semaphore, #tpu.memory_space<semaphore_mem>>)
      %add3A_993 = arith.constant 0 : i32
      %add3A_994 = arith.addi %shift_right_arithmetic3A_866, %add3A_993 : i32
      %dma_start3A_995 = arith.constant 3 : i32
      %dma_start3A_996 = arith.constant 0 : i32
      %dma_start3A_997 = arith.constant 3 : i32
      %dma_start3A_998 = arith.constant 0 : i32
      %dma_start3A_999 = arith.constant 0 : i32
      %dma_start3A_1000 = tpu.memref_slice %arg9[%dma_start3A_995, %dma_start3A_996, %dma_start3A_998, %dma_start3A_999] : memref<4x3x8x129xf32, #tpu.memory_space<vmem>> -> memref<1x1x8x128xf32, #tpu.memory_space<vmem>>
      %dma_start3A_1001 = tpu.memref_squeeze %dma_start3A_1000 : memref<1x1x8x128xf32, #tpu.memory_space<vmem>> -> memref<8x128xf32, #tpu.memory_space<vmem>>
      %dma_start3A_1002 = arith.constant 0 : i32
      %dma_start3A_1003 = arith.constant 0 : i32
      %dma_start3A_1004 = tpu.memref_slice %arg4[%shift_right_arithmetic3A_859, %dma_start3A_997, %add3A_994, %dma_start3A_1002, %dma_start3A_1003] : memref<50x4x128x8x128xf32, #tpu.memory_space<hbm>> -> memref<1x1x1x8x128xf32, #tpu.memory_space<hbm>>
      %dma_start3A_1005 = tpu.memref_squeeze %dma_start3A_1004 : memref<1x1x1x8x128xf32, #tpu.memory_space<hbm>> -> memref<8x128xf32, #tpu.memory_space<hbm>>
      %dma_start3A_1006 = arith.constant 0 : i32
      %dma_start3A_1007 = arith.constant 0 : i32
      %dma_start3A_1008 = tpu.memref_slice %arg4[%shift_right_arithmetic3A_859, %dma_start3A_997, %add3A_994, %dma_start3A_1006, %dma_start3A_1007] : memref<50x4x128x8x128xf32, #tpu.memory_space<hbm>> -> memref<1x1x1x8x128xf32, #tpu.memory_space<hbm>>
      %dma_start3A_1009 = tpu.memref_squeeze %dma_start3A_1008 : memref<1x1x1x8x128xf32, #tpu.memory_space<hbm>> -> memref<8x128xf32, #tpu.memory_space<hbm>>
      %dma_start3A_1010 = arith.constant 0 : i32
      %dma_start3A_1011 = arith.constant 0 : i32
      %dma_start3A_1012 = tpu.memref_slice %arg9[%dma_start3A_995, %dma_start3A_996, %dma_start3A_1010, %dma_start3A_1011] : memref<4x3x8x129xf32, #tpu.memory_space<vmem>> -> memref<1x1x8x128xf32, #tpu.memory_space<vmem>>
      %dma_start3A_1013 = tpu.memref_squeeze %dma_start3A_1012 : memref<1x1x8x128xf32, #tpu.memory_space<vmem>> -> memref<8x128xf32, #tpu.memory_space<vmem>>
      tpu.enqueue_dma source(%dma_start3A_1013 : memref<8x128xf32, #tpu.memory_space<vmem>>) target(%dma_start3A_1009 : memref<8x128xf32, #tpu.memory_space<hbm>>) target_semaphore(%arg15 : memref<!tpu.dma_semaphore, #tpu.memory_space<semaphore_mem>>)
      %add3A_1014 = arith.constant 1 : i32
      %add3A_1015 = arith.addi %shift_right_arithmetic3A_866, %add3A_1014 : i32
      %dma_start3A_1016 = arith.constant 3 : i32
      %dma_start3A_1017 = arith.constant 1 : i32
      %dma_start3A_1018 = arith.constant 3 : i32
      %dma_start3A_1019 = arith.constant 0 : i32
      %dma_start3A_1020 = arith.constant 0 : i32
      %dma_start3A_1021 = tpu.memref_slice %arg9[%dma_start3A_1016, %dma_start3A_1017, %dma_start3A_1019, %dma_start3A_1020] : memref<4x3x8x129xf32, #tpu.memory_space<vmem>> -> memref<1x1x8x128xf32, #tpu.memory_space<vmem>>
      %dma_start3A_1022 = tpu.memref_squeeze %dma_start3A_1021 : memref<1x1x8x128xf32, #tpu.memory_space<vmem>> -> memref<8x128xf32, #tpu.memory_space<vmem>>
      %dma_start3A_1023 = arith.constant 0 : i32
      %dma_start3A_1024 = arith.constant 0 : i32
      %dma_start3A_1025 = tpu.memref_slice %arg4[%shift_right_arithmetic3A_859, %dma_start3A_1018, %add3A_1015, %dma_start3A_1023, %dma_start3A_1024] : memref<50x4x128x8x128xf32, #tpu.memory_space<hbm>> -> memref<1x1x1x8x128xf32, #tpu.memory_space<hbm>>
      %dma_start3A_1026 = tpu.memref_squeeze %dma_start3A_1025 : memref<1x1x1x8x128xf32, #tpu.memory_space<hbm>> -> memref<8x128xf32, #tpu.memory_space<hbm>>
      %dma_start3A_1027 = arith.constant 0 : i32
      %dma_start3A_1028 = arith.constant 0 : i32
      %dma_start3A_1029 = tpu.memref_slice %arg4[%shift_right_arithmetic3A_859, %dma_start3A_1018, %add3A_1015, %dma_start3A_1027, %dma_start3A_1028] : memref<50x4x128x8x128xf32, #tpu.memory_space<hbm>> -> memref<1x1x1x8x128xf32, #tpu.memory_space<hbm>>
      %dma_start3A_1030 = tpu.memref_squeeze %dma_start3A_1029 : memref<1x1x1x8x128xf32, #tpu.memory_space<hbm>> -> memref<8x128xf32, #tpu.memory_space<hbm>>
      %dma_start3A_1031 = arith.constant 0 : i32
      %dma_start3A_1032 = arith.constant 0 : i32
      %dma_start3A_1033 = tpu.memref_slice %arg9[%dma_start3A_1016, %dma_start3A_1017, %dma_start3A_1031, %dma_start3A_1032] : memref<4x3x8x129xf32, #tpu.memory_space<vmem>> -> memref<1x1x8x128xf32, #tpu.memory_space<vmem>>
      %dma_start3A_1034 = tpu.memref_squeeze %dma_start3A_1033 : memref<1x1x8x128xf32, #tpu.memory_space<vmem>> -> memref<8x128xf32, #tpu.memory_space<vmem>>
      tpu.enqueue_dma source(%dma_start3A_1034 : memref<8x128xf32, #tpu.memory_space<vmem>>) target(%dma_start3A_1030 : memref<8x128xf32, #tpu.memory_space<hbm>>) target_semaphore(%arg15 : memref<!tpu.dma_semaphore, #tpu.memory_space<semaphore_mem>>)
      %add3A_1035 = arith.constant 2 : i32
      %add3A_1036 = arith.addi %mul3A_666, %add3A_1035 : i32
      %lt3A = arith.constant 100 : i32
      %lt3A_1037 = arith.cmpi slt, %add3A_1036, %lt3A : i32
      %convert_element_type3A_1038 = arith.extui %lt3A_1037 : i1 to i32
      %cond3A_1039 = arith.constant 0 : i32
      %cond3A_1040 = arith.cmpi ne, %convert_element_type3A_1038, %cond3A_1039 : i32
      scf.if %cond3A_1040 {
        %add3A_1236 = arith.constant 2 : i32
        %add3A_1237 = arith.addi %mul3A_666, %add3A_1236 : i32
        %shift_right_arithmetic3A_1238 = arith.constant 1 : i32
        %shift_right_arithmetic3A_1239 = arith.shrsi %add3A_1237, %shift_right_arithmetic3A_1238 : i32
        %and3A_1240 = arith.constant 1 : i32
        %and3A_1241 = arith.andi %add3A_1237, %and3A_1240 : i32
        %mul3A_1242 = arith.constant 256 : i32
        %mul3A_1243 = arith.muli %and3A_1241, %mul3A_1242 : i32
        %add3A_1244 = arith.addi %mul3A_2, %mul3A_1243 : i32
        %dma_start3A_1245 = arith.constant 0 : i32
        %dma_start3A_1246 = arith.constant 0 : i32
        %dma_start3A_1247 = arith.constant 0 : i32
        %dma_start3A_1248 = tpu.memref_slice %arg5[%dma_start3A_1246, %dma_start3A_1247] : memref<5x256xi32, #tpu.memory_space<vmem>> -> memref<1x256xi32, #tpu.memory_space<vmem>>
        %dma_start3A_1249 = tpu.memref_squeeze %dma_start3A_1248 : memref<1x256xi32, #tpu.memory_space<vmem>> -> memref<256xi32, #tpu.memory_space<vmem>>
        %dma_start3A_1250 = tpu.memref_slice %arg2[%dma_start3A_1245, %shift_right_arithmetic3A_1239, %add3A_1244] : memref<5x50x16384xi32, #tpu.memory_space<hbm>> -> memref<1x1x256xi32, #tpu.memory_space<hbm>>
        %dma_start3A_1251 = tpu.memref_squeeze %dma_start3A_1250 : memref<1x1x256xi32, #tpu.memory_space<hbm>> -> memref<256xi32, #tpu.memory_space<hbm>>
        %dma_start3A_1252 = arith.constant 0 : i32
        %dma_start3A_1253 = tpu.memref_slice %arg5[%dma_start3A_1246, %dma_start3A_1252] : memref<5x256xi32, #tpu.memory_space<vmem>> -> memref<1x256xi32, #tpu.memory_space<vmem>>
        %dma_start3A_1254 = tpu.memref_squeeze %dma_start3A_1253 : memref<1x256xi32, #tpu.memory_space<vmem>> -> memref<256xi32, #tpu.memory_space<vmem>>
        %dma_start3A_1255 = tpu.memref_slice %arg2[%dma_start3A_1245, %shift_right_arithmetic3A_1239, %add3A_1244] : memref<5x50x16384xi32, #tpu.memory_space<hbm>> -> memref<1x1x256xi32, #tpu.memory_space<hbm>>
        %dma_start3A_1256 = tpu.memref_squeeze %dma_start3A_1255 : memref<1x1x256xi32, #tpu.memory_space<hbm>> -> memref<256xi32, #tpu.memory_space<hbm>>
        tpu.enqueue_dma source(%dma_start3A_1256 : memref<256xi32, #tpu.memory_space<hbm>>) target(%dma_start3A_1254 : memref<256xi32, #tpu.memory_space<vmem>>) target_semaphore(%arg11 : memref<!tpu.dma_semaphore, #tpu.memory_space<semaphore_mem>>)
        %dma_start3A_1257 = arith.constant 1 : i32
        %dma_start3A_1258 = arith.constant 1 : i32
        %dma_start3A_1259 = arith.constant 0 : i32
        %dma_start3A_1260 = tpu.memref_slice %arg5[%dma_start3A_1258, %dma_start3A_1259] : memref<5x256xi32, #tpu.memory_space<vmem>> -> memref<1x256xi32, #tpu.memory_space<vmem>>
        %dma_start3A_1261 = tpu.memref_squeeze %dma_start3A_1260 : memref<1x256xi32, #tpu.memory_space<vmem>> -> memref<256xi32, #tpu.memory_space<vmem>>
        %dma_start3A_1262 = tpu.memref_slice %arg2[%dma_start3A_1257, %shift_right_arithmetic3A_1239, %add3A_1244] : memref<5x50x16384xi32, #tpu.memory_space<hbm>> -> memref<1x1x256xi32, #tpu.memory_space<hbm>>
        %dma_start3A_1263 = tpu.memref_squeeze %dma_start3A_1262 : memref<1x1x256xi32, #tpu.memory_space<hbm>> -> memref<256xi32, #tpu.memory_space<hbm>>
        %dma_start3A_1264 = arith.constant 0 : i32
        %dma_start3A_1265 = tpu.memref_slice %arg5[%dma_start3A_1258, %dma_start3A_1264] : memref<5x256xi32, #tpu.memory_space<vmem>> -> memref<1x256xi32, #tpu.memory_space<vmem>>
        %dma_start3A_1266 = tpu.memref_squeeze %dma_start3A_1265 : memref<1x256xi32, #tpu.memory_space<vmem>> -> memref<256xi32, #tpu.memory_space<vmem>>
        %dma_start3A_1267 = tpu.memref_slice %arg2[%dma_start3A_1257, %shift_right_arithmetic3A_1239, %add3A_1244] : memref<5x50x16384xi32, #tpu.memory_space<hbm>> -> memref<1x1x256xi32, #tpu.memory_space<hbm>>
        %dma_start3A_1268 = tpu.memref_squeeze %dma_start3A_1267 : memref<1x1x256xi32, #tpu.memory_space<hbm>> -> memref<256xi32, #tpu.memory_space<hbm>>
        tpu.enqueue_dma source(%dma_start3A_1268 : memref<256xi32, #tpu.memory_space<hbm>>) target(%dma_start3A_1266 : memref<256xi32, #tpu.memory_space<vmem>>) target_semaphore(%arg11 : memref<!tpu.dma_semaphore, #tpu.memory_space<semaphore_mem>>)
        %dma_start3A_1269 = arith.constant 2 : i32
        %dma_start3A_1270 = arith.constant 2 : i32
        %dma_start3A_1271 = arith.constant 0 : i32
        %dma_start3A_1272 = tpu.memref_slice %arg5[%dma_start3A_1270, %dma_start3A_1271] : memref<5x256xi32, #tpu.memory_space<vmem>> -> memref<1x256xi32, #tpu.memory_space<vmem>>
        %dma_start3A_1273 = tpu.memref_squeeze %dma_start3A_1272 : memref<1x256xi32, #tpu.memory_space<vmem>> -> memref<256xi32, #tpu.memory_space<vmem>>
        %dma_start3A_1274 = tpu.memref_slice %arg2[%dma_start3A_1269, %shift_right_arithmetic3A_1239, %add3A_1244] : memref<5x50x16384xi32, #tpu.memory_space<hbm>> -> memref<1x1x256xi32, #tpu.memory_space<hbm>>
        %dma_start3A_1275 = tpu.memref_squeeze %dma_start3A_1274 : memref<1x1x256xi32, #tpu.memory_space<hbm>> -> memref<256xi32, #tpu.memory_space<hbm>>
        %dma_start3A_1276 = arith.constant 0 : i32
        %dma_start3A_1277 = tpu.memref_slice %arg5[%dma_start3A_1270, %dma_start3A_1276] : memref<5x256xi32, #tpu.memory_space<vmem>> -> memref<1x256xi32, #tpu.memory_space<vmem>>
        %dma_start3A_1278 = tpu.memref_squeeze %dma_start3A_1277 : memref<1x256xi32, #tpu.memory_space<vmem>> -> memref<256xi32, #tpu.memory_space<vmem>>
        %dma_start3A_1279 = tpu.memref_slice %arg2[%dma_start3A_1269, %shift_right_arithmetic3A_1239, %add3A_1244] : memref<5x50x16384xi32, #tpu.memory_space<hbm>> -> memref<1x1x256xi32, #tpu.memory_space<hbm>>
        %dma_start3A_1280 = tpu.memref_squeeze %dma_start3A_1279 : memref<1x1x256xi32, #tpu.memory_space<hbm>> -> memref<256xi32, #tpu.memory_space<hbm>>
        tpu.enqueue_dma source(%dma_start3A_1280 : memref<256xi32, #tpu.memory_space<hbm>>) target(%dma_start3A_1278 : memref<256xi32, #tpu.memory_space<vmem>>) target_semaphore(%arg11 : memref<!tpu.dma_semaphore, #tpu.memory_space<semaphore_mem>>)
        %dma_start3A_1281 = arith.constant 3 : i32
        %dma_start3A_1282 = arith.constant 3 : i32
        %dma_start3A_1283 = arith.constant 0 : i32
        %dma_start3A_1284 = tpu.memref_slice %arg5[%dma_start3A_1282, %dma_start3A_1283] : memref<5x256xi32, #tpu.memory_space<vmem>> -> memref<1x256xi32, #tpu.memory_space<vmem>>
        %dma_start3A_1285 = tpu.memref_squeeze %dma_start3A_1284 : memref<1x256xi32, #tpu.memory_space<vmem>> -> memref<256xi32, #tpu.memory_space<vmem>>
        %dma_start3A_1286 = tpu.memref_slice %arg2[%dma_start3A_1281, %shift_right_arithmetic3A_1239, %add3A_1244] : memref<5x50x16384xi32, #tpu.memory_space<hbm>> -> memref<1x1x256xi32, #tpu.memory_space<hbm>>
        %dma_start3A_1287 = tpu.memref_squeeze %dma_start3A_1286 : memref<1x1x256xi32, #tpu.memory_space<hbm>> -> memref<256xi32, #tpu.memory_space<hbm>>
        %dma_start3A_1288 = arith.constant 0 : i32
        %dma_start3A_1289 = tpu.memref_slice %arg5[%dma_start3A_1282, %dma_start3A_1288] : memref<5x256xi32, #tpu.memory_space<vmem>> -> memref<1x256xi32, #tpu.memory_space<vmem>>
        %dma_start3A_1290 = tpu.memref_squeeze %dma_start3A_1289 : memref<1x256xi32, #tpu.memory_space<vmem>> -> memref<256xi32, #tpu.memory_space<vmem>>
        %dma_start3A_1291 = tpu.memref_slice %arg2[%dma_start3A_1281, %shift_right_arithmetic3A_1239, %add3A_1244] : memref<5x50x16384xi32, #tpu.memory_space<hbm>> -> memref<1x1x256xi32, #tpu.memory_space<hbm>>
        %dma_start3A_1292 = tpu.memref_squeeze %dma_start3A_1291 : memref<1x1x256xi32, #tpu.memory_space<hbm>> -> memref<256xi32, #tpu.memory_space<hbm>>
        tpu.enqueue_dma source(%dma_start3A_1292 : memref<256xi32, #tpu.memory_space<hbm>>) target(%dma_start3A_1290 : memref<256xi32, #tpu.memory_space<vmem>>) target_semaphore(%arg11 : memref<!tpu.dma_semaphore, #tpu.memory_space<semaphore_mem>>)
        %dma_start3A_1293 = arith.constant 4 : i32
        %dma_start3A_1294 = arith.constant 4 : i32
        %dma_start3A_1295 = arith.constant 0 : i32
        %dma_start3A_1296 = tpu.memref_slice %arg5[%dma_start3A_1294, %dma_start3A_1295] : memref<5x256xi32, #tpu.memory_space<vmem>> -> memref<1x256xi32, #tpu.memory_space<vmem>>
        %dma_start3A_1297 = tpu.memref_squeeze %dma_start3A_1296 : memref<1x256xi32, #tpu.memory_space<vmem>> -> memref<256xi32, #tpu.memory_space<vmem>>
        %dma_start3A_1298 = tpu.memref_slice %arg2[%dma_start3A_1293, %shift_right_arithmetic3A_1239, %add3A_1244] : memref<5x50x16384xi32, #tpu.memory_space<hbm>> -> memref<1x1x256xi32, #tpu.memory_space<hbm>>
        %dma_start3A_1299 = tpu.memref_squeeze %dma_start3A_1298 : memref<1x1x256xi32, #tpu.memory_space<hbm>> -> memref<256xi32, #tpu.memory_space<hbm>>
        %dma_start3A_1300 = arith.constant 0 : i32
        %dma_start3A_1301 = tpu.memref_slice %arg5[%dma_start3A_1294, %dma_start3A_1300] : memref<5x256xi32, #tpu.memory_space<vmem>> -> memref<1x256xi32, #tpu.memory_space<vmem>>
        %dma_start3A_1302 = tpu.memref_squeeze %dma_start3A_1301 : memref<1x256xi32, #tpu.memory_space<vmem>> -> memref<256xi32, #tpu.memory_space<vmem>>
        %dma_start3A_1303 = tpu.memref_slice %arg2[%dma_start3A_1293, %shift_right_arithmetic3A_1239, %add3A_1244] : memref<5x50x16384xi32, #tpu.memory_space<hbm>> -> memref<1x1x256xi32, #tpu.memory_space<hbm>>
        %dma_start3A_1304 = tpu.memref_squeeze %dma_start3A_1303 : memref<1x1x256xi32, #tpu.memory_space<hbm>> -> memref<256xi32, #tpu.memory_space<hbm>>
        tpu.enqueue_dma source(%dma_start3A_1304 : memref<256xi32, #tpu.memory_space<hbm>>) target(%dma_start3A_1302 : memref<256xi32, #tpu.memory_space<vmem>>) target_semaphore(%arg11 : memref<!tpu.dma_semaphore, #tpu.memory_space<semaphore_mem>>)
        %dma_wait3A_1305 = arith.constant 0 : i32
        %dma_wait3A_1306 = arith.constant 0 : i32
        %dma_wait3A_1307 = arith.constant 0 : i32
        %dma_wait3A_1308 = tpu.memref_slice %arg2[%dma_wait3A_1306, %dma_wait3A_1305, %dma_wait3A_1307] : memref<5x50x16384xi32, #tpu.memory_space<hbm>> -> memref<5x1x256xi32, #tpu.memory_space<hbm>>
        %dma_wait3A_1309 = tpu.memref_squeeze %dma_wait3A_1308 : memref<5x1x256xi32, #tpu.memory_space<hbm>> -> memref<5x256xi32, #tpu.memory_space<hbm>>
        %dma_wait3A_1310 = arith.constant 0 : i32
        %dma_wait3A_1311 = arith.constant 0 : i32
        %dma_wait3A_1312 = tpu.memref_slice %arg2[%dma_wait3A_1310, %dma_wait3A_1305, %dma_wait3A_1311] : memref<5x50x16384xi32, #tpu.memory_space<hbm>> -> memref<5x1x256xi32, #tpu.memory_space<hbm>>
        %dma_wait3A_1313 = tpu.memref_squeeze %dma_wait3A_1312 : memref<5x1x256xi32, #tpu.memory_space<hbm>> -> memref<5x256xi32, #tpu.memory_space<hbm>>
        tpu.wait_dma2 semaphore(%arg11 : memref<!tpu.dma_semaphore, #tpu.memory_space<semaphore_mem>>) src(%dma_wait3A_1313 : memref<5x256xi32, #tpu.memory_space<hbm>>) dst(%arg5 : memref<5x256xi32, #tpu.memory_space<vmem>>)
        %dma_start3A_1314 = arith.constant 0 : i32
        %dma_start3A_1315 = arith.constant 0 : i32
        %dma_start3A_1316 = arith.constant 0 : i32
        %dma_start3A_1317 = arith.constant 0 : i32
        %dma_start3A_1318 = arith.constant 0 : i32
        %dma_start3A_1319 = tpu.memref_slice %arg7[%dma_start3A_1316, %dma_start3A_1317, %dma_start3A_1318] : memref<5x256x32xf32, #tpu.memory_space<vmem>> -> memref<1x128x32xf32, #tpu.memory_space<vmem>>
        %dma_start3A_1320 = tpu.memref_squeeze %dma_start3A_1319 : memref<1x128x32xf32, #tpu.memory_space<vmem>> -> memref<128x32xf32, #tpu.memory_space<vmem>>
        %dma_start3A_1321 = arith.constant 0 : i32
        %dma_start3A_1322 = tpu.memref_slice %arg5[%dma_start3A_1315, %dma_start3A_1321] : memref<5x256xi32, #tpu.memory_space<vmem>> -> memref<1x128xi32, #tpu.memory_space<vmem>>
        %dma_start3A_1323 = tpu.memref_squeeze %dma_start3A_1322 : memref<1x128xi32, #tpu.memory_space<vmem>> -> memref<128xi32, #tpu.memory_space<vmem>>
        %dma_start3A_1324 = arith.constant 0 : i32
        %dma_start3A_1325 = arith.constant 0 : i32
        %dma_start3A_1326 = tpu.memref_slice %arg3[%dma_start3A_1314, %dma_start3A_1324, %dma_start3A_1325] : memref<5x100000x32xf32, #tpu.memory_space<hbm>> -> memref<1x100000x32xf32, #tpu.memory_space<hbm>>
        %dma_start3A_1327 = tpu.memref_squeeze %dma_start3A_1326 : memref<1x100000x32xf32, #tpu.memory_space<hbm>> -> memref<100000x32xf32, #tpu.memory_space<hbm>>
        %dma_start3A_1328 = arith.constant 0 : i32
        %dma_start3A_1329 = arith.constant 0 : i32
        %dma_start3A_1330 = tpu.memref_slice %dma_start3A_1327[%dma_start3A_1328, %dma_start3A_1329] : memref<100000x32xf32, #tpu.memory_space<hbm>> -> memref<100000x32xf32, #tpu.memory_space<hbm>>
        tpu.enqueue_indirect_dma source(%dma_start3A_1330 : memref<100000x32xf32, #tpu.memory_space<hbm>>) target(%dma_start3A_1320 : memref<128x32xf32, #tpu.memory_space<vmem>>) offsets(%dma_start3A_1323 : memref<128xi32, #tpu.memory_space<vmem>>) semaphore(%arg13 : memref<!tpu.dma_semaphore, #tpu.memory_space<semaphore_mem>>)
        %dma_start3A_1331 = arith.constant 0 : i32
        %dma_start3A_1332 = arith.constant 0 : i32
        %dma_start3A_1333 = arith.constant 0 : i32
        %dma_start3A_1334 = arith.constant 128 : i32
        %dma_start3A_1335 = arith.constant 0 : i32
        %dma_start3A_1336 = tpu.memref_slice %arg7[%dma_start3A_1333, %dma_start3A_1334, %dma_start3A_1335] : memref<5x256x32xf32, #tpu.memory_space<vmem>> -> memref<1x128x32xf32, #tpu.memory_space<vmem>>
        %dma_start3A_1337 = tpu.memref_squeeze %dma_start3A_1336 : memref<1x128x32xf32, #tpu.memory_space<vmem>> -> memref<128x32xf32, #tpu.memory_space<vmem>>
        %dma_start3A_1338 = arith.constant 128 : i32
        %dma_start3A_1339 = tpu.memref_slice %arg5[%dma_start3A_1332, %dma_start3A_1338] : memref<5x256xi32, #tpu.memory_space<vmem>> -> memref<1x128xi32, #tpu.memory_space<vmem>>
        %dma_start3A_1340 = tpu.memref_squeeze %dma_start3A_1339 : memref<1x128xi32, #tpu.memory_space<vmem>> -> memref<128xi32, #tpu.memory_space<vmem>>
        %dma_start3A_1341 = arith.constant 0 : i32
        %dma_start3A_1342 = arith.constant 0 : i32
        %dma_start3A_1343 = tpu.memref_slice %arg3[%dma_start3A_1331, %dma_start3A_1341, %dma_start3A_1342] : memref<5x100000x32xf32, #tpu.memory_space<hbm>> -> memref<1x100000x32xf32, #tpu.memory_space<hbm>>
        %dma_start3A_1344 = tpu.memref_squeeze %dma_start3A_1343 : memref<1x100000x32xf32, #tpu.memory_space<hbm>> -> memref<100000x32xf32, #tpu.memory_space<hbm>>
        %dma_start3A_1345 = arith.constant 0 : i32
        %dma_start3A_1346 = arith.constant 0 : i32
        %dma_start3A_1347 = tpu.memref_slice %dma_start3A_1344[%dma_start3A_1345, %dma_start3A_1346] : memref<100000x32xf32, #tpu.memory_space<hbm>> -> memref<100000x32xf32, #tpu.memory_space<hbm>>
        tpu.enqueue_indirect_dma source(%dma_start3A_1347 : memref<100000x32xf32, #tpu.memory_space<hbm>>) target(%dma_start3A_1337 : memref<128x32xf32, #tpu.memory_space<vmem>>) offsets(%dma_start3A_1340 : memref<128xi32, #tpu.memory_space<vmem>>) semaphore(%arg13 : memref<!tpu.dma_semaphore, #tpu.memory_space<semaphore_mem>>)
        %dma_start3A_1348 = arith.constant 1 : i32
        %dma_start3A_1349 = arith.constant 1 : i32
        %dma_start3A_1350 = arith.constant 1 : i32
        %dma_start3A_1351 = arith.constant 0 : i32
        %dma_start3A_1352 = arith.constant 0 : i32
        %dma_start3A_1353 = tpu.memref_slice %arg7[%dma_start3A_1350, %dma_start3A_1351, %dma_start3A_1352] : memref<5x256x32xf32, #tpu.memory_space<vmem>> -> memref<1x128x32xf32, #tpu.memory_space<vmem>>
        %dma_start3A_1354 = tpu.memref_squeeze %dma_start3A_1353 : memref<1x128x32xf32, #tpu.memory_space<vmem>> -> memref<128x32xf32, #tpu.memory_space<vmem>>
        %dma_start3A_1355 = arith.constant 0 : i32
        %dma_start3A_1356 = tpu.memref_slice %arg5[%dma_start3A_1349, %dma_start3A_1355] : memref<5x256xi32, #tpu.memory_space<vmem>> -> memref<1x128xi32, #tpu.memory_space<vmem>>
        %dma_start3A_1357 = tpu.memref_squeeze %dma_start3A_1356 : memref<1x128xi32, #tpu.memory_space<vmem>> -> memref<128xi32, #tpu.memory_space<vmem>>
        %dma_start3A_1358 = arith.constant 0 : i32
        %dma_start3A_1359 = arith.constant 0 : i32
        %dma_start3A_1360 = tpu.memref_slice %arg3[%dma_start3A_1348, %dma_start3A_1358, %dma_start3A_1359] : memref<5x100000x32xf32, #tpu.memory_space<hbm>> -> memref<1x100000x32xf32, #tpu.memory_space<hbm>>
        %dma_start3A_1361 = tpu.memref_squeeze %dma_start3A_1360 : memref<1x100000x32xf32, #tpu.memory_space<hbm>> -> memref<100000x32xf32, #tpu.memory_space<hbm>>
        %dma_start3A_1362 = arith.constant 0 : i32
        %dma_start3A_1363 = arith.constant 0 : i32
        %dma_start3A_1364 = tpu.memref_slice %dma_start3A_1361[%dma_start3A_1362, %dma_start3A_1363] : memref<100000x32xf32, #tpu.memory_space<hbm>> -> memref<100000x32xf32, #tpu.memory_space<hbm>>
        tpu.enqueue_indirect_dma source(%dma_start3A_1364 : memref<100000x32xf32, #tpu.memory_space<hbm>>) target(%dma_start3A_1354 : memref<128x32xf32, #tpu.memory_space<vmem>>) offsets(%dma_start3A_1357 : memref<128xi32, #tpu.memory_space<vmem>>) semaphore(%arg13 : memref<!tpu.dma_semaphore, #tpu.memory_space<semaphore_mem>>)
        %dma_start3A_1365 = arith.constant 1 : i32
        %dma_start3A_1366 = arith.constant 1 : i32
        %dma_start3A_1367 = arith.constant 1 : i32
        %dma_start3A_1368 = arith.constant 128 : i32
        %dma_start3A_1369 = arith.constant 0 : i32
        %dma_start3A_1370 = tpu.memref_slice %arg7[%dma_start3A_1367, %dma_start3A_1368, %dma_start3A_1369] : memref<5x256x32xf32, #tpu.memory_space<vmem>> -> memref<1x128x32xf32, #tpu.memory_space<vmem>>
        %dma_start3A_1371 = tpu.memref_squeeze %dma_start3A_1370 : memref<1x128x32xf32, #tpu.memory_space<vmem>> -> memref<128x32xf32, #tpu.memory_space<vmem>>
        %dma_start3A_1372 = arith.constant 128 : i32
        %dma_start3A_1373 = tpu.memref_slice %arg5[%dma_start3A_1366, %dma_start3A_1372] : memref<5x256xi32, #tpu.memory_space<vmem>> -> memref<1x128xi32, #tpu.memory_space<vmem>>
        %dma_start3A_1374 = tpu.memref_squeeze %dma_start3A_1373 : memref<1x128xi32, #tpu.memory_space<vmem>> -> memref<128xi32, #tpu.memory_space<vmem>>
        %dma_start3A_1375 = arith.constant 0 : i32
        %dma_start3A_1376 = arith.constant 0 : i32
        %dma_start3A_1377 = tpu.memref_slice %arg3[%dma_start3A_1365, %dma_start3A_1375, %dma_start3A_1376] : memref<5x100000x32xf32, #tpu.memory_space<hbm>> -> memref<1x100000x32xf32, #tpu.memory_space<hbm>>
        %dma_start3A_1378 = tpu.memref_squeeze %dma_start3A_1377 : memref<1x100000x32xf32, #tpu.memory_space<hbm>> -> memref<100000x32xf32, #tpu.memory_space<hbm>>
        %dma_start3A_1379 = arith.constant 0 : i32
        %dma_start3A_1380 = arith.constant 0 : i32
        %dma_start3A_1381 = tpu.memref_slice %dma_start3A_1378[%dma_start3A_1379, %dma_start3A_1380] : memref<100000x32xf32, #tpu.memory_space<hbm>> -> memref<100000x32xf32, #tpu.memory_space<hbm>>
        tpu.enqueue_indirect_dma source(%dma_start3A_1381 : memref<100000x32xf32, #tpu.memory_space<hbm>>) target(%dma_start3A_1371 : memref<128x32xf32, #tpu.memory_space<vmem>>) offsets(%dma_start3A_1374 : memref<128xi32, #tpu.memory_space<vmem>>) semaphore(%arg13 : memref<!tpu.dma_semaphore, #tpu.memory_space<semaphore_mem>>)
        %dma_start3A_1382 = arith.constant 2 : i32
        %dma_start3A_1383 = arith.constant 2 : i32
        %dma_start3A_1384 = arith.constant 2 : i32
        %dma_start3A_1385 = arith.constant 0 : i32
        %dma_start3A_1386 = arith.constant 0 : i32
        %dma_start3A_1387 = tpu.memref_slice %arg7[%dma_start3A_1384, %dma_start3A_1385, %dma_start3A_1386] : memref<5x256x32xf32, #tpu.memory_space<vmem>> -> memref<1x128x32xf32, #tpu.memory_space<vmem>>
        %dma_start3A_1388 = tpu.memref_squeeze %dma_start3A_1387 : memref<1x128x32xf32, #tpu.memory_space<vmem>> -> memref<128x32xf32, #tpu.memory_space<vmem>>
        %dma_start3A_1389 = arith.constant 0 : i32
        %dma_start3A_1390 = tpu.memref_slice %arg5[%dma_start3A_1383, %dma_start3A_1389] : memref<5x256xi32, #tpu.memory_space<vmem>> -> memref<1x128xi32, #tpu.memory_space<vmem>>
        %dma_start3A_1391 = tpu.memref_squeeze %dma_start3A_1390 : memref<1x128xi32, #tpu.memory_space<vmem>> -> memref<128xi32, #tpu.memory_space<vmem>>
        %dma_start3A_1392 = arith.constant 0 : i32
        %dma_start3A_1393 = arith.constant 0 : i32
        %dma_start3A_1394 = tpu.memref_slice %arg3[%dma_start3A_1382, %dma_start3A_1392, %dma_start3A_1393] : memref<5x100000x32xf32, #tpu.memory_space<hbm>> -> memref<1x100000x32xf32, #tpu.memory_space<hbm>>
        %dma_start3A_1395 = tpu.memref_squeeze %dma_start3A_1394 : memref<1x100000x32xf32, #tpu.memory_space<hbm>> -> memref<100000x32xf32, #tpu.memory_space<hbm>>
        %dma_start3A_1396 = arith.constant 0 : i32
        %dma_start3A_1397 = arith.constant 0 : i32
        %dma_start3A_1398 = tpu.memref_slice %dma_start3A_1395[%dma_start3A_1396, %dma_start3A_1397] : memref<100000x32xf32, #tpu.memory_space<hbm>> -> memref<100000x32xf32, #tpu.memory_space<hbm>>
        tpu.enqueue_indirect_dma source(%dma_start3A_1398 : memref<100000x32xf32, #tpu.memory_space<hbm>>) target(%dma_start3A_1388 : memref<128x32xf32, #tpu.memory_space<vmem>>) offsets(%dma_start3A_1391 : memref<128xi32, #tpu.memory_space<vmem>>) semaphore(%arg13 : memref<!tpu.dma_semaphore, #tpu.memory_space<semaphore_mem>>)
        %dma_start3A_1399 = arith.constant 2 : i32
        %dma_start3A_1400 = arith.constant 2 : i32
        %dma_start3A_1401 = arith.constant 2 : i32
        %dma_start3A_1402 = arith.constant 128 : i32
        %dma_start3A_1403 = arith.constant 0 : i32
        %dma_start3A_1404 = tpu.memref_slice %arg7[%dma_start3A_1401, %dma_start3A_1402, %dma_start3A_1403] : memref<5x256x32xf32, #tpu.memory_space<vmem>> -> memref<1x128x32xf32, #tpu.memory_space<vmem>>
        %dma_start3A_1405 = tpu.memref_squeeze %dma_start3A_1404 : memref<1x128x32xf32, #tpu.memory_space<vmem>> -> memref<128x32xf32, #tpu.memory_space<vmem>>
        %dma_start3A_1406 = arith.constant 128 : i32
        %dma_start3A_1407 = tpu.memref_slice %arg5[%dma_start3A_1400, %dma_start3A_1406] : memref<5x256xi32, #tpu.memory_space<vmem>> -> memref<1x128xi32, #tpu.memory_space<vmem>>
        %dma_start3A_1408 = tpu.memref_squeeze %dma_start3A_1407 : memref<1x128xi32, #tpu.memory_space<vmem>> -> memref<128xi32, #tpu.memory_space<vmem>>
        %dma_start3A_1409 = arith.constant 0 : i32
        %dma_start3A_1410 = arith.constant 0 : i32
        %dma_start3A_1411 = tpu.memref_slice %arg3[%dma_start3A_1399, %dma_start3A_1409, %dma_start3A_1410] : memref<5x100000x32xf32, #tpu.memory_space<hbm>> -> memref<1x100000x32xf32, #tpu.memory_space<hbm>>
        %dma_start3A_1412 = tpu.memref_squeeze %dma_start3A_1411 : memref<1x100000x32xf32, #tpu.memory_space<hbm>> -> memref<100000x32xf32, #tpu.memory_space<hbm>>
        %dma_start3A_1413 = arith.constant 0 : i32
        %dma_start3A_1414 = arith.constant 0 : i32
        %dma_start3A_1415 = tpu.memref_slice %dma_start3A_1412[%dma_start3A_1413, %dma_start3A_1414] : memref<100000x32xf32, #tpu.memory_space<hbm>> -> memref<100000x32xf32, #tpu.memory_space<hbm>>
        tpu.enqueue_indirect_dma source(%dma_start3A_1415 : memref<100000x32xf32, #tpu.memory_space<hbm>>) target(%dma_start3A_1405 : memref<128x32xf32, #tpu.memory_space<vmem>>) offsets(%dma_start3A_1408 : memref<128xi32, #tpu.memory_space<vmem>>) semaphore(%arg13 : memref<!tpu.dma_semaphore, #tpu.memory_space<semaphore_mem>>)
        %dma_start3A_1416 = arith.constant 3 : i32
        %dma_start3A_1417 = arith.constant 3 : i32
        %dma_start3A_1418 = arith.constant 3 : i32
        %dma_start3A_1419 = arith.constant 0 : i32
        %dma_start3A_1420 = arith.constant 0 : i32
        %dma_start3A_1421 = tpu.memref_slice %arg7[%dma_start3A_1418, %dma_start3A_1419, %dma_start3A_1420] : memref<5x256x32xf32, #tpu.memory_space<vmem>> -> memref<1x128x32xf32, #tpu.memory_space<vmem>>
        %dma_start3A_1422 = tpu.memref_squeeze %dma_start3A_1421 : memref<1x128x32xf32, #tpu.memory_space<vmem>> -> memref<128x32xf32, #tpu.memory_space<vmem>>
        %dma_start3A_1423 = arith.constant 0 : i32
        %dma_start3A_1424 = tpu.memref_slice %arg5[%dma_start3A_1417, %dma_start3A_1423] : memref<5x256xi32, #tpu.memory_space<vmem>> -> memref<1x128xi32, #tpu.memory_space<vmem>>
        %dma_start3A_1425 = tpu.memref_squeeze %dma_start3A_1424 : memref<1x128xi32, #tpu.memory_space<vmem>> -> memref<128xi32, #tpu.memory_space<vmem>>
        %dma_start3A_1426 = arith.constant 0 : i32
        %dma_start3A_1427 = arith.constant 0 : i32
        %dma_start3A_1428 = tpu.memref_slice %arg3[%dma_start3A_1416, %dma_start3A_1426, %dma_start3A_1427] : memref<5x100000x32xf32, #tpu.memory_space<hbm>> -> memref<1x100000x32xf32, #tpu.memory_space<hbm>>
        %dma_start3A_1429 = tpu.memref_squeeze %dma_start3A_1428 : memref<1x100000x32xf32, #tpu.memory_space<hbm>> -> memref<100000x32xf32, #tpu.memory_space<hbm>>
        %dma_start3A_1430 = arith.constant 0 : i32
        %dma_start3A_1431 = arith.constant 0 : i32
        %dma_start3A_1432 = tpu.memref_slice %dma_start3A_1429[%dma_start3A_1430, %dma_start3A_1431] : memref<100000x32xf32, #tpu.memory_space<hbm>> -> memref<100000x32xf32, #tpu.memory_space<hbm>>
        tpu.enqueue_indirect_dma source(%dma_start3A_1432 : memref<100000x32xf32, #tpu.memory_space<hbm>>) target(%dma_start3A_1422 : memref<128x32xf32, #tpu.memory_space<vmem>>) offsets(%dma_start3A_1425 : memref<128xi32, #tpu.memory_space<vmem>>) semaphore(%arg13 : memref<!tpu.dma_semaphore, #tpu.memory_space<semaphore_mem>>)
        %dma_start3A_1433 = arith.constant 3 : i32
        %dma_start3A_1434 = arith.constant 3 : i32
        %dma_start3A_1435 = arith.constant 3 : i32
        %dma_start3A_1436 = arith.constant 128 : i32
        %dma_start3A_1437 = arith.constant 0 : i32
        %dma_start3A_1438 = tpu.memref_slice %arg7[%dma_start3A_1435, %dma_start3A_1436, %dma_start3A_1437] : memref<5x256x32xf32, #tpu.memory_space<vmem>> -> memref<1x128x32xf32, #tpu.memory_space<vmem>>
        %dma_start3A_1439 = tpu.memref_squeeze %dma_start3A_1438 : memref<1x128x32xf32, #tpu.memory_space<vmem>> -> memref<128x32xf32, #tpu.memory_space<vmem>>
        %dma_start3A_1440 = arith.constant 128 : i32
        %dma_start3A_1441 = tpu.memref_slice %arg5[%dma_start3A_1434, %dma_start3A_1440] : memref<5x256xi32, #tpu.memory_space<vmem>> -> memref<1x128xi32, #tpu.memory_space<vmem>>
        %dma_start3A_1442 = tpu.memref_squeeze %dma_start3A_1441 : memref<1x128xi32, #tpu.memory_space<vmem>> -> memref<128xi32, #tpu.memory_space<vmem>>
        %dma_start3A_1443 = arith.constant 0 : i32
        %dma_start3A_1444 = arith.constant 0 : i32
        %dma_start3A_1445 = tpu.memref_slice %arg3[%dma_start3A_1433, %dma_start3A_1443, %dma_start3A_1444] : memref<5x100000x32xf32, #tpu.memory_space<hbm>> -> memref<1x100000x32xf32, #tpu.memory_space<hbm>>
        %dma_start3A_1446 = tpu.memref_squeeze %dma_start3A_1445 : memref<1x100000x32xf32, #tpu.memory_space<hbm>> -> memref<100000x32xf32, #tpu.memory_space<hbm>>
        %dma_start3A_1447 = arith.constant 0 : i32
        %dma_start3A_1448 = arith.constant 0 : i32
        %dma_start3A_1449 = tpu.memref_slice %dma_start3A_1446[%dma_start3A_1447, %dma_start3A_1448] : memref<100000x32xf32, #tpu.memory_space<hbm>> -> memref<100000x32xf32, #tpu.memory_space<hbm>>
        tpu.enqueue_indirect_dma source(%dma_start3A_1449 : memref<100000x32xf32, #tpu.memory_space<hbm>>) target(%dma_start3A_1439 : memref<128x32xf32, #tpu.memory_space<vmem>>) offsets(%dma_start3A_1442 : memref<128xi32, #tpu.memory_space<vmem>>) semaphore(%arg13 : memref<!tpu.dma_semaphore, #tpu.memory_space<semaphore_mem>>)
        %dma_start3A_1450 = arith.constant 4 : i32
        %dma_start3A_1451 = arith.constant 4 : i32
        %dma_start3A_1452 = arith.constant 4 : i32
        %dma_start3A_1453 = arith.constant 0 : i32
        %dma_start3A_1454 = arith.constant 0 : i32
        %dma_start3A_1455 = tpu.memref_slice %arg7[%dma_start3A_1452, %dma_start3A_1453, %dma_start3A_1454] : memref<5x256x32xf32, #tpu.memory_space<vmem>> -> memref<1x128x32xf32, #tpu.memory_space<vmem>>
        %dma_start3A_1456 = tpu.memref_squeeze %dma_start3A_1455 : memref<1x128x32xf32, #tpu.memory_space<vmem>> -> memref<128x32xf32, #tpu.memory_space<vmem>>
        %dma_start3A_1457 = arith.constant 0 : i32
        %dma_start3A_1458 = tpu.memref_slice %arg5[%dma_start3A_1451, %dma_start3A_1457] : memref<5x256xi32, #tpu.memory_space<vmem>> -> memref<1x128xi32, #tpu.memory_space<vmem>>
        %dma_start3A_1459 = tpu.memref_squeeze %dma_start3A_1458 : memref<1x128xi32, #tpu.memory_space<vmem>> -> memref<128xi32, #tpu.memory_space<vmem>>
        %dma_start3A_1460 = arith.constant 0 : i32
        %dma_start3A_1461 = arith.constant 0 : i32
        %dma_start3A_1462 = tpu.memref_slice %arg3[%dma_start3A_1450, %dma_start3A_1460, %dma_start3A_1461] : memref<5x100000x32xf32, #tpu.memory_space<hbm>> -> memref<1x100000x32xf32, #tpu.memory_space<hbm>>
        %dma_start3A_1463 = tpu.memref_squeeze %dma_start3A_1462 : memref<1x100000x32xf32, #tpu.memory_space<hbm>> -> memref<100000x32xf32, #tpu.memory_space<hbm>>
        %dma_start3A_1464 = arith.constant 0 : i32
        %dma_start3A_1465 = arith.constant 0 : i32
        %dma_start3A_1466 = tpu.memref_slice %dma_start3A_1463[%dma_start3A_1464, %dma_start3A_1465] : memref<100000x32xf32, #tpu.memory_space<hbm>> -> memref<100000x32xf32, #tpu.memory_space<hbm>>
        tpu.enqueue_indirect_dma source(%dma_start3A_1466 : memref<100000x32xf32, #tpu.memory_space<hbm>>) target(%dma_start3A_1456 : memref<128x32xf32, #tpu.memory_space<vmem>>) offsets(%dma_start3A_1459 : memref<128xi32, #tpu.memory_space<vmem>>) semaphore(%arg13 : memref<!tpu.dma_semaphore, #tpu.memory_space<semaphore_mem>>)
        %dma_start3A_1467 = arith.constant 4 : i32
        %dma_start3A_1468 = arith.constant 4 : i32
        %dma_start3A_1469 = arith.constant 4 : i32
        %dma_start3A_1470 = arith.constant 128 : i32
        %dma_start3A_1471 = arith.constant 0 : i32
        %dma_start3A_1472 = tpu.memref_slice %arg7[%dma_start3A_1469, %dma_start3A_1470, %dma_start3A_1471] : memref<5x256x32xf32, #tpu.memory_space<vmem>> -> memref<1x128x32xf32, #tpu.memory_space<vmem>>
        %dma_start3A_1473 = tpu.memref_squeeze %dma_start3A_1472 : memref<1x128x32xf32, #tpu.memory_space<vmem>> -> memref<128x32xf32, #tpu.memory_space<vmem>>
        %dma_start3A_1474 = arith.constant 128 : i32
        %dma_start3A_1475 = tpu.memref_slice %arg5[%dma_start3A_1468, %dma_start3A_1474] : memref<5x256xi32, #tpu.memory_space<vmem>> -> memref<1x128xi32, #tpu.memory_space<vmem>>
        %dma_start3A_1476 = tpu.memref_squeeze %dma_start3A_1475 : memref<1x128xi32, #tpu.memory_space<vmem>> -> memref<128xi32, #tpu.memory_space<vmem>>
        %dma_start3A_1477 = arith.constant 0 : i32
        %dma_start3A_1478 = arith.constant 0 : i32
        %dma_start3A_1479 = tpu.memref_slice %arg3[%dma_start3A_1467, %dma_start3A_1477, %dma_start3A_1478] : memref<5x100000x32xf32, #tpu.memory_space<hbm>> -> memref<1x100000x32xf32, #tpu.memory_space<hbm>>
        %dma_start3A_1480 = tpu.memref_squeeze %dma_start3A_1479 : memref<1x100000x32xf32, #tpu.memory_space<hbm>> -> memref<100000x32xf32, #tpu.memory_space<hbm>>
        %dma_start3A_1481 = arith.constant 0 : i32
        %dma_start3A_1482 = arith.constant 0 : i32
        %dma_start3A_1483 = tpu.memref_slice %dma_start3A_1480[%dma_start3A_1481, %dma_start3A_1482] : memref<100000x32xf32, #tpu.memory_space<hbm>> -> memref<100000x32xf32, #tpu.memory_space<hbm>>
        tpu.enqueue_indirect_dma source(%dma_start3A_1483 : memref<100000x32xf32, #tpu.memory_space<hbm>>) target(%dma_start3A_1473 : memref<128x32xf32, #tpu.memory_space<vmem>>) offsets(%dma_start3A_1476 : memref<128xi32, #tpu.memory_space<vmem>>) semaphore(%arg13 : memref<!tpu.dma_semaphore, #tpu.memory_space<semaphore_mem>>)
        %add3A_1484 = arith.constant 3 : i32
        %add3A_1485 = arith.addi %mul3A_666, %add3A_1484 : i32
        %shift_right_arithmetic3A_1486 = arith.constant 1 : i32
        %shift_right_arithmetic3A_1487 = arith.shrsi %add3A_1485, %shift_right_arithmetic3A_1486 : i32
        %and3A_1488 = arith.constant 1 : i32
        %and3A_1489 = arith.andi %add3A_1485, %and3A_1488 : i32
        %mul3A_1490 = arith.constant 256 : i32
        %mul3A_1491 = arith.muli %and3A_1489, %mul3A_1490 : i32
        %add3A_1492 = arith.addi %mul3A_2, %mul3A_1491 : i32
        %dma_start3A_1493 = arith.constant 0 : i32
        %dma_start3A_1494 = arith.constant 0 : i32
        %dma_start3A_1495 = arith.constant 0 : i32
        %dma_start3A_1496 = tpu.memref_slice %arg6[%dma_start3A_1494, %dma_start3A_1495] : memref<5x256xi32, #tpu.memory_space<vmem>> -> memref<1x256xi32, #tpu.memory_space<vmem>>
        %dma_start3A_1497 = tpu.memref_squeeze %dma_start3A_1496 : memref<1x256xi32, #tpu.memory_space<vmem>> -> memref<256xi32, #tpu.memory_space<vmem>>
        %dma_start3A_1498 = tpu.memref_slice %arg2[%dma_start3A_1493, %shift_right_arithmetic3A_1487, %add3A_1492] : memref<5x50x16384xi32, #tpu.memory_space<hbm>> -> memref<1x1x256xi32, #tpu.memory_space<hbm>>
        %dma_start3A_1499 = tpu.memref_squeeze %dma_start3A_1498 : memref<1x1x256xi32, #tpu.memory_space<hbm>> -> memref<256xi32, #tpu.memory_space<hbm>>
        %dma_start3A_1500 = arith.constant 0 : i32
        %dma_start3A_1501 = tpu.memref_slice %arg6[%dma_start3A_1494, %dma_start3A_1500] : memref<5x256xi32, #tpu.memory_space<vmem>> -> memref<1x256xi32, #tpu.memory_space<vmem>>
        %dma_start3A_1502 = tpu.memref_squeeze %dma_start3A_1501 : memref<1x256xi32, #tpu.memory_space<vmem>> -> memref<256xi32, #tpu.memory_space<vmem>>
        %dma_start3A_1503 = tpu.memref_slice %arg2[%dma_start3A_1493, %shift_right_arithmetic3A_1487, %add3A_1492] : memref<5x50x16384xi32, #tpu.memory_space<hbm>> -> memref<1x1x256xi32, #tpu.memory_space<hbm>>
        %dma_start3A_1504 = tpu.memref_squeeze %dma_start3A_1503 : memref<1x1x256xi32, #tpu.memory_space<hbm>> -> memref<256xi32, #tpu.memory_space<hbm>>
        tpu.enqueue_dma source(%dma_start3A_1504 : memref<256xi32, #tpu.memory_space<hbm>>) target(%dma_start3A_1502 : memref<256xi32, #tpu.memory_space<vmem>>) target_semaphore(%arg12 : memref<!tpu.dma_semaphore, #tpu.memory_space<semaphore_mem>>)
        %dma_start3A_1505 = arith.constant 1 : i32
        %dma_start3A_1506 = arith.constant 1 : i32
        %dma_start3A_1507 = arith.constant 0 : i32
        %dma_start3A_1508 = tpu.memref_slice %arg6[%dma_start3A_1506, %dma_start3A_1507] : memref<5x256xi32, #tpu.memory_space<vmem>> -> memref<1x256xi32, #tpu.memory_space<vmem>>
        %dma_start3A_1509 = tpu.memref_squeeze %dma_start3A_1508 : memref<1x256xi32, #tpu.memory_space<vmem>> -> memref<256xi32, #tpu.memory_space<vmem>>
        %dma_start3A_1510 = tpu.memref_slice %arg2[%dma_start3A_1505, %shift_right_arithmetic3A_1487, %add3A_1492] : memref<5x50x16384xi32, #tpu.memory_space<hbm>> -> memref<1x1x256xi32, #tpu.memory_space<hbm>>
        %dma_start3A_1511 = tpu.memref_squeeze %dma_start3A_1510 : memref<1x1x256xi32, #tpu.memory_space<hbm>> -> memref<256xi32, #tpu.memory_space<hbm>>
        %dma_start3A_1512 = arith.constant 0 : i32
        %dma_start3A_1513 = tpu.memref_slice %arg6[%dma_start3A_1506, %dma_start3A_1512] : memref<5x256xi32, #tpu.memory_space<vmem>> -> memref<1x256xi32, #tpu.memory_space<vmem>>
        %dma_start3A_1514 = tpu.memref_squeeze %dma_start3A_1513 : memref<1x256xi32, #tpu.memory_space<vmem>> -> memref<256xi32, #tpu.memory_space<vmem>>
        %dma_start3A_1515 = tpu.memref_slice %arg2[%dma_start3A_1505, %shift_right_arithmetic3A_1487, %add3A_1492] : memref<5x50x16384xi32, #tpu.memory_space<hbm>> -> memref<1x1x256xi32, #tpu.memory_space<hbm>>
        %dma_start3A_1516 = tpu.memref_squeeze %dma_start3A_1515 : memref<1x1x256xi32, #tpu.memory_space<hbm>> -> memref<256xi32, #tpu.memory_space<hbm>>
        tpu.enqueue_dma source(%dma_start3A_1516 : memref<256xi32, #tpu.memory_space<hbm>>) target(%dma_start3A_1514 : memref<256xi32, #tpu.memory_space<vmem>>) target_semaphore(%arg12 : memref<!tpu.dma_semaphore, #tpu.memory_space<semaphore_mem>>)
        %dma_start3A_1517 = arith.constant 2 : i32
        %dma_start3A_1518 = arith.constant 2 : i32
        %dma_start3A_1519 = arith.constant 0 : i32
        %dma_start3A_1520 = tpu.memref_slice %arg6[%dma_start3A_1518, %dma_start3A_1519] : memref<5x256xi32, #tpu.memory_space<vmem>> -> memref<1x256xi32, #tpu.memory_space<vmem>>
        %dma_start3A_1521 = tpu.memref_squeeze %dma_start3A_1520 : memref<1x256xi32, #tpu.memory_space<vmem>> -> memref<256xi32, #tpu.memory_space<vmem>>
        %dma_start3A_1522 = tpu.memref_slice %arg2[%dma_start3A_1517, %shift_right_arithmetic3A_1487, %add3A_1492] : memref<5x50x16384xi32, #tpu.memory_space<hbm>> -> memref<1x1x256xi32, #tpu.memory_space<hbm>>
        %dma_start3A_1523 = tpu.memref_squeeze %dma_start3A_1522 : memref<1x1x256xi32, #tpu.memory_space<hbm>> -> memref<256xi32, #tpu.memory_space<hbm>>
        %dma_start3A_1524 = arith.constant 0 : i32
        %dma_start3A_1525 = tpu.memref_slice %arg6[%dma_start3A_1518, %dma_start3A_1524] : memref<5x256xi32, #tpu.memory_space<vmem>> -> memref<1x256xi32, #tpu.memory_space<vmem>>
        %dma_start3A_1526 = tpu.memref_squeeze %dma_start3A_1525 : memref<1x256xi32, #tpu.memory_space<vmem>> -> memref<256xi32, #tpu.memory_space<vmem>>
        %dma_start3A_1527 = tpu.memref_slice %arg2[%dma_start3A_1517, %shift_right_arithmetic3A_1487, %add3A_1492] : memref<5x50x16384xi32, #tpu.memory_space<hbm>> -> memref<1x1x256xi32, #tpu.memory_space<hbm>>
        %dma_start3A_1528 = tpu.memref_squeeze %dma_start3A_1527 : memref<1x1x256xi32, #tpu.memory_space<hbm>> -> memref<256xi32, #tpu.memory_space<hbm>>
        tpu.enqueue_dma source(%dma_start3A_1528 : memref<256xi32, #tpu.memory_space<hbm>>) target(%dma_start3A_1526 : memref<256xi32, #tpu.memory_space<vmem>>) target_semaphore(%arg12 : memref<!tpu.dma_semaphore, #tpu.memory_space<semaphore_mem>>)
        %dma_start3A_1529 = arith.constant 3 : i32
        %dma_start3A_1530 = arith.constant 3 : i32
        %dma_start3A_1531 = arith.constant 0 : i32
        %dma_start3A_1532 = tpu.memref_slice %arg6[%dma_start3A_1530, %dma_start3A_1531] : memref<5x256xi32, #tpu.memory_space<vmem>> -> memref<1x256xi32, #tpu.memory_space<vmem>>
        %dma_start3A_1533 = tpu.memref_squeeze %dma_start3A_1532 : memref<1x256xi32, #tpu.memory_space<vmem>> -> memref<256xi32, #tpu.memory_space<vmem>>
        %dma_start3A_1534 = tpu.memref_slice %arg2[%dma_start3A_1529, %shift_right_arithmetic3A_1487, %add3A_1492] : memref<5x50x16384xi32, #tpu.memory_space<hbm>> -> memref<1x1x256xi32, #tpu.memory_space<hbm>>
        %dma_start3A_1535 = tpu.memref_squeeze %dma_start3A_1534 : memref<1x1x256xi32, #tpu.memory_space<hbm>> -> memref<256xi32, #tpu.memory_space<hbm>>
        %dma_start3A_1536 = arith.constant 0 : i32
        %dma_start3A_1537 = tpu.memref_slice %arg6[%dma_start3A_1530, %dma_start3A_1536] : memref<5x256xi32, #tpu.memory_space<vmem>> -> memref<1x256xi32, #tpu.memory_space<vmem>>
        %dma_start3A_1538 = tpu.memref_squeeze %dma_start3A_1537 : memref<1x256xi32, #tpu.memory_space<vmem>> -> memref<256xi32, #tpu.memory_space<vmem>>
        %dma_start3A_1539 = tpu.memref_slice %arg2[%dma_start3A_1529, %shift_right_arithmetic3A_1487, %add3A_1492] : memref<5x50x16384xi32, #tpu.memory_space<hbm>> -> memref<1x1x256xi32, #tpu.memory_space<hbm>>
        %dma_start3A_1540 = tpu.memref_squeeze %dma_start3A_1539 : memref<1x1x256xi32, #tpu.memory_space<hbm>> -> memref<256xi32, #tpu.memory_space<hbm>>
        tpu.enqueue_dma source(%dma_start3A_1540 : memref<256xi32, #tpu.memory_space<hbm>>) target(%dma_start3A_1538 : memref<256xi32, #tpu.memory_space<vmem>>) target_semaphore(%arg12 : memref<!tpu.dma_semaphore, #tpu.memory_space<semaphore_mem>>)
        %dma_start3A_1541 = arith.constant 4 : i32
        %dma_start3A_1542 = arith.constant 4 : i32
        %dma_start3A_1543 = arith.constant 0 : i32
        %dma_start3A_1544 = tpu.memref_slice %arg6[%dma_start3A_1542, %dma_start3A_1543] : memref<5x256xi32, #tpu.memory_space<vmem>> -> memref<1x256xi32, #tpu.memory_space<vmem>>
        %dma_start3A_1545 = tpu.memref_squeeze %dma_start3A_1544 : memref<1x256xi32, #tpu.memory_space<vmem>> -> memref<256xi32, #tpu.memory_space<vmem>>
        %dma_start3A_1546 = tpu.memref_slice %arg2[%dma_start3A_1541, %shift_right_arithmetic3A_1487, %add3A_1492] : memref<5x50x16384xi32, #tpu.memory_space<hbm>> -> memref<1x1x256xi32, #tpu.memory_space<hbm>>
        %dma_start3A_1547 = tpu.memref_squeeze %dma_start3A_1546 : memref<1x1x256xi32, #tpu.memory_space<hbm>> -> memref<256xi32, #tpu.memory_space<hbm>>
        %dma_start3A_1548 = arith.constant 0 : i32
        %dma_start3A_1549 = tpu.memref_slice %arg6[%dma_start3A_1542, %dma_start3A_1548] : memref<5x256xi32, #tpu.memory_space<vmem>> -> memref<1x256xi32, #tpu.memory_space<vmem>>
        %dma_start3A_1550 = tpu.memref_squeeze %dma_start3A_1549 : memref<1x256xi32, #tpu.memory_space<vmem>> -> memref<256xi32, #tpu.memory_space<vmem>>
        %dma_start3A_1551 = tpu.memref_slice %arg2[%dma_start3A_1541, %shift_right_arithmetic3A_1487, %add3A_1492] : memref<5x50x16384xi32, #tpu.memory_space<hbm>> -> memref<1x1x256xi32, #tpu.memory_space<hbm>>
        %dma_start3A_1552 = tpu.memref_squeeze %dma_start3A_1551 : memref<1x1x256xi32, #tpu.memory_space<hbm>> -> memref<256xi32, #tpu.memory_space<hbm>>
        tpu.enqueue_dma source(%dma_start3A_1552 : memref<256xi32, #tpu.memory_space<hbm>>) target(%dma_start3A_1550 : memref<256xi32, #tpu.memory_space<vmem>>) target_semaphore(%arg12 : memref<!tpu.dma_semaphore, #tpu.memory_space<semaphore_mem>>)
      } else {
      }
      %dma_wait3A_1041 = arith.constant 0 : i32
      %dma_wait3A_1042 = arith.constant 0 : i32
      %dma_wait3A_1043 = arith.constant 0 : i32
      %dma_wait3A_1044 = tpu.memref_slice %arg3[%dma_wait3A_1041, %dma_wait3A_1042, %dma_wait3A_1043] : memref<5x100000x32xf32, #tpu.memory_space<hbm>> -> memref<5x256x32xf32, #tpu.memory_space<hbm>>
      %dma_wait3A_1045 = arith.constant 0 : i32
      %dma_wait3A_1046 = arith.constant 0 : i32
      %dma_wait3A_1047 = arith.constant 0 : i32
      %dma_wait3A_1048 = tpu.memref_slice %arg3[%dma_wait3A_1045, %dma_wait3A_1046, %dma_wait3A_1047] : memref<5x100000x32xf32, #tpu.memory_space<hbm>> -> memref<5x256x32xf32, #tpu.memory_space<hbm>>
      tpu.wait_dma2 semaphore(%arg14 : memref<!tpu.dma_semaphore, #tpu.memory_space<semaphore_mem>>) src(%dma_wait3A_1048 : memref<5x256x32xf32, #tpu.memory_space<hbm>>) dst(%arg8 : memref<5x256x32xf32, #tpu.memory_space<vmem>>)
      %gt3A_1049 = arith.constant 0 : i32
      %gt3A_1050 = arith.cmpi sgt, %scan3A_664, %gt3A_1049 : i32
      %convert_element_type3A_1051 = arith.extui %gt3A_1050 : i1 to i32
      %cond3A_1052 = arith.constant 0 : i32
      %cond3A_1053 = arith.cmpi ne, %convert_element_type3A_1051, %cond3A_1052 : i32
      scf.if %cond3A_1053 {
        %dma_wait3A_1236 = arith.constant 0 : i32
        %dma_wait3A_1237 = arith.constant 0 : i32
        %dma_wait3A_1238 = arith.constant 0 : i32
        %dma_wait3A_1239 = arith.constant 0 : i32
        %dma_wait3A_1240 = arith.constant 0 : i32
        %dma_wait3A_1241 = arith.constant 0 : i32
        %dma_wait3A_1242 = arith.constant 0 : i32
        %dma_wait3A_1243 = tpu.memref_slice %arg10[%dma_wait3A_1236, %dma_wait3A_1237, %dma_wait3A_1241, %dma_wait3A_1242] : memref<4x3x8x129xf32, #tpu.memory_space<vmem>> -> memref<1x1x8x128xf32, #tpu.memory_space<vmem>>
        %dma_wait3A_1244 = tpu.memref_squeeze %dma_wait3A_1243 : memref<1x1x8x128xf32, #tpu.memory_space<vmem>> -> memref<8x128xf32, #tpu.memory_space<vmem>>
        %dma_wait3A_1245 = arith.constant 0 : i32
        %dma_wait3A_1246 = arith.constant 0 : i32
        %dma_wait3A_1247 = tpu.memref_slice %arg4[%dma_wait3A_1238, %dma_wait3A_1239, %dma_wait3A_1240, %dma_wait3A_1245, %dma_wait3A_1246] : memref<50x4x128x8x128xf32, #tpu.memory_space<hbm>> -> memref<1x1x1x8x128xf32, #tpu.memory_space<hbm>>
        %dma_wait3A_1248 = tpu.memref_squeeze %dma_wait3A_1247 : memref<1x1x1x8x128xf32, #tpu.memory_space<hbm>> -> memref<8x128xf32, #tpu.memory_space<hbm>>
        %dma_wait3A_1249 = arith.constant 0 : i32
        %dma_wait3A_1250 = arith.constant 0 : i32
        %dma_wait3A_1251 = tpu.memref_slice %arg4[%dma_wait3A_1238, %dma_wait3A_1239, %dma_wait3A_1240, %dma_wait3A_1249, %dma_wait3A_1250] : memref<50x4x128x8x128xf32, #tpu.memory_space<hbm>> -> memref<1x1x1x8x128xf32, #tpu.memory_space<hbm>>
        %dma_wait3A_1252 = tpu.memref_squeeze %dma_wait3A_1251 : memref<1x1x1x8x128xf32, #tpu.memory_space<hbm>> -> memref<8x128xf32, #tpu.memory_space<hbm>>
        %dma_wait3A_1253 = arith.constant 0 : i32
        %dma_wait3A_1254 = arith.constant 0 : i32
        %dma_wait3A_1255 = tpu.memref_slice %arg10[%dma_wait3A_1236, %dma_wait3A_1237, %dma_wait3A_1253, %dma_wait3A_1254] : memref<4x3x8x129xf32, #tpu.memory_space<vmem>> -> memref<1x1x8x128xf32, #tpu.memory_space<vmem>>
        %dma_wait3A_1256 = tpu.memref_squeeze %dma_wait3A_1255 : memref<1x1x8x128xf32, #tpu.memory_space<vmem>> -> memref<8x128xf32, #tpu.memory_space<vmem>>
        tpu.wait_dma2 semaphore(%arg16 : memref<!tpu.dma_semaphore, #tpu.memory_space<semaphore_mem>>) src(%dma_wait3A_1256 : memref<8x128xf32, #tpu.memory_space<vmem>>) dst(%dma_wait3A_1252 : memref<8x128xf32, #tpu.memory_space<hbm>>)
        %dma_wait3A_1257 = arith.constant 0 : i32
        %dma_wait3A_1258 = arith.constant 0 : i32
        %dma_wait3A_1259 = arith.constant 0 : i32
        %dma_wait3A_1260 = arith.constant 0 : i32
        %dma_wait3A_1261 = arith.constant 0 : i32
        %dma_wait3A_1262 = arith.constant 0 : i32
        %dma_wait3A_1263 = arith.constant 0 : i32
        %dma_wait3A_1264 = tpu.memref_slice %arg10[%dma_wait3A_1257, %dma_wait3A_1258, %dma_wait3A_1262, %dma_wait3A_1263] : memref<4x3x8x129xf32, #tpu.memory_space<vmem>> -> memref<1x1x8x128xf32, #tpu.memory_space<vmem>>
        %dma_wait3A_1265 = tpu.memref_squeeze %dma_wait3A_1264 : memref<1x1x8x128xf32, #tpu.memory_space<vmem>> -> memref<8x128xf32, #tpu.memory_space<vmem>>
        %dma_wait3A_1266 = arith.constant 0 : i32
        %dma_wait3A_1267 = arith.constant 0 : i32
        %dma_wait3A_1268 = tpu.memref_slice %arg4[%dma_wait3A_1259, %dma_wait3A_1260, %dma_wait3A_1261, %dma_wait3A_1266, %dma_wait3A_1267] : memref<50x4x128x8x128xf32, #tpu.memory_space<hbm>> -> memref<1x1x1x8x128xf32, #tpu.memory_space<hbm>>
        %dma_wait3A_1269 = tpu.memref_squeeze %dma_wait3A_1268 : memref<1x1x1x8x128xf32, #tpu.memory_space<hbm>> -> memref<8x128xf32, #tpu.memory_space<hbm>>
        %dma_wait3A_1270 = arith.constant 0 : i32
        %dma_wait3A_1271 = arith.constant 0 : i32
        %dma_wait3A_1272 = tpu.memref_slice %arg4[%dma_wait3A_1259, %dma_wait3A_1260, %dma_wait3A_1261, %dma_wait3A_1270, %dma_wait3A_1271] : memref<50x4x128x8x128xf32, #tpu.memory_space<hbm>> -> memref<1x1x1x8x128xf32, #tpu.memory_space<hbm>>
        %dma_wait3A_1273 = tpu.memref_squeeze %dma_wait3A_1272 : memref<1x1x1x8x128xf32, #tpu.memory_space<hbm>> -> memref<8x128xf32, #tpu.memory_space<hbm>>
        %dma_wait3A_1274 = arith.constant 0 : i32
        %dma_wait3A_1275 = arith.constant 0 : i32
        %dma_wait3A_1276 = tpu.memref_slice %arg10[%dma_wait3A_1257, %dma_wait3A_1258, %dma_wait3A_1274, %dma_wait3A_1275] : memref<4x3x8x129xf32, #tpu.memory_space<vmem>> -> memref<1x1x8x128xf32, #tpu.memory_space<vmem>>
        %dma_wait3A_1277 = tpu.memref_squeeze %dma_wait3A_1276 : memref<1x1x8x128xf32, #tpu.memory_space<vmem>> -> memref<8x128xf32, #tpu.memory_space<vmem>>
        tpu.wait_dma2 semaphore(%arg16 : memref<!tpu.dma_semaphore, #tpu.memory_space<semaphore_mem>>) src(%dma_wait3A_1277 : memref<8x128xf32, #tpu.memory_space<vmem>>) dst(%dma_wait3A_1273 : memref<8x128xf32, #tpu.memory_space<hbm>>)
        %dma_wait3A_1278 = arith.constant 0 : i32
        %dma_wait3A_1279 = arith.constant 0 : i32
        %dma_wait3A_1280 = arith.constant 0 : i32
        %dma_wait3A_1281 = arith.constant 0 : i32
        %dma_wait3A_1282 = arith.constant 0 : i32
        %dma_wait3A_1283 = arith.constant 0 : i32
        %dma_wait3A_1284 = arith.constant 0 : i32
        %dma_wait3A_1285 = tpu.memref_slice %arg10[%dma_wait3A_1278, %dma_wait3A_1279, %dma_wait3A_1283, %dma_wait3A_1284] : memref<4x3x8x129xf32, #tpu.memory_space<vmem>> -> memref<1x1x8x128xf32, #tpu.memory_space<vmem>>
        %dma_wait3A_1286 = tpu.memref_squeeze %dma_wait3A_1285 : memref<1x1x8x128xf32, #tpu.memory_space<vmem>> -> memref<8x128xf32, #tpu.memory_space<vmem>>
        %dma_wait3A_1287 = arith.constant 0 : i32
        %dma_wait3A_1288 = arith.constant 0 : i32
        %dma_wait3A_1289 = tpu.memref_slice %arg4[%dma_wait3A_1280, %dma_wait3A_1281, %dma_wait3A_1282, %dma_wait3A_1287, %dma_wait3A_1288] : memref<50x4x128x8x128xf32, #tpu.memory_space<hbm>> -> memref<1x1x1x8x128xf32, #tpu.memory_space<hbm>>
        %dma_wait3A_1290 = tpu.memref_squeeze %dma_wait3A_1289 : memref<1x1x1x8x128xf32, #tpu.memory_space<hbm>> -> memref<8x128xf32, #tpu.memory_space<hbm>>
        %dma_wait3A_1291 = arith.constant 0 : i32
        %dma_wait3A_1292 = arith.constant 0 : i32
        %dma_wait3A_1293 = tpu.memref_slice %arg4[%dma_wait3A_1280, %dma_wait3A_1281, %dma_wait3A_1282, %dma_wait3A_1291, %dma_wait3A_1292] : memref<50x4x128x8x128xf32, #tpu.memory_space<hbm>> -> memref<1x1x1x8x128xf32, #tpu.memory_space<hbm>>
        %dma_wait3A_1294 = tpu.memref_squeeze %dma_wait3A_1293 : memref<1x1x1x8x128xf32, #tpu.memory_space<hbm>> -> memref<8x128xf32, #tpu.memory_space<hbm>>
        %dma_wait3A_1295 = arith.constant 0 : i32
        %dma_wait3A_1296 = arith.constant 0 : i32
        %dma_wait3A_1297 = tpu.memref_slice %arg10[%dma_wait3A_1278, %dma_wait3A_1279, %dma_wait3A_1295, %dma_wait3A_1296] : memref<4x3x8x129xf32, #tpu.memory_space<vmem>> -> memref<1x1x8x128xf32, #tpu.memory_space<vmem>>
        %dma_wait3A_1298 = tpu.memref_squeeze %dma_wait3A_1297 : memref<1x1x8x128xf32, #tpu.memory_space<vmem>> -> memref<8x128xf32, #tpu.memory_space<vmem>>
        tpu.wait_dma2 semaphore(%arg16 : memref<!tpu.dma_semaphore, #tpu.memory_space<semaphore_mem>>) src(%dma_wait3A_1298 : memref<8x128xf32, #tpu.memory_space<vmem>>) dst(%dma_wait3A_1294 : memref<8x128xf32, #tpu.memory_space<hbm>>)
        %dma_wait3A_1299 = arith.constant 0 : i32
        %dma_wait3A_1300 = arith.constant 0 : i32
        %dma_wait3A_1301 = arith.constant 0 : i32
        %dma_wait3A_1302 = arith.constant 0 : i32
        %dma_wait3A_1303 = arith.constant 0 : i32
        %dma_wait3A_1304 = arith.constant 0 : i32
        %dma_wait3A_1305 = arith.constant 0 : i32
        %dma_wait3A_1306 = tpu.memref_slice %arg10[%dma_wait3A_1299, %dma_wait3A_1300, %dma_wait3A_1304, %dma_wait3A_1305] : memref<4x3x8x129xf32, #tpu.memory_space<vmem>> -> memref<1x1x8x128xf32, #tpu.memory_space<vmem>>
        %dma_wait3A_1307 = tpu.memref_squeeze %dma_wait3A_1306 : memref<1x1x8x128xf32, #tpu.memory_space<vmem>> -> memref<8x128xf32, #tpu.memory_space<vmem>>
        %dma_wait3A_1308 = arith.constant 0 : i32
        %dma_wait3A_1309 = arith.constant 0 : i32
        %dma_wait3A_1310 = tpu.memref_slice %arg4[%dma_wait3A_1301, %dma_wait3A_1302, %dma_wait3A_1303, %dma_wait3A_1308, %dma_wait3A_1309] : memref<50x4x128x8x128xf32, #tpu.memory_space<hbm>> -> memref<1x1x1x8x128xf32, #tpu.memory_space<hbm>>
        %dma_wait3A_1311 = tpu.memref_squeeze %dma_wait3A_1310 : memref<1x1x1x8x128xf32, #tpu.memory_space<hbm>> -> memref<8x128xf32, #tpu.memory_space<hbm>>
        %dma_wait3A_1312 = arith.constant 0 : i32
        %dma_wait3A_1313 = arith.constant 0 : i32
        %dma_wait3A_1314 = tpu.memref_slice %arg4[%dma_wait3A_1301, %dma_wait3A_1302, %dma_wait3A_1303, %dma_wait3A_1312, %dma_wait3A_1313] : memref<50x4x128x8x128xf32, #tpu.memory_space<hbm>> -> memref<1x1x1x8x128xf32, #tpu.memory_space<hbm>>
        %dma_wait3A_1315 = tpu.memref_squeeze %dma_wait3A_1314 : memref<1x1x1x8x128xf32, #tpu.memory_space<hbm>> -> memref<8x128xf32, #tpu.memory_space<hbm>>
        %dma_wait3A_1316 = arith.constant 0 : i32
        %dma_wait3A_1317 = arith.constant 0 : i32
        %dma_wait3A_1318 = tpu.memref_slice %arg10[%dma_wait3A_1299, %dma_wait3A_1300, %dma_wait3A_1316, %dma_wait3A_1317] : memref<4x3x8x129xf32, #tpu.memory_space<vmem>> -> memref<1x1x8x128xf32, #tpu.memory_space<vmem>>
        %dma_wait3A_1319 = tpu.memref_squeeze %dma_wait3A_1318 : memref<1x1x8x128xf32, #tpu.memory_space<vmem>> -> memref<8x128xf32, #tpu.memory_space<vmem>>
        tpu.wait_dma2 semaphore(%arg16 : memref<!tpu.dma_semaphore, #tpu.memory_space<semaphore_mem>>) src(%dma_wait3A_1319 : memref<8x128xf32, #tpu.memory_space<vmem>>) dst(%dma_wait3A_1315 : memref<8x128xf32, #tpu.memory_space<hbm>>)
        %dma_wait3A_1320 = arith.constant 0 : i32
        %dma_wait3A_1321 = arith.constant 0 : i32
        %dma_wait3A_1322 = arith.constant 0 : i32
        %dma_wait3A_1323 = arith.constant 0 : i32
        %dma_wait3A_1324 = arith.constant 0 : i32
        %dma_wait3A_1325 = arith.constant 0 : i32
        %dma_wait3A_1326 = arith.constant 0 : i32
        %dma_wait3A_1327 = tpu.memref_slice %arg10[%dma_wait3A_1320, %dma_wait3A_1321, %dma_wait3A_1325, %dma_wait3A_1326] : memref<4x3x8x129xf32, #tpu.memory_space<vmem>> -> memref<1x1x8x128xf32, #tpu.memory_space<vmem>>
        %dma_wait3A_1328 = tpu.memref_squeeze %dma_wait3A_1327 : memref<1x1x8x128xf32, #tpu.memory_space<vmem>> -> memref<8x128xf32, #tpu.memory_space<vmem>>
        %dma_wait3A_1329 = arith.constant 0 : i32
        %dma_wait3A_1330 = arith.constant 0 : i32
        %dma_wait3A_1331 = tpu.memref_slice %arg4[%dma_wait3A_1322, %dma_wait3A_1323, %dma_wait3A_1324, %dma_wait3A_1329, %dma_wait3A_1330] : memref<50x4x128x8x128xf32, #tpu.memory_space<hbm>> -> memref<1x1x1x8x128xf32, #tpu.memory_space<hbm>>
        %dma_wait3A_1332 = tpu.memref_squeeze %dma_wait3A_1331 : memref<1x1x1x8x128xf32, #tpu.memory_space<hbm>> -> memref<8x128xf32, #tpu.memory_space<hbm>>
        %dma_wait3A_1333 = arith.constant 0 : i32
        %dma_wait3A_1334 = arith.constant 0 : i32
        %dma_wait3A_1335 = tpu.memref_slice %arg4[%dma_wait3A_1322, %dma_wait3A_1323, %dma_wait3A_1324, %dma_wait3A_1333, %dma_wait3A_1334] : memref<50x4x128x8x128xf32, #tpu.memory_space<hbm>> -> memref<1x1x1x8x128xf32, #tpu.memory_space<hbm>>
        %dma_wait3A_1336 = tpu.memref_squeeze %dma_wait3A_1335 : memref<1x1x1x8x128xf32, #tpu.memory_space<hbm>> -> memref<8x128xf32, #tpu.memory_space<hbm>>
        %dma_wait3A_1337 = arith.constant 0 : i32
        %dma_wait3A_1338 = arith.constant 0 : i32
        %dma_wait3A_1339 = tpu.memref_slice %arg10[%dma_wait3A_1320, %dma_wait3A_1321, %dma_wait3A_1337, %dma_wait3A_1338] : memref<4x3x8x129xf32, #tpu.memory_space<vmem>> -> memref<1x1x8x128xf32, #tpu.memory_space<vmem>>
        %dma_wait3A_1340 = tpu.memref_squeeze %dma_wait3A_1339 : memref<1x1x8x128xf32, #tpu.memory_space<vmem>> -> memref<8x128xf32, #tpu.memory_space<vmem>>
        tpu.wait_dma2 semaphore(%arg16 : memref<!tpu.dma_semaphore, #tpu.memory_space<semaphore_mem>>) src(%dma_wait3A_1340 : memref<8x128xf32, #tpu.memory_space<vmem>>) dst(%dma_wait3A_1336 : memref<8x128xf32, #tpu.memory_space<hbm>>)
        %dma_wait3A_1341 = arith.constant 0 : i32
        %dma_wait3A_1342 = arith.constant 0 : i32
        %dma_wait3A_1343 = arith.constant 0 : i32
        %dma_wait3A_1344 = arith.constant 0 : i32
        %dma_wait3A_1345 = arith.constant 0 : i32
        %dma_wait3A_1346 = arith.constant 0 : i32
        %dma_wait3A_1347 = arith.constant 0 : i32
        %dma_wait3A_1348 = tpu.memref_slice %arg10[%dma_wait3A_1341, %dma_wait3A_1342, %dma_wait3A_1346, %dma_wait3A_1347] : memref<4x3x8x129xf32, #tpu.memory_space<vmem>> -> memref<1x1x8x128xf32, #tpu.memory_space<vmem>>
        %dma_wait3A_1349 = tpu.memref_squeeze %dma_wait3A_1348 : memref<1x1x8x128xf32, #tpu.memory_space<vmem>> -> memref<8x128xf32, #tpu.memory_space<vmem>>
        %dma_wait3A_1350 = arith.constant 0 : i32
        %dma_wait3A_1351 = arith.constant 0 : i32
        %dma_wait3A_1352 = tpu.memref_slice %arg4[%dma_wait3A_1343, %dma_wait3A_1344, %dma_wait3A_1345, %dma_wait3A_1350, %dma_wait3A_1351] : memref<50x4x128x8x128xf32, #tpu.memory_space<hbm>> -> memref<1x1x1x8x128xf32, #tpu.memory_space<hbm>>
        %dma_wait3A_1353 = tpu.memref_squeeze %dma_wait3A_1352 : memref<1x1x1x8x128xf32, #tpu.memory_space<hbm>> -> memref<8x128xf32, #tpu.memory_space<hbm>>
        %dma_wait3A_1354 = arith.constant 0 : i32
        %dma_wait3A_1355 = arith.constant 0 : i32
        %dma_wait3A_1356 = tpu.memref_slice %arg4[%dma_wait3A_1343, %dma_wait3A_1344, %dma_wait3A_1345, %dma_wait3A_1354, %dma_wait3A_1355] : memref<50x4x128x8x128xf32, #tpu.memory_space<hbm>> -> memref<1x1x1x8x128xf32, #tpu.memory_space<hbm>>
        %dma_wait3A_1357 = tpu.memref_squeeze %dma_wait3A_1356 : memref<1x1x1x8x128xf32, #tpu.memory_space<hbm>> -> memref<8x128xf32, #tpu.memory_space<hbm>>
        %dma_wait3A_1358 = arith.constant 0 : i32
        %dma_wait3A_1359 = arith.constant 0 : i32
        %dma_wait3A_1360 = tpu.memref_slice %arg10[%dma_wait3A_1341, %dma_wait3A_1342, %dma_wait3A_1358, %dma_wait3A_1359] : memref<4x3x8x129xf32, #tpu.memory_space<vmem>> -> memref<1x1x8x128xf32, #tpu.memory_space<vmem>>
        %dma_wait3A_1361 = tpu.memref_squeeze %dma_wait3A_1360 : memref<1x1x8x128xf32, #tpu.memory_space<vmem>> -> memref<8x128xf32, #tpu.memory_space<vmem>>
        tpu.wait_dma2 semaphore(%arg16 : memref<!tpu.dma_semaphore, #tpu.memory_space<semaphore_mem>>) src(%dma_wait3A_1361 : memref<8x128xf32, #tpu.memory_space<vmem>>) dst(%dma_wait3A_1357 : memref<8x128xf32, #tpu.memory_space<hbm>>)
        %dma_wait3A_1362 = arith.constant 0 : i32
        %dma_wait3A_1363 = arith.constant 0 : i32
        %dma_wait3A_1364 = arith.constant 0 : i32
        %dma_wait3A_1365 = arith.constant 0 : i32
        %dma_wait3A_1366 = arith.constant 0 : i32
        %dma_wait3A_1367 = arith.constant 0 : i32
        %dma_wait3A_1368 = arith.constant 0 : i32
        %dma_wait3A_1369 = tpu.memref_slice %arg10[%dma_wait3A_1362, %dma_wait3A_1363, %dma_wait3A_1367, %dma_wait3A_1368] : memref<4x3x8x129xf32, #tpu.memory_space<vmem>> -> memref<1x1x8x128xf32, #tpu.memory_space<vmem>>
        %dma_wait3A_1370 = tpu.memref_squeeze %dma_wait3A_1369 : memref<1x1x8x128xf32, #tpu.memory_space<vmem>> -> memref<8x128xf32, #tpu.memory_space<vmem>>
        %dma_wait3A_1371 = arith.constant 0 : i32
        %dma_wait3A_1372 = arith.constant 0 : i32
        %dma_wait3A_1373 = tpu.memref_slice %arg4[%dma_wait3A_1364, %dma_wait3A_1365, %dma_wait3A_1366, %dma_wait3A_1371, %dma_wait3A_1372] : memref<50x4x128x8x128xf32, #tpu.memory_space<hbm>> -> memref<1x1x1x8x128xf32, #tpu.memory_space<hbm>>
        %dma_wait3A_1374 = tpu.memref_squeeze %dma_wait3A_1373 : memref<1x1x1x8x128xf32, #tpu.memory_space<hbm>> -> memref<8x128xf32, #tpu.memory_space<hbm>>
        %dma_wait3A_1375 = arith.constant 0 : i32
        %dma_wait3A_1376 = arith.constant 0 : i32
        %dma_wait3A_1377 = tpu.memref_slice %arg4[%dma_wait3A_1364, %dma_wait3A_1365, %dma_wait3A_1366, %dma_wait3A_1375, %dma_wait3A_1376] : memref<50x4x128x8x128xf32, #tpu.memory_space<hbm>> -> memref<1x1x1x8x128xf32, #tpu.memory_space<hbm>>
        %dma_wait3A_1378 = tpu.memref_squeeze %dma_wait3A_1377 : memref<1x1x1x8x128xf32, #tpu.memory_space<hbm>> -> memref<8x128xf32, #tpu.memory_space<hbm>>
        %dma_wait3A_1379 = arith.constant 0 : i32
        %dma_wait3A_1380 = arith.constant 0 : i32
        %dma_wait3A_1381 = tpu.memref_slice %arg10[%dma_wait3A_1362, %dma_wait3A_1363, %dma_wait3A_1379, %dma_wait3A_1380] : memref<4x3x8x129xf32, #tpu.memory_space<vmem>> -> memref<1x1x8x128xf32, #tpu.memory_space<vmem>>
        %dma_wait3A_1382 = tpu.memref_squeeze %dma_wait3A_1381 : memref<1x1x8x128xf32, #tpu.memory_space<vmem>> -> memref<8x128xf32, #tpu.memory_space<vmem>>
        tpu.wait_dma2 semaphore(%arg16 : memref<!tpu.dma_semaphore, #tpu.memory_space<semaphore_mem>>) src(%dma_wait3A_1382 : memref<8x128xf32, #tpu.memory_space<vmem>>) dst(%dma_wait3A_1378 : memref<8x128xf32, #tpu.memory_space<hbm>>)
        %dma_wait3A_1383 = arith.constant 0 : i32
        %dma_wait3A_1384 = arith.constant 0 : i32
        %dma_wait3A_1385 = arith.constant 0 : i32
        %dma_wait3A_1386 = arith.constant 0 : i32
        %dma_wait3A_1387 = arith.constant 0 : i32
        %dma_wait3A_1388 = arith.constant 0 : i32
        %dma_wait3A_1389 = arith.constant 0 : i32
        %dma_wait3A_1390 = tpu.memref_slice %arg10[%dma_wait3A_1383, %dma_wait3A_1384, %dma_wait3A_1388, %dma_wait3A_1389] : memref<4x3x8x129xf32, #tpu.memory_space<vmem>> -> memref<1x1x8x128xf32, #tpu.memory_space<vmem>>
        %dma_wait3A_1391 = tpu.memref_squeeze %dma_wait3A_1390 : memref<1x1x8x128xf32, #tpu.memory_space<vmem>> -> memref<8x128xf32, #tpu.memory_space<vmem>>
        %dma_wait3A_1392 = arith.constant 0 : i32
        %dma_wait3A_1393 = arith.constant 0 : i32
        %dma_wait3A_1394 = tpu.memref_slice %arg4[%dma_wait3A_1385, %dma_wait3A_1386, %dma_wait3A_1387, %dma_wait3A_1392, %dma_wait3A_1393] : memref<50x4x128x8x128xf32, #tpu.memory_space<hbm>> -> memref<1x1x1x8x128xf32, #tpu.memory_space<hbm>>
        %dma_wait3A_1395 = tpu.memref_squeeze %dma_wait3A_1394 : memref<1x1x1x8x128xf32, #tpu.memory_space<hbm>> -> memref<8x128xf32, #tpu.memory_space<hbm>>
        %dma_wait3A_1396 = arith.constant 0 : i32
        %dma_wait3A_1397 = arith.constant 0 : i32
        %dma_wait3A_1398 = tpu.memref_slice %arg4[%dma_wait3A_1385, %dma_wait3A_1386, %dma_wait3A_1387, %dma_wait3A_1396, %dma_wait3A_1397] : memref<50x4x128x8x128xf32, #tpu.memory_space<hbm>> -> memref<1x1x1x8x128xf32, #tpu.memory_space<hbm>>
        %dma_wait3A_1399 = tpu.memref_squeeze %dma_wait3A_1398 : memref<1x1x1x8x128xf32, #tpu.memory_space<hbm>> -> memref<8x128xf32, #tpu.memory_space<hbm>>
        %dma_wait3A_1400 = arith.constant 0 : i32
        %dma_wait3A_1401 = arith.constant 0 : i32
        %dma_wait3A_1402 = tpu.memref_slice %arg10[%dma_wait3A_1383, %dma_wait3A_1384, %dma_wait3A_1400, %dma_wait3A_1401] : memref<4x3x8x129xf32, #tpu.memory_space<vmem>> -> memref<1x1x8x128xf32, #tpu.memory_space<vmem>>
        %dma_wait3A_1403 = tpu.memref_squeeze %dma_wait3A_1402 : memref<1x1x8x128xf32, #tpu.memory_space<vmem>> -> memref<8x128xf32, #tpu.memory_space<vmem>>
        tpu.wait_dma2 semaphore(%arg16 : memref<!tpu.dma_semaphore, #tpu.memory_space<semaphore_mem>>) src(%dma_wait3A_1403 : memref<8x128xf32, #tpu.memory_space<vmem>>) dst(%dma_wait3A_1399 : memref<8x128xf32, #tpu.memory_space<hbm>>)
      } else {
      }
      %parallel_loop3A_1054 = arith.constant 0 : i32
      %parallel_loop3A_1055 = arith.constant 256 : i32
      %parallel_loop3A_1056 = arith.constant 1 : i32
      scf.for %parallel_loop3A_1236 = %parallel_loop3A_1054 to %parallel_loop3A_1055 step %parallel_loop3A_1056  : i32 {
        %parallel_loop3A_1237 = arith.constant 0 : i32
        %parallel_loop3A_1238 = arith.index_cast %parallel_loop3A_1237 : i32 to index
        %parallel_loop3A_1239 = arith.index_cast %parallel_loop3A_1236 : i32 to index
        %parallel_loop3A_1240 = arith.constant 0 : index
        %parallel_loop3A_1241 = tpu.vector_load %arg8[%parallel_loop3A_1238, %parallel_loop3A_1239, %parallel_loop3A_1240] {strides = array<i32>} : memref<5x256x32xf32, #tpu.memory_space<vmem>>, vector<16xf32>,
        %parallel_loop3A_1242 = arith.constant 0 : i32
        %parallel_loop3A_1243 = arith.index_cast %parallel_loop3A_1242 : i32 to index
        %parallel_loop3A_1244 = arith.index_cast %parallel_loop3A_1236 : i32 to index
        %parallel_loop3A_1245 = arith.constant 16 : index
        %parallel_loop3A_1246 = tpu.vector_load %arg8[%parallel_loop3A_1243, %parallel_loop3A_1244, %parallel_loop3A_1245] {strides = array<i32>} : memref<5x256x32xf32, #tpu.memory_space<vmem>>, vector<16xf32>,
        %parallel_loop3A_1247 = arith.constant 1 : i32
        %parallel_loop3A_1248 = arith.index_cast %parallel_loop3A_1247 : i32 to index
        %parallel_loop3A_1249 = arith.index_cast %parallel_loop3A_1236 : i32 to index
        %parallel_loop3A_1250 = arith.constant 0 : index
        %parallel_loop3A_1251 = tpu.vector_load %arg8[%parallel_loop3A_1248, %parallel_loop3A_1249, %parallel_loop3A_1250] {strides = array<i32>} : memref<5x256x32xf32, #tpu.memory_space<vmem>>, vector<16xf32>,
        %parallel_loop3A_1252 = arith.addf %parallel_loop3A_1241, %parallel_loop3A_1251 : vector<16xf32>
        %parallel_loop3A_1253 = arith.constant 1 : i32
        %parallel_loop3A_1254 = arith.index_cast %parallel_loop3A_1253 : i32 to index
        %parallel_loop3A_1255 = arith.index_cast %parallel_loop3A_1236 : i32 to index
        %parallel_loop3A_1256 = arith.constant 16 : index
        %parallel_loop3A_1257 = tpu.vector_load %arg8[%parallel_loop3A_1254, %parallel_loop3A_1255, %parallel_loop3A_1256] {strides = array<i32>} : memref<5x256x32xf32, #tpu.memory_space<vmem>>, vector<16xf32>,
        %parallel_loop3A_1258 = arith.addf %parallel_loop3A_1246, %parallel_loop3A_1257 : vector<16xf32>
        %parallel_loop3A_1259 = arith.constant 2 : i32
        %parallel_loop3A_1260 = arith.index_cast %parallel_loop3A_1259 : i32 to index
        %parallel_loop3A_1261 = arith.index_cast %parallel_loop3A_1236 : i32 to index
        %parallel_loop3A_1262 = arith.constant 0 : index
        %parallel_loop3A_1263 = tpu.vector_load %arg8[%parallel_loop3A_1260, %parallel_loop3A_1261, %parallel_loop3A_1262] {strides = array<i32>} : memref<5x256x32xf32, #tpu.memory_space<vmem>>, vector<16xf32>,
        %parallel_loop3A_1264 = arith.addf %parallel_loop3A_1252, %parallel_loop3A_1263 : vector<16xf32>
        %parallel_loop3A_1265 = arith.constant 2 : i32
        %parallel_loop3A_1266 = arith.index_cast %parallel_loop3A_1265 : i32 to index
        %parallel_loop3A_1267 = arith.index_cast %parallel_loop3A_1236 : i32 to index
        %parallel_loop3A_1268 = arith.constant 16 : index
        %parallel_loop3A_1269 = tpu.vector_load %arg8[%parallel_loop3A_1266, %parallel_loop3A_1267, %parallel_loop3A_1268] {strides = array<i32>} : memref<5x256x32xf32, #tpu.memory_space<vmem>>, vector<16xf32>,
        %parallel_loop3A_1270 = arith.addf %parallel_loop3A_1258, %parallel_loop3A_1269 : vector<16xf32>
        %parallel_loop3A_1271 = arith.constant 3 : i32
        %parallel_loop3A_1272 = arith.index_cast %parallel_loop3A_1271 : i32 to index
        %parallel_loop3A_1273 = arith.index_cast %parallel_loop3A_1236 : i32 to index
        %parallel_loop3A_1274 = arith.constant 0 : index
        %parallel_loop3A_1275 = tpu.vector_load %arg8[%parallel_loop3A_1272, %parallel_loop3A_1273, %parallel_loop3A_1274] {strides = array<i32>} : memref<5x256x32xf32, #tpu.memory_space<vmem>>, vector<16xf32>,
        %parallel_loop3A_1276 = arith.addf %parallel_loop3A_1264, %parallel_loop3A_1275 : vector<16xf32>
        %parallel_loop3A_1277 = arith.constant 3 : i32
        %parallel_loop3A_1278 = arith.index_cast %parallel_loop3A_1277 : i32 to index
        %parallel_loop3A_1279 = arith.index_cast %parallel_loop3A_1236 : i32 to index
        %parallel_loop3A_1280 = arith.constant 16 : index
        %parallel_loop3A_1281 = tpu.vector_load %arg8[%parallel_loop3A_1278, %parallel_loop3A_1279, %parallel_loop3A_1280] {strides = array<i32>} : memref<5x256x32xf32, #tpu.memory_space<vmem>>, vector<16xf32>,
        %parallel_loop3A_1282 = arith.addf %parallel_loop3A_1270, %parallel_loop3A_1281 : vector<16xf32>
        %parallel_loop3A_1283 = arith.constant 4 : i32
        %parallel_loop3A_1284 = arith.index_cast %parallel_loop3A_1283 : i32 to index
        %parallel_loop3A_1285 = arith.index_cast %parallel_loop3A_1236 : i32 to index
        %parallel_loop3A_1286 = arith.constant 0 : index
        %parallel_loop3A_1287 = tpu.vector_load %arg8[%parallel_loop3A_1284, %parallel_loop3A_1285, %parallel_loop3A_1286] {strides = array<i32>} : memref<5x256x32xf32, #tpu.memory_space<vmem>>, vector<16xf32>,
        %parallel_loop3A_1288 = arith.addf %parallel_loop3A_1276, %parallel_loop3A_1287 : vector<16xf32>
        %parallel_loop3A_1289 = arith.constant 4 : i32
        %parallel_loop3A_1290 = arith.index_cast %parallel_loop3A_1289 : i32 to index
        %parallel_loop3A_1291 = arith.index_cast %parallel_loop3A_1236 : i32 to index
        %parallel_loop3A_1292 = arith.constant 16 : index
        %parallel_loop3A_1293 = tpu.vector_load %arg8[%parallel_loop3A_1290, %parallel_loop3A_1291, %parallel_loop3A_1292] {strides = array<i32>} : memref<5x256x32xf32, #tpu.memory_space<vmem>>, vector<16xf32>,
        %parallel_loop3A_1294 = arith.addf %parallel_loop3A_1282, %parallel_loop3A_1293 : vector<16xf32>
        %parallel_loop3A_1295 = arith.constant 7 : i32
        %parallel_loop3A_1296 = arith.shrsi %parallel_loop3A_1236, %parallel_loop3A_1295 : i32
        %parallel_loop3A_1297 = vector.broadcast %parallel_loop3A_1296 : i32 to vector<16xi32>
        %parallel_loop3A_1298 = arith.addi %and3A_12, %parallel_loop3A_1297 : vector<16xi32>
        %parallel_loop3A_1299 = arith.constant 127 : i32
        %parallel_loop3A_1300 = arith.andi %parallel_loop3A_1236, %parallel_loop3A_1299 : i32
        %parallel_loop3A_1301 = vector.broadcast %parallel_loop3A_1300 : i32 to vector<16xi32>
        %parallel_loop3A_1302 = arith.addi %and3A_12, %parallel_loop3A_1301 : vector<16xi32>
        tpu.vector_store_idx %arg10[%shift_right_arithmetic3A_4, %parallel_loop3A_1298, %and3A_9, %parallel_loop3A_1302], %parallel_loop3A_1288 : memref<4x3x8x129xf32, #tpu.memory_space<vmem>>[vector<16xi32>, vector<16xi32>, vector<16xi32>, vector<16xi32>], vector<16xf32>,
        tpu.vector_store_idx %arg10[%add3A_7, %parallel_loop3A_1298, %and3A_9, %parallel_loop3A_1302], %parallel_loop3A_1294 : memref<4x3x8x129xf32, #tpu.memory_space<vmem>>[vector<16xi32>, vector<16xi32>, vector<16xi32>, vector<16xi32>], vector<16xf32>,
      } {sc.loop_unroll_factor = 8 : i64, sc.parallel_access}
      %add3A_1057 = arith.constant 1 : i32
      %add3A_1058 = arith.addi %mul3A_666, %add3A_1057 : i32
      %shift_right_arithmetic3A_1059 = arith.constant 1 : i32
      %shift_right_arithmetic3A_1060 = arith.shrsi %add3A_1058, %shift_right_arithmetic3A_1059 : i32
      %and3A_1061 = arith.constant 1 : i32
      %and3A_1062 = arith.andi %add3A_1058, %and3A_1061 : i32
      %mul3A_1063 = arith.constant 256 : i32
      %mul3A_1064 = arith.muli %and3A_1062, %mul3A_1063 : i32
      %add3A_1065 = arith.addi %mul3A_2, %mul3A_1064 : i32
      %shift_right_arithmetic3A_1066 = arith.constant 7 : i32
      %shift_right_arithmetic3A_1067 = arith.shrsi %add3A_1065, %shift_right_arithmetic3A_1066 : i32
      %add3A_1068 = arith.constant 0 : i32
      %add3A_1069 = arith.addi %shift_right_arithmetic3A_1067, %add3A_1068 : i32
      %dma_start3A_1070 = arith.constant 0 : i32
      %dma_start3A_1071 = arith.constant 0 : i32
      %dma_start3A_1072 = arith.constant 0 : i32
      %dma_start3A_1073 = arith.constant 0 : i32
      %dma_start3A_1074 = arith.constant 0 : i32
      %dma_start3A_1075 = tpu.memref_slice %arg10[%dma_start3A_1070, %dma_start3A_1071, %dma_start3A_1073, %dma_start3A_1074] : memref<4x3x8x129xf32, #tpu.memory_space<vmem>> -> memref<1x1x8x128xf32, #tpu.memory_space<vmem>>
      %dma_start3A_1076 = tpu.memref_squeeze %dma_start3A_1075 : memref<1x1x8x128xf32, #tpu.memory_space<vmem>> -> memref<8x128xf32, #tpu.memory_space<vmem>>
      %dma_start3A_1077 = arith.constant 0 : i32
      %dma_start3A_1078 = arith.constant 0 : i32
      %dma_start3A_1079 = tpu.memref_slice %arg4[%shift_right_arithmetic3A_1060, %dma_start3A_1072, %add3A_1069, %dma_start3A_1077, %dma_start3A_1078] : memref<50x4x128x8x128xf32, #tpu.memory_space<hbm>> -> memref<1x1x1x8x128xf32, #tpu.memory_space<hbm>>
      %dma_start3A_1080 = tpu.memref_squeeze %dma_start3A_1079 : memref<1x1x1x8x128xf32, #tpu.memory_space<hbm>> -> memref<8x128xf32, #tpu.memory_space<hbm>>
      %dma_start3A_1081 = arith.constant 0 : i32
      %dma_start3A_1082 = arith.constant 0 : i32
      %dma_start3A_1083 = tpu.memref_slice %arg4[%shift_right_arithmetic3A_1060, %dma_start3A_1072, %add3A_1069, %dma_start3A_1081, %dma_start3A_1082] : memref<50x4x128x8x128xf32, #tpu.memory_space<hbm>> -> memref<1x1x1x8x128xf32, #tpu.memory_space<hbm>>
      %dma_start3A_1084 = tpu.memref_squeeze %dma_start3A_1083 : memref<1x1x1x8x128xf32, #tpu.memory_space<hbm>> -> memref<8x128xf32, #tpu.memory_space<hbm>>
      %dma_start3A_1085 = arith.constant 0 : i32
      %dma_start3A_1086 = arith.constant 0 : i32
      %dma_start3A_1087 = tpu.memref_slice %arg10[%dma_start3A_1070, %dma_start3A_1071, %dma_start3A_1085, %dma_start3A_1086] : memref<4x3x8x129xf32, #tpu.memory_space<vmem>> -> memref<1x1x8x128xf32, #tpu.memory_space<vmem>>
      %dma_start3A_1088 = tpu.memref_squeeze %dma_start3A_1087 : memref<1x1x8x128xf32, #tpu.memory_space<vmem>> -> memref<8x128xf32, #tpu.memory_space<vmem>>
      tpu.enqueue_dma source(%dma_start3A_1088 : memref<8x128xf32, #tpu.memory_space<vmem>>) target(%dma_start3A_1084 : memref<8x128xf32, #tpu.memory_space<hbm>>) target_semaphore(%arg16 : memref<!tpu.dma_semaphore, #tpu.memory_space<semaphore_mem>>)
      %add3A_1089 = arith.constant 1 : i32
      %add3A_1090 = arith.addi %shift_right_arithmetic3A_1067, %add3A_1089 : i32
      %dma_start3A_1091 = arith.constant 0 : i32
      %dma_start3A_1092 = arith.constant 1 : i32
      %dma_start3A_1093 = arith.constant 0 : i32
      %dma_start3A_1094 = arith.constant 0 : i32
      %dma_start3A_1095 = arith.constant 0 : i32
      %dma_start3A_1096 = tpu.memref_slice %arg10[%dma_start3A_1091, %dma_start3A_1092, %dma_start3A_1094, %dma_start3A_1095] : memref<4x3x8x129xf32, #tpu.memory_space<vmem>> -> memref<1x1x8x128xf32, #tpu.memory_space<vmem>>
      %dma_start3A_1097 = tpu.memref_squeeze %dma_start3A_1096 : memref<1x1x8x128xf32, #tpu.memory_space<vmem>> -> memref<8x128xf32, #tpu.memory_space<vmem>>
      %dma_start3A_1098 = arith.constant 0 : i32
      %dma_start3A_1099 = arith.constant 0 : i32
      %dma_start3A_1100 = tpu.memref_slice %arg4[%shift_right_arithmetic3A_1060, %dma_start3A_1093, %add3A_1090, %dma_start3A_1098, %dma_start3A_1099] : memref<50x4x128x8x128xf32, #tpu.memory_space<hbm>> -> memref<1x1x1x8x128xf32, #tpu.memory_space<hbm>>
      %dma_start3A_1101 = tpu.memref_squeeze %dma_start3A_1100 : memref<1x1x1x8x128xf32, #tpu.memory_space<hbm>> -> memref<8x128xf32, #tpu.memory_space<hbm>>
      %dma_start3A_1102 = arith.constant 0 : i32
      %dma_start3A_1103 = arith.constant 0 : i32
      %dma_start3A_1104 = tpu.memref_slice %arg4[%shift_right_arithmetic3A_1060, %dma_start3A_1093, %add3A_1090, %dma_start3A_1102, %dma_start3A_1103] : memref<50x4x128x8x128xf32, #tpu.memory_space<hbm>> -> memref<1x1x1x8x128xf32, #tpu.memory_space<hbm>>
      %dma_start3A_1105 = tpu.memref_squeeze %dma_start3A_1104 : memref<1x1x1x8x128xf32, #tpu.memory_space<hbm>> -> memref<8x128xf32, #tpu.memory_space<hbm>>
      %dma_start3A_1106 = arith.constant 0 : i32
      %dma_start3A_1107 = arith.constant 0 : i32
      %dma_start3A_1108 = tpu.memref_slice %arg10[%dma_start3A_1091, %dma_start3A_1092, %dma_start3A_1106, %dma_start3A_1107] : memref<4x3x8x129xf32, #tpu.memory_space<vmem>> -> memref<1x1x8x128xf32, #tpu.memory_space<vmem>>
      %dma_start3A_1109 = tpu.memref_squeeze %dma_start3A_1108 : memref<1x1x8x128xf32, #tpu.memory_space<vmem>> -> memref<8x128xf32, #tpu.memory_space<vmem>>
      tpu.enqueue_dma source(%dma_start3A_1109 : memref<8x128xf32, #tpu.memory_space<vmem>>) target(%dma_start3A_1105 : memref<8x128xf32, #tpu.memory_space<hbm>>) target_semaphore(%arg16 : memref<!tpu.dma_semaphore, #tpu.memory_space<semaphore_mem>>)
      %add3A_1110 = arith.constant 0 : i32
      %add3A_1111 = arith.addi %shift_right_arithmetic3A_1067, %add3A_1110 : i32
      %dma_start3A_1112 = arith.constant 1 : i32
      %dma_start3A_1113 = arith.constant 0 : i32
      %dma_start3A_1114 = arith.constant 1 : i32
      %dma_start3A_1115 = arith.constant 0 : i32
      %dma_start3A_1116 = arith.constant 0 : i32
      %dma_start3A_1117 = tpu.memref_slice %arg10[%dma_start3A_1112, %dma_start3A_1113, %dma_start3A_1115, %dma_start3A_1116] : memref<4x3x8x129xf32, #tpu.memory_space<vmem>> -> memref<1x1x8x128xf32, #tpu.memory_space<vmem>>
      %dma_start3A_1118 = tpu.memref_squeeze %dma_start3A_1117 : memref<1x1x8x128xf32, #tpu.memory_space<vmem>> -> memref<8x128xf32, #tpu.memory_space<vmem>>
      %dma_start3A_1119 = arith.constant 0 : i32
      %dma_start3A_1120 = arith.constant 0 : i32
      %dma_start3A_1121 = tpu.memref_slice %arg4[%shift_right_arithmetic3A_1060, %dma_start3A_1114, %add3A_1111, %dma_start3A_1119, %dma_start3A_1120] : memref<50x4x128x8x128xf32, #tpu.memory_space<hbm>> -> memref<1x1x1x8x128xf32, #tpu.memory_space<hbm>>
      %dma_start3A_1122 = tpu.memref_squeeze %dma_start3A_1121 : memref<1x1x1x8x128xf32, #tpu.memory_space<hbm>> -> memref<8x128xf32, #tpu.memory_space<hbm>>
      %dma_start3A_1123 = arith.constant 0 : i32
      %dma_start3A_1124 = arith.constant 0 : i32
      %dma_start3A_1125 = tpu.memref_slice %arg4[%shift_right_arithmetic3A_1060, %dma_start3A_1114, %add3A_1111, %dma_start3A_1123, %dma_start3A_1124] : memref<50x4x128x8x128xf32, #tpu.memory_space<hbm>> -> memref<1x1x1x8x128xf32, #tpu.memory_space<hbm>>
      %dma_start3A_1126 = tpu.memref_squeeze %dma_start3A_1125 : memref<1x1x1x8x128xf32, #tpu.memory_space<hbm>> -> memref<8x128xf32, #tpu.memory_space<hbm>>
      %dma_start3A_1127 = arith.constant 0 : i32
      %dma_start3A_1128 = arith.constant 0 : i32
      %dma_start3A_1129 = tpu.memref_slice %arg10[%dma_start3A_1112, %dma_start3A_1113, %dma_start3A_1127, %dma_start3A_1128] : memref<4x3x8x129xf32, #tpu.memory_space<vmem>> -> memref<1x1x8x128xf32, #tpu.memory_space<vmem>>
      %dma_start3A_1130 = tpu.memref_squeeze %dma_start3A_1129 : memref<1x1x8x128xf32, #tpu.memory_space<vmem>> -> memref<8x128xf32, #tpu.memory_space<vmem>>
      tpu.enqueue_dma source(%dma_start3A_1130 : memref<8x128xf32, #tpu.memory_space<vmem>>) target(%dma_start3A_1126 : memref<8x128xf32, #tpu.memory_space<hbm>>) target_semaphore(%arg16 : memref<!tpu.dma_semaphore, #tpu.memory_space<semaphore_mem>>)
      %add3A_1131 = arith.constant 1 : i32
      %add3A_1132 = arith.addi %shift_right_arithmetic3A_1067, %add3A_1131 : i32
      %dma_start3A_1133 = arith.constant 1 : i32
      %dma_start3A_1134 = arith.constant 1 : i32
      %dma_start3A_1135 = arith.constant 1 : i32
      %dma_start3A_1136 = arith.constant 0 : i32
      %dma_start3A_1137 = arith.constant 0 : i32
      %dma_start3A_1138 = tpu.memref_slice %arg10[%dma_start3A_1133, %dma_start3A_1134, %dma_start3A_1136, %dma_start3A_1137] : memref<4x3x8x129xf32, #tpu.memory_space<vmem>> -> memref<1x1x8x128xf32, #tpu.memory_space<vmem>>
      %dma_start3A_1139 = tpu.memref_squeeze %dma_start3A_1138 : memref<1x1x8x128xf32, #tpu.memory_space<vmem>> -> memref<8x128xf32, #tpu.memory_space<vmem>>
      %dma_start3A_1140 = arith.constant 0 : i32
      %dma_start3A_1141 = arith.constant 0 : i32
      %dma_start3A_1142 = tpu.memref_slice %arg4[%shift_right_arithmetic3A_1060, %dma_start3A_1135, %add3A_1132, %dma_start3A_1140, %dma_start3A_1141] : memref<50x4x128x8x128xf32, #tpu.memory_space<hbm>> -> memref<1x1x1x8x128xf32, #tpu.memory_space<hbm>>
      %dma_start3A_1143 = tpu.memref_squeeze %dma_start3A_1142 : memref<1x1x1x8x128xf32, #tpu.memory_space<hbm>> -> memref<8x128xf32, #tpu.memory_space<hbm>>
      %dma_start3A_1144 = arith.constant 0 : i32
      %dma_start3A_1145 = arith.constant 0 : i32
      %dma_start3A_1146 = tpu.memref_slice %arg4[%shift_right_arithmetic3A_1060, %dma_start3A_1135, %add3A_1132, %dma_start3A_1144, %dma_start3A_1145] : memref<50x4x128x8x128xf32, #tpu.memory_space<hbm>> -> memref<1x1x1x8x128xf32, #tpu.memory_space<hbm>>
      %dma_start3A_1147 = tpu.memref_squeeze %dma_start3A_1146 : memref<1x1x1x8x128xf32, #tpu.memory_space<hbm>> -> memref<8x128xf32, #tpu.memory_space<hbm>>
      %dma_start3A_1148 = arith.constant 0 : i32
      %dma_start3A_1149 = arith.constant 0 : i32
      %dma_start3A_1150 = tpu.memref_slice %arg10[%dma_start3A_1133, %dma_start3A_1134, %dma_start3A_1148, %dma_start3A_1149] : memref<4x3x8x129xf32, #tpu.memory_space<vmem>> -> memref<1x1x8x128xf32, #tpu.memory_space<vmem>>
      %dma_start3A_1151 = tpu.memref_squeeze %dma_start3A_1150 : memref<1x1x8x128xf32, #tpu.memory_space<vmem>> -> memref<8x128xf32, #tpu.memory_space<vmem>>
      tpu.enqueue_dma source(%dma_start3A_1151 : memref<8x128xf32, #tpu.memory_space<vmem>>) target(%dma_start3A_1147 : memref<8x128xf32, #tpu.memory_space<hbm>>) target_semaphore(%arg16 : memref<!tpu.dma_semaphore, #tpu.memory_space<semaphore_mem>>)
      %add3A_1152 = arith.constant 0 : i32
      %add3A_1153 = arith.addi %shift_right_arithmetic3A_1067, %add3A_1152 : i32
      %dma_start3A_1154 = arith.constant 2 : i32
      %dma_start3A_1155 = arith.constant 0 : i32
      %dma_start3A_1156 = arith.constant 2 : i32
      %dma_start3A_1157 = arith.constant 0 : i32
      %dma_start3A_1158 = arith.constant 0 : i32
      %dma_start3A_1159 = tpu.memref_slice %arg10[%dma_start3A_1154, %dma_start3A_1155, %dma_start3A_1157, %dma_start3A_1158] : memref<4x3x8x129xf32, #tpu.memory_space<vmem>> -> memref<1x1x8x128xf32, #tpu.memory_space<vmem>>
      %dma_start3A_1160 = tpu.memref_squeeze %dma_start3A_1159 : memref<1x1x8x128xf32, #tpu.memory_space<vmem>> -> memref<8x128xf32, #tpu.memory_space<vmem>>
      %dma_start3A_1161 = arith.constant 0 : i32
      %dma_start3A_1162 = arith.constant 0 : i32
      %dma_start3A_1163 = tpu.memref_slice %arg4[%shift_right_arithmetic3A_1060, %dma_start3A_1156, %add3A_1153, %dma_start3A_1161, %dma_start3A_1162] : memref<50x4x128x8x128xf32, #tpu.memory_space<hbm>> -> memref<1x1x1x8x128xf32, #tpu.memory_space<hbm>>
      %dma_start3A_1164 = tpu.memref_squeeze %dma_start3A_1163 : memref<1x1x1x8x128xf32, #tpu.memory_space<hbm>> -> memref<8x128xf32, #tpu.memory_space<hbm>>
      %dma_start3A_1165 = arith.constant 0 : i32
      %dma_start3A_1166 = arith.constant 0 : i32
      %dma_start3A_1167 = tpu.memref_slice %arg4[%shift_right_arithmetic3A_1060, %dma_start3A_1156, %add3A_1153, %dma_start3A_1165, %dma_start3A_1166] : memref<50x4x128x8x128xf32, #tpu.memory_space<hbm>> -> memref<1x1x1x8x128xf32, #tpu.memory_space<hbm>>
      %dma_start3A_1168 = tpu.memref_squeeze %dma_start3A_1167 : memref<1x1x1x8x128xf32, #tpu.memory_space<hbm>> -> memref<8x128xf32, #tpu.memory_space<hbm>>
      %dma_start3A_1169 = arith.constant 0 : i32
      %dma_start3A_1170 = arith.constant 0 : i32
      %dma_start3A_1171 = tpu.memref_slice %arg10[%dma_start3A_1154, %dma_start3A_1155, %dma_start3A_1169, %dma_start3A_1170] : memref<4x3x8x129xf32, #tpu.memory_space<vmem>> -> memref<1x1x8x128xf32, #tpu.memory_space<vmem>>
      %dma_start3A_1172 = tpu.memref_squeeze %dma_start3A_1171 : memref<1x1x8x128xf32, #tpu.memory_space<vmem>> -> memref<8x128xf32, #tpu.memory_space<vmem>>
      tpu.enqueue_dma source(%dma_start3A_1172 : memref<8x128xf32, #tpu.memory_space<vmem>>) target(%dma_start3A_1168 : memref<8x128xf32, #tpu.memory_space<hbm>>) target_semaphore(%arg16 : memref<!tpu.dma_semaphore, #tpu.memory_space<semaphore_mem>>)
      %add3A_1173 = arith.constant 1 : i32
      %add3A_1174 = arith.addi %shift_right_arithmetic3A_1067, %add3A_1173 : i32
      %dma_start3A_1175 = arith.constant 2 : i32
      %dma_start3A_1176 = arith.constant 1 : i32
      %dma_start3A_1177 = arith.constant 2 : i32
      %dma_start3A_1178 = arith.constant 0 : i32
      %dma_start3A_1179 = arith.constant 0 : i32
      %dma_start3A_1180 = tpu.memref_slice %arg10[%dma_start3A_1175, %dma_start3A_1176, %dma_start3A_1178, %dma_start3A_1179] : memref<4x3x8x129xf32, #tpu.memory_space<vmem>> -> memref<1x1x8x128xf32, #tpu.memory_space<vmem>>
      %dma_start3A_1181 = tpu.memref_squeeze %dma_start3A_1180 : memref<1x1x8x128xf32, #tpu.memory_space<vmem>> -> memref<8x128xf32, #tpu.memory_space<vmem>>
      %dma_start3A_1182 = arith.constant 0 : i32
      %dma_start3A_1183 = arith.constant 0 : i32
      %dma_start3A_1184 = tpu.memref_slice %arg4[%shift_right_arithmetic3A_1060, %dma_start3A_1177, %add3A_1174, %dma_start3A_1182, %dma_start3A_1183] : memref<50x4x128x8x128xf32, #tpu.memory_space<hbm>> -> memref<1x1x1x8x128xf32, #tpu.memory_space<hbm>>
      %dma_start3A_1185 = tpu.memref_squeeze %dma_start3A_1184 : memref<1x1x1x8x128xf32, #tpu.memory_space<hbm>> -> memref<8x128xf32, #tpu.memory_space<hbm>>
      %dma_start3A_1186 = arith.constant 0 : i32
      %dma_start3A_1187 = arith.constant 0 : i32
      %dma_start3A_1188 = tpu.memref_slice %arg4[%shift_right_arithmetic3A_1060, %dma_start3A_1177, %add3A_1174, %dma_start3A_1186, %dma_start3A_1187] : memref<50x4x128x8x128xf32, #tpu.memory_space<hbm>> -> memref<1x1x1x8x128xf32, #tpu.memory_space<hbm>>
      %dma_start3A_1189 = tpu.memref_squeeze %dma_start3A_1188 : memref<1x1x1x8x128xf32, #tpu.memory_space<hbm>> -> memref<8x128xf32, #tpu.memory_space<hbm>>
      %dma_start3A_1190 = arith.constant 0 : i32
      %dma_start3A_1191 = arith.constant 0 : i32
      %dma_start3A_1192 = tpu.memref_slice %arg10[%dma_start3A_1175, %dma_start3A_1176, %dma_start3A_1190, %dma_start3A_1191] : memref<4x3x8x129xf32, #tpu.memory_space<vmem>> -> memref<1x1x8x128xf32, #tpu.memory_space<vmem>>
      %dma_start3A_1193 = tpu.memref_squeeze %dma_start3A_1192 : memref<1x1x8x128xf32, #tpu.memory_space<vmem>> -> memref<8x128xf32, #tpu.memory_space<vmem>>
      tpu.enqueue_dma source(%dma_start3A_1193 : memref<8x128xf32, #tpu.memory_space<vmem>>) target(%dma_start3A_1189 : memref<8x128xf32, #tpu.memory_space<hbm>>) target_semaphore(%arg16 : memref<!tpu.dma_semaphore, #tpu.memory_space<semaphore_mem>>)
      %add3A_1194 = arith.constant 0 : i32
      %add3A_1195 = arith.addi %shift_right_arithmetic3A_1067, %add3A_1194 : i32
      %dma_start3A_1196 = arith.constant 3 : i32
      %dma_start3A_1197 = arith.constant 0 : i32
      %dma_start3A_1198 = arith.constant 3 : i32
      %dma_start3A_1199 = arith.constant 0 : i32
      %dma_start3A_1200 = arith.constant 0 : i32
      %dma_start3A_1201 = tpu.memref_slice %arg10[%dma_start3A_1196, %dma_start3A_1197, %dma_start3A_1199, %dma_start3A_1200] : memref<4x3x8x129xf32, #tpu.memory_space<vmem>> -> memref<1x1x8x128xf32, #tpu.memory_space<vmem>>
      %dma_start3A_1202 = tpu.memref_squeeze %dma_start3A_1201 : memref<1x1x8x128xf32, #tpu.memory_space<vmem>> -> memref<8x128xf32, #tpu.memory_space<vmem>>
      %dma_start3A_1203 = arith.constant 0 : i32
      %dma_start3A_1204 = arith.constant 0 : i32
      %dma_start3A_1205 = tpu.memref_slice %arg4[%shift_right_arithmetic3A_1060, %dma_start3A_1198, %add3A_1195, %dma_start3A_1203, %dma_start3A_1204] : memref<50x4x128x8x128xf32, #tpu.memory_space<hbm>> -> memref<1x1x1x8x128xf32, #tpu.memory_space<hbm>>
      %dma_start3A_1206 = tpu.memref_squeeze %dma_start3A_1205 : memref<1x1x1x8x128xf32, #tpu.memory_space<hbm>> -> memref<8x128xf32, #tpu.memory_space<hbm>>
      %dma_start3A_1207 = arith.constant 0 : i32
      %dma_start3A_1208 = arith.constant 0 : i32
      %dma_start3A_1209 = tpu.memref_slice %arg4[%shift_right_arithmetic3A_1060, %dma_start3A_1198, %add3A_1195, %dma_start3A_1207, %dma_start3A_1208] : memref<50x4x128x8x128xf32, #tpu.memory_space<hbm>> -> memref<1x1x1x8x128xf32, #tpu.memory_space<hbm>>
      %dma_start3A_1210 = tpu.memref_squeeze %dma_start3A_1209 : memref<1x1x1x8x128xf32, #tpu.memory_space<hbm>> -> memref<8x128xf32, #tpu.memory_space<hbm>>
      %dma_start3A_1211 = arith.constant 0 : i32
      %dma_start3A_1212 = arith.constant 0 : i32
      %dma_start3A_1213 = tpu.memref_slice %arg10[%dma_start3A_1196, %dma_start3A_1197, %dma_start3A_1211, %dma_start3A_1212] : memref<4x3x8x129xf32, #tpu.memory_space<vmem>> -> memref<1x1x8x128xf32, #tpu.memory_space<vmem>>
      %dma_start3A_1214 = tpu.memref_squeeze %dma_start3A_1213 : memref<1x1x8x128xf32, #tpu.memory_space<vmem>> -> memref<8x128xf32, #tpu.memory_space<vmem>>
      tpu.enqueue_dma source(%dma_start3A_1214 : memref<8x128xf32, #tpu.memory_space<vmem>>) target(%dma_start3A_1210 : memref<8x128xf32, #tpu.memory_space<hbm>>) target_semaphore(%arg16 : memref<!tpu.dma_semaphore, #tpu.memory_space<semaphore_mem>>)
      %add3A_1215 = arith.constant 1 : i32
      %add3A_1216 = arith.addi %shift_right_arithmetic3A_1067, %add3A_1215 : i32
      %dma_start3A_1217 = arith.constant 3 : i32
      %dma_start3A_1218 = arith.constant 1 : i32
      %dma_start3A_1219 = arith.constant 3 : i32
      %dma_start3A_1220 = arith.constant 0 : i32
      %dma_start3A_1221 = arith.constant 0 : i32
      %dma_start3A_1222 = tpu.memref_slice %arg10[%dma_start3A_1217, %dma_start3A_1218, %dma_start3A_1220, %dma_start3A_1221] : memref<4x3x8x129xf32, #tpu.memory_space<vmem>> -> memref<1x1x8x128xf32, #tpu.memory_space<vmem>>
      %dma_start3A_1223 = tpu.memref_squeeze %dma_start3A_1222 : memref<1x1x8x128xf32, #tpu.memory_space<vmem>> -> memref<8x128xf32, #tpu.memory_space<vmem>>
      %dma_start3A_1224 = arith.constant 0 : i32
      %dma_start3A_1225 = arith.constant 0 : i32
      %dma_start3A_1226 = tpu.memref_slice %arg4[%shift_right_arithmetic3A_1060, %dma_start3A_1219, %add3A_1216, %dma_start3A_1224, %dma_start3A_1225] : memref<50x4x128x8x128xf32, #tpu.memory_space<hbm>> -> memref<1x1x1x8x128xf32, #tpu.memory_space<hbm>>
      %dma_start3A_1227 = tpu.memref_squeeze %dma_start3A_1226 : memref<1x1x1x8x128xf32, #tpu.memory_space<hbm>> -> memref<8x128xf32, #tpu.memory_space<hbm>>
      %dma_start3A_1228 = arith.constant 0 : i32
      %dma_start3A_1229 = arith.constant 0 : i32
      %dma_start3A_1230 = tpu.memref_slice %arg4[%shift_right_arithmetic3A_1060, %dma_start3A_1219, %add3A_1216, %dma_start3A_1228, %dma_start3A_1229] : memref<50x4x128x8x128xf32, #tpu.memory_space<hbm>> -> memref<1x1x1x8x128xf32, #tpu.memory_space<hbm>>
      %dma_start3A_1231 = tpu.memref_squeeze %dma_start3A_1230 : memref<1x1x1x8x128xf32, #tpu.memory_space<hbm>> -> memref<8x128xf32, #tpu.memory_space<hbm>>
      %dma_start3A_1232 = arith.constant 0 : i32
      %dma_start3A_1233 = arith.constant 0 : i32
      %dma_start3A_1234 = tpu.memref_slice %arg10[%dma_start3A_1217, %dma_start3A_1218, %dma_start3A_1232, %dma_start3A_1233] : memref<4x3x8x129xf32, #tpu.memory_space<vmem>> -> memref<1x1x8x128xf32, #tpu.memory_space<vmem>>
      %dma_start3A_1235 = tpu.memref_squeeze %dma_start3A_1234 : memref<1x1x8x128xf32, #tpu.memory_space<vmem>> -> memref<8x128xf32, #tpu.memory_space<vmem>>
      tpu.enqueue_dma source(%dma_start3A_1235 : memref<8x128xf32, #tpu.memory_space<vmem>>) target(%dma_start3A_1231 : memref<8x128xf32, #tpu.memory_space<hbm>>) target_semaphore(%arg16 : memref<!tpu.dma_semaphore, #tpu.memory_space<semaphore_mem>>)
    }
    %scan3A_327 = arith.constant 50 : i32
    %dma_wait3A_328 = arith.constant 0 : i32
    %dma_wait3A_329 = arith.constant 0 : i32
    %dma_wait3A_330 = arith.constant 0 : i32
    %dma_wait3A_331 = arith.constant 0 : i32
    %dma_wait3A_332 = arith.constant 0 : i32
    %dma_wait3A_333 = arith.constant 0 : i32
    %dma_wait3A_334 = arith.constant 0 : i32
    %dma_wait3A_335 = tpu.memref_slice %arg9[%dma_wait3A_328, %dma_wait3A_329, %dma_wait3A_333, %dma_wait3A_334] : memref<4x3x8x129xf32, #tpu.memory_space<vmem>> -> memref<1x1x8x128xf32, #tpu.memory_space<vmem>>
    %dma_wait3A_336 = tpu.memref_squeeze %dma_wait3A_335 : memref<1x1x8x128xf32, #tpu.memory_space<vmem>> -> memref<8x128xf32, #tpu.memory_space<vmem>>
    %dma_wait3A_337 = arith.constant 0 : i32
    %dma_wait3A_338 = arith.constant 0 : i32
    %dma_wait3A_339 = tpu.memref_slice %arg4[%dma_wait3A_330, %dma_wait3A_331, %dma_wait3A_332, %dma_wait3A_337, %dma_wait3A_338] : memref<50x4x128x8x128xf32, #tpu.memory_space<hbm>> -> memref<1x1x1x8x128xf32, #tpu.memory_space<hbm>>
    %dma_wait3A_340 = tpu.memref_squeeze %dma_wait3A_339 : memref<1x1x1x8x128xf32, #tpu.memory_space<hbm>> -> memref<8x128xf32, #tpu.memory_space<hbm>>
    %dma_wait3A_341 = arith.constant 0 : i32
    %dma_wait3A_342 = arith.constant 0 : i32
    %dma_wait3A_343 = tpu.memref_slice %arg4[%dma_wait3A_330, %dma_wait3A_331, %dma_wait3A_332, %dma_wait3A_341, %dma_wait3A_342] : memref<50x4x128x8x128xf32, #tpu.memory_space<hbm>> -> memref<1x1x1x8x128xf32, #tpu.memory_space<hbm>>
    %dma_wait3A_344 = tpu.memref_squeeze %dma_wait3A_343 : memref<1x1x1x8x128xf32, #tpu.memory_space<hbm>> -> memref<8x128xf32, #tpu.memory_space<hbm>>
    %dma_wait3A_345 = arith.constant 0 : i32
    %dma_wait3A_346 = arith.constant 0 : i32
    %dma_wait3A_347 = tpu.memref_slice %arg9[%dma_wait3A_328, %dma_wait3A_329, %dma_wait3A_345, %dma_wait3A_346] : memref<4x3x8x129xf32, #tpu.memory_space<vmem>> -> memref<1x1x8x128xf32, #tpu.memory_space<vmem>>
    %dma_wait3A_348 = tpu.memref_squeeze %dma_wait3A_347 : memref<1x1x8x128xf32, #tpu.memory_space<vmem>> -> memref<8x128xf32, #tpu.memory_space<vmem>>
    tpu.wait_dma2 semaphore(%arg15 : memref<!tpu.dma_semaphore, #tpu.memory_space<semaphore_mem>>) src(%dma_wait3A_348 : memref<8x128xf32, #tpu.memory_space<vmem>>) dst(%dma_wait3A_344 : memref<8x128xf32, #tpu.memory_space<hbm>>)
    %dma_wait3A_349 = arith.constant 0 : i32
    %dma_wait3A_350 = arith.constant 0 : i32
    %dma_wait3A_351 = arith.constant 0 : i32
    %dma_wait3A_352 = arith.constant 0 : i32
    %dma_wait3A_353 = arith.constant 0 : i32
    %dma_wait3A_354 = arith.constant 0 : i32
    %dma_wait3A_355 = arith.constant 0 : i32
    %dma_wait3A_356 = tpu.memref_slice %arg9[%dma_wait3A_349, %dma_wait3A_350, %dma_wait3A_354, %dma_wait3A_355] : memref<4x3x8x129xf32, #tpu.memory_space<vmem>> -> memref<1x1x8x128xf32, #tpu.memory_space<vmem>>
    %dma_wait3A_357 = tpu.memref_squeeze %dma_wait3A_356 : memref<1x1x8x128xf32, #tpu.memory_space<vmem>> -> memref<8x128xf32, #tpu.memory_space<vmem>>
    %dma_wait3A_358 = arith.constant 0 : i32
    %dma_wait3A_359 = arith.constant 0 : i32
    %dma_wait3A_360 = tpu.memref_slice %arg4[%dma_wait3A_351, %dma_wait3A_352, %dma_wait3A_353, %dma_wait3A_358, %dma_wait3A_359] : memref<50x4x128x8x128xf32, #tpu.memory_space<hbm>> -> memref<1x1x1x8x128xf32, #tpu.memory_space<hbm>>
    %dma_wait3A_361 = tpu.memref_squeeze %dma_wait3A_360 : memref<1x1x1x8x128xf32, #tpu.memory_space<hbm>> -> memref<8x128xf32, #tpu.memory_space<hbm>>
    %dma_wait3A_362 = arith.constant 0 : i32
    %dma_wait3A_363 = arith.constant 0 : i32
    %dma_wait3A_364 = tpu.memref_slice %arg4[%dma_wait3A_351, %dma_wait3A_352, %dma_wait3A_353, %dma_wait3A_362, %dma_wait3A_363] : memref<50x4x128x8x128xf32, #tpu.memory_space<hbm>> -> memref<1x1x1x8x128xf32, #tpu.memory_space<hbm>>
    %dma_wait3A_365 = tpu.memref_squeeze %dma_wait3A_364 : memref<1x1x1x8x128xf32, #tpu.memory_space<hbm>> -> memref<8x128xf32, #tpu.memory_space<hbm>>
    %dma_wait3A_366 = arith.constant 0 : i32
    %dma_wait3A_367 = arith.constant 0 : i32
    %dma_wait3A_368 = tpu.memref_slice %arg9[%dma_wait3A_349, %dma_wait3A_350, %dma_wait3A_366, %dma_wait3A_367] : memref<4x3x8x129xf32, #tpu.memory_space<vmem>> -> memref<1x1x8x128xf32, #tpu.memory_space<vmem>>
    %dma_wait3A_369 = tpu.memref_squeeze %dma_wait3A_368 : memref<1x1x8x128xf32, #tpu.memory_space<vmem>> -> memref<8x128xf32, #tpu.memory_space<vmem>>
    tpu.wait_dma2 semaphore(%arg15 : memref<!tpu.dma_semaphore, #tpu.memory_space<semaphore_mem>>) src(%dma_wait3A_369 : memref<8x128xf32, #tpu.memory_space<vmem>>) dst(%dma_wait3A_365 : memref<8x128xf32, #tpu.memory_space<hbm>>)
    %dma_wait3A_370 = arith.constant 0 : i32
    %dma_wait3A_371 = arith.constant 0 : i32
    %dma_wait3A_372 = arith.constant 0 : i32
    %dma_wait3A_373 = arith.constant 0 : i32
    %dma_wait3A_374 = arith.constant 0 : i32
    %dma_wait3A_375 = arith.constant 0 : i32
    %dma_wait3A_376 = arith.constant 0 : i32
    %dma_wait3A_377 = tpu.memref_slice %arg9[%dma_wait3A_370, %dma_wait3A_371, %dma_wait3A_375, %dma_wait3A_376] : memref<4x3x8x129xf32, #tpu.memory_space<vmem>> -> memref<1x1x8x128xf32, #tpu.memory_space<vmem>>
    %dma_wait3A_378 = tpu.memref_squeeze %dma_wait3A_377 : memref<1x1x8x128xf32, #tpu.memory_space<vmem>> -> memref<8x128xf32, #tpu.memory_space<vmem>>
    %dma_wait3A_379 = arith.constant 0 : i32
    %dma_wait3A_380 = arith.constant 0 : i32
    %dma_wait3A_381 = tpu.memref_slice %arg4[%dma_wait3A_372, %dma_wait3A_373, %dma_wait3A_374, %dma_wait3A_379, %dma_wait3A_380] : memref<50x4x128x8x128xf32, #tpu.memory_space<hbm>> -> memref<1x1x1x8x128xf32, #tpu.memory_space<hbm>>
    %dma_wait3A_382 = tpu.memref_squeeze %dma_wait3A_381 : memref<1x1x1x8x128xf32, #tpu.memory_space<hbm>> -> memref<8x128xf32, #tpu.memory_space<hbm>>
    %dma_wait3A_383 = arith.constant 0 : i32
    %dma_wait3A_384 = arith.constant 0 : i32
    %dma_wait3A_385 = tpu.memref_slice %arg4[%dma_wait3A_372, %dma_wait3A_373, %dma_wait3A_374, %dma_wait3A_383, %dma_wait3A_384] : memref<50x4x128x8x128xf32, #tpu.memory_space<hbm>> -> memref<1x1x1x8x128xf32, #tpu.memory_space<hbm>>
    %dma_wait3A_386 = tpu.memref_squeeze %dma_wait3A_385 : memref<1x1x1x8x128xf32, #tpu.memory_space<hbm>> -> memref<8x128xf32, #tpu.memory_space<hbm>>
    %dma_wait3A_387 = arith.constant 0 : i32
    %dma_wait3A_388 = arith.constant 0 : i32
    %dma_wait3A_389 = tpu.memref_slice %arg9[%dma_wait3A_370, %dma_wait3A_371, %dma_wait3A_387, %dma_wait3A_388] : memref<4x3x8x129xf32, #tpu.memory_space<vmem>> -> memref<1x1x8x128xf32, #tpu.memory_space<vmem>>
    %dma_wait3A_390 = tpu.memref_squeeze %dma_wait3A_389 : memref<1x1x8x128xf32, #tpu.memory_space<vmem>> -> memref<8x128xf32, #tpu.memory_space<vmem>>
    tpu.wait_dma2 semaphore(%arg15 : memref<!tpu.dma_semaphore, #tpu.memory_space<semaphore_mem>>) src(%dma_wait3A_390 : memref<8x128xf32, #tpu.memory_space<vmem>>) dst(%dma_wait3A_386 : memref<8x128xf32, #tpu.memory_space<hbm>>)
    %dma_wait3A_391 = arith.constant 0 : i32
    %dma_wait3A_392 = arith.constant 0 : i32
    %dma_wait3A_393 = arith.constant 0 : i32
    %dma_wait3A_394 = arith.constant 0 : i32
    %dma_wait3A_395 = arith.constant 0 : i32
    %dma_wait3A_396 = arith.constant 0 : i32
    %dma_wait3A_397 = arith.constant 0 : i32
    %dma_wait3A_398 = tpu.memref_slice %arg9[%dma_wait3A_391, %dma_wait3A_392, %dma_wait3A_396, %dma_wait3A_397] : memref<4x3x8x129xf32, #tpu.memory_space<vmem>> -> memref<1x1x8x128xf32, #tpu.memory_space<vmem>>
    %dma_wait3A_399 = tpu.memref_squeeze %dma_wait3A_398 : memref<1x1x8x128xf32, #tpu.memory_space<vmem>> -> memref<8x128xf32, #tpu.memory_space<vmem>>
    %dma_wait3A_400 = arith.constant 0 : i32
    %dma_wait3A_401 = arith.constant 0 : i32
    %dma_wait3A_402 = tpu.memref_slice %arg4[%dma_wait3A_393, %dma_wait3A_394, %dma_wait3A_395, %dma_wait3A_400, %dma_wait3A_401] : memref<50x4x128x8x128xf32, #tpu.memory_space<hbm>> -> memref<1x1x1x8x128xf32, #tpu.memory_space<hbm>>
    %dma_wait3A_403 = tpu.memref_squeeze %dma_wait3A_402 : memref<1x1x1x8x128xf32, #tpu.memory_space<hbm>> -> memref<8x128xf32, #tpu.memory_space<hbm>>
    %dma_wait3A_404 = arith.constant 0 : i32
    %dma_wait3A_405 = arith.constant 0 : i32
    %dma_wait3A_406 = tpu.memref_slice %arg4[%dma_wait3A_393, %dma_wait3A_394, %dma_wait3A_395, %dma_wait3A_404, %dma_wait3A_405] : memref<50x4x128x8x128xf32, #tpu.memory_space<hbm>> -> memref<1x1x1x8x128xf32, #tpu.memory_space<hbm>>
    %dma_wait3A_407 = tpu.memref_squeeze %dma_wait3A_406 : memref<1x1x1x8x128xf32, #tpu.memory_space<hbm>> -> memref<8x128xf32, #tpu.memory_space<hbm>>
    %dma_wait3A_408 = arith.constant 0 : i32
    %dma_wait3A_409 = arith.constant 0 : i32
    %dma_wait3A_410 = tpu.memref_slice %arg9[%dma_wait3A_391, %dma_wait3A_392, %dma_wait3A_408, %dma_wait3A_409] : memref<4x3x8x129xf32, #tpu.memory_space<vmem>> -> memref<1x1x8x128xf32, #tpu.memory_space<vmem>>
    %dma_wait3A_411 = tpu.memref_squeeze %dma_wait3A_410 : memref<1x1x8x128xf32, #tpu.memory_space<vmem>> -> memref<8x128xf32, #tpu.memory_space<vmem>>
    tpu.wait_dma2 semaphore(%arg15 : memref<!tpu.dma_semaphore, #tpu.memory_space<semaphore_mem>>) src(%dma_wait3A_411 : memref<8x128xf32, #tpu.memory_space<vmem>>) dst(%dma_wait3A_407 : memref<8x128xf32, #tpu.memory_space<hbm>>)
    %dma_wait3A_412 = arith.constant 0 : i32
    %dma_wait3A_413 = arith.constant 0 : i32
    %dma_wait3A_414 = arith.constant 0 : i32
    %dma_wait3A_415 = arith.constant 0 : i32
    %dma_wait3A_416 = arith.constant 0 : i32
    %dma_wait3A_417 = arith.constant 0 : i32
    %dma_wait3A_418 = arith.constant 0 : i32
    %dma_wait3A_419 = tpu.memref_slice %arg9[%dma_wait3A_412, %dma_wait3A_413, %dma_wait3A_417, %dma_wait3A_418] : memref<4x3x8x129xf32, #tpu.memory_space<vmem>> -> memref<1x1x8x128xf32, #tpu.memory_space<vmem>>
    %dma_wait3A_420 = tpu.memref_squeeze %dma_wait3A_419 : memref<1x1x8x128xf32, #tpu.memory_space<vmem>> -> memref<8x128xf32, #tpu.memory_space<vmem>>
    %dma_wait3A_421 = arith.constant 0 : i32
    %dma_wait3A_422 = arith.constant 0 : i32
    %dma_wait3A_423 = tpu.memref_slice %arg4[%dma_wait3A_414, %dma_wait3A_415, %dma_wait3A_416, %dma_wait3A_421, %dma_wait3A_422] : memref<50x4x128x8x128xf32, #tpu.memory_space<hbm>> -> memref<1x1x1x8x128xf32, #tpu.memory_space<hbm>>
    %dma_wait3A_424 = tpu.memref_squeeze %dma_wait3A_423 : memref<1x1x1x8x128xf32, #tpu.memory_space<hbm>> -> memref<8x128xf32, #tpu.memory_space<hbm>>
    %dma_wait3A_425 = arith.constant 0 : i32
    %dma_wait3A_426 = arith.constant 0 : i32
    %dma_wait3A_427 = tpu.memref_slice %arg4[%dma_wait3A_414, %dma_wait3A_415, %dma_wait3A_416, %dma_wait3A_425, %dma_wait3A_426] : memref<50x4x128x8x128xf32, #tpu.memory_space<hbm>> -> memref<1x1x1x8x128xf32, #tpu.memory_space<hbm>>
    %dma_wait3A_428 = tpu.memref_squeeze %dma_wait3A_427 : memref<1x1x1x8x128xf32, #tpu.memory_space<hbm>> -> memref<8x128xf32, #tpu.memory_space<hbm>>
    %dma_wait3A_429 = arith.constant 0 : i32
    %dma_wait3A_430 = arith.constant 0 : i32
    %dma_wait3A_431 = tpu.memref_slice %arg9[%dma_wait3A_412, %dma_wait3A_413, %dma_wait3A_429, %dma_wait3A_430] : memref<4x3x8x129xf32, #tpu.memory_space<vmem>> -> memref<1x1x8x128xf32, #tpu.memory_space<vmem>>
    %dma_wait3A_432 = tpu.memref_squeeze %dma_wait3A_431 : memref<1x1x8x128xf32, #tpu.memory_space<vmem>> -> memref<8x128xf32, #tpu.memory_space<vmem>>
    tpu.wait_dma2 semaphore(%arg15 : memref<!tpu.dma_semaphore, #tpu.memory_space<semaphore_mem>>) src(%dma_wait3A_432 : memref<8x128xf32, #tpu.memory_space<vmem>>) dst(%dma_wait3A_428 : memref<8x128xf32, #tpu.memory_space<hbm>>)
    %dma_wait3A_433 = arith.constant 0 : i32
    %dma_wait3A_434 = arith.constant 0 : i32
    %dma_wait3A_435 = arith.constant 0 : i32
    %dma_wait3A_436 = arith.constant 0 : i32
    %dma_wait3A_437 = arith.constant 0 : i32
    %dma_wait3A_438 = arith.constant 0 : i32
    %dma_wait3A_439 = arith.constant 0 : i32
    %dma_wait3A_440 = tpu.memref_slice %arg9[%dma_wait3A_433, %dma_wait3A_434, %dma_wait3A_438, %dma_wait3A_439] : memref<4x3x8x129xf32, #tpu.memory_space<vmem>> -> memref<1x1x8x128xf32, #tpu.memory_space<vmem>>
    %dma_wait3A_441 = tpu.memref_squeeze %dma_wait3A_440 : memref<1x1x8x128xf32, #tpu.memory_space<vmem>> -> memref<8x128xf32, #tpu.memory_space<vmem>>
    %dma_wait3A_442 = arith.constant 0 : i32
    %dma_wait3A_443 = arith.constant 0 : i32
    %dma_wait3A_444 = tpu.memref_slice %arg4[%dma_wait3A_435, %dma_wait3A_436, %dma_wait3A_437, %dma_wait3A_442, %dma_wait3A_443] : memref<50x4x128x8x128xf32, #tpu.memory_space<hbm>> -> memref<1x1x1x8x128xf32, #tpu.memory_space<hbm>>
    %dma_wait3A_445 = tpu.memref_squeeze %dma_wait3A_444 : memref<1x1x1x8x128xf32, #tpu.memory_space<hbm>> -> memref<8x128xf32, #tpu.memory_space<hbm>>
    %dma_wait3A_446 = arith.constant 0 : i32
    %dma_wait3A_447 = arith.constant 0 : i32
    %dma_wait3A_448 = tpu.memref_slice %arg4[%dma_wait3A_435, %dma_wait3A_436, %dma_wait3A_437, %dma_wait3A_446, %dma_wait3A_447] : memref<50x4x128x8x128xf32, #tpu.memory_space<hbm>> -> memref<1x1x1x8x128xf32, #tpu.memory_space<hbm>>
    %dma_wait3A_449 = tpu.memref_squeeze %dma_wait3A_448 : memref<1x1x1x8x128xf32, #tpu.memory_space<hbm>> -> memref<8x128xf32, #tpu.memory_space<hbm>>
    %dma_wait3A_450 = arith.constant 0 : i32
    %dma_wait3A_451 = arith.constant 0 : i32
    %dma_wait3A_452 = tpu.memref_slice %arg9[%dma_wait3A_433, %dma_wait3A_434, %dma_wait3A_450, %dma_wait3A_451] : memref<4x3x8x129xf32, #tpu.memory_space<vmem>> -> memref<1x1x8x128xf32, #tpu.memory_space<vmem>>
    %dma_wait3A_453 = tpu.memref_squeeze %dma_wait3A_452 : memref<1x1x8x128xf32, #tpu.memory_space<vmem>> -> memref<8x128xf32, #tpu.memory_space<vmem>>
    tpu.wait_dma2 semaphore(%arg15 : memref<!tpu.dma_semaphore, #tpu.memory_space<semaphore_mem>>) src(%dma_wait3A_453 : memref<8x128xf32, #tpu.memory_space<vmem>>) dst(%dma_wait3A_449 : memref<8x128xf32, #tpu.memory_space<hbm>>)
    %dma_wait3A_454 = arith.constant 0 : i32
    %dma_wait3A_455 = arith.constant 0 : i32
    %dma_wait3A_456 = arith.constant 0 : i32
    %dma_wait3A_457 = arith.constant 0 : i32
    %dma_wait3A_458 = arith.constant 0 : i32
    %dma_wait3A_459 = arith.constant 0 : i32
    %dma_wait3A_460 = arith.constant 0 : i32
    %dma_wait3A_461 = tpu.memref_slice %arg9[%dma_wait3A_454, %dma_wait3A_455, %dma_wait3A_459, %dma_wait3A_460] : memref<4x3x8x129xf32, #tpu.memory_space<vmem>> -> memref<1x1x8x128xf32, #tpu.memory_space<vmem>>
    %dma_wait3A_462 = tpu.memref_squeeze %dma_wait3A_461 : memref<1x1x8x128xf32, #tpu.memory_space<vmem>> -> memref<8x128xf32, #tpu.memory_space<vmem>>
    %dma_wait3A_463 = arith.constant 0 : i32
    %dma_wait3A_464 = arith.constant 0 : i32
    %dma_wait3A_465 = tpu.memref_slice %arg4[%dma_wait3A_456, %dma_wait3A_457, %dma_wait3A_458, %dma_wait3A_463, %dma_wait3A_464] : memref<50x4x128x8x128xf32, #tpu.memory_space<hbm>> -> memref<1x1x1x8x128xf32, #tpu.memory_space<hbm>>
    %dma_wait3A_466 = tpu.memref_squeeze %dma_wait3A_465 : memref<1x1x1x8x128xf32, #tpu.memory_space<hbm>> -> memref<8x128xf32, #tpu.memory_space<hbm>>
    %dma_wait3A_467 = arith.constant 0 : i32
    %dma_wait3A_468 = arith.constant 0 : i32
    %dma_wait3A_469 = tpu.memref_slice %arg4[%dma_wait3A_456, %dma_wait3A_457, %dma_wait3A_458, %dma_wait3A_467, %dma_wait3A_468] : memref<50x4x128x8x128xf32, #tpu.memory_space<hbm>> -> memref<1x1x1x8x128xf32, #tpu.memory_space<hbm>>
    %dma_wait3A_470 = tpu.memref_squeeze %dma_wait3A_469 : memref<1x1x1x8x128xf32, #tpu.memory_space<hbm>> -> memref<8x128xf32, #tpu.memory_space<hbm>>
    %dma_wait3A_471 = arith.constant 0 : i32
    %dma_wait3A_472 = arith.constant 0 : i32
    %dma_wait3A_473 = tpu.memref_slice %arg9[%dma_wait3A_454, %dma_wait3A_455, %dma_wait3A_471, %dma_wait3A_472] : memref<4x3x8x129xf32, #tpu.memory_space<vmem>> -> memref<1x1x8x128xf32, #tpu.memory_space<vmem>>
    %dma_wait3A_474 = tpu.memref_squeeze %dma_wait3A_473 : memref<1x1x8x128xf32, #tpu.memory_space<vmem>> -> memref<8x128xf32, #tpu.memory_space<vmem>>
    tpu.wait_dma2 semaphore(%arg15 : memref<!tpu.dma_semaphore, #tpu.memory_space<semaphore_mem>>) src(%dma_wait3A_474 : memref<8x128xf32, #tpu.memory_space<vmem>>) dst(%dma_wait3A_470 : memref<8x128xf32, #tpu.memory_space<hbm>>)
    %dma_wait3A_475 = arith.constant 0 : i32
    %dma_wait3A_476 = arith.constant 0 : i32
    %dma_wait3A_477 = arith.constant 0 : i32
    %dma_wait3A_478 = arith.constant 0 : i32
    %dma_wait3A_479 = arith.constant 0 : i32
    %dma_wait3A_480 = arith.constant 0 : i32
    %dma_wait3A_481 = arith.constant 0 : i32
    %dma_wait3A_482 = tpu.memref_slice %arg9[%dma_wait3A_475, %dma_wait3A_476, %dma_wait3A_480, %dma_wait3A_481] : memref<4x3x8x129xf32, #tpu.memory_space<vmem>> -> memref<1x1x8x128xf32, #tpu.memory_space<vmem>>
    %dma_wait3A_483 = tpu.memref_squeeze %dma_wait3A_482 : memref<1x1x8x128xf32, #tpu.memory_space<vmem>> -> memref<8x128xf32, #tpu.memory_space<vmem>>
    %dma_wait3A_484 = arith.constant 0 : i32
    %dma_wait3A_485 = arith.constant 0 : i32
    %dma_wait3A_486 = tpu.memref_slice %arg4[%dma_wait3A_477, %dma_wait3A_478, %dma_wait3A_479, %dma_wait3A_484, %dma_wait3A_485] : memref<50x4x128x8x128xf32, #tpu.memory_space<hbm>> -> memref<1x1x1x8x128xf32, #tpu.memory_space<hbm>>
    %dma_wait3A_487 = tpu.memref_squeeze %dma_wait3A_486 : memref<1x1x1x8x128xf32, #tpu.memory_space<hbm>> -> memref<8x128xf32, #tpu.memory_space<hbm>>
    %dma_wait3A_488 = arith.constant 0 : i32
    %dma_wait3A_489 = arith.constant 0 : i32
    %dma_wait3A_490 = tpu.memref_slice %arg4[%dma_wait3A_477, %dma_wait3A_478, %dma_wait3A_479, %dma_wait3A_488, %dma_wait3A_489] : memref<50x4x128x8x128xf32, #tpu.memory_space<hbm>> -> memref<1x1x1x8x128xf32, #tpu.memory_space<hbm>>
    %dma_wait3A_491 = tpu.memref_squeeze %dma_wait3A_490 : memref<1x1x1x8x128xf32, #tpu.memory_space<hbm>> -> memref<8x128xf32, #tpu.memory_space<hbm>>
    %dma_wait3A_492 = arith.constant 0 : i32
    %dma_wait3A_493 = arith.constant 0 : i32
    %dma_wait3A_494 = tpu.memref_slice %arg9[%dma_wait3A_475, %dma_wait3A_476, %dma_wait3A_492, %dma_wait3A_493] : memref<4x3x8x129xf32, #tpu.memory_space<vmem>> -> memref<1x1x8x128xf32, #tpu.memory_space<vmem>>
    %dma_wait3A_495 = tpu.memref_squeeze %dma_wait3A_494 : memref<1x1x8x128xf32, #tpu.memory_space<vmem>> -> memref<8x128xf32, #tpu.memory_space<vmem>>
    tpu.wait_dma2 semaphore(%arg15 : memref<!tpu.dma_semaphore, #tpu.memory_space<semaphore_mem>>) src(%dma_wait3A_495 : memref<8x128xf32, #tpu.memory_space<vmem>>) dst(%dma_wait3A_491 : memref<8x128xf32, #tpu.memory_space<hbm>>)
    %dma_wait3A_496 = arith.constant 0 : i32
    %dma_wait3A_497 = arith.constant 0 : i32
    %dma_wait3A_498 = arith.constant 0 : i32
    %dma_wait3A_499 = arith.constant 0 : i32
    %dma_wait3A_500 = arith.constant 0 : i32
    %dma_wait3A_501 = arith.constant 0 : i32
    %dma_wait3A_502 = arith.constant 0 : i32
    %dma_wait3A_503 = tpu.memref_slice %arg10[%dma_wait3A_496, %dma_wait3A_497, %dma_wait3A_501, %dma_wait3A_502] : memref<4x3x8x129xf32, #tpu.memory_space<vmem>> -> memref<1x1x8x128xf32, #tpu.memory_space<vmem>>
    %dma_wait3A_504 = tpu.memref_squeeze %dma_wait3A_503 : memref<1x1x8x128xf32, #tpu.memory_space<vmem>> -> memref<8x128xf32, #tpu.memory_space<vmem>>
    %dma_wait3A_505 = arith.constant 0 : i32
    %dma_wait3A_506 = arith.constant 0 : i32
    %dma_wait3A_507 = tpu.memref_slice %arg4[%dma_wait3A_498, %dma_wait3A_499, %dma_wait3A_500, %dma_wait3A_505, %dma_wait3A_506] : memref<50x4x128x8x128xf32, #tpu.memory_space<hbm>> -> memref<1x1x1x8x128xf32, #tpu.memory_space<hbm>>
    %dma_wait3A_508 = tpu.memref_squeeze %dma_wait3A_507 : memref<1x1x1x8x128xf32, #tpu.memory_space<hbm>> -> memref<8x128xf32, #tpu.memory_space<hbm>>
    %dma_wait3A_509 = arith.constant 0 : i32
    %dma_wait3A_510 = arith.constant 0 : i32
    %dma_wait3A_511 = tpu.memref_slice %arg4[%dma_wait3A_498, %dma_wait3A_499, %dma_wait3A_500, %dma_wait3A_509, %dma_wait3A_510] : memref<50x4x128x8x128xf32, #tpu.memory_space<hbm>> -> memref<1x1x1x8x128xf32, #tpu.memory_space<hbm>>
    %dma_wait3A_512 = tpu.memref_squeeze %dma_wait3A_511 : memref<1x1x1x8x128xf32, #tpu.memory_space<hbm>> -> memref<8x128xf32, #tpu.memory_space<hbm>>
    %dma_wait3A_513 = arith.constant 0 : i32
    %dma_wait3A_514 = arith.constant 0 : i32
    %dma_wait3A_515 = tpu.memref_slice %arg10[%dma_wait3A_496, %dma_wait3A_497, %dma_wait3A_513, %dma_wait3A_514] : memref<4x3x8x129xf32, #tpu.memory_space<vmem>> -> memref<1x1x8x128xf32, #tpu.memory_space<vmem>>
    %dma_wait3A_516 = tpu.memref_squeeze %dma_wait3A_515 : memref<1x1x8x128xf32, #tpu.memory_space<vmem>> -> memref<8x128xf32, #tpu.memory_space<vmem>>
    tpu.wait_dma2 semaphore(%arg16 : memref<!tpu.dma_semaphore, #tpu.memory_space<semaphore_mem>>) src(%dma_wait3A_516 : memref<8x128xf32, #tpu.memory_space<vmem>>) dst(%dma_wait3A_512 : memref<8x128xf32, #tpu.memory_space<hbm>>)
    %dma_wait3A_517 = arith.constant 0 : i32
    %dma_wait3A_518 = arith.constant 0 : i32
    %dma_wait3A_519 = arith.constant 0 : i32
    %dma_wait3A_520 = arith.constant 0 : i32
    %dma_wait3A_521 = arith.constant 0 : i32
    %dma_wait3A_522 = arith.constant 0 : i32
    %dma_wait3A_523 = arith.constant 0 : i32
    %dma_wait3A_524 = tpu.memref_slice %arg10[%dma_wait3A_517, %dma_wait3A_518, %dma_wait3A_522, %dma_wait3A_523] : memref<4x3x8x129xf32, #tpu.memory_space<vmem>> -> memref<1x1x8x128xf32, #tpu.memory_space<vmem>>
    %dma_wait3A_525 = tpu.memref_squeeze %dma_wait3A_524 : memref<1x1x8x128xf32, #tpu.memory_space<vmem>> -> memref<8x128xf32, #tpu.memory_space<vmem>>
    %dma_wait3A_526 = arith.constant 0 : i32
    %dma_wait3A_527 = arith.constant 0 : i32
    %dma_wait3A_528 = tpu.memref_slice %arg4[%dma_wait3A_519, %dma_wait3A_520, %dma_wait3A_521, %dma_wait3A_526, %dma_wait3A_527] : memref<50x4x128x8x128xf32, #tpu.memory_space<hbm>> -> memref<1x1x1x8x128xf32, #tpu.memory_space<hbm>>
    %dma_wait3A_529 = tpu.memref_squeeze %dma_wait3A_528 : memref<1x1x1x8x128xf32, #tpu.memory_space<hbm>> -> memref<8x128xf32, #tpu.memory_space<hbm>>
    %dma_wait3A_530 = arith.constant 0 : i32
    %dma_wait3A_531 = arith.constant 0 : i32
    %dma_wait3A_532 = tpu.memref_slice %arg4[%dma_wait3A_519, %dma_wait3A_520, %dma_wait3A_521, %dma_wait3A_530, %dma_wait3A_531] : memref<50x4x128x8x128xf32, #tpu.memory_space<hbm>> -> memref<1x1x1x8x128xf32, #tpu.memory_space<hbm>>
    %dma_wait3A_533 = tpu.memref_squeeze %dma_wait3A_532 : memref<1x1x1x8x128xf32, #tpu.memory_space<hbm>> -> memref<8x128xf32, #tpu.memory_space<hbm>>
    %dma_wait3A_534 = arith.constant 0 : i32
    %dma_wait3A_535 = arith.constant 0 : i32
    %dma_wait3A_536 = tpu.memref_slice %arg10[%dma_wait3A_517, %dma_wait3A_518, %dma_wait3A_534, %dma_wait3A_535] : memref<4x3x8x129xf32, #tpu.memory_space<vmem>> -> memref<1x1x8x128xf32, #tpu.memory_space<vmem>>
    %dma_wait3A_537 = tpu.memref_squeeze %dma_wait3A_536 : memref<1x1x8x128xf32, #tpu.memory_space<vmem>> -> memref<8x128xf32, #tpu.memory_space<vmem>>
    tpu.wait_dma2 semaphore(%arg16 : memref<!tpu.dma_semaphore, #tpu.memory_space<semaphore_mem>>) src(%dma_wait3A_537 : memref<8x128xf32, #tpu.memory_space<vmem>>) dst(%dma_wait3A_533 : memref<8x128xf32, #tpu.memory_space<hbm>>)
    %dma_wait3A_538 = arith.constant 0 : i32
    %dma_wait3A_539 = arith.constant 0 : i32
    %dma_wait3A_540 = arith.constant 0 : i32
    %dma_wait3A_541 = arith.constant 0 : i32
    %dma_wait3A_542 = arith.constant 0 : i32
    %dma_wait3A_543 = arith.constant 0 : i32
    %dma_wait3A_544 = arith.constant 0 : i32
    %dma_wait3A_545 = tpu.memref_slice %arg10[%dma_wait3A_538, %dma_wait3A_539, %dma_wait3A_543, %dma_wait3A_544] : memref<4x3x8x129xf32, #tpu.memory_space<vmem>> -> memref<1x1x8x128xf32, #tpu.memory_space<vmem>>
    %dma_wait3A_546 = tpu.memref_squeeze %dma_wait3A_545 : memref<1x1x8x128xf32, #tpu.memory_space<vmem>> -> memref<8x128xf32, #tpu.memory_space<vmem>>
    %dma_wait3A_547 = arith.constant 0 : i32
    %dma_wait3A_548 = arith.constant 0 : i32
    %dma_wait3A_549 = tpu.memref_slice %arg4[%dma_wait3A_540, %dma_wait3A_541, %dma_wait3A_542, %dma_wait3A_547, %dma_wait3A_548] : memref<50x4x128x8x128xf32, #tpu.memory_space<hbm>> -> memref<1x1x1x8x128xf32, #tpu.memory_space<hbm>>
    %dma_wait3A_550 = tpu.memref_squeeze %dma_wait3A_549 : memref<1x1x1x8x128xf32, #tpu.memory_space<hbm>> -> memref<8x128xf32, #tpu.memory_space<hbm>>
    %dma_wait3A_551 = arith.constant 0 : i32
    %dma_wait3A_552 = arith.constant 0 : i32
    %dma_wait3A_553 = tpu.memref_slice %arg4[%dma_wait3A_540, %dma_wait3A_541, %dma_wait3A_542, %dma_wait3A_551, %dma_wait3A_552] : memref<50x4x128x8x128xf32, #tpu.memory_space<hbm>> -> memref<1x1x1x8x128xf32, #tpu.memory_space<hbm>>
    %dma_wait3A_554 = tpu.memref_squeeze %dma_wait3A_553 : memref<1x1x1x8x128xf32, #tpu.memory_space<hbm>> -> memref<8x128xf32, #tpu.memory_space<hbm>>
    %dma_wait3A_555 = arith.constant 0 : i32
    %dma_wait3A_556 = arith.constant 0 : i32
    %dma_wait3A_557 = tpu.memref_slice %arg10[%dma_wait3A_538, %dma_wait3A_539, %dma_wait3A_555, %dma_wait3A_556] : memref<4x3x8x129xf32, #tpu.memory_space<vmem>> -> memref<1x1x8x128xf32, #tpu.memory_space<vmem>>
    %dma_wait3A_558 = tpu.memref_squeeze %dma_wait3A_557 : memref<1x1x8x128xf32, #tpu.memory_space<vmem>> -> memref<8x128xf32, #tpu.memory_space<vmem>>
    tpu.wait_dma2 semaphore(%arg16 : memref<!tpu.dma_semaphore, #tpu.memory_space<semaphore_mem>>) src(%dma_wait3A_558 : memref<8x128xf32, #tpu.memory_space<vmem>>) dst(%dma_wait3A_554 : memref<8x128xf32, #tpu.memory_space<hbm>>)
    %dma_wait3A_559 = arith.constant 0 : i32
    %dma_wait3A_560 = arith.constant 0 : i32
    %dma_wait3A_561 = arith.constant 0 : i32
    %dma_wait3A_562 = arith.constant 0 : i32
    %dma_wait3A_563 = arith.constant 0 : i32
    %dma_wait3A_564 = arith.constant 0 : i32
    %dma_wait3A_565 = arith.constant 0 : i32
    %dma_wait3A_566 = tpu.memref_slice %arg10[%dma_wait3A_559, %dma_wait3A_560, %dma_wait3A_564, %dma_wait3A_565] : memref<4x3x8x129xf32, #tpu.memory_space<vmem>> -> memref<1x1x8x128xf32, #tpu.memory_space<vmem>>
    %dma_wait3A_567 = tpu.memref_squeeze %dma_wait3A_566 : memref<1x1x8x128xf32, #tpu.memory_space<vmem>> -> memref<8x128xf32, #tpu.memory_space<vmem>>
    %dma_wait3A_568 = arith.constant 0 : i32
    %dma_wait3A_569 = arith.constant 0 : i32
    %dma_wait3A_570 = tpu.memref_slice %arg4[%dma_wait3A_561, %dma_wait3A_562, %dma_wait3A_563, %dma_wait3A_568, %dma_wait3A_569] : memref<50x4x128x8x128xf32, #tpu.memory_space<hbm>> -> memref<1x1x1x8x128xf32, #tpu.memory_space<hbm>>
    %dma_wait3A_571 = tpu.memref_squeeze %dma_wait3A_570 : memref<1x1x1x8x128xf32, #tpu.memory_space<hbm>> -> memref<8x128xf32, #tpu.memory_space<hbm>>
    %dma_wait3A_572 = arith.constant 0 : i32
    %dma_wait3A_573 = arith.constant 0 : i32
    %dma_wait3A_574 = tpu.memref_slice %arg4[%dma_wait3A_561, %dma_wait3A_562, %dma_wait3A_563, %dma_wait3A_572, %dma_wait3A_573] : memref<50x4x128x8x128xf32, #tpu.memory_space<hbm>> -> memref<1x1x1x8x128xf32, #tpu.memory_space<hbm>>
    %dma_wait3A_575 = tpu.memref_squeeze %dma_wait3A_574 : memref<1x1x1x8x128xf32, #tpu.memory_space<hbm>> -> memref<8x128xf32, #tpu.memory_space<hbm>>
    %dma_wait3A_576 = arith.constant 0 : i32
    %dma_wait3A_577 = arith.constant 0 : i32
    %dma_wait3A_578 = tpu.memref_slice %arg10[%dma_wait3A_559, %dma_wait3A_560, %dma_wait3A_576, %dma_wait3A_577] : memref<4x3x8x129xf32, #tpu.memory_space<vmem>> -> memref<1x1x8x128xf32, #tpu.memory_space<vmem>>
    %dma_wait3A_579 = tpu.memref_squeeze %dma_wait3A_578 : memref<1x1x8x128xf32, #tpu.memory_space<vmem>> -> memref<8x128xf32, #tpu.memory_space<vmem>>
    tpu.wait_dma2 semaphore(%arg16 : memref<!tpu.dma_semaphore, #tpu.memory_space<semaphore_mem>>) src(%dma_wait3A_579 : memref<8x128xf32, #tpu.memory_space<vmem>>) dst(%dma_wait3A_575 : memref<8x128xf32, #tpu.memory_space<hbm>>)
    %dma_wait3A_580 = arith.constant 0 : i32
    %dma_wait3A_581 = arith.constant 0 : i32
    %dma_wait3A_582 = arith.constant 0 : i32
    %dma_wait3A_583 = arith.constant 0 : i32
    %dma_wait3A_584 = arith.constant 0 : i32
    %dma_wait3A_585 = arith.constant 0 : i32
    %dma_wait3A_586 = arith.constant 0 : i32
    %dma_wait3A_587 = tpu.memref_slice %arg10[%dma_wait3A_580, %dma_wait3A_581, %dma_wait3A_585, %dma_wait3A_586] : memref<4x3x8x129xf32, #tpu.memory_space<vmem>> -> memref<1x1x8x128xf32, #tpu.memory_space<vmem>>
    %dma_wait3A_588 = tpu.memref_squeeze %dma_wait3A_587 : memref<1x1x8x128xf32, #tpu.memory_space<vmem>> -> memref<8x128xf32, #tpu.memory_space<vmem>>
    %dma_wait3A_589 = arith.constant 0 : i32
    %dma_wait3A_590 = arith.constant 0 : i32
    %dma_wait3A_591 = tpu.memref_slice %arg4[%dma_wait3A_582, %dma_wait3A_583, %dma_wait3A_584, %dma_wait3A_589, %dma_wait3A_590] : memref<50x4x128x8x128xf32, #tpu.memory_space<hbm>> -> memref<1x1x1x8x128xf32, #tpu.memory_space<hbm>>
    %dma_wait3A_592 = tpu.memref_squeeze %dma_wait3A_591 : memref<1x1x1x8x128xf32, #tpu.memory_space<hbm>> -> memref<8x128xf32, #tpu.memory_space<hbm>>
    %dma_wait3A_593 = arith.constant 0 : i32
    %dma_wait3A_594 = arith.constant 0 : i32
    %dma_wait3A_595 = tpu.memref_slice %arg4[%dma_wait3A_582, %dma_wait3A_583, %dma_wait3A_584, %dma_wait3A_593, %dma_wait3A_594] : memref<50x4x128x8x128xf32, #tpu.memory_space<hbm>> -> memref<1x1x1x8x128xf32, #tpu.memory_space<hbm>>
    %dma_wait3A_596 = tpu.memref_squeeze %dma_wait3A_595 : memref<1x1x1x8x128xf32, #tpu.memory_space<hbm>> -> memref<8x128xf32, #tpu.memory_space<hbm>>
    %dma_wait3A_597 = arith.constant 0 : i32
    %dma_wait3A_598 = arith.constant 0 : i32
    %dma_wait3A_599 = tpu.memref_slice %arg10[%dma_wait3A_580, %dma_wait3A_581, %dma_wait3A_597, %dma_wait3A_598] : memref<4x3x8x129xf32, #tpu.memory_space<vmem>> -> memref<1x1x8x128xf32, #tpu.memory_space<vmem>>
    %dma_wait3A_600 = tpu.memref_squeeze %dma_wait3A_599 : memref<1x1x8x128xf32, #tpu.memory_space<vmem>> -> memref<8x128xf32, #tpu.memory_space<vmem>>
    tpu.wait_dma2 semaphore(%arg16 : memref<!tpu.dma_semaphore, #tpu.memory_space<semaphore_mem>>) src(%dma_wait3A_600 : memref<8x128xf32, #tpu.memory_space<vmem>>) dst(%dma_wait3A_596 : memref<8x128xf32, #tpu.memory_space<hbm>>)
    %dma_wait3A_601 = arith.constant 0 : i32
    %dma_wait3A_602 = arith.constant 0 : i32
    %dma_wait3A_603 = arith.constant 0 : i32
    %dma_wait3A_604 = arith.constant 0 : i32
    %dma_wait3A_605 = arith.constant 0 : i32
    %dma_wait3A_606 = arith.constant 0 : i32
    %dma_wait3A_607 = arith.constant 0 : i32
    %dma_wait3A_608 = tpu.memref_slice %arg10[%dma_wait3A_601, %dma_wait3A_602, %dma_wait3A_606, %dma_wait3A_607] : memref<4x3x8x129xf32, #tpu.memory_space<vmem>> -> memref<1x1x8x128xf32, #tpu.memory_space<vmem>>
    %dma_wait3A_609 = tpu.memref_squeeze %dma_wait3A_608 : memref<1x1x8x128xf32, #tpu.memory_space<vmem>> -> memref<8x128xf32, #tpu.memory_space<vmem>>
    %dma_wait3A_610 = arith.constant 0 : i32
    %dma_wait3A_611 = arith.constant 0 : i32
    %dma_wait3A_612 = tpu.memref_slice %arg4[%dma_wait3A_603, %dma_wait3A_604, %dma_wait3A_605, %dma_wait3A_610, %dma_wait3A_611] : memref<50x4x128x8x128xf32, #tpu.memory_space<hbm>> -> memref<1x1x1x8x128xf32, #tpu.memory_space<hbm>>
    %dma_wait3A_613 = tpu.memref_squeeze %dma_wait3A_612 : memref<1x1x1x8x128xf32, #tpu.memory_space<hbm>> -> memref<8x128xf32, #tpu.memory_space<hbm>>
    %dma_wait3A_614 = arith.constant 0 : i32
    %dma_wait3A_615 = arith.constant 0 : i32
    %dma_wait3A_616 = tpu.memref_slice %arg4[%dma_wait3A_603, %dma_wait3A_604, %dma_wait3A_605, %dma_wait3A_614, %dma_wait3A_615] : memref<50x4x128x8x128xf32, #tpu.memory_space<hbm>> -> memref<1x1x1x8x128xf32, #tpu.memory_space<hbm>>
    %dma_wait3A_617 = tpu.memref_squeeze %dma_wait3A_616 : memref<1x1x1x8x128xf32, #tpu.memory_space<hbm>> -> memref<8x128xf32, #tpu.memory_space<hbm>>
    %dma_wait3A_618 = arith.constant 0 : i32
    %dma_wait3A_619 = arith.constant 0 : i32
    %dma_wait3A_620 = tpu.memref_slice %arg10[%dma_wait3A_601, %dma_wait3A_602, %dma_wait3A_618, %dma_wait3A_619] : memref<4x3x8x129xf32, #tpu.memory_space<vmem>> -> memref<1x1x8x128xf32, #tpu.memory_space<vmem>>
    %dma_wait3A_621 = tpu.memref_squeeze %dma_wait3A_620 : memref<1x1x8x128xf32, #tpu.memory_space<vmem>> -> memref<8x128xf32, #tpu.memory_space<vmem>>
    tpu.wait_dma2 semaphore(%arg16 : memref<!tpu.dma_semaphore, #tpu.memory_space<semaphore_mem>>) src(%dma_wait3A_621 : memref<8x128xf32, #tpu.memory_space<vmem>>) dst(%dma_wait3A_617 : memref<8x128xf32, #tpu.memory_space<hbm>>)
    %dma_wait3A_622 = arith.constant 0 : i32
    %dma_wait3A_623 = arith.constant 0 : i32
    %dma_wait3A_624 = arith.constant 0 : i32
    %dma_wait3A_625 = arith.constant 0 : i32
    %dma_wait3A_626 = arith.constant 0 : i32
    %dma_wait3A_627 = arith.constant 0 : i32
    %dma_wait3A_628 = arith.constant 0 : i32
    %dma_wait3A_629 = tpu.memref_slice %arg10[%dma_wait3A_622, %dma_wait3A_623, %dma_wait3A_627, %dma_wait3A_628] : memref<4x3x8x129xf32, #tpu.memory_space<vmem>> -> memref<1x1x8x128xf32, #tpu.memory_space<vmem>>
    %dma_wait3A_630 = tpu.memref_squeeze %dma_wait3A_629 : memref<1x1x8x128xf32, #tpu.memory_space<vmem>> -> memref<8x128xf32, #tpu.memory_space<vmem>>
    %dma_wait3A_631 = arith.constant 0 : i32
    %dma_wait3A_632 = arith.constant 0 : i32
    %dma_wait3A_633 = tpu.memref_slice %arg4[%dma_wait3A_624, %dma_wait3A_625, %dma_wait3A_626, %dma_wait3A_631, %dma_wait3A_632] : memref<50x4x128x8x128xf32, #tpu.memory_space<hbm>> -> memref<1x1x1x8x128xf32, #tpu.memory_space<hbm>>
    %dma_wait3A_634 = tpu.memref_squeeze %dma_wait3A_633 : memref<1x1x1x8x128xf32, #tpu.memory_space<hbm>> -> memref<8x128xf32, #tpu.memory_space<hbm>>
    %dma_wait3A_635 = arith.constant 0 : i32
    %dma_wait3A_636 = arith.constant 0 : i32
    %dma_wait3A_637 = tpu.memref_slice %arg4[%dma_wait3A_624, %dma_wait3A_625, %dma_wait3A_626, %dma_wait3A_635, %dma_wait3A_636] : memref<50x4x128x8x128xf32, #tpu.memory_space<hbm>> -> memref<1x1x1x8x128xf32, #tpu.memory_space<hbm>>
    %dma_wait3A_638 = tpu.memref_squeeze %dma_wait3A_637 : memref<1x1x1x8x128xf32, #tpu.memory_space<hbm>> -> memref<8x128xf32, #tpu.memory_space<hbm>>
    %dma_wait3A_639 = arith.constant 0 : i32
    %dma_wait3A_640 = arith.constant 0 : i32
    %dma_wait3A_641 = tpu.memref_slice %arg10[%dma_wait3A_622, %dma_wait3A_623, %dma_wait3A_639, %dma_wait3A_640] : memref<4x3x8x129xf32, #tpu.memory_space<vmem>> -> memref<1x1x8x128xf32, #tpu.memory_space<vmem>>
    %dma_wait3A_642 = tpu.memref_squeeze %dma_wait3A_641 : memref<1x1x8x128xf32, #tpu.memory_space<vmem>> -> memref<8x128xf32, #tpu.memory_space<vmem>>
    tpu.wait_dma2 semaphore(%arg16 : memref<!tpu.dma_semaphore, #tpu.memory_space<semaphore_mem>>) src(%dma_wait3A_642 : memref<8x128xf32, #tpu.memory_space<vmem>>) dst(%dma_wait3A_638 : memref<8x128xf32, #tpu.memory_space<hbm>>)
    %dma_wait3A_643 = arith.constant 0 : i32
    %dma_wait3A_644 = arith.constant 0 : i32
    %dma_wait3A_645 = arith.constant 0 : i32
    %dma_wait3A_646 = arith.constant 0 : i32
    %dma_wait3A_647 = arith.constant 0 : i32
    %dma_wait3A_648 = arith.constant 0 : i32
    %dma_wait3A_649 = arith.constant 0 : i32
    %dma_wait3A_650 = tpu.memref_slice %arg10[%dma_wait3A_643, %dma_wait3A_644, %dma_wait3A_648, %dma_wait3A_649] : memref<4x3x8x129xf32, #tpu.memory_space<vmem>> -> memref<1x1x8x128xf32, #tpu.memory_space<vmem>>
    %dma_wait3A_651 = tpu.memref_squeeze %dma_wait3A_650 : memref<1x1x8x128xf32, #tpu.memory_space<vmem>> -> memref<8x128xf32, #tpu.memory_space<vmem>>
    %dma_wait3A_652 = arith.constant 0 : i32
    %dma_wait3A_653 = arith.constant 0 : i32
    %dma_wait3A_654 = tpu.memref_slice %arg4[%dma_wait3A_645, %dma_wait3A_646, %dma_wait3A_647, %dma_wait3A_652, %dma_wait3A_653] : memref<50x4x128x8x128xf32, #tpu.memory_space<hbm>> -> memref<1x1x1x8x128xf32, #tpu.memory_space<hbm>>
    %dma_wait3A_655 = tpu.memref_squeeze %dma_wait3A_654 : memref<1x1x1x8x128xf32, #tpu.memory_space<hbm>> -> memref<8x128xf32, #tpu.memory_space<hbm>>
    %dma_wait3A_656 = arith.constant 0 : i32
    %dma_wait3A_657 = arith.constant 0 : i32
    %dma_wait3A_658 = tpu.memref_slice %arg4[%dma_wait3A_645, %dma_wait3A_646, %dma_wait3A_647, %dma_wait3A_656, %dma_wait3A_657] : memref<50x4x128x8x128xf32, #tpu.memory_space<hbm>> -> memref<1x1x1x8x128xf32, #tpu.memory_space<hbm>>
    %dma_wait3A_659 = tpu.memref_squeeze %dma_wait3A_658 : memref<1x1x1x8x128xf32, #tpu.memory_space<hbm>> -> memref<8x128xf32, #tpu.memory_space<hbm>>
    %dma_wait3A_660 = arith.constant 0 : i32
    %dma_wait3A_661 = arith.constant 0 : i32
    %dma_wait3A_662 = tpu.memref_slice %arg10[%dma_wait3A_643, %dma_wait3A_644, %dma_wait3A_660, %dma_wait3A_661] : memref<4x3x8x129xf32, #tpu.memory_space<vmem>> -> memref<1x1x8x128xf32, #tpu.memory_space<vmem>>
    %dma_wait3A_663 = tpu.memref_squeeze %dma_wait3A_662 : memref<1x1x8x128xf32, #tpu.memory_space<vmem>> -> memref<8x128xf32, #tpu.memory_space<vmem>>
    tpu.wait_dma2 semaphore(%arg16 : memref<!tpu.dma_semaphore, #tpu.memory_space<semaphore_mem>>) src(%dma_wait3A_663 : memref<8x128xf32, #tpu.memory_space<vmem>>) dst(%dma_wait3A_659 : memref<8x128xf32, #tpu.memory_space<hbm>>)
    return
  }
}

</mosaic_0001>

<sc_bundles>
// kernel: _run.3.cloned.1.call-start
scs
__scs_entry_jumppad:
0x0: {  	(pc) =	sbr.rel $0x88, $3  }
0x1: {  	(tag) =	ssettag $0x0;
	lr =	simm.s32 $0x1  }
0x2: {  	[smem:$0x3F9F] =	sst lr;
	_ =	strace $0xD0000000  }
0x3: {  	_ = 	snop  }
0x4: {  	_ = 	snop  }
0x5: {  	_ = 	snop  }
0x6: {  	_ = 	snop  }
0x7: {  	_ = 	snop  }
__scs_overlays_trampoline_lowered:
0x8: {  	[smem:$0x3FAE] =	sst s0  }
0x9: {  	[smem:$0x3FAF] =	sst s1  }
0xa: {  	[smem:$0x3FB0] =	sst s2  }
0xb: {  	[smem:$0x3FB1] =	sst s3  }
0xc: {  	[smem:$0x3FB2] =	sst s4  }
0xd: {  	[smem:$0x3FB3] =	sst s5  }
0xe: {  	[smem:$0x3FB4] =	sst s6  }
0xf: {  	[smem:$0x3FB5] =	sst s7  }
0x10: {  	[smem:$0x3FB6] =	sst s8  }
0x11: {  	[smem:$0x3FB7] =	sst s9;
	s0 =	simm.s32 @!p0 $0x0  }
0x12: {  	s1 =	sld [smem:$0x3F9D];
	s0 =	simm.s32 @p0 $0x1  }
0x13: {  	[smem:$0x3FB8] =	sst s0;
	s0 =	simm.s32 @!p1 $0x0  }
0x14: {  	s2 =	sld [smem:$0x3F9C];
	s0 =	simm.s32 @p1 $0x1  }
0x15: {  	[smem:$0x3FB9] =	sst s0;
	s0 =	simm.s32 @!p2 $0x0  }
0x16: {  	s3 =	sld [smem:$0x3FDB];
	s0 =	simm.s32 @p2 $0x1  }
0x17: {  	s4 =	simm.s32 $0x1BF5;
	[smem:$0x3FBB] =	sst s0  }
0x18: {  	s0 =	sld [smem:$0x3F9E];
	_ =	swait.ge [sflag:s4], $0x0  }
0x19: {  	s7 =	sld [smem:$0x3F9F]  }
0x1a: {  	s8 =	sadd.s32 $0xFFFFE003, lr  }
0x1b: {  	s9 =	sadd.s32 $0xFFFFFEF7, lr;
	s5 =	simm.s32 $0xFFFFFFFF;
	p2 =	slt.u32 s8, $0xFFFFF086  }
0x1c: {  	p1 =	slt.u32 s9, $0xF7A;
	s5 =	simm.s32 @!p2 $0x0  }
0x1d: {  	s5 =	simm.s32 @p1 $0x1;
	p0 =	seq.s32 s7, s2  }
0x1e: {  	s7 =	smul.u32 @!p0 $0xF7A, s2;
	p2 =	seq.s32 @!p0 s5, $0x0  }
0x1f: {  	s9 =	smul.u32 $0xF7A, s1;
	s8 =	simm.s32 @!p0 $0x1BF5;
	p2 =	por !p2, p0  }
0x20: {  	[sflag:s8] =	ssyncset.s32 @!p0 $0xFFFFF086;
	s6 =	sadd.s32 @!p0 s3, s7;
	s7 =	simm.s32 @!p0 $0x108  }
0x21: {  	s3 =	sadd.s32 s3, s9;
	s6 =	sadd.s32 @!p0 $0x88, s6;
	s7 =	simm.s32 @p2 $0x1082  }
0x22: {  	[simem:s7], [sflag:s8] =	dma.local @!p0 [hbm:s6], $0xF7A  }
0x23: {  	s9 =	sor.u32 $0xD0000000, s2;
	s6 =	simm.s32 $0x108;
	_ =	swait.ge @!p0 [sflag:s8], $0x0  }
0x24: {  	s3 =	sadd.s32 $0x88, s3;
	s6 =	simm.s32 @!p1 $0x1082;
	[sflag:s4] =	ssyncset.s32 $0xFFFFF086  }
0x25: {  	[simem:s6], [sflag:s4] =	dma.local [hbm:s3], $0xF7A  }
0x26: {  	[smem:$0x3F9F] =	sst s1;
	(tag) =	ssettag s2;
	_ =	strace s9  }
0x27: {  	s1 =	sld [smem:$0x3FAF]  }
0x28: {  	s2 =	sld [smem:$0x3FB0]  }
0x29: {  	s4 =	sld [smem:$0x3FB2]  }
0x2a: {  	p0 =	seq.s32 s5, $0x0;
	s5 =	sld [smem:$0x3FB3]  }
0x2b: {  	s6 =	sld [smem:$0x3FB4]  }
0x2c: {  	s7 =	sld [smem:$0x3FB5]  }
0x2d: {  	s3 =	simm.s32 $0x108;
	s8 =	sld [smem:$0x3FB6]  }
0x2e: {  	s3 =	simm.s32 @!p0 $0x1082;
	s9 =	sld [smem:$0x3FB7]  }
0x2f: {  	lr =	sadd.s32 s0, s3;
	s0 =	sld [smem:$0x3FAE]  }
0x30: {  	s3 =	sld [smem:$0x3FB1]  }
0x31: {  	[smem:$0x3FBA] =	sst s10  }
0x32: {  	s10 =	sld [smem:$0x3FB8];
	_ =	sdelay $0x3  }
0x33: {  	p0 =	seq.s32 s10, $0x1;
	s10 =	sld [smem:$0x3FBA];
	_ =	sdelay $0x3  }
0x34: {  	[smem:$0x3FBA] =	sst s10  }
0x35: {  	s10 =	sld [smem:$0x3FB9];
	_ =	sdelay $0x3  }
0x36: {  	p1 =	seq.s32 s10, $0x1;
	s10 =	sld [smem:$0x3FBA];
	_ =	sdelay $0x3  }
0x37: {  	[smem:$0x3FBA] =	sst s10  }
0x38: {  	s10 =	sld [smem:$0x3FBB]  }
0x39: {  	_ = 	snop;
	(pc) =	sbr.ind lr, $3  }
0x3a: {  	_ = 	snop  }
0x3b: {  	_ = 	snop  }
0x3c: {  	p2 =	seq.s32 s10, $0x1;
	s10 =	sld [smem:$0x3FBA]  }
0x3d: {  	_ =	shalt  }
0x3e: {  	_ =	shalt  }
0x3f: {  	_ =	shalt  }
0x40: {  	_ =	shalt  }
0x41: {  	_ =	shalt  }
0x42: {  	_ =	shalt  }
0x43: {  	_ =	shalt  }
0x44: {  	_ =	shalt  }
0x45: {  	_ =	shalt  }
0x46: {  	_ =	shalt  }
0x47: {  	_ =	shalt  }
0x48: {  	_ =	shalt  }
0x49: {  	_ =	shalt  }
0x4a: {  	_ =	shalt  }
0x4b: {  	_ =	shalt  }
0x4c: {  	_ =	shalt  }
0x4d: {  	_ =	shalt  }
0x4e: {  	_ =	shalt  }
0x4f: {  	_ =	shalt  }
0x50: {  	_ =	shalt  }
0x51: {  	_ =	shalt  }
0x52: {  	_ =	shalt  }
0x53: {  	_ =	shalt  }
0x54: {  	_ =	shalt  }
0x55: {  	_ =	shalt  }
0x56: {  	_ =	shalt  }
0x57: {  	_ =	shalt  }
0x58: {  	_ =	shalt  }
0x59: {  	_ =	shalt  }
0x5a: {  	_ =	shalt  }
0x5b: {  	_ =	shalt  }
0x5c: {  	_ =	shalt  }
0x5d: {  	_ =	shalt  }
0x5e: {  	_ =	shalt  }
0x5f: {  	_ =	shalt  }
0x60: {  	_ =	shalt  }
0x61: {  	_ =	shalt  }
0x62: {  	_ =	shalt  }
0x63: {  	_ =	shalt  }
0x64: {  	_ =	shalt  }
0x65: {  	_ =	shalt  }
0x66: {  	_ =	shalt  }
0x67: {  	_ =	shalt  }
0x68: {  	_ =	shalt  }
0x69: {  	_ =	shalt  }
0x6a: {  	_ =	shalt  }
0x6b: {  	_ =	shalt  }
0x6c: {  	_ =	shalt  }
0x6d: {  	_ =	shalt  }
0x6e: {  	_ =	shalt  }
0x6f: {  	_ =	shalt  }
0x70: {  	_ =	shalt  }
0x71: {  	_ =	shalt  }
0x72: {  	_ =	shalt  }
0x73: {  	_ =	shalt  }
0x74: {  	_ =	shalt  }
0x75: {  	_ =	shalt  }
0x76: {  	_ =	shalt  }
0x77: {  	_ =	shalt  }
0x78: {  	_ =	shalt  }
0x79: {  	_ =	shalt  }
0x7a: {  	_ =	shalt  }
0x7b: {  	_ =	shalt  }
0x7c: {  	_ =	shalt  }
0x7d: {  	_ =	shalt  }
0x7e: {  	_ =	shalt  }
0x7f: {  	_ =	shalt  }
0x80: {  	_ =	shalt  }
0x81: {  	_ =	shalt  }
0x82: {  	_ =	shalt  }
0x83: {  	_ =	shalt  }
0x84: {  	_ =	shalt  }
0x85: {  	_ =	shalt  }
0x86: {  	_ =	shalt  }
0x87: {  	_ =	shalt  }
.Lfunc_end0:
.L_simem_size_0:
called_computation_lowered:
.L_overlay_start_0:
0x88: {  	s2 =	sld [smem:$0x3FD9]  }
0x89: {  	s3 =	sld [smem:$0x3FFE];
	_ =	sdelay $0x1  }
0x8a: {  	s1 =	srdreg.scid  }
0x8b: {  	s0 =	sand.u32 $0x1, s1  }
0x8c: {  	s17 =	sshll.u32 s0, $0xA;
	s2 =	sadd.s32 s3, s2  }
0x8d: {  	s2 =	sadd.s32 s2, s17  }
0x8e: {  	[smem:$0x3FC6] =	sst s2  }
0x8f: {  	_ = 	snop  }
0x90: {  	s2 =	sld [smem:$0x3FD0];
	(tm) =	ssettm $0x1  }
0x91: {  	s18 =	sld [smem:$0x3FFB];
	_ =	sdelay $0x3  }
0x92: {  	_ =	strace s18  }
0x93: {  	s3 =	sld [smem:$0x3FFC];
	_ =	sdelay $0x3  }
0x94: {  	_ =	strace s3  }
0x95: {  	s3 =	sld [smem:$0x3FFD];
	_ =	sdelay $0x3  }
0x96: {  	_ =	strace s3  }
0x97: {  	_ =	strace $0x8FFFFFFF  }
0x98: {  	s19 =	sld [smem:$0x3FDB];
	_ =	sdelay $0x1  }
0x99: {  	s4 =	simm.s32 $_scs_section_size  }
0x9a: {  	s5 =	simm.s32 $_size__tile_overlayer_lowered;
	s6 =	simm.s32 $_tile_overlayer_lowered  }
0x9b: {  	s22 =	simm.s32 $0x1BFF;
	s21 =	sshll.u32 s6, $0x1;
	s3 =	sadd.s32 s4, s19  }
0x9c: {  	s7 =	simm.s32 $0x0;
	s20 =	sshll.u32 s5, $0x1;
	s5 =	sadd.s32 s21, s3  }
0x9d: {  	[timem:s7], [sflag:s22] =	dma.local [hbm:s5], s20  }
0x9e: {  	_ =	swait.ge [sflag:s22], s20  }
0x9f: {  	s4 =	ssub.s32 $0x0, s20;
	[sflag:s22] =	ssyncset.done $0x0  }
0xa0: {  	[sflag:s22] =	ssyncadd.s32 s4;
	_ =	sdelay $0x1  }
0xa1: {  	s23 =	simm.s32 $0x1B8B  }
0xa2: {  	_ =	swait.ge [sflag:s23], $0x1  }
0xa3: {  	[sflag:s23] =	ssyncset.done $0x0  }
0xa4: {  	s25 =	simm.s32 $0x1B8E;
	s24 =	sld [smem:$0x3FFE];
	[sflag:s23] =	ssyncadd.s32 $0xFFFFFFFF  }
0xa5: {  	s26 =	simm.s32 $execute0_lowered;
	[smem:$0x3FD2] =	sst s25  }
0xa6: {  	s5 =	sshll.u32 s26, $0x1;
	_ =	strace $0x80000046;
	[dreg:$0x1] =	wrdreg $0xFFFFFFFF  }
0xa7: {  	s28 =	simm.s32 $_size_execute0_lowered;
	s3 =	sadd.s32 s3, s5;
	[dreg:$0x0] =	wrdreg $0x0  }
0xa8: {  	s5 =	sshll.u32 s28, $0x1;
	[dreg:$0x2] =	wrdreg s3  }
0xa9: {  	[dreg:$0x3] =	wrdreg s5  }
0xaa: {  	[dreg:$0x4] =	wrdreg $0xC0  }
0xab: {  	_ =	task [dreg:s7], $0x5FFFF  }
0xac: {  	[dreg:$0x1] =	wrdreg $0xFFFFFFFF  }
0xad: {  	[dreg:$0x0] =	wrdreg $0x60  }
0xae: {  	[dreg:$0x2] =	wrdreg s24  }
0xaf: {  	[dreg:$0x3] =	wrdreg s2  }
0xb0: {  	[dreg:$0x4] =	wrdreg $0x9  }
0xb1: {  	_ =	task.clear_ibuf [dreg:s7], $0x5FFFF;
	_ =	strace $0x90000046  }
0xb2: {  	s29 =	simm.s32 $0x9;
	_ =	strace $0x80000048  }
0xb3: {  	_ =	swait.ge [sflag:s29], $0x1  }
0xb4: {  	[sflag:s29] =	ssyncadd.s32 $0xFFFFFFFF  }
0xb5: {  	_ =	strace $0x90000048  }
0xb6: {  	_ =	sfence  }
0xb7: {  	s30 =	sld [smem:$0x0];
	_ =	sdelay $0x2  }
0xb8: {  	s31 =	sshll.u32 s1, $0xD;
	s1 =	sshrl.u32 s1, $0x2  }
0xb9: {  	s3 =	sand.u32 $0x4000, s31;
	s1 =	sadd.s32 s1, s30  }
0xba: {  	s0 =	sor.u32 s3, s0;
	s1 =	sshll.u32 s1, $0x11  }
0xbb: {  	s0 =	sor.u32 s1, s0  }
0xbc: {  	s0 =	sadd.s32 $0x8F2B, s0  }
0xbd: {  	[sflag:s0] =	ssyncadd.remote.s32 $0x1  }
0xbe: {  	_ =	sfence.sel $0xFFFF  }
0xbf: {  	[dreg:$0x0] =	wrdreg $0xFFFFFFFF;
	(pc) =	sbr.abs _section_cstart, $3  }
0xc0: {  	[dreg:$0x1] =	wrdreg $0xFFFFFFFF  }
0xc1: {  	_ =	task.clear_ibuf [dreg:s7], $0x2FFFF;
	_ =	strace $0x9FFFFFFF  }
0xc2: {  	(tm) =	ssettm $0x7FFFFFFF  }
0xc3: {  	_ =	shalt  }
tec
execute0_lowered:
.L_overlay_start_1:
0x0: {  	(tag) =	ssettag $0x1  }
0x1: {  	s0 =	srdreg.scid  }
0x2: {  	s1 =	rddreg [dreg:$0x0];
	s3 =	stileid.u32  }
0x3: {  	s2 =	rddreg [dreg:$0x1];
	s9 =	simm.s32 $0x3;
	s10 =	simm.s32 $0x14A00  }
0x4: {  	s11 =	simm.s32 $0x4;
	s0 =	sand.u32 $0x1, s0;
	s4 =	sshll.u32 s3, $0xA  }
0x5: {  	v0 =	vimm.s32 $0x1078;
	vm0 =	vcmask $0x300;
	s3 =	simm.s32 $0x0;
	s6 =	sadd.s32 $0x600, s1;
	s5 =	sshll.u32 s0, $0x9  }
0x6: {  	vm1 =	vcmask $0x704;
	v1 =	vimm.s32 $0x29F8;
	v0 =	vsel vm0, $0x0, v0;
	[smem:$0x7FF] =	sst s3;
	s0 =	ssub.s32 $0x2, s0;
	s4 =	sor.u32 s5, s4  }
0x7: {  	vm2 =	vcmask $0xB08;
	v1 =	vsel vm0, $0x1980, v1;
	v0 =	vsel vm1, $0x88, v0;
	_ =	strace $0x80000047;
	[dreg:$0x3] =	wrdreg s6;
	s5 =	sshrl.u32 s4, $0x3  }
0x8: {  	vm3 =	vcmask $0xF0C;
	v1 =	vsel vm1, $0x1A08, v1;
	s19 =	sshrl.u32 s0, $0x1;
	v0 =	vsel vm2, $0x110, v0;
	s26 =	sshll.u32 s4, $0x3;
	s6 =	sadd.s32 s6, s5  }
0x9: {  	vm15 =	vcmask $0x1310;
	v1 =	vsel vm2, $0x1A90, v1;
	s0 =	ssub.s32 s0, s19;
	v0 =	vsel vm3, $0x198, v0;
	s31 =	sor.u32 $0x400, s26;
	[dreg:$0x4] =	wrdreg s6  }
0xa: {  	s16 =	simm.s32 $0x6;
	vm6 =	vcmask $0x1714;
	v1 =	vsel vm3, $0x1B18, v1;
	s0 =	smax.u32 s0, $0x1;
	v0 =	vsel vm15, $0x220, v0;
	[dreg:$0xe] =	wrdreg s31  }
0xb: {  	vm7 =	vcmask $0x1B18;
	s7 =	sadd.s32 $0x7A1800, s1;
	v1 =	vsel vm15, $0x1BA0, v1;
	s8 =	sadd.s32 $0x19000, s6;
	[dreg:$0xf] =	wrdreg s0;
	v0 =	vsel vm6, $0x2A8, v0  }
0xc: {  	vm8 =	vcmask $0x1F1C;
	s12 =	sadd.s32 $0x803280, s1;
	s20 =	sadd.s32 $0x32000, s6;
	v1 =	vsel vm6, $0x1C28, v1;
	[dreg:$0x5] =	wrdreg s8;
	v0 =	vsel vm7, $0x330, v0  }
0xd: {  	vm9 =	vcmask $0x2320;
	s13 =	sadd.s32 $0x864D00, s1;
	s21 =	sadd.s32 $0x4B000, s6;
	[dreg:$0x6] =	wrdreg s20;
	v1 =	vsel vm7, $0x1CB0, v1;
	v0 =	vsel vm8, $0x3B8, v0  }
0xe: {  	vm10 =	vcmask $0x2724;
	s14 =	sadd.s32 $0x8C6780, s1;
	s22 =	sadd.s32 $0x64000, s6;
	[dreg:$0x7] =	wrdreg s21;
	v1 =	vsel vm8, $0x1D38, v1;
	v0 =	vsel vm9, $0xCC0, v0  }
0xf: {  	vm11 =	vcmask $0x2B28;
	s15 =	sadd.s32 $0x928200, s1;
	s23 =	sadd.s32 $0x20, s6;
	[dreg:$0x8] =	wrdreg s22;
	v1 =	vsel vm9, $0x2640, v1;
	v0 =	vsel vm10, $0xD48, v0  }
0x10: {  	vm12 =	vcmask $0x2F2C;
	s28 =	sadd.s32 $0xC000, s2;
	s24 =	sadd.s32 $0x19020, s6;
	[dreg:$0x9] =	wrdreg s23;
	v1 =	vsel vm10, $0x26C8, v1;
	v0 =	vsel vm11, $0xDD0, v0  }
0x11: {  	vm13 =	vcmask $0x3330;
	s1 =	simm.s32 $0x0;
	s25 =	sadd.s32 $0x32020, s6;
	[dreg:$0xa] =	wrdreg s24;
	v1 =	vsel vm11, $0x2750, v1;
	v0 =	vsel vm12, $0xE58, v0  }
0x12: {  	vm14 =	vcmask $0x3734;
	s5 =	simm.s32 $0x17D00;
	s29 =	sadd.s32 $0x4B020, s6;
	[dreg:$0xb] =	wrdreg s25;
	v1 =	vsel vm12, $0x27D8, v1;
	v0 =	vsel vm13, $0xEE0, v0  }
0x13: {  	vm15 =	vcmask $0x3B38;
	s30 =	sadd.s32 $0x64020, s6;
	s6 =	simm.s32 $0x2;
	[dreg:$0xc] =	wrdreg s29;
	v1 =	vsel vm13, $0x2860, v1;
	v0 =	vsel vm14, $0xF68, v0  }
0x14: {  	v2 =	vimm.s32 $0x0;
	[dreg:$0xd] =	wrdreg s30;
	s22 =	sadd.s32 $0x4000, s2;
	s23 =	sor.u32 $0x800, s26;
	v3 =	vsel vm14, $0x28E8, v1;
	v42 =	vsel vm15, $0xFF0, v0  }
0x15: {  	s24 =	sor.u32 $0xC00, s26;
	s26 =	sadd.s32 $0x8000, s2;
	s8 =	simm.s32 $0x80;
	v1 =	vsel vm0, $0x3, v2;
	v43 =	vsel vm15, $0x2970, v3;
	[tilespmem:$0x1FFF0] =	vst v42  }
.LBB2_1:
0x16: {  	[dreg:$0x10] =	wrdreg s1  }
0x17: {  	s0 =	rddreg [dreg:$0x4]  }
0x18: {  	[tilespmem:s3], [sflag:$0x1] =	stream.linear.gather [hbm4b:s0+s3], $0x100, $0x38;
	[tilespmem:$0x1B000] =	vst v63  }
0x19: {  	s17 =	rddreg [dreg:$0x5];
	s1 =	simm.s32 $0x100  }
0x1a: {  	[tilespmem:s1], [sflag:$0x1] =	stream.linear.gather [hbm4b:s17+s3], $0x100, $0x38;
	[tilespmem:$0x1B000] =	vst v63  }
0x1b: {  	s18 =	rddreg [dreg:$0x6];
	s17 =	simm.s32 $0x200  }
0x1c: {  	[tilespmem:s17], [sflag:$0x1] =	stream.linear.gather [hbm4b:s18+s3], $0x100, $0x38;
	[tilespmem:$0x1B000] =	vst v63  }
0x1d: {  	s19 =	rddreg [dreg:$0x7];
	s18 =	simm.s32 $0x300  }
0x1e: {  	[tilespmem:s18], [sflag:$0x1] =	stream.linear.gather [hbm4b:s19+s3], $0x100, $0x38;
	[tilespmem:$0x1B000] =	vst v63  }
0x1f: {  	s20 =	rddreg [dreg:$0x8];
	s21 =	simm.s32 $0x1;
	s19 =	simm.s32 $0x400  }
0x20: {  	[tilespmem:s19], [sflag:$0x1] =	stream.linear.gather [hbm4b:s20+s3], $0x100, $0x38;
	[tilespmem:$0x1B000] =	vst v63  }
0x21: {  	_ =	swait.ge [sflag:s21], $0x500  }
0x22: {  	[sflag:s21] =	ssyncset.done $0x0  }
0x23: {  	s25 =	simm.s32 $0xA00;
	[sflag:s21] =	ssyncadd.s32 $0xFFFFFB00  }
0x24: {  	[tilespmem:s25], [sflag:$0x3] =	stream.indirect.gather [hbm4b:s7+s8], $0x20, s3, s8, $0xb8;
	[tilespmem:$0x1B000] =	vst v63  }
0x25: {  	s29 =	simm.s32 $0x1A00  }
0x26: {  	[tilespmem:s29], [sflag:$0x3] =	stream.indirect.gather [hbm4b:s7+s8], $0x20, s8, s8, $0xb8;
	[tilespmem:$0x1B000] =	vst v63  }
0x27: {  	s31 =	simm.s32 $0x2A00  }
0x28: {  	[tilespmem:s31], [sflag:$0x3] =	stream.indirect.gather [hbm4b:s12+s8], $0x20, s1, s8, $0xb8;
	[tilespmem:$0x1B000] =	vst v63  }
0x29: {  	s20 =	simm.s32 $0x180;
	s21 =	simm.s32 $0x3A00  }
0x2a: {  	[tilespmem:s21], [sflag:$0x3] =	stream.indirect.gather [hbm4b:s12+s8], $0x20, s20, s8, $0xb8;
	[tilespmem:$0x1B000] =	vst v63  }
0x2b: {  	s25 =	simm.s32 $0x4A00  }
0x2c: {  	[tilespmem:s25], [sflag:$0x3] =	stream.indirect.gather [hbm4b:s13+s8], $0x20, s17, s8, $0xb8;
	[tilespmem:$0x1B000] =	vst v63  }
0x2d: {  	s29 =	simm.s32 $0x280;
	s31 =	simm.s32 $0x5A00  }
0x2e: {  	[tilespmem:s31], [sflag:$0x3] =	stream.indirect.gather [hbm4b:s13+s8], $0x20, s29, s8, $0xb8;
	[tilespmem:$0x1B000] =	vst v63  }
0x2f: {  	s1 =	simm.s32 $0x6A00  }
0x30: {  	[tilespmem:s1], [sflag:$0x3] =	stream.indirect.gather [hbm4b:s14+s8], $0x20, s18, s8, $0xb8;
	[tilespmem:$0x1B000] =	vst v63  }
0x31: {  	s17 =	simm.s32 $0x380;
	s18 =	simm.s32 $0x7A00  }
0x32: {  	[tilespmem:s18], [sflag:$0x3] =	stream.indirect.gather [hbm4b:s14+s8], $0x20, s17, s8, $0xb8;
	[tilespmem:$0x1B000] =	vst v63  }
0x33: {  	s20 =	simm.s32 $0x8A00  }
0x34: {  	[tilespmem:s20], [sflag:$0x3] =	stream.indirect.gather [hbm4b:s15+s8], $0x20, s19, s8, $0xb8;
	[tilespmem:$0x1B000] =	vst v63  }
0x35: {  	s21 =	simm.s32 $0x480;
	s25 =	simm.s32 $0x9A00  }
0x36: {  	[tilespmem:s25], [sflag:$0x3] =	stream.indirect.gather [hbm4b:s15+s8], $0x20, s21, s8, $0xb8;
	[tilespmem:$0x1B000] =	vst v63  }
0x37: {  	s29 =	rddreg [dreg:$0x9];
	s31 =	simm.s32 $0x500  }
0x38: {  	[tilespmem:s31], [sflag:$0x2] =	stream.linear.gather [hbm4b:s29+s3], $0x100, $0x38;
	[tilespmem:$0x1B000] =	vst v63  }
0x39: {  	s17 =	rddreg [dreg:$0xa];
	s18 =	simm.s32 $0x600  }
0x3a: {  	[tilespmem:s18], [sflag:$0x2] =	stream.linear.gather [hbm4b:s17+s3], $0x100, $0x38;
	[tilespmem:$0x1B000] =	vst v63  }
0x3b: {  	s19 =	rddreg [dreg:$0xb];
	s20 =	simm.s32 $0x700  }
0x3c: {  	[tilespmem:s20], [sflag:$0x2] =	stream.linear.gather [hbm4b:s19+s3], $0x100, $0x38;
	[tilespmem:$0x1B000] =	vst v63  }
0x3d: {  	s21 =	rddreg [dreg:$0xc];
	s25 =	simm.s32 $0x800  }
0x3e: {  	[tilespmem:s25], [sflag:$0x2] =	stream.linear.gather [hbm4b:s21+s3], $0x100, $0x38;
	[tilespmem:$0x1B000] =	vst v63  }
0x3f: {  	s30 =	simm.s32 $0x0;
	s29 =	rddreg [dreg:$0xd];
	s31 =	simm.s32 $0x900  }
0x40: {  	[tilespmem:s31], [sflag:$0x2] =	stream.linear.gather [hbm4b:s29+s3], $0x100, $0x38;
	[tilespmem:$0x1B000] =	vst v63  }
.LBB2_2:
0x41: {  	_ =	swait.ge [sflag:s6], $0x500  }
0x42: {  	[sflag:s6] =	ssyncset.done $0x0  }
0x43: {  	s0 =	simm.s32 $0x500;
	s1 =	simm.s32 $0xAA00;
	[sflag:s6] =	ssyncadd.s32 $0xFFFFFB00  }
0x44: {  	[tilespmem:s1], [sflag:$0x4] =	stream.indirect.gather [hbm4b:s7+s8], $0x20, s0, s8, $0xb8;
	[tilespmem:$0x1B000] =	vst v63  }
0x45: {  	s21 =	simm.s32 $0x580;
	s25 =	simm.s32 $0xBA00  }
0x46: {  	[tilespmem:s25], [sflag:$0x4] =	stream.indirect.gather [hbm4b:s7+s8], $0x20, s21, s8, $0xb8;
	[tilespmem:$0x1B000] =	vst v63  }
0x47: {  	s17 =	simm.s32 $0x600;
	s18 =	simm.s32 $0xCA00  }
0x48: {  	[tilespmem:s18], [sflag:$0x4] =	stream.indirect.gather [hbm4b:s12+s8], $0x20, s17, s8, $0xb8;
	[tilespmem:$0x1B000] =	vst v63  }
0x49: {  	s19 =	simm.s32 $0x680;
	s20 =	simm.s32 $0xDA00  }
0x4a: {  	[tilespmem:s20], [sflag:$0x4] =	stream.indirect.gather [hbm4b:s12+s8], $0x20, s19, s8, $0xb8;
	[tilespmem:$0x1B000] =	vst v63  }
0x4b: {  	s21 =	simm.s32 $0x700;
	s25 =	simm.s32 $0xEA00  }
0x4c: {  	[tilespmem:s25], [sflag:$0x4] =	stream.indirect.gather [hbm4b:s13+s8], $0x20, s21, s8, $0xb8;
	[tilespmem:$0x1B000] =	vst v63  }
0x4d: {  	s17 =	simm.s32 $0x780;
	s18 =	simm.s32 $0xFA00  }
0x4e: {  	[tilespmem:s18], [sflag:$0x4] =	stream.indirect.gather [hbm4b:s13+s8], $0x20, s17, s8, $0xb8;
	[tilespmem:$0x1B000] =	vst v63  }
0x4f: {  	s19 =	simm.s32 $0x800;
	s20 =	simm.s32 $0x10A00  }
0x50: {  	[tilespmem:s20], [sflag:$0x4] =	stream.indirect.gather [hbm4b:s14+s8], $0x20, s19, s8, $0xb8;
	[tilespmem:$0x1B000] =	vst v63  }
0x51: {  	s21 =	simm.s32 $0x880;
	s25 =	simm.s32 $0x11A00  }
0x52: {  	[tilespmem:s25], [sflag:$0x4] =	stream.indirect.gather [hbm4b:s14+s8], $0x20, s21, s8, $0xb8;
	[tilespmem:$0x1B000] =	vst v63  }
0x53: {  	s1 =	simm.s32 $0x900;
	s17 =	simm.s32 $0x12A00  }
0x54: {  	[tilespmem:s17], [sflag:$0x4] =	stream.indirect.gather [hbm4b:s15+s8], $0x20, s1, s8, $0xb8;
	[tilespmem:$0x1B000] =	vst v63  }
0x55: {  	s18 =	simm.s32 $0x980;
	s19 =	simm.s32 $0x13A00  }
0x56: {  	[tilespmem:s19], [sflag:$0x4] =	stream.indirect.gather [hbm4b:s15+s8], $0x20, s18, s8, $0xb8;
	[tilespmem:$0x1B000] =	vst v63  }
0x57: {  	_ =	swait.ge [sflag:s9], $0xA000  }
0x58: {  	p0 =	seq.s32 s30, $0x0;
	[sflag:s9] =	ssyncset.done $0x0  }
0x59: {  	s1 =	simm.s32 @!p0 $0x5;
	[sflag:s9] =	ssyncadd.s32 $0xFFFF6000  }
0x5a: {  	_ =	swait.ge @!p0 [sflag:s1], $0x400  }
0x5b: {  	[sflag:s1] =	ssyncset.done @!p0 $0x0  }
0x5c: {  	[sflag:s1] =	ssyncadd.s32 @!p0 $0xFFFFFC00  }
0x5d: {  	_ =	swait.ge @!p0 [sflag:s1], $0x400  }
0x5e: {  	[sflag:s1] =	ssyncset.done @!p0 $0x0  }
0x5f: {  	[sflag:s1] =	ssyncadd.s32 @!p0 $0xFFFFFC00  }
0x60: {  	_ =	swait.ge @!p0 [sflag:s1], $0x400  }
0x61: {  	[sflag:s1] =	ssyncset.done @!p0 $0x0  }
0x62: {  	[sflag:s1] =	ssyncadd.s32 @!p0 $0xFFFFFC00  }
0x63: {  	_ =	swait.ge @!p0 [sflag:s1], $0x400  }
0x64: {  	[sflag:s1] =	ssyncset.done @!p0 $0x0  }
0x65: {  	[sflag:s1] =	ssyncadd.s32 @!p0 $0xFFFFFC00  }
0x66: {  	_ =	swait.ge @!p0 [sflag:s1], $0x400  }
0x67: {  	[sflag:s1] =	ssyncset.done @!p0 $0x0  }
0x68: {  	[sflag:s1] =	ssyncadd.s32 @!p0 $0xFFFFFC00  }
0x69: {  	_ =	swait.ge @!p0 [sflag:s1], $0x400  }
0x6a: {  	[sflag:s1] =	ssyncset.done @!p0 $0x0  }
0x6b: {  	[sflag:s1] =	ssyncadd.s32 @!p0 $0xFFFFFC00  }
0x6c: {  	_ =	swait.ge @!p0 [sflag:s1], $0x400  }
0x6d: {  	[sflag:s1] =	ssyncset.done @!p0 $0x0  }
0x6e: {  	[sflag:s1] =	ssyncadd.s32 @!p0 $0xFFFFFC00  }
0x6f: {  	_ =	swait.ge @!p0 [sflag:s1], $0x400  }
0x70: {  	[sflag:s1] =	ssyncset.done @!p0 $0x0  }
0x71: {  	s29 =	simm.s32 $0x8AF0;
	[sflag:s1] =	ssyncadd.s32 @!p0 $0xFFFFFC00  }
0x72: {  	v5 =	vld [tilespmem:s29+$0xFFFFFF60]  }
0x73: {  	v12 =	vld [tilespmem:s29+$0xFFFFFFA0]  }
0x74: {  	v13 =	vld [tilespmem:s29+$0xFFFFDF60]  }
0x75: {  	v14 =	vld [tilespmem:s29+$0xFFFFDF80]  }
0x76: {  	v10 =	vld [tilespmem:s29+$0xFFFFDFB0]  }
0x77: {  	v15 =	vld [tilespmem:s29+$0xFFFFDFA0]  }
0x78: {  	v4 =	vld [tilespmem:s29+$0xFFFFFF90]  }
0x79: {  	v7 =	vld [tilespmem:s29+$0xFFFFFFB0]  }
0x7a: {  	v16 =	vld [tilespmem:s29+$0xFFFFBFA0]  }
0x7b: {  	v9 =	vld [tilespmem:s29+$0xFFFFDF90]  }
0x7c: {  	v17 =	vld [tilespmem:s29+$0xFFFFFF80]  }
0x7d: {  	v18 =	vld [tilespmem:s29+$0xFFFFFFD0]  }
0x7e: {  	v19 =	vld [tilespmem:s29+$0xFFFFBF90]  }
0x7f: {  	v20 =	vld [tilespmem:s29+$0xFFFFBFB0]  }
0x80: {  	v21 =	vld [tilespmem:s29+$0xFFFFFFC0]  }
0x81: {  	v22 =	vld [tilespmem:s29+$0xFFFFDFC0]  }
0x82: {  	v3 =	vld [tilespmem:s29+$0xFFFFFFE0]  }
0x83: {  	v23 =	vld [tilespmem:s29+$0xFFFFBFC0]  }
0x84: {  	v24 =	vld [tilespmem:s29+$0xFFFFBF60]  }
0x85: {  	v8 =	vld [tilespmem:s29+$0xFFFFBF50]  }
0x86: {  	v6 =	vld [tilespmem:s29+$0xFFFFFF70]  }
0x87: {  	v26 =	vld [tilespmem:s29+$0xFFFFDFE0]  }
0x88: {  	v27 =	vld [tilespmem:s29+$0xFFFFDFD0]  }
0x89: {  	v11 =	vld [tilespmem:s29+$0x0]  }
0x8a: {  	v28 =	vld [tilespmem:s29+$0xFFFFE000]  }
0x8b: {  	v30 =	vld [tilespmem:s29+$0xFFFFBFE0]  }
0x8c: {  	v31 =	vld [tilespmem:s29+$0xFFFFC000]  }
0x8d: {  	v33 =	vld [tilespmem:s29+$0xFFFFA000]  }
0x8e: {  	v34 =	vld [tilespmem:s29+$0xFFFF8000]  }
0x8f: {  	v35 =	vld [tilespmem:s29+$0xFFFF9FE0]  }
0x90: {  	v37 =	vld [tilespmem:s29+$0xFFFF7FE0]  }
0x91: {  	v38 =	vld [tilespmem:s29+$0xFFFF9FC0]  }
0x92: {  	v39 =	vld [tilespmem:s29+$0xFFFF7FC0]  }
0x93: {  	v40 =	vld [tilespmem:s29+$0xFFFF9FA0]  }
0x94: {  	v47 =	vld [tilespmem:s29+$0xFFFF7FA0]  }
0x95: {  	v41 =	vld [tilespmem:s29+$0xFFFF9F80]  }
0x96: {  	v50 =	vld [tilespmem:s29+$0xFFFF9F60]  }
0x97: {  	v51 =	vld [tilespmem:s29+$0xFFFF7F60]  }
0x98: {  	v56 =	vld [tilespmem:s29+$0xFFFF9FF0]  }
0x99: {  	v57 =	vld [tilespmem:s29+$0xFFFF7FF0]  }
0x9a: {  	v49 =	vld [tilespmem:s29+$0xFFFF7F80];
	v33 =	vadd.f32 v33, v34;
	v48 =	vadd.f32 v35, v37  }
0x9b: {  	v59 =	vld [tilespmem:s29+$0xFFFF9FD0];
	v52 =	vadd.f32 v38, v39;
	v55 =	vadd.f32 v40, v47  }
0x9c: {  	v61 =	vld [tilespmem:s29+$0xFFFF7FD0];
	v58 =	vadd.f32 v50, v51;
	v31 =	vadd.f32 v31, v33  }
0x9d: {  	s20 =	simm.s32 $0x0;
	v53 =	vld [tilespmem:s29+$0xFFFF9F40];
	v30 =	vadd.f32 v30, v48;
	v23 =	vadd.f32 v23, v52  }
0x9e: {  	v60 =	vmov s20;
	s18 =	simm.s32 $0x1;
	v54 =	vld [tilespmem:s29+$0xFFFF7F40];
	v16 =	vadd.f32 v16, v55;
	v33 =	vadd.f32 v56, v57  }
0x9f: {  	v62 =	vmul.u32 $0x440, v60;
	s17 =	simm.s32 $0x4;
	s19 =	sand.u32 $0x78, s18;
	v63 =	vld [tilespmem:s29+$0xFFFFBFD0];
	v28 =	vadd.f32 v28, v31;
	v26 =	vadd.f32 v26, v30  }
0xa0: {  	s17 =	sand.u32 $0x78, s17;
	v37 =	vld [tilespmem:s29+$0xFFFF9FB0];
	v48 =	vmov s19;
	v22 =	vadd.f32 v22, v23;
	v23 =	vadd.f32 v24, v58  }
0xa1: {  	s25 =	simm.s32 $0x7;
	v38 =	vld [tilespmem:s29+$0xFFFF7FB0];
	v15 =	vadd.f32 v15, v16;
	v16 =	vmov s17;
	v31 =	vadd.f32 v59, v61  }
0xa2: {  	v32 =	vld [tilespmem:s29+$0xFFFFBF80];
	s17 =	sand.u32 $0x78, s25;
	v16 =	vshrl.u32 v16, $0x3;
	v11 =	vadd.f32 v11, v28;
	v3 =	vadd.f32 v3, v26  }
0xa3: {  	s21 =	simm.s32 $0x5;
	v36 =	vld [tilespmem:s29+$0xFFFFBF40];
	v39 =	vmov s17;
	v26 =	vadd.f32 v41, v49;
	v21 =	vadd.f32 v21, v22  }
0xa4: {  	s1 =	sand.u32 $0x78, s21;
	s21 =	simm.s32 $0x6;
	v46 =	vld [tilespmem:s29+$0xFFFF9F50];
	v28 =	vadd.f32 v53, v54;
	v13 =	vadd.f32 v13, v23;
	v22 =	vbroadcast v62, $0x0  }
0xa5: {  	v47 =	vld [tilespmem:s29+$0xFFFF7F50];
	s17 =	sand.u32 $0x78, s21;
	v16 =	vshll.u32 v16, v1;
	v12 =	vadd.f32 v12, v15;
	v30 =	vadd.f32 v63, v31  }
0xa6: {  	v24 =	vld [tilespmem:s29+$0xFFFFBFF0];
	v35 =	vshrl.u32 v39, $0x3;
	v23 =	vadd.f32 v37, v38;
	v56 =	vmov s17  }
0xa7: {  	v29 =	vld [tilespmem:s29+$0xFFFFDFF0];
	v16 =	vbroadcast v16, $0x0;
	v35 =	vshll.u32 v35, v1;
	v26 =	vadd.f32 v32, v26  }
0xa8: {  	v45 =	vld [tilespmem:s29+$0xFFFF7F70];
	v34 =	vshrl.u32 v56, $0x3;
	v28 =	vadd.f32 v36, v28;
	v5 =	vadd.f32 v5, v13  }
0xa9: {  	v40 =	vld [tilespmem:s29+$0xFFFF9F90];
	v44 =	vadd.s32 v42, v22;
	v22 =	vadd.s32 v43, v22;
	v27 =	vadd.f32 v27, v30  }
0xaa: {  	v13 =	vld [tilespmem:s29+$0xFFFF7F90];
	v20 =	vadd.f32 v20, v23;
	v35 =	vbroadcast v35, $0x0;
	v32 =	vadd.f32 v46, v47  }
0xab: {  	v15 =	vld [tilespmem:s29+$0xFFFF9F70];
	v34 =	vshll.u32 v34, v1;
	v30 =	vshrl.u32 v48, $0x3;
	v24 =	vadd.f32 v24, v33  }
0xac: {  	v25 =	vld [tilespmem:s29+$0xFFFFFFF0];
	v55 =	vadd.s32 v44, v16;
	v58 =	vbroadcast v34, $0x0;
	v14 =	vadd.f32 v14, v26  }
0xad: {  	s0 =	simm.s32 $0x3;
	v51 =	vld [tilespmem:s29+$0xFFFFDF70];
	v16 =	vadd.s32 v22, v16;
	v10 =	vadd.f32 v10, v20;
	v18 =	vadd.f32 v18, v27  }
0xae: {  	v26 =	vmov s1;
	s1 =	sand.u32 $0x78, s0;
	v8 =	vadd.f32 v8, v32;
	v14 =	vadd.f32 v17, v14;
	v17 =	vld [tilespmem:s29+$0xFFFFBF70]  }
0xaf: {  	v52 =	vld [tilespmem:s29+$0xFFFF9F10];
	v32 =	vor.u32 $0x4, v55;
	v41 =	vmov s1;
	v13 =	vadd.f32 v40, v13  }
0xb0: {  	v49 =	vld [tilespmem:s29+$0xFFFF9F30];
	v26 =	vshrl.u32 v26, $0x3;
	v24 =	vadd.f32 v29, v24;
	v15 =	vadd.f32 v15, v45  }
0xb1: {  	v26 =	vshll.u32 v26, v1;
	v7 =	vadd.f32 v7, v10;
	v10 =	vld [tilespmem:s29+$0xFFFF7F20];
	v13 =	vadd.f32 v19, v13  }
0xb2: {  	v33 =	vshrl.u32 v41, $0x3;
	v26 =	vbroadcast v26, $0x0;
	v24 =	vadd.f32 v25, v24;
	v25 =	vld [tilespmem:s29+$0xFFFF7F30]  }
0xb3: {  	v15 =	vadd.f32 v17, v15;
	v17 =	vld [tilespmem:s29+$0xFFFF9F20];
	v9 =	vadd.f32 v9, v13;
	v13 =	vadd.s32 v44, v35  }
0xb4: {  	v53 =	vld [tilespmem:s29+$0xFFFF7F10];
	v33 =	vshll.u32 v33, v1;
	v27 =	vadd.s32 v44, v26;
	v13 =	vor.u32 $0x7, v13  }
0xb5: {  	v54 =	vld [tilespmem:s29+$0xFFFFBF30];
	v27 =	vor.u32 $0x5, v27;
	v35 =	vadd.s32 v22, v35;
	v15 =	vadd.f32 v51, v15  }
0xb6: {  	v57 =	vld [tilespmem:s29+$0xFFFFBF20];
	v33 =	vbroadcast v33, $0x0;
	v26 =	vadd.s32 v22, v26;
	v35 =	vor.u32 $0x7, v35  }
0xb7: {  	v16 =	vor.u32 $0x4, v16;
	v26 =	vor.u32 $0x5, v26;
	v6 =	vadd.f32 v6, v15;
	v15 =	vld [tilespmem:s29+$0xFFFFBF10]  }
0xb8: {  	v23 =	vadd.f32 v49, v25;
	v25 =	vadd.s32 v44, v33;
	v10 =	vadd.f32 v17, v10;
	v17 =	vld [tilespmem:s29+$0xFFFFDF50]  }
0xb9: {  	v60 =	vld [tilespmem:s29+$0xFFFFDF30];
	s1 =	simm.s32 $0x0;
	v20 =	vadd.f32 v52, v53;
	v25 =	vor.u32 $0x3, v25;
	[tilespmem:v13+s10+$0x0] =	vst.idx.msk $0xffff, v24;
	v24 =	vadd.s32 v22, v33  }
0xba: {  	v59 =	vld [tilespmem:s29+$0xFFFFDF10];
	s20 =	sand.u32 $0x78, s1;
	v4 =	vadd.f32 v4, v9;
	v19 =	vadd.f32 v54, v23;
	[tilespmem:v27+s10+$0x0] =	vst.idx.msk $0xffff, v7;
	v24 =	vor.u32 $0x3, v24  }
0xbb: {  	s25 =	simm.s32 $0x2;
	v50 =	vmov s20;
	v7 =	vadd.s32 v44, v58;
	v27 =	vshll.u32 v30, v1;
	[tilespmem:v35+s10+$0x0] =	vst.idx.msk $0xffff, v11;
	v11 =	vld [tilespmem:s29+$0xFFFFDF40]  }
0xbc: {  	s17 =	sand.u32 $0x78, s25;
	v9 =	vld [tilespmem:s29+$0xFFFFFF50];
	[tilespmem:v26+s10+$0x0] =	vst.idx.msk $0xffff, v21;
	v26 =	vshrl.u32 v50, $0x3;
	v7 =	vor.u32 $0x6, v7;
	v10 =	vadd.f32 v57, v10  }
0xbd: {  	[tilespmem:v32+s10+$0x0] =	vst.idx.msk $0xffff, v4;
	v13 =	vld [tilespmem:s29+$0xFFFFFF40];
	v15 =	vadd.f32 v15, v20;
	v4 =	vadd.f32 v17, v8;
	v8 =	vmov s17  }
0xbe: {  	[tilespmem:v25+s10+$0x0] =	vst.idx.msk $0xffff, v6;
	v6 =	vshll.u32 v26, v1;
	v25 =	vbroadcast v27, $0x0;
	v17 =	vld [tilespmem:s29+$0xFFFFDF20];
	v8 =	vshrl.u32 v8, $0x3  }
0xbf: {  	v15 =	vadd.f32 v59, v15;
	[tilespmem:v24+s10+$0x0] =	vst.idx.msk $0xffff, v14;
	v14 =	vbroadcast v6, $0x0;
	v6 =	vadd.s32 v22, v58;
	v24 =	vld [tilespmem:s29+$0xFFFFFF10]  }
0xc0: {  	v61 =	vld [tilespmem:s29+$0xFFFFFF30];
	[tilespmem:v16+s10+$0x0] =	vst.idx.msk $0xffff, v12;
	v11 =	vadd.f32 v11, v28;
	v8 =	vshll.u32 v8, v1;
	v12 =	vor.u32 $0x6, v6  }
0xc1: {  	v16 =	vld [tilespmem:s29+$0xFFFFFF20];
	[tilespmem:v7+s10+$0x0] =	vst.idx.msk $0xffff, v18;
	v4 =	vadd.f32 v9, v4;
	v7 =	vbroadcast v8, $0x0;
	v62 =	vadd.s32 v14, v44  }
0xc2: {  	v8 =	vadd.f32 v60, v19;
	v6 =	vadd.f32 v13, v11;
	v11 =	vadd.s32 v44, v25  }
0xc3: {  	v13 =	vadd.s32 v22, v25;
	v25 =	vadd.s32 v14, v22;
	v10 =	vadd.f32 v17, v10  }
0xc4: {  	v17 =	vadd.s32 v44, v7;
	v63 =	vadd.s32 v22, v7;
	v20 =	vadd.f32 v24, v15  }
0xc5: {  	v14 =	vor.u32 $0x1, v11;
	v9 =	vor.u32 $0x1, v13;
	v15 =	vadd.f32 v61, v8;
	[tilespmem:v12+s10+$0x0] =	vst.idx.msk $0xffff, v3  }
0xc6: {  	s31 =	simm.s32 $0x8BF0;
	s29 =	sshll.u32 s30, $0xE;
	v7 =	vadd.f32 v16, v10;
	v8 =	vor.u32 $0x2, v63;
	v12 =	vor.u32 $0x2, v17;
	[tilespmem:v62+s10+$0x0] =	vst.idx.msk $0xffff, v20  }
.LBB2_3:
0xc7: {  	v11 =	vld [tilespmem:s31+$0xFFFFFF60]  }
0xc8: {  	v3 =	vld [tilespmem:s31+$0xFFFFFF50]  }
0xc9: {  	v18 =	vld [tilespmem:s31+$0xFFFFFFA0]  }
0xca: {  	v19 =	vld [tilespmem:s31+$0xFFFFDFB0]  }
0xcb: {  	v40 =	vld [tilespmem:s31+$0xFFFFDFA0]  }
0xcc: {  	v20 =	vld [tilespmem:s31+$0xFFFFFFB0]  }
0xcd: {  	v23 =	vld [tilespmem:s31+$0xFFFFDF90]  }
0xce: {  	v32 =	vld [tilespmem:s31+$0xFFFFFF80]  }
0xcf: {  	v27 =	vld [tilespmem:s31+$0xFFFFFFD0]  }
0xd0: {  	v31 =	vld [tilespmem:s31+$0xFFFFBF90]  }
0xd1: {  	v33 =	vld [tilespmem:s31+$0xFFFFBFB0]  }
0xd2: {  	v44 =	vld [tilespmem:s31+$0xFFFFFFC0]  }
0xd3: {  	v45 =	vld [tilespmem:s31+$0xFFFFDFC0]  }
0xd4: {  	v36 =	vld [tilespmem:s31+$0xFFFFFFE0]  }
0xd5: {  	v46 =	vld [tilespmem:s31+$0xFFFFBFC0]  }
0xd6: {  	v26 =	vld [tilespmem:s31+$0xFFFFFF70]  }
0xd7: {  	v29 =	vld [tilespmem:s31+$0xFFFFDF70]  }
0xd8: {  	v37 =	vld [tilespmem:s31+$0xFFFFFFF0]  }
0xd9: {  	v48 =	vld [tilespmem:s31+$0xFFFFDFE0]  }
0xda: {  	v49 =	vld [tilespmem:s31+$0xFFFFDFD0]  }
0xdb: {  	v50 =	vld [tilespmem:s31+$0x0]  }
0xdc: {  	v51 =	vld [tilespmem:s31+$0xFFFFE000]  }
0xdd: {  	v52 =	vld [tilespmem:s31+$0xFFFFDFF0]  }
0xde: {  	v53 =	vld [tilespmem:s31+$0xFFFFBFE0]  }
0xdf: {  	v54 =	vld [tilespmem:s31+$0xFFFFBFD0]  }
0xe0: {  	v55 =	vld [tilespmem:s31+$0xFFFFC000]  }
0xe1: {  	v39 =	vld [tilespmem:s31+$0xFFFFBF70]  }
0xe2: {  	v56 =	vld [tilespmem:s31+$0xFFFFBF80]  }
0xe3: {  	v57 =	vld [tilespmem:s31+$0xFFFFBFF0]  }
0xe4: {  	v58 =	vld [tilespmem:s31+$0xFFFFA000]  }
0xe5: {  	v59 =	vld [tilespmem:s31+$0xFFFF8000]  }
0xe6: {  	v60 =	vld [tilespmem:s31+$0xFFFF9FE0]  }
0xe7: {  	v62 =	vld [tilespmem:s31+$0xFFFF7FE0]  }
0xe8: {  	v63 =	vld [tilespmem:s31+$0xFFFF9FC0]  }
0xe9: {  	v0 =	vld [tilespmem:s31+$0xFFFF9FA0];
	[tilespmem:v14+s10+$0x0] =	vst.idx.msk $0xffff, v15  }
0xea: {  	[tilespmem:v12+s10+$0x0] =	vst.idx.msk $0xffff, v4;
	v4 =	vld [tilespmem:s31+$0xFFFFFF30]  }
0xeb: {  	[tilespmem:v25+s10+$0x0] =	vst.idx.msk $0xffff, v7;
	v25 =	vld [tilespmem:s31+$0xFFFFDF60]  }
0xec: {  	[tilespmem:v8+s10+$0x0] =	vst.idx.msk $0xffff, v5;
	v5 =	vld [tilespmem:s31+$0xFFFFDF80]  }
0xed: {  	s18 =	sadd.s32 $0xC, s1;
	v22 =	vld [tilespmem:s31+$0xFFFFDF50]  }
0xee: {  	s19 =	sadd.s32 $0xF, s1;
	s17 =	smov.u32 s1;
	s1 =	sadd.s32 $0x8, s1;
	v47 =	vld [tilespmem:s31+$0xFFFFBF60]  }
0xef: {  	s20 =	sshrl.u32 s1, $0x7;
	s18 =	sand.u32 $0x78, s18;
	[tilespmem:v9+s10+$0x0] =	vst.idx.msk $0xffff, v6;
	v28 =	vld [tilespmem:s31+$0xFFFFBF50]  }
0xf0: {  	s0 =	sadd.s32 $0xD, s17;
	s21 =	sand.u32 $0x78, s1;
	v10 =	vmov s20;
	v7 =	vmov s18;
	v61 =	vld [tilespmem:s31+$0xFFFFBF40]  }
0xf1: {  	s19 =	sand.u32 $0x78, s19;
	s20 =	sadd.s32 $0xB, s17;
	s0 =	sand.u32 $0x78, s0;
	v16 =	vmov s21;
	v6 =	vmul.u32 $0x440, v10;
	v7 =	vshrl.u32 v7, $0x3;
	v35 =	vld [tilespmem:s31+$0xFFFFBF30]  }
0xf2: {  	s20 =	sand.u32 $0x78, s20;
	v9 =	vmov s0;
	v10 =	vmov s19;
	v14 =	vshll.u32 v7, v1;
	v7 =	vld [tilespmem:s31+$0xFFFFDF30]  }
0xf3: {  	v13 =	vmov s20;
	v15 =	vshrl.u32 v9, $0x3;
	v8 =	vbroadcast v6, $0x0;
	v6 =	vld [tilespmem:s31+$0xFFFFFF40]  }
0xf4: {  	v13 =	vshrl.u32 v13, $0x3;
	v58 =	vadd.f32 v58, v59;
	v59 =	vld [tilespmem:s31+$0xFFFF7FC0];
	v60 =	vadd.f32 v60, v62  }
0xf5: {  	s18 =	sadd.s32 $0x9, s17;
	v62 =	vld [tilespmem:s31+$0xFFFF9F80];
	v13 =	vshll.u32 v13, v1;
	v9 =	vadd.s32 v42, v8;
	v12 =	vadd.s32 v43, v8  }
0xf6: {  	v2 =	vmovc v43;
	s0 =	sand.u32 $0x78, s18;
	v8 =	vshrl.u32 v10, $0x3;
	v10 =	vbroadcast v14, $0x0;
	v14 =	vshll.u32 v15, v1;
	v43 =	vld [tilespmem:s31+$0xFFFFBFA0]  }
0xf7: {  	v15 =	vmov s0;
	v13 =	vbroadcast v13, $0x0;
	v55 =	vadd.f32 v55, v58;
	v58 =	vld [tilespmem:s31+$0xFFFF7FA0]  }
0xf8: {  	v53 =	vadd.f32 v53, v60;
	v60 =	vld [tilespmem:s31+$0xFFFF9F60];
	v34 =	vshll.u32 v8, v1;
	v14 =	vbroadcast v14, $0x0  }
0xf9: {  	v8 =	vld [tilespmem:s31+$0xFFFFDF40];
	v17 =	vshrl.u32 v15, $0x3;
	v41 =	vadd.s32 v9, v13;
	v42 =	vadd.s32 v12, v13  }
0xfa: {  	v15 =	vld [tilespmem:s31+$0xFFFFFF90];
	v30 =	vadd.s32 v9, v10;
	v51 =	vadd.f32 v51, v55;
	v48 =	vadd.f32 v48, v53  }
0xfb: {  	v55 =	vld [tilespmem:s31+$0xFFFF7F80];
	v34 =	vbroadcast v34, $0x0;
	v24 =	vadd.s32 v9, v14;
	v21 =	vadd.s32 v12, v14  }
0xfc: {  	s25 =	sadd.s32 $0xA, s17;
	v53 =	vld [tilespmem:s31+$0xFFFF9F40];
	v14 =	vshrl.u32 v16, $0x3;
	v16 =	vshll.u32 v17, v1;
	v17 =	vadd.s32 v12, v10  }
0xfd: {  	s25 =	sand.u32 $0x78, s25;
	v59 =	vadd.f32 v63, v59;
	v63 =	vld [tilespmem:s31+$0xFFFF7FF0];
	v38 =	vshll.u32 v14, v1;
	v13 =	vbroadcast v16, $0x0  }
0xfe: {  	v14 =	vmov s25;
	v50 =	vadd.f32 v50, v51;
	v51 =	vld [tilespmem:s31+$0xFFFF7F60];
	v0 =	vadd.f32 v0, v58  }
0xff: {  	v30 =	vor.u32 $0x4, v30;
	v36 =	vadd.f32 v36, v48;
	v48 =	vld [tilespmem:s31+$0xFFFF9F20];
	v16 =	vshrl.u32 v14, $0x3  }
0x100: {  	v46 =	vadd.f32 v46, v59;
	v58 =	vld [tilespmem:s31+$0xFFFF7F40];
	v14 =	vadd.s32 v9, v13;
	v0 =	vadd.f32 v43, v0  }
0x101: {  	v10 =	vadd.s32 v12, v13;
	v13 =	vshll.u32 v16, v1;
	v55 =	vadd.f32 v62, v55;
	v43 =	vld [tilespmem:s31+$0xFFFF9FF0]  }
0x102: {  	v13 =	vbroadcast v13, $0x0;
	v45 =	vadd.f32 v45, v46;
	v0 =	vadd.f32 v40, v0;
	v40 =	vld [tilespmem:s31+$0xFFFF9FD0]  }
0x103: {  	v24 =	vor.u32 $0x5, v24;
	v38 =	vbroadcast v38, $0x0;
	v62 =	vadd.f32 v56, v55;
	v55 =	vld [tilespmem:s31+$0xFFFF7FB0]  }
0x104: {  	s25 =	sadd.s32 $0xE, s17;
	v16 =	vadd.s32 v9, v13;
	v44 =	vadd.f32 v44, v45;
	v51 =	vadd.f32 v60, v51;
	v45 =	vld [tilespmem:s31+$0xFFFF7F90]  }
0x105: {  	s0 =	sand.u32 $0x78, s25;
	v13 =	vadd.s32 v12, v13;
	v53 =	vadd.f32 v53, v58;
	v46 =	vadd.f32 v5, v62;
	v5 =	vld [tilespmem:s31+$0xFFFF7FD0]  }
0x106: {  	v58 =	vld [tilespmem:s31+$0xFFFF9F90];
	v47 =	vadd.f32 v47, v51;
	v62 =	vmov s0;
	v0 =	vadd.f32 v18, v0  }
0x107: {  	v51 =	vld [tilespmem:s31+$0xFFFF9FB0];
	v53 =	vadd.f32 v61, v53;
	v61 =	vadd.s32 v9, v34;
	v43 =	vadd.f32 v43, v63  }
0x108: {  	v60 =	vld [tilespmem:s31+$0xFFFF9F70];
	v59 =	vshrl.u32 v62, $0x3;
	v34 =	vadd.s32 v12, v34;
	v47 =	vadd.f32 v25, v47  }
0x109: {  	v62 =	vld [tilespmem:s31+$0xFFFF7F10];
	v25 =	vadd.s32 v38, v12;
	v32 =	vadd.f32 v32, v46;
	v43 =	vadd.f32 v57, v43  }
0x10a: {  	v56 =	vor.u32 $0x7, v61;
	v40 =	vadd.f32 v40, v5;
	v5 =	vadd.f32 v11, v47;
	v11 =	vld [tilespmem:s31+$0xFFFF7F70]  }
0x10b: {  	v63 =	vshll.u32 v59, v1;
	v8 =	vadd.f32 v8, v53;
	v45 =	vadd.f32 v58, v45;
	v47 =	vld [tilespmem:s31+$0xFFFF9F50]  }
0x10c: {  	v34 =	vor.u32 $0x7, v34;
	v43 =	vadd.f32 v52, v43;
	v52 =	vld [tilespmem:s31+$0xFFFF7F50];
	v57 =	vadd.f32 v51, v55  }
0x10d: {  	v61 =	vld [tilespmem:s31+$0xFFFF9F10];
	v18 =	vbroadcast v63, $0x0;
	v6 =	vadd.f32 v6, v8;
	v31 =	vadd.f32 v31, v45  }
0x10e: {  	v63 =	vld [tilespmem:s31+$0xFFFF7F20];
	v58 =	vadd.s32 v38, v9;
	v40 =	vadd.f32 v54, v40;
	v33 =	vadd.f32 v33, v57  }
0x10f: {  	v51 =	vld [tilespmem:s31+$0xFFFF9F30];
	v59 =	vadd.s32 v9, v18;
	v37 =	vadd.f32 v37, v43;
	v23 =	vadd.f32 v23, v31  }
0x110: {  	v12 =	vadd.s32 v12, v18;
	v40 =	vadd.f32 v49, v40;
	v49 =	vld [tilespmem:s31+$0xFFFF7F30];
	v11 =	vadd.f32 v60, v11  }
0x111: {  	v17 =	vor.u32 $0x4, v17;
	v19 =	vadd.f32 v19, v33;
	[tilespmem:v56+s10+$0x0] =	vst.idx.msk $0xffff, v37;
	v56 =	vld [tilespmem:s31+$0xFFFFBF10];
	v54 =	vadd.f32 v47, v52  }
0x112: {  	v55 =	vor.u32 $0x6, v59;
	v59 =	vld [tilespmem:s31+$0xFFFFDF10];
	v15 =	vadd.f32 v15, v23;
	v11 =	vadd.f32 v39, v11  }
0x113: {  	v41 =	vor.u32 $0x3, v41;
	v57 =	vld [tilespmem:s31+$0xFFFFBF20];
	[tilespmem:v34+s10+$0x0] =	vst.idx.msk $0xffff, v50;
	v60 =	vadd.f32 v61, v62;
	v19 =	vadd.f32 v20, v19  }
0x114: {  	v21 =	vor.u32 $0x5, v21;
	v61 =	vld [tilespmem:s31+$0xFFFFDF20];
	v62 =	vadd.f32 v48, v63;
	[tilespmem:v30+s10+$0x0] =	vst.idx.msk $0xffff, v15;
	v11 =	vadd.f32 v29, v11  }
0x115: {  	v42 =	vor.u32 $0x3, v42;
	v27 =	vadd.f32 v27, v40;
	[tilespmem:v24+s10+$0x0] =	vst.idx.msk $0xffff, v19;
	v24 =	vld [tilespmem:s31+$0xFFFFFF10];
	v9 =	vadd.f32 v51, v49  }
0x116: {  	[tilespmem:v17+s10+$0x0] =	vst.idx.msk $0xffff, v0;
	v11 =	vadd.f32 v26, v11;
	v26 =	vor.u32 $0x6, v12;
	v12 =	vadd.f32 v56, v60  }
0x117: {  	p1 =	slt.u32 s1, $0xF8;
	v63 =	vld [tilespmem:s31+$0xFFFFFF20];
	v28 =	vadd.f32 v28, v54;
	[tilespmem:v55+s10+$0x0] =	vst.idx.msk $0xffff, v27;
	v9 =	vadd.f32 v35, v9  }
.Ltmp0:
0x118: {  	[tilespmem:v41+s10+$0x0] =	vst.idx.msk $0xffff, v11;
	v11 =	vadd.f32 v57, v62;
	v15 =	vadd.f32 v59, v12;
	(pc) =	sbr.rel @p1 .LBB2_3-.Ltmp0, $4  }
0x119: {  	[tilespmem:v21+s10+$0x0] =	vst.idx.msk $0xffff, v44;
	v22 =	vadd.f32 v22, v28;
	v7 =	vadd.f32 v7, v9  }
0x11a: {  	v14 =	vor.u32 $0x1, v14;
	[tilespmem:v42+s10+$0x0] =	vst.idx.msk $0xffff, v32;
	v0 =	vadd.f32 v61, v11;
	v8 =	vadd.f32 v24, v15  }
0x11b: {  	v43 =	vmovc v2;
	v12 =	vor.u32 $0x2, v16;
	v9 =	vor.u32 $0x1, v10;
	v15 =	vadd.f32 v4, v7;
	[tilespmem:v26+s10+$0x0] =	vst.idx.msk $0xffff, v36  }
0x11c: {  	s31 =	sadd.s32 $0x100, s31;
	v42 =	vld [tilespmem:$0x1FFF0];
	v4 =	vadd.f32 v3, v22;
	v7 =	vadd.f32 v63, v0;
	[tilespmem:v58+s10+$0x0] =	vst.idx.msk $0xffff, v8;
	v8 =	vor.u32 $0x2, v13  }
0x11d: {  	_ =	sdelay $0x3  }
0x11e: {  	[tilespmem:v14+s10+$0x0] =	vst.idx.msk $0xffff, v15  }
0x11f: {  	[tilespmem:v12+s10+$0x0] =	vst.idx.msk $0xffff, v4  }
0x120: {  	s0 =	sshll.u32 s30, $0x10;
	[tilespmem:v9+s10+$0x0] =	vst.idx.msk $0xffff, v6  }
0x121: {  	[tilespmem:v25+s10+$0x0] =	vst.idx.msk $0xffff, v7;
	s31 =	sor.u32 s4, s0  }
0x122: {  	[tilespmem:v8+s10+$0x0] =	vst.idx.msk $0xffff, v5;
	s0 =	sadd.s32 s2, s31  }
0x123: {  	[hbm4b:s0+s3] =	stream.linear.scatter [tilespmem:s10], [sflag:$0x5], $0x80, $0x38;
	[tilespmem:$0x1B000] =	vst v63  }
0x124: {  	s17 =	simm.s32 $0x14A88;
	s1 =	sadd.s32 $0x10, s0  }
0x125: {  	[hbm4b:s1+s3] =	stream.linear.scatter [tilespmem:s17], [sflag:$0x5], $0x80, $0x38;
	[tilespmem:$0x1B000] =	vst v63  }
0x126: {  	s25 =	simm.s32 $0x14B10;
	s21 =	sadd.s32 $0x20, s0  }
0x127: {  	[hbm4b:s21+s3] =	stream.linear.scatter [tilespmem:s25], [sflag:$0x5], $0x80, $0x38;
	[tilespmem:$0x1B000] =	vst v63  }
0x128: {  	s18 =	simm.s32 $0x14B98;
	s17 =	sadd.s32 $0x30, s0  }
0x129: {  	[hbm4b:s17+s3] =	stream.linear.scatter [tilespmem:s18], [sflag:$0x5], $0x80, $0x38;
	[tilespmem:$0x1B000] =	vst v63  }
0x12a: {  	s20 =	simm.s32 $0x14C20;
	s19 =	sadd.s32 $0x40, s0  }
0x12b: {  	[hbm4b:s19+s3] =	stream.linear.scatter [tilespmem:s20], [sflag:$0x5], $0x80, $0x38;
	[tilespmem:$0x1B000] =	vst v63  }
0x12c: {  	s21 =	sadd.s32 $0x50, s0;
	s25 =	simm.s32 $0x14CA8  }
0x12d: {  	[hbm4b:s21+s3] =	stream.linear.scatter [tilespmem:s25], [sflag:$0x5], $0x80, $0x38;
	[tilespmem:$0x1B000] =	vst v63  }
0x12e: {  	s1 =	sshll.u32 s30, $0x13;
	s17 =	sadd.s32 $0x60, s0;
	s18 =	simm.s32 $0x14D30  }
0x12f: {  	[hbm4b:s17+s3] =	stream.linear.scatter [tilespmem:s18], [sflag:$0x5], $0x80, $0x38;
	[tilespmem:$0x1B000] =	vst v63  }
0x130: {  	s0 =	sadd.s32 $0x70, s0;
	s19 =	simm.s32 $0x14DB8;
	s20 =	rddreg [dreg:$0xe]  }
0x131: {  	[hbm4b:s0+s3] =	stream.linear.scatter [tilespmem:s19], [sflag:$0x5], $0x80, $0x38;
	[tilespmem:$0x1B000] =	vst v63  }
0x132: {  	s0 =	sor.u32 s20, s1  }
0x133: {  	s0 =	sshrl.u32 s0, $0x3  }
0x134: {  	s21 =	simm.s32 $0x14E40;
	s17 =	sadd.s32 s2, s0  }
0x135: {  	[hbm4b:s17+s3] =	stream.linear.scatter [tilespmem:s21], [sflag:$0x5], $0x80, $0x38;
	[tilespmem:$0x1B000] =	vst v63  }
0x136: {  	s18 =	simm.s32 $0x14EC8;
	s25 =	sadd.s32 $0x10, s17  }
0x137: {  	[hbm4b:s25+s3] =	stream.linear.scatter [tilespmem:s18], [sflag:$0x5], $0x80, $0x38;
	[tilespmem:$0x1B000] =	vst v63  }
0x138: {  	s20 =	simm.s32 $0x14F50;
	s19 =	sadd.s32 $0x20, s17  }
0x139: {  	[hbm4b:s19+s3] =	stream.linear.scatter [tilespmem:s20], [sflag:$0x5], $0x80, $0x38;
	[tilespmem:$0x1B000] =	vst v63  }
0x13a: {  	s21 =	sadd.s32 $0x30, s17;
	s25 =	simm.s32 $0x14FD8  }
0x13b: {  	[hbm4b:s21+s3] =	stream.linear.scatter [tilespmem:s25], [sflag:$0x5], $0x80, $0x38;
	[tilespmem:$0x1B000] =	vst v63  }
0x13c: {  	s19 =	sadd.s32 $0x40, s17;
	s20 =	simm.s32 $0x15060  }
0x13d: {  	[hbm4b:s19+s3] =	stream.linear.scatter [tilespmem:s20], [sflag:$0x5], $0x80, $0x38;
	[tilespmem:$0x1B000] =	vst v63  }
0x13e: {  	s21 =	sadd.s32 $0x50, s17;
	s25 =	simm.s32 $0x150E8  }
0x13f: {  	[hbm4b:s21+s3] =	stream.linear.scatter [tilespmem:s25], [sflag:$0x5], $0x80, $0x38;
	[tilespmem:$0x1B000] =	vst v63  }
0x140: {  	s19 =	sadd.s32 $0x60, s17;
	s20 =	simm.s32 $0x15170  }
0x141: {  	[hbm4b:s19+s3] =	stream.linear.scatter [tilespmem:s20], [sflag:$0x5], $0x80, $0x38;
	[tilespmem:$0x1B000] =	vst v63  }
0x142: {  	s21 =	sadd.s32 $0x70, s17;
	s25 =	simm.s32 $0x151F8  }
0x143: {  	[hbm4b:s21+s3] =	stream.linear.scatter [tilespmem:s25], [sflag:$0x5], $0x80, $0x38;
	[tilespmem:$0x1B000] =	vst v63  }
0x144: {  	s0 =	sadd.s32 s31, s22;
	s19 =	simm.s32 $0x156C0  }
0x145: {  	[hbm4b:s0+s3] =	stream.linear.scatter [tilespmem:s19], [sflag:$0x5], $0x80, $0x38;
	[tilespmem:$0x1B000] =	vst v63  }
0x146: {  	s20 =	sadd.s32 $0x10, s0;
	s19 =	simm.s32 $0x15748  }
0x147: {  	[hbm4b:s20+s3] =	stream.linear.scatter [tilespmem:s19], [sflag:$0x5], $0x80, $0x38;
	[tilespmem:$0x1B000] =	vst v63  }
0x148: {  	s21 =	sadd.s32 $0x20, s0;
	s25 =	simm.s32 $0x157D0  }
0x149: {  	[hbm4b:s21+s3] =	stream.linear.scatter [tilespmem:s25], [sflag:$0x5], $0x80, $0x38;
	[tilespmem:$0x1B000] =	vst v63  }
0x14a: {  	s19 =	sadd.s32 $0x30, s0;
	s20 =	simm.s32 $0x15858  }
0x14b: {  	[hbm4b:s19+s3] =	stream.linear.scatter [tilespmem:s20], [sflag:$0x5], $0x80, $0x38;
	[tilespmem:$0x1B000] =	vst v63  }
0x14c: {  	s21 =	sadd.s32 $0x40, s0;
	s25 =	simm.s32 $0x158E0  }
0x14d: {  	[hbm4b:s21+s3] =	stream.linear.scatter [tilespmem:s25], [sflag:$0x5], $0x80, $0x38;
	[tilespmem:$0x1B000] =	vst v63  }
0x14e: {  	s19 =	sadd.s32 $0x50, s0;
	s20 =	simm.s32 $0x15968  }
0x14f: {  	[hbm4b:s19+s3] =	stream.linear.scatter [tilespmem:s20], [sflag:$0x5], $0x80, $0x38;
	[tilespmem:$0x1B000] =	vst v63  }
0x150: {  	s21 =	sadd.s32 $0x60, s0;
	s25 =	simm.s32 $0x159F0  }
0x151: {  	[hbm4b:s21+s3] =	stream.linear.scatter [tilespmem:s25], [sflag:$0x5], $0x80, $0x38;
	[tilespmem:$0x1B000] =	vst v63  }
0x152: {  	s0 =	sadd.s32 $0x70, s0;
	s20 =	simm.s32 $0x15A78  }
0x153: {  	[hbm4b:s0+s3] =	stream.linear.scatter [tilespmem:s20], [sflag:$0x5], $0x80, $0x38;
	[tilespmem:$0x1B000] =	vst v63  }
0x154: {  	s21 =	sadd.s32 $0x4000, s17;
	s25 =	simm.s32 $0x15B00  }
0x155: {  	[hbm4b:s21+s3] =	stream.linear.scatter [tilespmem:s25], [sflag:$0x5], $0x80, $0x38;
	[tilespmem:$0x1B000] =	vst v63  }
0x156: {  	s19 =	sadd.s32 $0x4010, s17;
	s20 =	simm.s32 $0x15B88  }
0x157: {  	[hbm4b:s19+s3] =	stream.linear.scatter [tilespmem:s20], [sflag:$0x5], $0x80, $0x38;
	[tilespmem:$0x1B000] =	vst v63  }
0x158: {  	s21 =	sadd.s32 $0x4020, s17;
	s25 =	simm.s32 $0x15C10  }
0x159: {  	[hbm4b:s21+s3] =	stream.linear.scatter [tilespmem:s25], [sflag:$0x5], $0x80, $0x38;
	[tilespmem:$0x1B000] =	vst v63  }
0x15a: {  	s19 =	sadd.s32 $0x4030, s17;
	s20 =	simm.s32 $0x15C98  }
0x15b: {  	[hbm4b:s19+s3] =	stream.linear.scatter [tilespmem:s20], [sflag:$0x5], $0x80, $0x38;
	[tilespmem:$0x1B000] =	vst v63  }
0x15c: {  	s21 =	sadd.s32 $0x4040, s17;
	s25 =	simm.s32 $0x15D20  }
0x15d: {  	[hbm4b:s21+s3] =	stream.linear.scatter [tilespmem:s25], [sflag:$0x5], $0x80, $0x38;
	[tilespmem:$0x1B000] =	vst v63  }
0x15e: {  	s19 =	sadd.s32 $0x4050, s17;
	s20 =	simm.s32 $0x15DA8  }
0x15f: {  	[hbm4b:s19+s3] =	stream.linear.scatter [tilespmem:s20], [sflag:$0x5], $0x80, $0x38;
	[tilespmem:$0x1B000] =	vst v63  }
0x160: {  	s21 =	sadd.s32 $0x4060, s17;
	s25 =	simm.s32 $0x15E30  }
0x161: {  	[hbm4b:s21+s3] =	stream.linear.scatter [tilespmem:s25], [sflag:$0x5], $0x80, $0x38;
	[tilespmem:$0x1B000] =	vst v63  }
0x162: {  	s18 =	sadd.s32 $0x4070, s17;
	s19 =	simm.s32 $0x15EB8  }
0x163: {  	[hbm4b:s18+s3] =	stream.linear.scatter [tilespmem:s19], [sflag:$0x5], $0x80, $0x38;
	[tilespmem:$0x1B000] =	vst v63  }
0x164: {  	s0 =	sadd.s32 s31, s26;
	s20 =	simm.s32 $0x16380  }
0x165: {  	[hbm4b:s0+s3] =	stream.linear.scatter [tilespmem:s20], [sflag:$0x5], $0x80, $0x38;
	[tilespmem:$0x1B000] =	vst v63  }
0x166: {  	s21 =	sadd.s32 $0x10, s0;
	s25 =	simm.s32 $0x16408  }
0x167: {  	[hbm4b:s21+s3] =	stream.linear.scatter [tilespmem:s25], [sflag:$0x5], $0x80, $0x38;
	[tilespmem:$0x1B000] =	vst v63  }
0x168: {  	s19 =	sadd.s32 $0x20, s0;
	s20 =	simm.s32 $0x16490  }
0x169: {  	[hbm4b:s19+s3] =	stream.linear.scatter [tilespmem:s20], [sflag:$0x5], $0x80, $0x38;
	[tilespmem:$0x1B000] =	vst v63  }
0x16a: {  	s21 =	sadd.s32 $0x30, s0;
	s25 =	simm.s32 $0x16518  }
0x16b: {  	[hbm4b:s21+s3] =	stream.linear.scatter [tilespmem:s25], [sflag:$0x5], $0x80, $0x38;
	[tilespmem:$0x1B000] =	vst v63  }
0x16c: {  	s19 =	sadd.s32 $0x40, s0;
	s20 =	simm.s32 $0x165A0  }
0x16d: {  	[hbm4b:s19+s3] =	stream.linear.scatter [tilespmem:s20], [sflag:$0x5], $0x80, $0x38;
	[tilespmem:$0x1B000] =	vst v63  }
0x16e: {  	s21 =	sadd.s32 $0x50, s0;
	s25 =	simm.s32 $0x16628  }
0x16f: {  	[hbm4b:s21+s3] =	stream.linear.scatter [tilespmem:s25], [sflag:$0x5], $0x80, $0x38;
	[tilespmem:$0x1B000] =	vst v63  }
0x170: {  	s20 =	sadd.s32 $0x60, s0;
	s21 =	simm.s32 $0x166B0  }
0x171: {  	[hbm4b:s20+s3] =	stream.linear.scatter [tilespmem:s21], [sflag:$0x5], $0x80, $0x38;
	[tilespmem:$0x1B000] =	vst v63  }
0x172: {  	s0 =	sadd.s32 $0x70, s0;
	s25 =	simm.s32 $0x16738  }
0x173: {  	[hbm4b:s0+s3] =	stream.linear.scatter [tilespmem:s25], [sflag:$0x5], $0x80, $0x38;
	[tilespmem:$0x1B000] =	vst v63  }
0x174: {  	s19 =	sadd.s32 $0x8000, s17;
	s20 =	simm.s32 $0x167C0  }
0x175: {  	[hbm4b:s19+s3] =	stream.linear.scatter [tilespmem:s20], [sflag:$0x5], $0x80, $0x38;
	[tilespmem:$0x1B000] =	vst v63  }
0x176: {  	s21 =	sadd.s32 $0x8010, s17;
	s25 =	simm.s32 $0x16848  }
0x177: {  	[hbm4b:s21+s3] =	stream.linear.scatter [tilespmem:s25], [sflag:$0x5], $0x80, $0x38;
	[tilespmem:$0x1B000] =	vst v63  }
0x178: {  	s19 =	sadd.s32 $0x8020, s17;
	s20 =	simm.s32 $0x168D0  }
0x179: {  	[hbm4b:s19+s3] =	stream.linear.scatter [tilespmem:s20], [sflag:$0x5], $0x80, $0x38;
	[tilespmem:$0x1B000] =	vst v63  }
0x17a: {  	s21 =	sadd.s32 $0x8030, s17;
	s25 =	simm.s32 $0x16958  }
0x17b: {  	[hbm4b:s21+s3] =	stream.linear.scatter [tilespmem:s25], [sflag:$0x5], $0x80, $0x38;
	[tilespmem:$0x1B000] =	vst v63  }
0x17c: {  	s19 =	sadd.s32 $0x8040, s17;
	s20 =	simm.s32 $0x169E0  }
0x17d: {  	[hbm4b:s19+s3] =	stream.linear.scatter [tilespmem:s20], [sflag:$0x5], $0x80, $0x38;
	[tilespmem:$0x1B000] =	vst v63  }
0x17e: {  	s21 =	sadd.s32 $0x8050, s17;
	s25 =	simm.s32 $0x16A68  }
0x17f: {  	[hbm4b:s21+s3] =	stream.linear.scatter [tilespmem:s25], [sflag:$0x5], $0x80, $0x38;
	[tilespmem:$0x1B000] =	vst v63  }
0x180: {  	s19 =	sadd.s32 $0x8060, s17;
	s20 =	simm.s32 $0x16AF0  }
0x181: {  	[hbm4b:s19+s3] =	stream.linear.scatter [tilespmem:s20], [sflag:$0x5], $0x80, $0x38;
	[tilespmem:$0x1B000] =	vst v63  }
0x182: {  	s21 =	sadd.s32 $0x8070, s17;
	s25 =	simm.s32 $0x16B78  }
0x183: {  	[hbm4b:s21+s3] =	stream.linear.scatter [tilespmem:s25], [sflag:$0x5], $0x80, $0x38;
	[tilespmem:$0x1B000] =	vst v63  }
0x184: {  	s0 =	sadd.s32 s31, s28;
	s19 =	simm.s32 $0x17040  }
0x185: {  	[hbm4b:s0+s3] =	stream.linear.scatter [tilespmem:s19], [sflag:$0x5], $0x80, $0x38;
	[tilespmem:$0x1B000] =	vst v63  }
0x186: {  	s20 =	sadd.s32 $0x10, s0;
	s21 =	simm.s32 $0x170C8  }
0x187: {  	[hbm4b:s20+s3] =	stream.linear.scatter [tilespmem:s21], [sflag:$0x5], $0x80, $0x38;
	[tilespmem:$0x1B000] =	vst v63  }
0x188: {  	s31 =	simm.s32 $0x17150;
	s25 =	sadd.s32 $0x20, s0  }
0x189: {  	[hbm4b:s25+s3] =	stream.linear.scatter [tilespmem:s31], [sflag:$0x5], $0x80, $0x38;
	[tilespmem:$0x1B000] =	vst v63  }
0x18a: {  	s20 =	sadd.s32 $0x30, s0;
	s21 =	simm.s32 $0x171D8  }
0x18b: {  	[hbm4b:s20+s3] =	stream.linear.scatter [tilespmem:s21], [sflag:$0x5], $0x80, $0x38;
	[tilespmem:$0x1B000] =	vst v63  }
0x18c: {  	s25 =	sadd.s32 $0x40, s0;
	s31 =	simm.s32 $0x17260  }
0x18d: {  	[hbm4b:s25+s3] =	stream.linear.scatter [tilespmem:s31], [sflag:$0x5], $0x80, $0x38;
	[tilespmem:$0x1B000] =	vst v63  }
0x18e: {  	s20 =	sadd.s32 $0x50, s0;
	s21 =	simm.s32 $0x172E8  }
0x18f: {  	[hbm4b:s20+s3] =	stream.linear.scatter [tilespmem:s21], [sflag:$0x5], $0x80, $0x38;
	[tilespmem:$0x1B000] =	vst v63  }
0x190: {  	s25 =	sadd.s32 $0x60, s0;
	s31 =	simm.s32 $0x17370  }
0x191: {  	[hbm4b:s25+s3] =	stream.linear.scatter [tilespmem:s31], [sflag:$0x5], $0x80, $0x38;
	[tilespmem:$0x1B000] =	vst v63  }
0x192: {  	s19 =	simm.s32 $0x173F8;
	s0 =	sadd.s32 $0x70, s0  }
0x193: {  	[hbm4b:s0+s3] =	stream.linear.scatter [tilespmem:s19], [sflag:$0x5], $0x80, $0x38;
	[tilespmem:$0x1B000] =	vst v63  }
0x194: {  	s20 =	sadd.s32 $0xC000, s17;
	s21 =	simm.s32 $0x17480  }
0x195: {  	[hbm4b:s20+s3] =	stream.linear.scatter [tilespmem:s21], [sflag:$0x5], $0x80, $0x38;
	[tilespmem:$0x1B000] =	vst v63  }
0x196: {  	s25 =	sadd.s32 $0xC010, s17;
	s31 =	simm.s32 $0x17508  }
0x197: {  	[hbm4b:s25+s3] =	stream.linear.scatter [tilespmem:s31], [sflag:$0x5], $0x80, $0x38;
	[tilespmem:$0x1B000] =	vst v63  }
0x198: {  	s18 =	sadd.s32 $0xC020, s17;
	s19 =	simm.s32 $0x17590  }
0x199: {  	[hbm4b:s18+s3] =	stream.linear.scatter [tilespmem:s19], [sflag:$0x5], $0x80, $0x38;
	[tilespmem:$0x1B000] =	vst v63  }
0x19a: {  	s20 =	sadd.s32 $0xC030, s17;
	s21 =	simm.s32 $0x17618  }
0x19b: {  	[hbm4b:s20+s3] =	stream.linear.scatter [tilespmem:s21], [sflag:$0x5], $0x80, $0x38;
	[tilespmem:$0x1B000] =	vst v63  }
0x19c: {  	s25 =	sadd.s32 $0xC040, s17;
	s31 =	simm.s32 $0x176A0  }
0x19d: {  	[hbm4b:s25+s3] =	stream.linear.scatter [tilespmem:s31], [sflag:$0x5], $0x80, $0x38;
	[tilespmem:$0x1B000] =	vst v63  }
0x19e: {  	p1 =	sne.s32 s30, $0x31;
	s18 =	sadd.s32 $0xC050, s17;
	s19 =	simm.s32 $0x17728  }
0x19f: {  	[hbm4b:s18+s3] =	stream.linear.scatter [tilespmem:s19], [sflag:$0x5], $0x80, $0x38;
	[tilespmem:$0x1B000] =	vst v63  }
.Ltmp1:
0x1a0: {  	_ = 	snop;
	(pc) =	sbr.rel @p1 .LBB2_6-.Ltmp1, $4  }
0x1a1: {  	s20 =	sadd.s32 $0xC060, s17;
	s21 =	simm.s32 $0x177B0  }
0x1a2: {  	[hbm4b:s20+s3] =	stream.linear.scatter [tilespmem:s21], [sflag:$0x5], $0x80, $0x38;
	[tilespmem:$0x1B000] =	vst v63  }
0x1a3: {  	s25 =	sadd.s32 $0xC070, s17;
	s31 =	simm.s32 $0x17838  }
0x1a4: {  	[hbm4b:s25+s3] =	stream.linear.scatter [tilespmem:s31], [sflag:$0x5], $0x80, $0x38;
	[tilespmem:$0x1B000] =	vst v63  }
.Ltmp2:
0x1a5: {  	(pc) =	sbr.rel .LBB2_7-.Ltmp2, $4  }
0x1a6: {  	_ = 	snop  }
0x1a7: {  	_ =	swait.ge [sflag:s11], $0xA000  }
0x1a8: {  	[sflag:s11] =	ssyncset.done $0x0  }
0x1a9: {  	[sflag:s11] =	ssyncadd.s32 $0xFFFF6000  }
.LBB2_6:
0x1aa: {  	s0 =	sadd.s32 s4, s29  }
0x1ab: {  	s0 =	sadd.s32 $0x4000, s0  }
0x1ac: {  	s17 =	rddreg [dreg:$0x3];
	s0 =	sshrl.u32 s0, $0x3  }
0x1ad: {  	s0 =	sadd.s32 s17, s0  }
0x1ae: {  	[tilespmem:s3], [sflag:$0x1] =	stream.linear.gather [hbm4b:s0+s3], $0x100, $0x38;
	[tilespmem:$0x1B000] =	vst v63  }
0x1af: {  	s18 =	simm.s32 $0x100;
	s17 =	sadd.s32 $0x19000, s0  }
0x1b0: {  	[tilespmem:s18], [sflag:$0x1] =	stream.linear.gather [hbm4b:s17+s3], $0x100, $0x38;
	[tilespmem:$0x1B000] =	vst v63  }
0x1b1: {  	s19 =	simm.s32 $0x200;
	s25 =	sadd.s32 $0x32000, s0  }
0x1b2: {  	[tilespmem:s19], [sflag:$0x1] =	stream.linear.gather [hbm4b:s25+s3], $0x100, $0x38;
	[tilespmem:$0x1B000] =	vst v63  }
0x1b3: {  	s20 =	simm.s32 $0x300;
	s29 =	sadd.s32 $0x4B000, s0  }
0x1b4: {  	[tilespmem:s20], [sflag:$0x1] =	stream.linear.gather [hbm4b:s29+s3], $0x100, $0x38;
	[tilespmem:$0x1B000] =	vst v63  }
0x1b5: {  	s21 =	simm.s32 $0x400;
	s31 =	sadd.s32 $0x64000, s0;
	s25 =	simm.s32 $0x1  }
0x1b6: {  	[tilespmem:s21], [sflag:$0x1] =	stream.linear.gather [hbm4b:s31+s3], $0x100, $0x38;
	[tilespmem:$0x1B000] =	vst v63  }
0x1b7: {  	_ =	swait.ge [sflag:s25], $0x500  }
0x1b8: {  	[sflag:s25] =	ssyncset.done $0x0  }
0x1b9: {  	s29 =	simm.s32 $0xA00;
	[sflag:s25] =	ssyncadd.s32 $0xFFFFFB00  }
0x1ba: {  	[tilespmem:s29], [sflag:$0x3] =	stream.indirect.gather [hbm4b:s7+s8], $0x20, s3, s8, $0xb8;
	[tilespmem:$0x1B000] =	vst v63  }
0x1bb: {  	s31 =	simm.s32 $0x1A00  }
0x1bc: {  	[tilespmem:s31], [sflag:$0x3] =	stream.indirect.gather [hbm4b:s7+s8], $0x20, s8, s8, $0xb8;
	[tilespmem:$0x1B000] =	vst v63  }
0x1bd: {  	s25 =	simm.s32 $0x2A00  }
0x1be: {  	[tilespmem:s25], [sflag:$0x3] =	stream.indirect.gather [hbm4b:s12+s8], $0x20, s18, s8, $0xb8;
	[tilespmem:$0x1B000] =	vst v63  }
0x1bf: {  	s29 =	simm.s32 $0x180;
	s31 =	simm.s32 $0x3A00  }
0x1c0: {  	[tilespmem:s31], [sflag:$0x3] =	stream.indirect.gather [hbm4b:s12+s8], $0x20, s29, s8, $0xb8;
	[tilespmem:$0x1B000] =	vst v63  }
0x1c1: {  	s18 =	simm.s32 $0x4A00  }
0x1c2: {  	[tilespmem:s18], [sflag:$0x3] =	stream.indirect.gather [hbm4b:s13+s8], $0x20, s19, s8, $0xb8;
	[tilespmem:$0x1B000] =	vst v63  }
0x1c3: {  	s25 =	simm.s32 $0x280;
	s29 =	simm.s32 $0x5A00  }
0x1c4: {  	[tilespmem:s29], [sflag:$0x3] =	stream.indirect.gather [hbm4b:s13+s8], $0x20, s25, s8, $0xb8;
	[tilespmem:$0x1B000] =	vst v63  }
0x1c5: {  	s31 =	simm.s32 $0x6A00  }
0x1c6: {  	[tilespmem:s31], [sflag:$0x3] =	stream.indirect.gather [hbm4b:s14+s8], $0x20, s20, s8, $0xb8;
	[tilespmem:$0x1B000] =	vst v63  }
0x1c7: {  	s18 =	simm.s32 $0x380;
	s19 =	simm.s32 $0x7A00  }
0x1c8: {  	[tilespmem:s19], [sflag:$0x3] =	stream.indirect.gather [hbm4b:s14+s8], $0x20, s18, s8, $0xb8;
	[tilespmem:$0x1B000] =	vst v63  }
0x1c9: {  	s20 =	simm.s32 $0x8A00  }
0x1ca: {  	[tilespmem:s20], [sflag:$0x3] =	stream.indirect.gather [hbm4b:s15+s8], $0x20, s21, s8, $0xb8;
	[tilespmem:$0x1B000] =	vst v63  }
0x1cb: {  	s25 =	simm.s32 $0x9A00;
	s21 =	simm.s32 $0x480  }
0x1cc: {  	[tilespmem:s25], [sflag:$0x3] =	stream.indirect.gather [hbm4b:s15+s8], $0x20, s21, s8, $0xb8;
	[tilespmem:$0x1B000] =	vst v63  }
0x1cd: {  	s29 =	sadd.s32 $0x20, s0;
	s31 =	simm.s32 $0x500  }
0x1ce: {  	[tilespmem:s31], [sflag:$0x2] =	stream.linear.gather [hbm4b:s29+s3], $0x100, $0x38;
	[tilespmem:$0x1B000] =	vst v63  }
0x1cf: {  	s18 =	sadd.s32 $0x19020, s0;
	s19 =	simm.s32 $0x600  }
0x1d0: {  	[tilespmem:s19], [sflag:$0x2] =	stream.linear.gather [hbm4b:s18+s3], $0x100, $0x38;
	[tilespmem:$0x1B000] =	vst v63  }
0x1d1: {  	s20 =	sadd.s32 $0x32020, s0;
	s21 =	simm.s32 $0x700  }
0x1d2: {  	[tilespmem:s21], [sflag:$0x2] =	stream.linear.gather [hbm4b:s20+s3], $0x100, $0x38;
	[tilespmem:$0x1B000] =	vst v63  }
0x1d3: {  	s25 =	sadd.s32 $0x4B020, s0;
	s29 =	simm.s32 $0x800  }
0x1d4: {  	[tilespmem:s29], [sflag:$0x2] =	stream.linear.gather [hbm4b:s25+s3], $0x100, $0x38;
	[tilespmem:$0x1B000] =	vst v63  }
.Ltmp3:
0x1d5: {  	s0 =	sadd.s32 $0x64020, s0;
	s31 =	simm.s32 $0x900;
	(pc) =	sbr.rel @p0 .LBB2_8-.Ltmp3, $4  }
0x1d6: {  	[tilespmem:s31], [sflag:$0x2] =	stream.linear.gather [hbm4b:s0+s3], $0x100, $0x38;
	[tilespmem:$0x1B000] =	vst v63  }
0x1d7: {  	_ =	swait.ge [sflag:s11], $0xA000  }
0x1d8: {  	[sflag:s11] =	ssyncset.done $0x0  }
0x1d9: {  	[sflag:s11] =	ssyncadd.s32 $0xFFFF6000  }
.LBB2_7:
0x1da: {  	_ =	swait.ge [sflag:s16], $0x400  }
0x1db: {  	[sflag:s16] =	ssyncset.done $0x0  }
0x1dc: {  	[sflag:s16] =	ssyncadd.s32 $0xFFFFFC00  }
0x1dd: {  	_ =	swait.ge [sflag:s16], $0x400  }
0x1de: {  	[sflag:s16] =	ssyncset.done $0x0  }
0x1df: {  	[sflag:s16] =	ssyncadd.s32 $0xFFFFFC00  }
0x1e0: {  	_ =	swait.ge [sflag:s16], $0x400  }
0x1e1: {  	[sflag:s16] =	ssyncset.done $0x0  }
0x1e2: {  	[sflag:s16] =	ssyncadd.s32 $0xFFFFFC00  }
0x1e3: {  	_ =	swait.ge [sflag:s16], $0x400  }
0x1e4: {  	[sflag:s16] =	ssyncset.done $0x0  }
0x1e5: {  	[sflag:s16] =	ssyncadd.s32 $0xFFFFFC00  }
0x1e6: {  	_ =	swait.ge [sflag:s16], $0x400  }
0x1e7: {  	[sflag:s16] =	ssyncset.done $0x0  }
0x1e8: {  	[sflag:s16] =	ssyncadd.s32 $0xFFFFFC00  }
0x1e9: {  	_ =	swait.ge [sflag:s16], $0x400  }
0x1ea: {  	[sflag:s16] =	ssyncset.done $0x0  }
0x1eb: {  	[sflag:s16] =	ssyncadd.s32 $0xFFFFFC00  }
0x1ec: {  	_ =	swait.ge [sflag:s16], $0x400  }
0x1ed: {  	[sflag:s16] =	ssyncset.done $0x0  }
0x1ee: {  	[sflag:s16] =	ssyncadd.s32 $0xFFFFFC00  }
0x1ef: {  	_ =	swait.ge [sflag:s16], $0x400  }
0x1f0: {  	[sflag:s16] =	ssyncset.done $0x0  }
0x1f1: {  	[sflag:s16] =	ssyncadd.s32 $0xFFFFFC00  }
.LBB2_8:
0x1f2: {  	s31 =	simm.s32 $0x12AF0  }
0x1f3: {  	v0 =	vld [tilespmem:s31+$0xFFFFFF60]  }
0x1f4: {  	v12 =	vld [tilespmem:s31+$0xFFFFFFA0]  }
0x1f5: {  	v5 =	vld [tilespmem:s31+$0xFFFFDF60]  }
0x1f6: {  	v13 =	vld [tilespmem:s31+$0xFFFFDF80]  }
0x1f7: {  	v10 =	vld [tilespmem:s31+$0xFFFFDFB0]  }
0x1f8: {  	v14 =	vld [tilespmem:s31+$0xFFFFDFA0]  }
0x1f9: {  	v4 =	vld [tilespmem:s31+$0xFFFFFF90]  }
0x1fa: {  	v7 =	vld [tilespmem:s31+$0xFFFFFFB0]  }
0x1fb: {  	v15 =	vld [tilespmem:s31+$0xFFFFBFA0]  }
0x1fc: {  	v16 =	vld [tilespmem:s31+$0xFFFFFF80]  }
0x1fd: {  	v17 =	vld [tilespmem:s31+$0xFFFFFFD0]  }
0x1fe: {  	v19 =	vld [tilespmem:s31+$0xFFFFBFB0]  }
0x1ff: {  	v20 =	vld [tilespmem:s31+$0xFFFFFFC0]  }
0x200: {  	v21 =	vld [tilespmem:s31+$0xFFFFDFC0]  }
0x201: {  	v3 =	vld [tilespmem:s31+$0xFFFFFFE0]  }
0x202: {  	v22 =	vld [tilespmem:s31+$0xFFFFBFC0]  }
0x203: {  	v23 =	vld [tilespmem:s31+$0xFFFFBF60]  }
0x204: {  	v8 =	vld [tilespmem:s31+$0xFFFFBF50]  }
0x205: {  	v24 =	vld [tilespmem:s31+$0xFFFFFFF0]  }
0x206: {  	v25 =	vld [tilespmem:s31+$0xFFFFDFE0]  }
0x207: {  	v26 =	vld [tilespmem:s31+$0xFFFFDFD0]  }
0x208: {  	v11 =	vld [tilespmem:s31+$0x0]  }
0x209: {  	v27 =	vld [tilespmem:s31+$0xFFFFE000]  }
0x20a: {  	v28 =	vld [tilespmem:s31+$0xFFFFDFF0]  }
0x20b: {  	v29 =	vld [tilespmem:s31+$0xFFFFBFE0]  }
0x20c: {  	v30 =	vld [tilespmem:s31+$0xFFFFC000]  }
0x20d: {  	v31 =	vld [tilespmem:s31+$0xFFFFBF80]  }
0x20e: {  	v32 =	vld [tilespmem:s31+$0xFFFFA000]  }
0x20f: {  	v33 =	vld [tilespmem:s31+$0xFFFF8000]  }
0x210: {  	v34 =	vld [tilespmem:s31+$0xFFFF9FE0]  }
0x211: {  	v36 =	vld [tilespmem:s31+$0xFFFF7FE0]  }
0x212: {  	v37 =	vld [tilespmem:s31+$0xFFFF9FC0]  }
0x213: {  	v38 =	vld [tilespmem:s31+$0xFFFF7FC0]  }
0x214: {  	v39 =	vld [tilespmem:s31+$0xFFFF9FA0]  }
0x215: {  	v46 =	vld [tilespmem:s31+$0xFFFF7FA0]  }
0x216: {  	v49 =	vld [tilespmem:s31+$0xFFFF9F60]  }
0x217: {  	v50 =	vld [tilespmem:s31+$0xFFFF7F60]  }
0x218: {  	v40 =	vld [tilespmem:s31+$0xFFFF9F80]  }
0x219: {  	v54 =	vld [tilespmem:s31+$0xFFFF9FF0]  }
0x21a: {  	v55 =	vld [tilespmem:s31+$0xFFFF7FF0];
	v32 =	vadd.f32 v32, v33  }
0x21b: {  	v57 =	vld [tilespmem:s31+$0xFFFF9FD0];
	v47 =	vadd.f32 v34, v36;
	v51 =	vadd.f32 v37, v38  }
0x21c: {  	v59 =	vld [tilespmem:s31+$0xFFFF7FD0];
	v53 =	vadd.f32 v39, v46;
	v56 =	vadd.f32 v49, v50  }
0x21d: {  	v61 =	vld [tilespmem:s31+$0xFFFFBFF0];
	v30 =	vadd.f32 v30, v32;
	v29 =	vadd.f32 v29, v47  }
0x21e: {  	v48 =	vld [tilespmem:s31+$0xFFFF7F80];
	v22 =	vadd.f32 v22, v51;
	v15 =	vadd.f32 v15, v53  }
0x21f: {  	s0 =	simm.s32 $0x0;
	v52 =	vld [tilespmem:s31+$0xFFFF9F40];
	v32 =	vadd.f32 v54, v55;
	v27 =	vadd.f32 v27, v30  }
0x220: {  	s17 =	simm.s32 $0x4;
	v58 =	vmov s0;
	v62 =	vld [tilespmem:s31+$0xFFFFBFD0];
	v25 =	vadd.f32 v25, v29;
	v21 =	vadd.f32 v21, v22  }
0x221: {  	s17 =	sand.u32 $0x78, s17;
	v63 =	vld [tilespmem:s31+$0xFFFF9FB0];
	v60 =	vmul.u32 $0x440, v58;
	v22 =	vadd.f32 v23, v56;
	v14 =	vadd.f32 v14, v15  }
0x222: {  	s25 =	simm.s32 $0x7;
	v36 =	vld [tilespmem:s31+$0xFFFF7FB0];
	v15 =	vmov s17;
	v30 =	vadd.f32 v57, v59;
	v23 =	vadd.f32 v61, v32  }
0x223: {  	v41 =	vld [tilespmem:s31+$0xFFFF7F70];
	s17 =	sand.u32 $0x78, s25;
	v15 =	vshrl.u32 v15, $0x3;
	v11 =	vadd.f32 v11, v27;
	v3 =	vadd.f32 v3, v25  }
0x224: {  	v44 =	vld [tilespmem:s31+$0xFFFF9F50];
	v37 =	vmov s17;
	v25 =	vadd.f32 v40, v48;
	v20 =	vadd.f32 v20, v21  }
0x225: {  	s29 =	simm.s32 $0x0;
	v45 =	vld [tilespmem:s31+$0xFFFF7F50];
	v5 =	vadd.f32 v5, v22;
	v21 =	vbroadcast v60, $0x0;
	v12 =	vadd.f32 v12, v14  }
0x226: {  	s20 =	sand.u32 $0x78, s29;
	v38 =	vld [tilespmem:s31+$0xFFFF9F90];
	v15 =	vshll.u32 v15, v1;
	v29 =	vadd.f32 v62, v30;
	v23 =	vadd.f32 v28, v23  }
0x227: {  	v50 =	vld [tilespmem:s31+$0xFFFF9F10];
	v34 =	vshrl.u32 v37, $0x3;
	v22 =	vadd.f32 v63, v36;
	v48 =	vmov s20  }
0x228: {  	v51 =	vld [tilespmem:s31+$0xFFFF7F10];
	v15 =	vbroadcast v15, $0x0;
	v34 =	vshll.u32 v34, v1;
	v25 =	vadd.f32 v31, v25  }
0x229: {  	v27 =	vld [tilespmem:s31+$0xFFFF7F40];
	v5 =	vadd.f32 v0, v5;
	v40 =	vadd.s32 v42, v21;
	v26 =	vadd.f32 v26, v29  }
0x22a: {  	v47 =	vld [tilespmem:s31+$0xFFFF9F30];
	v21 =	vadd.s32 v43, v21;
	v19 =	vadd.f32 v19, v22;
	v23 =	vadd.f32 v24, v23  }
0x22b: {  	s21 =	simm.s32 $0x5;
	v14 =	vld [tilespmem:s31+$0xFFFF9F70];
	v34 =	vbroadcast v34, $0x0;
	v31 =	vadd.f32 v44, v45;
	v53 =	vadd.s32 v40, v15  }
0x22c: {  	s0 =	sand.u32 $0x78, s21;
	v0 =	vld [tilespmem:s31+$0xFFFF7F90];
	v15 =	vadd.s32 v21, v15;
	v13 =	vadd.f32 v13, v25;
	v10 =	vadd.f32 v10, v19  }
0x22d: {  	s18 =	simm.s32 $0x3;
	v24 =	vld [tilespmem:s31+$0xFFFF7F30];
	v25 =	vmov s0;
	v17 =	vadd.f32 v17, v26;
	v8 =	vadd.f32 v8, v31  }
0x22e: {  	s19 =	simm.s32 $0x1;
	v18 =	vld [tilespmem:s31+$0xFFFFBF90];
	s0 =	sand.u32 $0x78, s18;
	v19 =	vadd.f32 v50, v51;
	v31 =	vor.u32 $0x4, v53;
	v27 =	vadd.f32 v52, v27  }
0x22f: {  	v39 =	vmov s0;
	v25 =	vshrl.u32 v25, $0x3;
	s0 =	sand.u32 $0x78, s19;
	v13 =	vadd.f32 v16, v13;
	v16 =	vld [tilespmem:s31+$0xFFFFBF70]  }
0x230: {  	v9 =	vld [tilespmem:s31+$0xFFFFDF90];
	v14 =	vadd.f32 v14, v41;
	v25 =	vshll.u32 v25, v1;
	v46 =	vmov s0  }
0x231: {  	v49 =	vld [tilespmem:s31+$0xFFFFDF70];
	v32 =	vshrl.u32 v39, $0x3;
	v0 =	vadd.f32 v38, v0;
	v25 =	vbroadcast v25, $0x0  }
0x232: {  	v6 =	vld [tilespmem:s31+$0xFFFFFF70];
	v7 =	vadd.f32 v7, v10;
	v32 =	vshll.u32 v32, v1;
	v22 =	vadd.f32 v47, v24  }
0x233: {  	v10 =	vld [tilespmem:s31+$0xFFFF7F20];
	v32 =	vbroadcast v32, $0x0;
	v0 =	vadd.f32 v18, v0;
	v26 =	vadd.s32 v40, v25  }
0x234: {  	v25 =	vadd.s32 v21, v25;
	v26 =	vor.u32 $0x5, v26;
	v14 =	vadd.f32 v16, v14;
	v16 =	vld [tilespmem:s31+$0xFFFF9F20]  }
0x235: {  	v35 =	vld [tilespmem:s31+$0xFFFFBF40];
	s21 =	simm.s32 $0x6;
	v25 =	vor.u32 $0x5, v25;
	v0 =	vadd.f32 v9, v0;
	v9 =	vadd.s32 v40, v34  }
0x236: {  	v52 =	vld [tilespmem:s31+$0xFFFFBF30];
	s0 =	sand.u32 $0x78, s21;
	v34 =	vadd.s32 v21, v34;
	v9 =	vor.u32 $0x7, v9;
	v14 =	vadd.f32 v49, v14  }
0x237: {  	v58 =	vld [tilespmem:s31+$0xFFFFDF10];
	v54 =	vmov s0;
	v24 =	vadd.s32 v40, v32;
	v34 =	vor.u32 $0x7, v34  }
0x238: {  	v33 =	vshrl.u32 v54, $0x3;
	v24 =	vor.u32 $0x3, v24;
	v6 =	vadd.f32 v6, v14;
	v14 =	vld [tilespmem:s31+$0xFFFFBF10]  }
0x239: {  	v15 =	vor.u32 $0x4, v15;
	v33 =	vshll.u32 v33, v1;
	[tilespmem:v26+s5+$0x0] =	vst.idx.msk $0xffff, v7;
	v10 =	vadd.f32 v16, v10;
	v16 =	vld [tilespmem:s31+$0xFFFFDF50]  }
0x23a: {  	v55 =	vld [tilespmem:s31+$0xFFFFBF20];
	v27 =	vadd.f32 v35, v27;
	v56 =	vadd.s32 v21, v32;
	v57 =	vbroadcast v33, $0x0;
	[tilespmem:v25+s5+$0x0] =	vst.idx.msk $0xffff, v20  }
0x23b: {  	v59 =	vld [tilespmem:s31+$0xFFFFDF30];
	v29 =	vshrl.u32 v46, $0x3;
	v18 =	vadd.f32 v52, v22;
	[tilespmem:v9+s5+$0x0] =	vst.idx.msk $0xffff, v23;
	v23 =	vor.u32 $0x3, v56  }
0x23c: {  	s25 =	simm.s32 $0x2;
	v0 =	vadd.f32 v4, v0;
	v7 =	vadd.s32 v40, v57;
	v25 =	vshrl.u32 v48, $0x3;
	[tilespmem:v34+s5+$0x0] =	vst.idx.msk $0xffff, v11;
	v11 =	vld [tilespmem:s31+$0xFFFFDF40]  }
0x23d: {  	s0 =	sand.u32 $0x78, s25;
	v4 =	vld [tilespmem:s31+$0xFFFFFF50];
	v26 =	vshll.u32 v29, v1;
	v7 =	vor.u32 $0x6, v7;
	[tilespmem:v24+s5+$0x0] =	vst.idx.msk $0xffff, v6;
	v6 =	vshll.u32 v25, v1  }
0x23e: {  	v61 =	vld [tilespmem:s31+$0xFFFFFF10];
	[tilespmem:v31+s5+$0x0] =	vst.idx.msk $0xffff, v0;
	v14 =	vadd.f32 v14, v19;
	v0 =	vadd.f32 v16, v8;
	v8 =	vmov s0  }
0x23f: {  	v9 =	vld [tilespmem:s31+$0xFFFFFF40];
	v24 =	vbroadcast v26, $0x0;
	v10 =	vadd.f32 v55, v10;
	v8 =	vshrl.u32 v8, $0x3  }
0x240: {  	v16 =	vld [tilespmem:s31+$0xFFFFDF20];
	[tilespmem:v23+s5+$0x0] =	vst.idx.msk $0xffff, v13;
	v13 =	vbroadcast v6, $0x0;
	v6 =	vadd.s32 v21, v57;
	v14 =	vadd.f32 v58, v14  }
0x241: {  	v60 =	vld [tilespmem:s31+$0xFFFFFF30];
	[tilespmem:v15+s5+$0x0] =	vst.idx.msk $0xffff, v12;
	v11 =	vadd.f32 v11, v27;
	v8 =	vshll.u32 v8, v1;
	v12 =	vor.u32 $0x6, v6  }
0x242: {  	v62 =	vld [tilespmem:s31+$0xFFFFFF20];
	[tilespmem:v7+s5+$0x0] =	vst.idx.msk $0xffff, v17;
	v4 =	vadd.f32 v4, v0;
	v7 =	vbroadcast v8, $0x0;
	v17 =	vadd.s32 v13, v40  }
0x243: {  	v8 =	vadd.f32 v59, v18;
	v25 =	vadd.s32 v13, v21;
	v13 =	vadd.f32 v61, v14  }
0x244: {  	v6 =	vadd.f32 v9, v11;
	v9 =	vadd.s32 v40, v24;
	v11 =	vadd.s32 v21, v24  }
0x245: {  	v10 =	vadd.f32 v16, v10;
	v16 =	vadd.s32 v40, v7;
	v63 =	vadd.s32 v21, v7  }
0x246: {  	v15 =	vadd.f32 v60, v8;
	v14 =	vor.u32 $0x1, v9;
	v9 =	vor.u32 $0x1, v11;
	[tilespmem:v12+s5+$0x0] =	vst.idx.msk $0xffff, v3  }
0x247: {  	s31 =	simm.s32 $0x12BF0;
	v8 =	vor.u32 $0x2, v63;
	v7 =	vadd.f32 v62, v10;
	v12 =	vor.u32 $0x2, v16;
	[tilespmem:v17+s5+$0x0] =	vst.idx.msk $0xffff, v13  }
.LBB2_9:
0x248: {  	v11 =	vld [tilespmem:s31+$0xFFFFFF60]  }
0x249: {  	v3 =	vld [tilespmem:s31+$0xFFFFFF50]  }
0x24a: {  	v18 =	vld [tilespmem:s31+$0xFFFFFFA0]  }
0x24b: {  	v19 =	vld [tilespmem:s31+$0xFFFFDFB0]  }
0x24c: {  	v40 =	vld [tilespmem:s31+$0xFFFFDFA0]  }
0x24d: {  	v20 =	vld [tilespmem:s31+$0xFFFFFFB0]  }
0x24e: {  	v23 =	vld [tilespmem:s31+$0xFFFFDF90]  }
0x24f: {  	v32 =	vld [tilespmem:s31+$0xFFFFFF80]  }
0x250: {  	v27 =	vld [tilespmem:s31+$0xFFFFFFD0]  }
0x251: {  	v31 =	vld [tilespmem:s31+$0xFFFFBF90]  }
0x252: {  	v33 =	vld [tilespmem:s31+$0xFFFFBFB0]  }
0x253: {  	v44 =	vld [tilespmem:s31+$0xFFFFDFC0]  }
0x254: {  	v36 =	vld [tilespmem:s31+$0xFFFFFFE0]  }
0x255: {  	v45 =	vld [tilespmem:s31+$0xFFFFBFC0]  }
0x256: {  	v26 =	vld [tilespmem:s31+$0xFFFFFF70]  }
0x257: {  	v29 =	vld [tilespmem:s31+$0xFFFFDF70]  }
0x258: {  	v37 =	vld [tilespmem:s31+$0xFFFFFFF0]  }
0x259: {  	v47 =	vld [tilespmem:s31+$0xFFFFDFE0]  }
0x25a: {  	v48 =	vld [tilespmem:s31+$0xFFFFDFD0]  }
0x25b: {  	v49 =	vld [tilespmem:s31+$0x0]  }
0x25c: {  	v50 =	vld [tilespmem:s31+$0xFFFFE000]  }
0x25d: {  	v51 =	vld [tilespmem:s31+$0xFFFFDFF0]  }
0x25e: {  	v52 =	vld [tilespmem:s31+$0xFFFFBFE0]  }
0x25f: {  	v53 =	vld [tilespmem:s31+$0xFFFFBFD0]  }
0x260: {  	v54 =	vld [tilespmem:s31+$0xFFFFC000]  }
0x261: {  	v39 =	vld [tilespmem:s31+$0xFFFFBF70]  }
0x262: {  	v55 =	vld [tilespmem:s31+$0xFFFFBF80]  }
0x263: {  	v56 =	vld [tilespmem:s31+$0xFFFFBFF0]  }
0x264: {  	v57 =	vld [tilespmem:s31+$0xFFFFA000]  }
0x265: {  	v58 =	vld [tilespmem:s31+$0xFFFF8000]  }
0x266: {  	v59 =	vld [tilespmem:s31+$0xFFFF9FE0]  }
0x267: {  	v61 =	vld [tilespmem:s31+$0xFFFF7FE0]  }
0x268: {  	v62 =	vld [tilespmem:s31+$0xFFFF9FC0]  }
0x269: {  	v63 =	vld [tilespmem:s31+$0xFFFF9FA0];
	[tilespmem:v14+s5+$0x0] =	vst.idx.msk $0xffff, v15  }
0x26a: {  	[tilespmem:v12+s5+$0x0] =	vst.idx.msk $0xffff, v4;
	v15 =	vld [tilespmem:s31+$0xFFFFFF90]  }
0x26b: {  	s0 =	sadd.s32 $0xC, s29;
	[tilespmem:v25+s5+$0x0] =	vst.idx.msk $0xffff, v7;
	v4 =	vld [tilespmem:s31+$0xFFFFFF30]  }
0x26c: {  	s0 =	sand.u32 $0x78, s0;
	[tilespmem:v9+s5+$0x0] =	vst.idx.msk $0xffff, v6;
	v25 =	vld [tilespmem:s31+$0xFFFFDF60]  }
0x26d: {  	v6 =	vmov s0;
	[tilespmem:v8+s5+$0x0] =	vst.idx.msk $0xffff, v5;
	v5 =	vld [tilespmem:s31+$0xFFFFDF80]  }
0x26e: {  	v8 =	vshrl.u32 v6, $0x3;
	v6 =	vld [tilespmem:s31+$0xFFFFFF40]  }
0x26f: {  	s18 =	sadd.s32 $0xF, s29;
	s17 =	smov.u32 s29;
	s29 =	sadd.s32 $0x8, s29;
	v22 =	vld [tilespmem:s31+$0xFFFFDF50]  }
0x270: {  	s19 =	sshrl.u32 s29, $0x7;
	s21 =	sadd.s32 $0xD, s17;
	s18 =	sand.u32 $0x78, s18;
	v46 =	vld [tilespmem:s31+$0xFFFFBF60]  }
0x271: {  	s25 =	sand.u32 $0x78, s29;
	v0 =	vmov s19;
	s19 =	sadd.s32 $0xB, s17;
	s21 =	sand.u32 $0x78, s21;
	v10 =	vmov s18;
	v28 =	vld [tilespmem:s31+$0xFFFFBF50]  }
0x272: {  	v16 =	vmov s25;
	v0 =	vmul.u32 $0x440, v0;
	s19 =	sand.u32 $0x78, s19;
	v7 =	vmov s21;
	v60 =	vld [tilespmem:s31+$0xFFFFBF40]  }
0x273: {  	v35 =	vld [tilespmem:s31+$0xFFFFBF30];
	v13 =	vmov s19;
	v8 =	vshll.u32 v8, v1;
	v14 =	vshrl.u32 v7, $0x3  }
0x274: {  	v7 =	vld [tilespmem:s31+$0xFFFFDF30];
	v0 =	vbroadcast v0, $0x0;
	v14 =	vshll.u32 v14, v1;
	v13 =	vshrl.u32 v13, $0x3  }
0x275: {  	v57 =	vadd.f32 v57, v58;
	v58 =	vld [tilespmem:s31+$0xFFFF7FC0];
	v59 =	vadd.f32 v59, v61;
	v14 =	vbroadcast v14, $0x0  }
0x276: {  	v61 =	vld [tilespmem:s31+$0xFFFF9F80];
	v13 =	vshll.u32 v13, v1;
	v9 =	vadd.s32 v42, v0;
	v12 =	vadd.s32 v43, v0  }
0x277: {  	s21 =	sadd.s32 $0x9, s17;
	v0 =	vshrl.u32 v10, $0x3;
	v10 =	vbroadcast v8, $0x0;
	v8 =	vld [tilespmem:s31+$0xFFFFDF40];
	v13 =	vbroadcast v13, $0x0  }
0x278: {  	s0 =	sand.u32 $0x78, s21;
	v43 =	vld [tilespmem:s31+$0xFFFFBFA0];
	v54 =	vadd.f32 v54, v57;
	v52 =	vadd.f32 v52, v59;
	v34 =	vshll.u32 v0, v1  }
0x279: {  	v57 =	vld [tilespmem:s31+$0xFFFF7FA0];
	v0 =	vmov s0;
	v24 =	vadd.s32 v9, v14;
	v21 =	vadd.s32 v12, v14  }
0x27a: {  	v59 =	vld [tilespmem:s31+$0xFFFF9F60];
	v14 =	vshrl.u32 v16, $0x3;
	v0 =	vshrl.u32 v0, $0x3;
	v17 =	vadd.s32 v12, v10  }
0x27b: {  	s20 =	sadd.s32 $0xA, s17;
	v38 =	vshll.u32 v14, v1;
	v41 =	vadd.s32 v9, v13;
	v50 =	vadd.f32 v50, v54;
	v54 =	vld [tilespmem:s31+$0xFFFF7F80]  }
0x27c: {  	s20 =	sand.u32 $0x78, s20;
	v42 =	vadd.s32 v12, v13;
	v47 =	vadd.f32 v47, v52;
	v58 =	vadd.f32 v62, v58;
	v62 =	vld [tilespmem:s31+$0xFFFF9F40]  }
0x27d: {  	v13 =	vmov s20;
	v0 =	vshll.u32 v0, v1;
	v49 =	vadd.f32 v49, v50;
	v50 =	vld [tilespmem:s31+$0xFFFF7F60]  }
0x27e: {  	v30 =	vadd.s32 v9, v10;
	v0 =	vbroadcast v0, $0x0;
	v36 =	vadd.f32 v36, v47;
	v47 =	vld [tilespmem:s31+$0xFFFF9F20]  }
0x27f: {  	v13 =	vshrl.u32 v13, $0x3;
	v57 =	vadd.f32 v63, v57;
	v45 =	vadd.f32 v45, v58;
	v63 =	vld [tilespmem:s31+$0xFFFF7F40]  }
0x280: {  	v58 =	vld [tilespmem:s31+$0xFFFF9F90];
	v14 =	vadd.s32 v9, v0;
	v10 =	vadd.s32 v12, v0;
	v0 =	vshll.u32 v13, v1  }
0x281: {  	v0 =	vbroadcast v0, $0x0;
	v54 =	vadd.f32 v61, v54;
	v44 =	vadd.f32 v44, v45;
	v45 =	vld [tilespmem:s31+$0xFFFF9FF0]  }
0x282: {  	v34 =	vbroadcast v34, $0x0;
	v43 =	vadd.f32 v43, v57;
	v61 =	vld [tilespmem:s31+$0xFFFF7FF0]  }
0x283: {  	v16 =	vadd.s32 v9, v0;
	v13 =	vadd.s32 v12, v0;
	v0 =	vld [tilespmem:s31+$0xFFFFFFC0];
	v54 =	vadd.f32 v55, v54  }
0x284: {  	v24 =	vor.u32 $0x5, v24;
	v50 =	vadd.f32 v59, v50;
	v40 =	vadd.f32 v40, v43;
	v43 =	vld [tilespmem:s31+$0xFFFF9FD0]  }
0x285: {  	v21 =	vor.u32 $0x5, v21;
	v41 =	vor.u32 $0x3, v41;
	v55 =	vld [tilespmem:s31+$0xFFFF7FB0];
	v52 =	vadd.f32 v62, v63  }
0x286: {  	v38 =	vbroadcast v38, $0x0;
	v54 =	vadd.f32 v5, v54;
	v5 =	vld [tilespmem:s31+$0xFFFF7FD0];
	v46 =	vadd.f32 v46, v50  }
0x287: {  	s25 =	sadd.s32 $0xE, s17;
	v30 =	vor.u32 $0x4, v30;
	v62 =	vadd.s32 v9, v34;
	v50 =	vld [tilespmem:s31+$0xFFFF9FB0];
	v18 =	vadd.f32 v18, v40  }
0x288: {  	s0 =	sand.u32 $0x78, s25;
	v57 =	vor.u32 $0x7, v62;
	v62 =	vld [tilespmem:s31+$0xFFFF7F10];
	v52 =	vadd.f32 v60, v52;
	v46 =	vadd.f32 v25, v46  }
0x289: {  	v63 =	vmov s0;
	v60 =	vld [tilespmem:s31+$0xFFFF9F70];
	v0 =	vadd.f32 v0, v44;
	v44 =	vadd.f32 v45, v61  }
0x28a: {  	v34 =	vadd.s32 v12, v34;
	v32 =	vadd.f32 v32, v54;
	v45 =	vld [tilespmem:s31+$0xFFFF7F90];
	v8 =	vadd.f32 v8, v52  }
0x28b: {  	v59 =	vshrl.u32 v63, $0x3;
	v61 =	vld [tilespmem:s31+$0xFFFF9F10];
	v43 =	vadd.f32 v43, v5;
	v44 =	vadd.f32 v56, v44  }
0x28c: {  	v34 =	vor.u32 $0x7, v34;
	v5 =	vadd.f32 v11, v46;
	v11 =	vld [tilespmem:s31+$0xFFFF7F70];
	v50 =	vadd.f32 v50, v55  }
0x28d: {  	v56 =	vshll.u32 v59, v1;
	v46 =	vld [tilespmem:s31+$0xFFFF9F50];
	v6 =	vadd.f32 v6, v8;
	v43 =	vadd.f32 v53, v43  }
0x28e: {  	v40 =	vbroadcast v56, $0x0;
	v56 =	vld [tilespmem:s31+$0xFFFFBF10];
	v44 =	vadd.f32 v51, v44;
	v33 =	vadd.f32 v33, v50  }
0x28f: {  	v25 =	vadd.s32 v38, v12;
	v51 =	vld [tilespmem:s31+$0xFFFF7F50];
	v45 =	vadd.f32 v58, v45;
	v58 =	vadd.f32 v48, v43  }
0x290: {  	v53 =	vld [tilespmem:s31+$0xFFFF9F30];
	v59 =	vadd.s32 v9, v40;
	v37 =	vadd.f32 v37, v44;
	v19 =	vadd.f32 v19, v33  }
0x291: {  	v12 =	vadd.s32 v12, v40;
	v48 =	vld [tilespmem:s31+$0xFFFF7F30];
	v11 =	vadd.f32 v60, v11;
	v31 =	vadd.f32 v31, v45  }
0x292: {  	v63 =	vld [tilespmem:s31+$0xFFFF7F20];
	v55 =	vor.u32 $0x6, v59;
	v60 =	vadd.f32 v61, v62;
	v27 =	vadd.f32 v27, v58;
	[tilespmem:v57+s5+$0x0] =	vst.idx.msk $0xffff, v37  }
0x293: {  	v59 =	vld [tilespmem:s31+$0xFFFFDF10];
	v19 =	vadd.f32 v20, v19;
	v58 =	vadd.s32 v38, v9;
	v11 =	vadd.f32 v39, v11  }
0x294: {  	v17 =	vor.u32 $0x4, v17;
	v57 =	vld [tilespmem:s31+$0xFFFFBF20];
	v54 =	vadd.f32 v46, v51;
	[tilespmem:v34+s5+$0x0] =	vst.idx.msk $0xffff, v49;
	v23 =	vadd.f32 v23, v31  }
0x295: {  	v61 =	vld [tilespmem:s31+$0xFFFFDF20];
	[tilespmem:v24+s5+$0x0] =	vst.idx.msk $0xffff, v19;
	v24 =	vor.u32 $0x6, v12;
	v12 =	vadd.f32 v56, v60;
	v11 =	vadd.f32 v29, v11  }
0x296: {  	v62 =	vld [tilespmem:s31+$0xFFFFFF10];
	v9 =	vadd.f32 v53, v48;
	v15 =	vadd.f32 v15, v23;
	[tilespmem:v21+s5+$0x0] =	vst.idx.msk $0xffff, v0  }
0x297: {  	v42 =	vor.u32 $0x3, v42;
	v0 =	vadd.f32 v47, v63;
	[tilespmem:v55+s5+$0x0] =	vst.idx.msk $0xffff, v27;
	v11 =	vadd.f32 v26, v11  }
0x298: {  	p0 =	slt.u32 s29, $0xF8;
	v28 =	vadd.f32 v28, v54;
	v63 =	vld [tilespmem:s31+$0xFFFFFF20];
	v9 =	vadd.f32 v35, v9;
	[tilespmem:v30+s5+$0x0] =	vst.idx.msk $0xffff, v15  }
.Ltmp4:
0x299: {  	v0 =	vadd.f32 v57, v0;
	[tilespmem:v41+s5+$0x0] =	vst.idx.msk $0xffff, v11;
	v11 =	vadd.f32 v59, v12;
	(pc) =	sbr.rel @p0 .LBB2_9-.Ltmp4, $4  }
0x29a: {  	v22 =	vadd.f32 v22, v28;
	[tilespmem:v17+s5+$0x0] =	vst.idx.msk $0xffff, v18;
	v7 =	vadd.f32 v7, v9  }
0x29b: {  	v14 =	vor.u32 $0x1, v14;
	v0 =	vadd.f32 v61, v0;
	[tilespmem:v24+s5+$0x0] =	vst.idx.msk $0xffff, v36;
	v8 =	vadd.f32 v62, v11  }
0x29c: {  	v43 =	vmovc v2;
	v12 =	vor.u32 $0x2, v16;
	v9 =	vor.u32 $0x1, v10;
	[tilespmem:v42+s5+$0x0] =	vst.idx.msk $0xffff, v32;
	v15 =	vadd.f32 v4, v7  }
0x29d: {  	s31 =	sadd.s32 $0x100, s31;
	v42 =	vld [tilespmem:$0x1FFF0];
	v7 =	vadd.f32 v63, v0;
	v4 =	vadd.f32 v3, v22;
	[tilespmem:v58+s5+$0x0] =	vst.idx.msk $0xffff, v8;
	v8 =	vor.u32 $0x2, v13  }
0x29e: {  	_ =	sdelay $0x3  }
0x29f: {  	[tilespmem:v14+s5+$0x0] =	vst.idx.msk $0xffff, v15  }
0x2a0: {  	[tilespmem:v12+s5+$0x0] =	vst.idx.msk $0xffff, v4  }
0x2a1: {  	s0 =	sor.u32 s23, s1;
	[tilespmem:v9+s5+$0x0] =	vst.idx.msk $0xffff, v6  }
0x2a2: {  	[tilespmem:v25+s5+$0x0] =	vst.idx.msk $0xffff, v7;
	s17 =	sshrl.u32 s0, $0x3  }
0x2a3: {  	[tilespmem:v8+s5+$0x0] =	vst.idx.msk $0xffff, v5;
	s0 =	sadd.s32 s2, s17  }
0x2a4: {  	[hbm4b:s0+s3] =	stream.linear.scatter [tilespmem:s5], [sflag:$0x6], $0x80, $0x38;
	[tilespmem:$0x1B000] =	vst v63  }
0x2a5: {  	s19 =	simm.s32 $0x17D88;
	s18 =	sadd.s32 $0x10, s0  }
0x2a6: {  	[hbm4b:s18+s3] =	stream.linear.scatter [tilespmem:s19], [sflag:$0x6], $0x80, $0x38;
	[tilespmem:$0x1B000] =	vst v63  }
0x2a7: {  	s31 =	simm.s32 $0x17E10;
	s29 =	sadd.s32 $0x20, s0  }
0x2a8: {  	[hbm4b:s29+s3] =	stream.linear.scatter [tilespmem:s31], [sflag:$0x6], $0x80, $0x38;
	[tilespmem:$0x1B000] =	vst v63  }
0x2a9: {  	s20 =	simm.s32 $0x17E98;
	s19 =	sadd.s32 $0x30, s0  }
0x2aa: {  	[hbm4b:s19+s3] =	stream.linear.scatter [tilespmem:s20], [sflag:$0x6], $0x80, $0x38;
	[tilespmem:$0x1B000] =	vst v63  }
0x2ab: {  	s25 =	simm.s32 $0x17F20;
	s21 =	sadd.s32 $0x40, s0  }
0x2ac: {  	[hbm4b:s21+s3] =	stream.linear.scatter [tilespmem:s25], [sflag:$0x6], $0x80, $0x38;
	[tilespmem:$0x1B000] =	vst v63  }
0x2ad: {  	s29 =	sadd.s32 $0x50, s0;
	s31 =	simm.s32 $0x17FA8  }
0x2ae: {  	[hbm4b:s29+s3] =	stream.linear.scatter [tilespmem:s31], [sflag:$0x6], $0x80, $0x38;
	[tilespmem:$0x1B000] =	vst v63  }
0x2af: {  	s20 =	sadd.s32 $0x60, s0;
	s21 =	simm.s32 $0x18030;
	s29 =	sor.u32 s24, s1  }
0x2b0: {  	[hbm4b:s20+s3] =	stream.linear.scatter [tilespmem:s21], [sflag:$0x6], $0x80, $0x38;
	[tilespmem:$0x1B000] =	vst v63  }
0x2b1: {  	s0 =	sadd.s32 $0x70, s0;
	s25 =	simm.s32 $0x180B8;
	s1 =	sshrl.u32 s29, $0x3  }
0x2b2: {  	[hbm4b:s0+s3] =	stream.linear.scatter [tilespmem:s25], [sflag:$0x6], $0x80, $0x38;
	[tilespmem:$0x1B000] =	vst v63  }
0x2b3: {  	s31 =	simm.s32 $0x18140;
	s0 =	sadd.s32 s2, s1  }
0x2b4: {  	[hbm4b:s0+s3] =	stream.linear.scatter [tilespmem:s31], [sflag:$0x6], $0x80, $0x38;
	[tilespmem:$0x1B000] =	vst v63  }
0x2b5: {  	s20 =	simm.s32 $0x181C8;
	s19 =	sadd.s32 $0x10, s0  }
0x2b6: {  	[hbm4b:s19+s3] =	stream.linear.scatter [tilespmem:s20], [sflag:$0x6], $0x80, $0x38;
	[tilespmem:$0x1B000] =	vst v63  }
0x2b7: {  	s25 =	simm.s32 $0x18250;
	s21 =	sadd.s32 $0x20, s0  }
0x2b8: {  	[hbm4b:s21+s3] =	stream.linear.scatter [tilespmem:s25], [sflag:$0x6], $0x80, $0x38;
	[tilespmem:$0x1B000] =	vst v63  }
0x2b9: {  	s29 =	sadd.s32 $0x30, s0;
	s31 =	simm.s32 $0x182D8  }
0x2ba: {  	[hbm4b:s29+s3] =	stream.linear.scatter [tilespmem:s31], [sflag:$0x6], $0x80, $0x38;
	[tilespmem:$0x1B000] =	vst v63  }
0x2bb: {  	s19 =	sadd.s32 $0x40, s0;
	s20 =	simm.s32 $0x18360  }
0x2bc: {  	[hbm4b:s19+s3] =	stream.linear.scatter [tilespmem:s20], [sflag:$0x6], $0x80, $0x38;
	[tilespmem:$0x1B000] =	vst v63  }
0x2bd: {  	s21 =	sadd.s32 $0x50, s0;
	s25 =	simm.s32 $0x183E8  }
0x2be: {  	[hbm4b:s21+s3] =	stream.linear.scatter [tilespmem:s25], [sflag:$0x6], $0x80, $0x38;
	[tilespmem:$0x1B000] =	vst v63  }
0x2bf: {  	s29 =	sadd.s32 $0x60, s0;
	s31 =	simm.s32 $0x18470  }
0x2c0: {  	[hbm4b:s29+s3] =	stream.linear.scatter [tilespmem:s31], [sflag:$0x6], $0x80, $0x38;
	[tilespmem:$0x1B000] =	vst v63  }
0x2c1: {  	s0 =	sadd.s32 $0x70, s0;
	s20 =	simm.s32 $0x184F8;
	s21 =	sor.u32 $0x4000, s17  }
0x2c2: {  	[hbm4b:s0+s3] =	stream.linear.scatter [tilespmem:s20], [sflag:$0x6], $0x80, $0x38;
	[tilespmem:$0x1B000] =	vst v63  }
0x2c3: {  	s25 =	simm.s32 $0x189C0;
	s0 =	sadd.s32 s2, s21  }
0x2c4: {  	[hbm4b:s0+s3] =	stream.linear.scatter [tilespmem:s25], [sflag:$0x6], $0x80, $0x38;
	[tilespmem:$0x1B000] =	vst v63  }
0x2c5: {  	s31 =	simm.s32 $0x18A48;
	s29 =	sadd.s32 $0x10, s0  }
0x2c6: {  	[hbm4b:s29+s3] =	stream.linear.scatter [tilespmem:s31], [sflag:$0x6], $0x80, $0x38;
	[tilespmem:$0x1B000] =	vst v63  }
0x2c7: {  	s20 =	simm.s32 $0x18AD0;
	s19 =	sadd.s32 $0x20, s0  }
0x2c8: {  	[hbm4b:s19+s3] =	stream.linear.scatter [tilespmem:s20], [sflag:$0x6], $0x80, $0x38;
	[tilespmem:$0x1B000] =	vst v63  }
0x2c9: {  	s21 =	sadd.s32 $0x30, s0;
	s25 =	simm.s32 $0x18B58  }
0x2ca: {  	[hbm4b:s21+s3] =	stream.linear.scatter [tilespmem:s25], [sflag:$0x6], $0x80, $0x38;
	[tilespmem:$0x1B000] =	vst v63  }
0x2cb: {  	s29 =	sadd.s32 $0x40, s0;
	s31 =	simm.s32 $0x18BE0  }
0x2cc: {  	[hbm4b:s29+s3] =	stream.linear.scatter [tilespmem:s31], [sflag:$0x6], $0x80, $0x38;
	[tilespmem:$0x1B000] =	vst v63  }
0x2cd: {  	s20 =	sadd.s32 $0x50, s0;
	s21 =	simm.s32 $0x18C68  }
0x2ce: {  	[hbm4b:s20+s3] =	stream.linear.scatter [tilespmem:s21], [sflag:$0x6], $0x80, $0x38;
	[tilespmem:$0x1B000] =	vst v63  }
0x2cf: {  	s25 =	sadd.s32 $0x60, s0;
	s29 =	simm.s32 $0x18CF0  }
0x2d0: {  	[hbm4b:s25+s3] =	stream.linear.scatter [tilespmem:s29], [sflag:$0x6], $0x80, $0x38;
	[tilespmem:$0x1B000] =	vst v63  }
0x2d1: {  	s19 =	sor.u32 $0x4000, s1;
	s0 =	sadd.s32 $0x70, s0;
	s31 =	simm.s32 $0x18D78  }
0x2d2: {  	[hbm4b:s0+s3] =	stream.linear.scatter [tilespmem:s31], [sflag:$0x6], $0x80, $0x38;
	[tilespmem:$0x1B000] =	vst v63  }
0x2d3: {  	s20 =	simm.s32 $0x18E00;
	s0 =	sadd.s32 s2, s19  }
0x2d4: {  	[hbm4b:s0+s3] =	stream.linear.scatter [tilespmem:s20], [sflag:$0x6], $0x80, $0x38;
	[tilespmem:$0x1B000] =	vst v63  }
0x2d5: {  	s25 =	simm.s32 $0x18E88;
	s21 =	sadd.s32 $0x10, s0  }
0x2d6: {  	[hbm4b:s21+s3] =	stream.linear.scatter [tilespmem:s25], [sflag:$0x6], $0x80, $0x38;
	[tilespmem:$0x1B000] =	vst v63  }
0x2d7: {  	s31 =	simm.s32 $0x18F10;
	s29 =	sadd.s32 $0x20, s0  }
0x2d8: {  	[hbm4b:s29+s3] =	stream.linear.scatter [tilespmem:s31], [sflag:$0x6], $0x80, $0x38;
	[tilespmem:$0x1B000] =	vst v63  }
0x2d9: {  	s19 =	sadd.s32 $0x30, s0;
	s20 =	simm.s32 $0x18F98  }
0x2da: {  	[hbm4b:s19+s3] =	stream.linear.scatter [tilespmem:s20], [sflag:$0x6], $0x80, $0x38;
	[tilespmem:$0x1B000] =	vst v63  }
0x2db: {  	s21 =	sadd.s32 $0x40, s0;
	s25 =	simm.s32 $0x19020  }
0x2dc: {  	[hbm4b:s21+s3] =	stream.linear.scatter [tilespmem:s25], [sflag:$0x6], $0x80, $0x38;
	[tilespmem:$0x1B000] =	vst v63  }
0x2dd: {  	s29 =	sadd.s32 $0x50, s0;
	s31 =	simm.s32 $0x190A8  }
0x2de: {  	[hbm4b:s29+s3] =	stream.linear.scatter [tilespmem:s31], [sflag:$0x6], $0x80, $0x38;
	[tilespmem:$0x1B000] =	vst v63  }
0x2df: {  	s20 =	sadd.s32 $0x60, s0;
	s21 =	simm.s32 $0x19130  }
0x2e0: {  	[hbm4b:s20+s3] =	stream.linear.scatter [tilespmem:s21], [sflag:$0x6], $0x80, $0x38;
	[tilespmem:$0x1B000] =	vst v63  }
0x2e1: {  	s0 =	sadd.s32 $0x70, s0;
	s25 =	simm.s32 $0x191B8;
	s29 =	sor.u32 $0x8000, s17  }
0x2e2: {  	[hbm4b:s0+s3] =	stream.linear.scatter [tilespmem:s25], [sflag:$0x6], $0x80, $0x38;
	[tilespmem:$0x1B000] =	vst v63  }
0x2e3: {  	s31 =	simm.s32 $0x19680;
	s0 =	sadd.s32 s2, s29  }
0x2e4: {  	[hbm4b:s0+s3] =	stream.linear.scatter [tilespmem:s31], [sflag:$0x6], $0x80, $0x38;
	[tilespmem:$0x1B000] =	vst v63  }
0x2e5: {  	s20 =	simm.s32 $0x19708;
	s19 =	sadd.s32 $0x10, s0  }
0x2e6: {  	[hbm4b:s19+s3] =	stream.linear.scatter [tilespmem:s20], [sflag:$0x6], $0x80, $0x38;
	[tilespmem:$0x1B000] =	vst v63  }
0x2e7: {  	s25 =	simm.s32 $0x19790;
	s21 =	sadd.s32 $0x20, s0  }
0x2e8: {  	[hbm4b:s21+s3] =	stream.linear.scatter [tilespmem:s25], [sflag:$0x6], $0x80, $0x38;
	[tilespmem:$0x1B000] =	vst v63  }
0x2e9: {  	s29 =	sadd.s32 $0x30, s0;
	s31 =	simm.s32 $0x19818  }
0x2ea: {  	[hbm4b:s29+s3] =	stream.linear.scatter [tilespmem:s31], [sflag:$0x6], $0x80, $0x38;
	[tilespmem:$0x1B000] =	vst v63  }
0x2eb: {  	s19 =	sadd.s32 $0x40, s0;
	s20 =	simm.s32 $0x198A0  }
0x2ec: {  	[hbm4b:s19+s3] =	stream.linear.scatter [tilespmem:s20], [sflag:$0x6], $0x80, $0x38;
	[tilespmem:$0x1B000] =	vst v63  }
0x2ed: {  	s21 =	sadd.s32 $0x50, s0;
	s25 =	simm.s32 $0x19928  }
0x2ee: {  	[hbm4b:s21+s3] =	stream.linear.scatter [tilespmem:s25], [sflag:$0x6], $0x80, $0x38;
	[tilespmem:$0x1B000] =	vst v63  }
0x2ef: {  	s29 =	sadd.s32 $0x60, s0;
	s31 =	simm.s32 $0x199B0  }
0x2f0: {  	[hbm4b:s29+s3] =	stream.linear.scatter [tilespmem:s31], [sflag:$0x6], $0x80, $0x38;
	[tilespmem:$0x1B000] =	vst v63  }
0x2f1: {  	s0 =	sadd.s32 $0x70, s0;
	s20 =	simm.s32 $0x19A38;
	s21 =	sor.u32 $0x8000, s1  }
0x2f2: {  	[hbm4b:s0+s3] =	stream.linear.scatter [tilespmem:s20], [sflag:$0x6], $0x80, $0x38;
	[tilespmem:$0x1B000] =	vst v63  }
0x2f3: {  	s25 =	simm.s32 $0x19AC0;
	s0 =	sadd.s32 s2, s21  }
0x2f4: {  	[hbm4b:s0+s3] =	stream.linear.scatter [tilespmem:s25], [sflag:$0x6], $0x80, $0x38;
	[tilespmem:$0x1B000] =	vst v63  }
0x2f5: {  	s31 =	simm.s32 $0x19B48;
	s29 =	sadd.s32 $0x10, s0  }
0x2f6: {  	[hbm4b:s29+s3] =	stream.linear.scatter [tilespmem:s31], [sflag:$0x6], $0x80, $0x38;
	[tilespmem:$0x1B000] =	vst v63  }
0x2f7: {  	s20 =	simm.s32 $0x19BD0;
	s19 =	sadd.s32 $0x20, s0  }
0x2f8: {  	[hbm4b:s19+s3] =	stream.linear.scatter [tilespmem:s20], [sflag:$0x6], $0x80, $0x38;
	[tilespmem:$0x1B000] =	vst v63  }
0x2f9: {  	s21 =	sadd.s32 $0x30, s0;
	s25 =	simm.s32 $0x19C58  }
0x2fa: {  	[hbm4b:s21+s3] =	stream.linear.scatter [tilespmem:s25], [sflag:$0x6], $0x80, $0x38;
	[tilespmem:$0x1B000] =	vst v63  }
0x2fb: {  	s29 =	sadd.s32 $0x40, s0;
	s31 =	simm.s32 $0x19CE0  }
0x2fc: {  	[hbm4b:s29+s3] =	stream.linear.scatter [tilespmem:s31], [sflag:$0x6], $0x80, $0x38;
	[tilespmem:$0x1B000] =	vst v63  }
0x2fd: {  	s20 =	sadd.s32 $0x50, s0;
	s21 =	simm.s32 $0x19D68  }
0x2fe: {  	[hbm4b:s20+s3] =	stream.linear.scatter [tilespmem:s21], [sflag:$0x6], $0x80, $0x38;
	[tilespmem:$0x1B000] =	vst v63  }
0x2ff: {  	s25 =	sadd.s32 $0x60, s0;
	s29 =	simm.s32 $0x19DF0  }
0x300: {  	[hbm4b:s25+s3] =	stream.linear.scatter [tilespmem:s29], [sflag:$0x6], $0x80, $0x38;
	[tilespmem:$0x1B000] =	vst v63  }
0x301: {  	s17 =	sor.u32 $0xC000, s17;
	s0 =	sadd.s32 $0x70, s0;
	s31 =	simm.s32 $0x19E78  }
0x302: {  	[hbm4b:s0+s3] =	stream.linear.scatter [tilespmem:s31], [sflag:$0x6], $0x80, $0x38;
	[tilespmem:$0x1B000] =	vst v63  }
0x303: {  	s18 =	simm.s32 $0x1A340;
	s0 =	sadd.s32 s2, s17  }
0x304: {  	[hbm4b:s0+s3] =	stream.linear.scatter [tilespmem:s18], [sflag:$0x6], $0x80, $0x38;
	[tilespmem:$0x1B000] =	vst v63  }
0x305: {  	s20 =	simm.s32 $0x1A3C8;
	s19 =	sadd.s32 $0x10, s0  }
0x306: {  	[hbm4b:s19+s3] =	stream.linear.scatter [tilespmem:s20], [sflag:$0x6], $0x80, $0x38;
	[tilespmem:$0x1B000] =	vst v63  }
0x307: {  	s25 =	simm.s32 $0x1A450;
	s21 =	sadd.s32 $0x20, s0  }
0x308: {  	[hbm4b:s21+s3] =	stream.linear.scatter [tilespmem:s25], [sflag:$0x6], $0x80, $0x38;
	[tilespmem:$0x1B000] =	vst v63  }
0x309: {  	s31 =	simm.s32 $0x1A4D8;
	s29 =	sadd.s32 $0x30, s0  }
0x30a: {  	[hbm4b:s29+s3] =	stream.linear.scatter [tilespmem:s31], [sflag:$0x6], $0x80, $0x38;
	[tilespmem:$0x1B000] =	vst v63  }
0x30b: {  	s18 =	sadd.s32 $0x40, s0;
	s19 =	simm.s32 $0x1A560  }
0x30c: {  	[hbm4b:s18+s3] =	stream.linear.scatter [tilespmem:s19], [sflag:$0x6], $0x80, $0x38;
	[tilespmem:$0x1B000] =	vst v63  }
0x30d: {  	s20 =	sadd.s32 $0x50, s0;
	s21 =	simm.s32 $0x1A5E8  }
0x30e: {  	[hbm4b:s20+s3] =	stream.linear.scatter [tilespmem:s21], [sflag:$0x6], $0x80, $0x38;
	[tilespmem:$0x1B000] =	vst v63  }
0x30f: {  	s25 =	sadd.s32 $0x60, s0;
	s29 =	simm.s32 $0x1A670  }
0x310: {  	[hbm4b:s25+s3] =	stream.linear.scatter [tilespmem:s29], [sflag:$0x6], $0x80, $0x38;
	[tilespmem:$0x1B000] =	vst v63  }
0x311: {  	s17 =	sor.u32 $0xC000, s1;
	s0 =	sadd.s32 $0x70, s0;
	s31 =	simm.s32 $0x1A6F8  }
0x312: {  	[hbm4b:s0+s3] =	stream.linear.scatter [tilespmem:s31], [sflag:$0x6], $0x80, $0x38;
	[tilespmem:$0x1B000] =	vst v63  }
0x313: {  	s18 =	simm.s32 $0x1A780;
	s0 =	sadd.s32 s2, s17  }
0x314: {  	[hbm4b:s0+s3] =	stream.linear.scatter [tilespmem:s18], [sflag:$0x6], $0x80, $0x38;
	[tilespmem:$0x1B000] =	vst v63  }
0x315: {  	s20 =	simm.s32 $0x1A808;
	s19 =	sadd.s32 $0x10, s0  }
0x316: {  	[hbm4b:s19+s3] =	stream.linear.scatter [tilespmem:s20], [sflag:$0x6], $0x80, $0x38;
	[tilespmem:$0x1B000] =	vst v63  }
0x317: {  	s25 =	simm.s32 $0x1A890;
	s21 =	sadd.s32 $0x20, s0  }
0x318: {  	[hbm4b:s21+s3] =	stream.linear.scatter [tilespmem:s25], [sflag:$0x6], $0x80, $0x38;
	[tilespmem:$0x1B000] =	vst v63  }
0x319: {  	s31 =	simm.s32 $0x1A918;
	s29 =	sadd.s32 $0x30, s0  }
0x31a: {  	[hbm4b:s29+s3] =	stream.linear.scatter [tilespmem:s31], [sflag:$0x6], $0x80, $0x38;
	[tilespmem:$0x1B000] =	vst v63  }
0x31b: {  	s30 =	sadd.s32 $0x1, s30;
	s18 =	sadd.s32 $0x40, s0;
	s19 =	simm.s32 $0x1A9A0  }
0x31c: {  	[hbm4b:s18+s3] =	stream.linear.scatter [tilespmem:s19], [sflag:$0x6], $0x80, $0x38;
	[tilespmem:$0x1B000] =	vst v63  }
0x31d: {  	p0 =	sne.s32 s30, $0x32;
	s20 =	sadd.s32 $0x50, s0;
	s21 =	simm.s32 $0x1AA28  }
0x31e: {  	[hbm4b:s20+s3] =	stream.linear.scatter [tilespmem:s21], [sflag:$0x6], $0x80, $0x38;
	[tilespmem:$0x1B000] =	vst v63  }
.Ltmp5:
0x31f: {  	_ = 	snop;
	(pc) =	sbr.rel @p0 .LBB2_2-.Ltmp5, $4  }
0x320: {  	s25 =	sadd.s32 $0x60, s0;
	s29 =	simm.s32 $0x1AAB0  }
0x321: {  	[hbm4b:s25+s3] =	stream.linear.scatter [tilespmem:s29], [sflag:$0x6], $0x80, $0x38;
	[tilespmem:$0x1B000] =	vst v63  }
0x322: {  	s0 =	sadd.s32 $0x70, s0;
	s31 =	simm.s32 $0x1AB38  }
0x323: {  	[hbm4b:s0+s3] =	stream.linear.scatter [tilespmem:s31], [sflag:$0x6], $0x80, $0x38;
	[tilespmem:$0x1B000] =	vst v63  }
0x324: {  	s0 =	simm.s32 $0x5  }
0x325: {  	_ =	swait.ge [sflag:s0], $0x400  }
0x326: {  	[sflag:s0] =	ssyncset.done $0x0  }
0x327: {  	[sflag:s0] =	ssyncadd.s32 $0xFFFFFC00  }
0x328: {  	_ =	swait.ge [sflag:s0], $0x400  }
0x329: {  	[sflag:s0] =	ssyncset.done $0x0  }
0x32a: {  	[sflag:s0] =	ssyncadd.s32 $0xFFFFFC00  }
0x32b: {  	_ =	swait.ge [sflag:s0], $0x400  }
0x32c: {  	[sflag:s0] =	ssyncset.done $0x0  }
0x32d: {  	[sflag:s0] =	ssyncadd.s32 $0xFFFFFC00  }
0x32e: {  	_ =	swait.ge [sflag:s0], $0x400  }
0x32f: {  	[sflag:s0] =	ssyncset.done $0x0  }
0x330: {  	[sflag:s0] =	ssyncadd.s32 $0xFFFFFC00  }
0x331: {  	_ =	swait.ge [sflag:s0], $0x400  }
0x332: {  	[sflag:s0] =	ssyncset.done $0x0  }
0x333: {  	[sflag:s0] =	ssyncadd.s32 $0xFFFFFC00  }
0x334: {  	_ =	swait.ge [sflag:s0], $0x400  }
0x335: {  	[sflag:s0] =	ssyncset.done $0x0  }
0x336: {  	[sflag:s0] =	ssyncadd.s32 $0xFFFFFC00  }
0x337: {  	_ =	swait.ge [sflag:s0], $0x400  }
0x338: {  	[sflag:s0] =	ssyncset.done $0x0  }
0x339: {  	[sflag:s0] =	ssyncadd.s32 $0xFFFFFC00  }
0x33a: {  	_ =	swait.ge [sflag:s0], $0x400  }
0x33b: {  	[sflag:s0] =	ssyncset.done $0x0  }
0x33c: {  	[sflag:s0] =	ssyncadd.s32 $0xFFFFFC00  }
0x33d: {  	_ =	swait.ge [sflag:s16], $0x400  }
0x33e: {  	[sflag:s16] =	ssyncset.done $0x0  }
0x33f: {  	[sflag:s16] =	ssyncadd.s32 $0xFFFFFC00  }
0x340: {  	_ =	swait.ge [sflag:s16], $0x400  }
0x341: {  	[sflag:s16] =	ssyncset.done $0x0  }
0x342: {  	[sflag:s16] =	ssyncadd.s32 $0xFFFFFC00  }
0x343: {  	_ =	swait.ge [sflag:s16], $0x400  }
0x344: {  	[sflag:s16] =	ssyncset.done $0x0  }
0x345: {  	[sflag:s16] =	ssyncadd.s32 $0xFFFFFC00  }
0x346: {  	_ =	swait.ge [sflag:s16], $0x400  }
0x347: {  	[sflag:s16] =	ssyncset.done $0x0  }
0x348: {  	[sflag:s16] =	ssyncadd.s32 $0xFFFFFC00  }
0x349: {  	_ =	swait.ge [sflag:s16], $0x400  }
0x34a: {  	[sflag:s16] =	ssyncset.done $0x0  }
0x34b: {  	[sflag:s16] =	ssyncadd.s32 $0xFFFFFC00  }
0x34c: {  	_ =	swait.ge [sflag:s16], $0x400  }
0x34d: {  	[sflag:s16] =	ssyncset.done $0x0  }
0x34e: {  	[sflag:s16] =	ssyncadd.s32 $0xFFFFFC00  }
0x34f: {  	_ =	swait.ge [sflag:s16], $0x400  }
0x350: {  	[sflag:s16] =	ssyncset.done $0x0  }
0x351: {  	[sflag:s16] =	ssyncadd.s32 $0xFFFFFC00  }
0x352: {  	_ =	swait.ge [sflag:s16], $0x400  }
0x353: {  	s1 =	rddreg [dreg:$0x10]  }
0x354: {  	s31 =	rddreg [dreg:$0xf];
	s1 =	sadd.s32 $0x1, s1  }
0x355: {  	p0 =	sne.s32 s1, s31  }
.Ltmp6:
0x356: {  	_ = 	snop;
	(pc) =	sbr.rel @p0 .LBB2_1-.Ltmp6, $3  }
0x357: {  	_ =	sdelay $0x1  }
0x358: {  	[sflag:s16] =	ssyncset.done $0x0  }
0x359: {  	[sflag:s16] =	ssyncadd.s32 $0xFFFFFC00  }
0x35a: {  	_ =	sfence.sel $0x180000  }
0x35b: {  	[bflag:$0x0] =	sbarrier.arrive $0xFFFF  }
0x35c: {  	_ =	strace $0x90000047  }
0x35d: {  	s0 =	stileid.u32;
	[bflag:$0x2] =	sbarrier.arrive $0xFFFF  }
0x35e: {  	p0 =	sne.s32 s0, $0x0;
	s0 =	rddreg [dreg:$0x2]  }
0x35f: {  	s0 =	sadd.s32 @!p0 $0x100000, s0  }
0x360: {  	[sflag:s0] =	ssyncadd.tile.s32 @!p0 $0x1;
	_ =	shalt  }
.Lfunc_end2:
_tile_overlayer_lowered:
.L_overlay_start_2:
0x361: {  	(tag) =	ssettag $0x2  }
0x362: {  	s0 =	rddreg [dreg:$0x0];
	s2 =	stileid.u32  }
0x363: {  	s1 =	rddreg [dreg:$0x1];
	p0 =	sne.s32 s2, $0x0  }
0x364: {  	s3 =	rddreg [dreg:$0x2];
	[bflag:$0x3] =	sbarrier.arrive $0xFFFF;
	s2 =	simm.s32 @!p0 $0x1C07  }
0x365: {  	[timem:s3], [sflag:s2] =	dma.local @!p0 [hbm:s0], s1  }
0x366: {  	s0 =	simm.s32 @!p0 $0x7  }
0x367: {  	_ =	swait.ge @!p0 [sflag:s0], s1  }
0x368: {  	s1 =	ssub.s32 @!p0 $0x0, s1;
	[sflag:s0] =	ssyncset.done @!p0 $0x0  }
0x369: {  	[sflag:s0] =	ssyncadd.s32 @!p0 s1  }
0x36a: {  	[bflag:$0x3] =	sbarrier.arrive $0xFFFF  }
0x36b: {  	_ =	shalt  }

</sc_bundles>
